<compile_context>
chip_gen: v7x
topology: tpu7x:2x2x1
jax: 0.10.2.dev20260603
libtpu: 0.0.44.dev20260713+nightly
codegen_flags: <defaults>
</compile_context>

<pallas_src>
import functools

import jax
import jax.numpy as jnp
from jax import lax
from jax.experimental import pallas as pl
from jax.experimental.pallas import tpu as pltpu
from jax.experimental.pallas import tpu_sc as plsc

N, C, H, W = 4, 384, 224, 224
P = H * W
NPIX = N * P
NW = 32
PXW = NPIX // NW
W_PER_N = NW // N
GROWS = PXW // W
L = 16
NB = PXW // L
SL = C // 128
CV = C // L


def _body(gxy_hbm, z_hbm, out_hbm,
          packed_v, rows_v, obuf_v, wbuf_v, gbuf_v, sem_g, sem_o):
    wid = lax.axis_index("s") * 2 + lax.axis_index("c")
    n = wid // W_PER_N
    nbase = n * P
    r0 = (wid % W_PER_N) * GROWS
    r0a = (r0 // 8) * 8
    roff = r0 - r0a

    pltpu.sync_copy(gxy_hbm.at[n, 0, pl.ds(r0a, 32)], gbuf_v.at[0])
    pltpu.sync_copy(gxy_hbm.at[n, 1, pl.ds(r0a, 32)], gbuf_v.at[1])

    @plsc.parallel_loop(0, GROWS, unroll=2)
    def _pack(r):
        for jj in range(W // L):
            gx = gbuf_v[0, roff + r, pl.ds(jj * L, L)]
            gy = gbuf_v[1, roff + r, pl.ds(jj * L, L)]
            x = ((gx + 1.0) * 0.5) * (W - 1)
            y = ((gy + 1.0) * 0.5) * (H - 1)
            x = jnp.minimum(jnp.maximum(x, 0.0), float(W - 1))
            y = jnp.minimum(jnp.maximum(y, 0.0), float(H - 1))
            x0 = jnp.minimum(x.astype(jnp.int32), W - 2)
            y0 = jnp.minimum(y.astype(jnp.int32), H - 2)
            wx8 = ((x - x0.astype(jnp.float32)) * 255.0 + 0.5).astype(jnp.int32)
            wy8 = ((y - y0.astype(jnp.float32)) * 255.0 + 0.5).astype(jnp.int32)
            packed_v[pl.ds(r * W + jj * L, L)] = (
                (y0 * W + x0) | (wx8 << 16) | (wy8 << 24))

    def issue_gathers(b, s):
        p = packed_v[pl.ds(b * L, L)]
        i00 = (p & 0xFFFF) + nbase
        pltpu.async_copy(z_hbm.at[i00], rows_v.at[s, 0], sem_g)
        pltpu.async_copy(z_hbm.at[i00 + 1], rows_v.at[s, 1], sem_g)
        pltpu.async_copy(z_hbm.at[i00 + W], rows_v.at[s, 2], sem_g)
        pltpu.async_copy(z_hbm.at[i00 + (W + 1)], rows_v.at[s, 3], sem_g)
        wx = ((p >> 16) & 0xFF).astype(jnp.float32) * (1.0 / 255.0)
        wy = (lax.shift_right_logical(p, 24)).astype(jnp.float32) * (1.0 / 255.0)
        wbuf_v[s, 0, pl.ds(0, L)] = wx
        wbuf_v[s, 1, pl.ds(0, L)] = wy

    obase = wid * PXW

    issue_gathers(0, 0)

    @pl.loop(0, NB // 2)
    def _burst2(b2):
        for s in range(2):
            b = b2 * 2 + s

            @pl.when(b + 1 < NB)
            def _next(b=b, s=s):
                issue_gathers(b + 1, 1 - s)

            for c in range(4):
                pltpu.make_async_copy(
                    z_hbm.at[pl.ds(0, L)], rows_v.at[s, c], sem_g).wait()

            @pl.when(b >= 2)
            def _reclaim(s=s):
                pltpu.make_async_copy(
                    obuf_v.at[s], out_hbm.at[pl.ds(obase, L)], sem_o).wait()

            wxv = wbuf_v[s, 0, pl.ds(0, L)]
            wyv = wbuf_v[s, 1, pl.ds(0, L)]

            @plsc.parallel_loop(0, L)
            def _pixel(px, s=s, wxv=wxv, wyv=wyv):
                pidx = jnp.full((L,), px, dtype=jnp.int32)
                wx = jnp.take_along_axis(wxv, pidx, axis=0)
                wy = jnp.take_along_axis(wyv, pidx, axis=0)
                w11 = wx * wy
                w10 = wy - w11
                w01 = wx - w11
                w00 = (1.0 - wx) - w10
                for m in range(CV):
                    v00 = rows_v[s, 0, px, pl.ds(m * L, L)]
                    v01 = rows_v[s, 1, px, pl.ds(m * L, L)]
                    v10 = rows_v[s, 2, px, pl.ds(m * L, L)]
                    v11 = rows_v[s, 3, px, pl.ds(m * L, L)]
                    obuf_v[s, px, pl.ds(m * L, L)] = (
                        (v00 * w00 + v01 * w01) + (v10 * w10 + v11 * w11))

            pltpu.async_copy(
                obuf_v.at[s], out_hbm.at[pl.ds(obase + b * L, L)], sem_o)

    for s in range(2):
        pltpu.make_async_copy(
            obuf_v.at[s], out_hbm.at[pl.ds(obase, L)], sem_o).wait()


@jax.jit
def kernel(z, grid):
    gxy = jnp.transpose(grid, (0, 3, 1, 2))
    z2d = jnp.transpose(z, (0, 2, 3, 1)).reshape(NPIX, C)

    sampler = pl.kernel(
        _body,
        out_type=jax.ShapeDtypeStruct((NPIX, C), jnp.float32),
        mesh=plsc.VectorSubcoreMesh(core_axis_name="c", subcore_axis_name="s"),
        scratch_types=[
            pltpu.VMEM((PXW,), jnp.int32),
            pltpu.VMEM((2, 4, L, C), jnp.float32),
            pltpu.VMEM((2, L, C), jnp.float32),
            pltpu.VMEM((2, 2, L), jnp.float32),
            pltpu.VMEM((2, 32, W), jnp.float32),
            pltpu.SemaphoreType.DMA,
            pltpu.SemaphoreType.DMA,
        ],
        compiler_params=pltpu.CompilerParams(
            needs_layout_passes=False, use_tc_tiling_on_sc=True),
    )
    out = sampler(gxy, z2d)
    return out.reshape(N, H, W, C).transpose(0, 3, 1, 2)

# --- scband reference (transcript-rebuilt; emitter-appended) ---
"""Pipeline reference for scband-grid-sampler-new-81174881894725 (READ-ONLY COPY).

The authoritative reference and input builder live on the scoring server;
editing this copy changes nothing except your own understanding.
"""

import jax, jax.numpy as jnp
import numpy as np

def setup_inputs(seed: int = 0) -> dict:
    key = jax.random.key(seed)
    k1, k2 = jax.random.split(key)
    z = jax.random.normal(k1, (4, 384, 224, 224), dtype=jnp.float32)
    # grid values in [0, 1) are valid normalized coords (subset of [-1, 1])
    grid = jax.random.uniform(k2, (4, 224, 224, 2), dtype=jnp.float32)
    return {"z": z, "grid": grid}

def reference(z, grid):
    # F.grid_sample(z, grid, align_corners=True, mode='bilinear', padding_mode='border')
    N, C, H, W = z.shape
    # grid[..., 0] is x (width axis), grid[..., 1] is y (height axis)
    x = (grid[..., 0] + 1.0) * 0.5 * (W - 1)  # align_corners=True unnormalization
    y = (grid[..., 1] + 1.0) * 0.5 * (H - 1)
    # padding_mode='border': clamp continuous coords to valid range
    x = jnp.clip(x, 0.0, W - 1)
    y = jnp.clip(y, 0.0, H - 1)
    x0 = jnp.floor(x)
    y0 = jnp.floor(y)
    wx1 = x - x0
    wy1 = y - y0
    wx0 = 1.0 - wx1
    wy0 = 1.0 - wy1
    x0i = jnp.clip(x0.astype(jnp.int32), 0, W - 1)
    x1i = jnp.clip(x0i + 1, 0, W - 1)
    y0i = jnp.clip(y0.astype(jnp.int32), 0, H - 1)
    y1i = jnp.clip(y0i + 1, 0, H - 1)

    def gather(img, yi, xi):
        # img: [C, H, W]; yi, xi: [Ho, Wo] -> [C, Ho, Wo]
        return img[:, yi, xi]

    g = jax.vmap(gather)
    v00 = g(z, y0i, x0i)
    v01 = g(z, y0i, x1i)
    v10 = g(z, y1i, x0i)
    v11 = g(z, y1i, x1i)
    w00 = (wy0 * wx0)[:, None, :, :]
    w01 = (wy0 * wx1)[:, None, :, :]
    w10 = (wy1 * wx0)[:, None, :, :]
    w11 = (wy1 * wx1)[:, None, :, :]
    return v00 * w00 + v01 * w01 + v10 * w10 + v11 * w11

if __name__ == "__main__":
    import jax
    _d = setup_inputs()
    print(jax.jit(kernel)(*tuple(_d.values())))

</pallas_src>

<mosaic_0001>
#map = affine_map<(d0, d1) -> (0, 0, 0, 0)>
#map1 = affine_map<(d0, d1) -> (0, 0)>
module attributes {stable_mosaic.version = 14 : i64} {
  func.func @_body(%arg0: i32, %arg1: i32, %arg2: memref<4x2x224x224xf32, #tpu.memory_space<hbm>>, %arg3: memref<200704x384xf32, #tpu.memory_space<hbm>>, %arg4: memref<200704x384xf32, #tpu.memory_space<hbm>>, %arg5: memref<6272xi32, #tpu.memory_space<vmem>>, %arg6: memref<2x4x16x384xf32, #tpu.memory_space<vmem>>, %arg7: memref<2x16x384xf32, #tpu.memory_space<vmem>>, %arg8: memref<2x2x16xf32, #tpu.memory_space<vmem>>, %arg9: memref<2x32x224xf32, #tpu.memory_space<vmem>>, %arg10: memref<!tpu.dma_semaphore, #tpu.memory_space<semaphore_mem>>, %arg11: memref<!tpu.dma_semaphore, #tpu.memory_space<semaphore_mem>>) attributes {dimension_semantics = [#tpu.dimension_semantics<core_parallel>, #tpu.dimension_semantics<subcore_parallel>], iteration_bounds = array<i64: 2, 16>, scalar_prefetch = 0 : i64, scratch_operands = 7 : i64, tpu.core_type = #tpu.core_type<sc_vector_subcore>, window_params = [{transform_indices = #map}, {transform_indices = #map1}, {transform_indices = #map1}]} {
    %mul3A = arith.constant 2 : i32
    %mul3A_0 = arith.muli %arg1, %mul3A : i32
    %add3A = arith.addi %mul3A_0, %arg0 : i32
    %jit3A = arith.constant 8 : i32
    %div3A = arith.divsi %add3A, %jit3A : i32
    %sign3A = arith.constant 0 : i32
    %sign3A_1 = arith.cmpi sgt, %add3A, %sign3A : i32
    %sign3A_2 = arith.extui %sign3A_1 : i1 to i32
    %sign3A_3 = arith.constant 0 : i32
    %sign3A_4 = arith.cmpi slt, %add3A, %sign3A_3 : i32
    %sign3A_5 = arith.extui %sign3A_4 : i1 to i32
    %sign3A_6 = arith.subi %sign3A_2, %sign3A_5 : i32
    %sign3A_7 = arith.constant 0 : i32
    %sign3A_8 = arith.cmpi sgt, %jit3A, %sign3A_7 : i32
    %sign3A_9 = arith.extui %sign3A_8 : i1 to i32
    %sign3A_10 = arith.constant 0 : i32
    %sign3A_11 = arith.cmpi slt, %jit3A, %sign3A_10 : i32
    %sign3A_12 = arith.extui %sign3A_11 : i1 to i32
    %sign3A_13 = arith.subi %sign3A_9, %sign3A_12 : i32
    %ne3A = arith.cmpi ne, %sign3A_6, %sign3A_13 : i32
    %rem3A = arith.remsi %add3A, %jit3A : i32
    %ne3A_14 = arith.constant 0 : i32
    %ne3A_15 = arith.cmpi ne, %rem3A, %ne3A_14 : i32
    %and3A = arith.andi %ne3A, %ne3A_15 : i1
    %sub3A = arith.constant 1 : i32
    %sub3A_16 = arith.subi %div3A, %sub3A : i32
    %select_n3A = arith.select %and3A, %sub3A_16, %div3A : i32
    %mul3A_17 = arith.constant 50176 : i32
    %mul3A_18 = arith.muli %select_n3A, %mul3A_17 : i32
    %jit3A_19 = arith.constant 8 : i32
    %eq3A = arith.constant 0 : i32
    %eq3A_20 = arith.cmpi eq, %jit3A_19, %eq3A : i32
    %jit3A_21 = arith.constant 1 : i32
    %select_n3A_22 = arith.select %eq3A_20, %jit3A_21, %jit3A_19 : i32
    %rem3A_23 = arith.remsi %add3A, %select_n3A_22 : i32
    %ne3A_24 = arith.constant 0 : i32
    %ne3A_25 = arith.cmpi ne, %rem3A_23, %ne3A_24 : i32
    %lt3A = arith.constant 0 : i32
    %lt3A_26 = arith.cmpi slt, %rem3A_23, %lt3A : i32
    %lt3A_27 = arith.constant 0 : i32
    %lt3A_28 = arith.cmpi slt, %select_n3A_22, %lt3A_27 : i32
    %ne3A_29 = arith.xori %lt3A_26, %lt3A_28 : i1
    %and3A_30 = arith.andi %ne3A_29, %ne3A_25 : i1
    %add3A_31 = arith.addi %rem3A_23, %select_n3A_22 : i32
    %select_n3A_32 = arith.select %and3A_30, %add3A_31, %rem3A_23 : i32
    %mul3A_33 = arith.constant 28 : i32
    %mul3A_34 = arith.muli %select_n3A_32, %mul3A_33 : i32
    %jit3A_35 = arith.constant 8 : i32
    %div3A_36 = arith.divsi %mul3A_34, %jit3A_35 : i32
    %sign3A_37 = arith.constant 0 : i32
    %sign3A_38 = arith.cmpi sgt, %mul3A_34, %sign3A_37 : i32
    %sign3A_39 = arith.extui %sign3A_38 : i1 to i32
    %sign3A_40 = arith.constant 0 : i32
    %sign3A_41 = arith.cmpi slt, %mul3A_34, %sign3A_40 : i32
    %sign3A_42 = arith.extui %sign3A_41 : i1 to i32
    %sign3A_43 = arith.subi %sign3A_39, %sign3A_42 : i32
    %sign3A_44 = arith.constant 0 : i32
    %sign3A_45 = arith.cmpi sgt, %jit3A_35, %sign3A_44 : i32
    %sign3A_46 = arith.extui %sign3A_45 : i1 to i32
    %sign3A_47 = arith.constant 0 : i32
    %sign3A_48 = arith.cmpi slt, %jit3A_35, %sign3A_47 : i32
    %sign3A_49 = arith.extui %sign3A_48 : i1 to i32
    %sign3A_50 = arith.subi %sign3A_46, %sign3A_49 : i32
    %ne3A_51 = arith.cmpi ne, %sign3A_43, %sign3A_50 : i32
    %rem3A_52 = arith.remsi %mul3A_34, %jit3A_35 : i32
    %ne3A_53 = arith.constant 0 : i32
    %ne3A_54 = arith.cmpi ne, %rem3A_52, %ne3A_53 : i32
    %and3A_55 = arith.andi %ne3A_51, %ne3A_54 : i1
    %sub3A_56 = arith.constant 1 : i32
    %sub3A_57 = arith.subi %div3A_36, %sub3A_56 : i32
    %select_n3A_58 = arith.select %and3A_55, %sub3A_57, %div3A_36 : i32
    %mul3A_59 = arith.constant 8 : i32
    %mul3A_60 = arith.muli %select_n3A_58, %mul3A_59 : i32
    %sub3A_61 = arith.subi %mul3A_34, %mul3A_60 : i32
    %run_scoped3A = arith.constant 0 : i32
    %run_scoped3A_62 = arith.constant 0 : i32
    "tpu.region"() ({
      %run_scoped3A_173 = tpu.sem_alloc : memref<!tpu.dma_semaphore, #tpu.memory_space<semaphore_mem>>
      %dma_start3A_174 = arith.constant 0 : i32
      %dma_start3A_175 = arith.constant 0 : i32
      %dma_start3A_176 = tpu.memref_slice %arg9[%run_scoped3A_62, %dma_start3A_174, %dma_start3A_175] : memref<2x32x224xf32, #tpu.memory_space<vmem>> -> memref<1x32x224xf32, #tpu.memory_space<vmem>>
      %dma_start3A_177 = tpu.memref_squeeze %dma_start3A_176 : memref<1x32x224xf32, #tpu.memory_space<vmem>> -> memref<32x224xf32, #tpu.memory_space<vmem>>
      %dma_start3A_178 = arith.constant 0 : i32
      %dma_start3A_179 = tpu.memref_slice %arg2[%select_n3A, %run_scoped3A, %mul3A_60, %dma_start3A_178] : memref<4x2x224x224xf32, #tpu.memory_space<hbm>> -> memref<1x1x32x224xf32, #tpu.memory_space<hbm>>
      %dma_start3A_180 = tpu.memref_squeeze %dma_start3A_179 : memref<1x1x32x224xf32, #tpu.memory_space<hbm>> -> memref<32x224xf32, #tpu.memory_space<hbm>>
      %dma_start3A_181 = arith.constant 0 : i32
      %dma_start3A_182 = arith.constant 0 : i32
      %dma_start3A_183 = tpu.memref_slice %arg9[%run_scoped3A_62, %dma_start3A_181, %dma_start3A_182] : memref<2x32x224xf32, #tpu.memory_space<vmem>> -> memref<1x32x224xf32, #tpu.memory_space<vmem>>
      %dma_start3A_184 = tpu.memref_squeeze %dma_start3A_183 : memref<1x32x224xf32, #tpu.memory_space<vmem>> -> memref<32x224xf32, #tpu.memory_space<vmem>>
      %dma_start3A_185 = arith.constant 0 : i32
      %dma_start3A_186 = tpu.memref_slice %arg2[%select_n3A, %run_scoped3A, %mul3A_60, %dma_start3A_185] : memref<4x2x224x224xf32, #tpu.memory_space<hbm>> -> memref<1x1x32x224xf32, #tpu.memory_space<hbm>>
      %dma_start3A_187 = tpu.memref_squeeze %dma_start3A_186 : memref<1x1x32x224xf32, #tpu.memory_space<hbm>> -> memref<32x224xf32, #tpu.memory_space<hbm>>
      tpu.enqueue_dma source(%dma_start3A_187 : memref<32x224xf32, #tpu.memory_space<hbm>>) target(%dma_start3A_184 : memref<32x224xf32, #tpu.memory_space<vmem>>) target_semaphore(%run_scoped3A_173 : memref<!tpu.dma_semaphore, #tpu.memory_space<semaphore_mem>>)
      %dma_wait3A_188 = arith.constant 0 : i32
      %dma_wait3A_189 = arith.constant 0 : i32
      %dma_wait3A_190 = tpu.memref_slice %arg9[%run_scoped3A_62, %dma_wait3A_188, %dma_wait3A_189] : memref<2x32x224xf32, #tpu.memory_space<vmem>> -> memref<1x32x224xf32, #tpu.memory_space<vmem>>
      %dma_wait3A_191 = tpu.memref_squeeze %dma_wait3A_190 : memref<1x32x224xf32, #tpu.memory_space<vmem>> -> memref<32x224xf32, #tpu.memory_space<vmem>>
      %dma_wait3A_192 = arith.constant 0 : i32
      %dma_wait3A_193 = tpu.memref_slice %arg2[%select_n3A, %run_scoped3A, %mul3A_60, %dma_wait3A_192] : memref<4x2x224x224xf32, #tpu.memory_space<hbm>> -> memref<1x1x32x224xf32, #tpu.memory_space<hbm>>
      %dma_wait3A_194 = tpu.memref_squeeze %dma_wait3A_193 : memref<1x1x32x224xf32, #tpu.memory_space<hbm>> -> memref<32x224xf32, #tpu.memory_space<hbm>>
      %dma_wait3A_195 = arith.constant 0 : i32
      %dma_wait3A_196 = arith.constant 0 : i32
      %dma_wait3A_197 = tpu.memref_slice %arg9[%run_scoped3A_62, %dma_wait3A_195, %dma_wait3A_196] : memref<2x32x224xf32, #tpu.memory_space<vmem>> -> memref<1x32x224xf32, #tpu.memory_space<vmem>>
      %dma_wait3A_198 = tpu.memref_squeeze %dma_wait3A_197 : memref<1x32x224xf32, #tpu.memory_space<vmem>> -> memref<32x224xf32, #tpu.memory_space<vmem>>
      %dma_wait3A_199 = arith.constant 0 : i32
      %dma_wait3A_200 = tpu.memref_slice %arg2[%select_n3A, %run_scoped3A, %mul3A_60, %dma_wait3A_199] : memref<4x2x224x224xf32, #tpu.memory_space<hbm>> -> memref<1x1x32x224xf32, #tpu.memory_space<hbm>>
      %dma_wait3A_201 = tpu.memref_squeeze %dma_wait3A_200 : memref<1x1x32x224xf32, #tpu.memory_space<hbm>> -> memref<32x224xf32, #tpu.memory_space<hbm>>
      tpu.wait_dma2 semaphore(%run_scoped3A_173 : memref<!tpu.dma_semaphore, #tpu.memory_space<semaphore_mem>>) src(%dma_wait3A_201 : memref<32x224xf32, #tpu.memory_space<hbm>>) dst(%dma_wait3A_198 : memref<32x224xf32, #tpu.memory_space<vmem>>)
      tpu.yield
    }) : () -> ()
    %run_scoped3A_63 = arith.constant 1 : i32
    %run_scoped3A_64 = arith.constant 1 : i32
    "tpu.region"() ({
      %run_scoped3A_173 = tpu.sem_alloc : memref<!tpu.dma_semaphore, #tpu.memory_space<semaphore_mem>>
      %dma_start3A_174 = arith.constant 0 : i32
      %dma_start3A_175 = arith.constant 0 : i32
      %dma_start3A_176 = tpu.memref_slice %arg9[%run_scoped3A_64, %dma_start3A_174, %dma_start3A_175] : memref<2x32x224xf32, #tpu.memory_space<vmem>> -> memref<1x32x224xf32, #tpu.memory_space<vmem>>
      %dma_start3A_177 = tpu.memref_squeeze %dma_start3A_176 : memref<1x32x224xf32, #tpu.memory_space<vmem>> -> memref<32x224xf32, #tpu.memory_space<vmem>>
      %dma_start3A_178 = arith.constant 0 : i32
      %dma_start3A_179 = tpu.memref_slice %arg2[%select_n3A, %run_scoped3A_63, %mul3A_60, %dma_start3A_178] : memref<4x2x224x224xf32, #tpu.memory_space<hbm>> -> memref<1x1x32x224xf32, #tpu.memory_space<hbm>>
      %dma_start3A_180 = tpu.memref_squeeze %dma_start3A_179 : memref<1x1x32x224xf32, #tpu.memory_space<hbm>> -> memref<32x224xf32, #tpu.memory_space<hbm>>
      %dma_start3A_181 = arith.constant 0 : i32
      %dma_start3A_182 = arith.constant 0 : i32
      %dma_start3A_183 = tpu.memref_slice %arg9[%run_scoped3A_64, %dma_start3A_181, %dma_start3A_182] : memref<2x32x224xf32, #tpu.memory_space<vmem>> -> memref<1x32x224xf32, #tpu.memory_space<vmem>>
      %dma_start3A_184 = tpu.memref_squeeze %dma_start3A_183 : memref<1x32x224xf32, #tpu.memory_space<vmem>> -> memref<32x224xf32, #tpu.memory_space<vmem>>
      %dma_start3A_185 = arith.constant 0 : i32
      %dma_start3A_186 = tpu.memref_slice %arg2[%select_n3A, %run_scoped3A_63, %mul3A_60, %dma_start3A_185] : memref<4x2x224x224xf32, #tpu.memory_space<hbm>> -> memref<1x1x32x224xf32, #tpu.memory_space<hbm>>
      %dma_start3A_187 = tpu.memref_squeeze %dma_start3A_186 : memref<1x1x32x224xf32, #tpu.memory_space<hbm>> -> memref<32x224xf32, #tpu.memory_space<hbm>>
      tpu.enqueue_dma source(%dma_start3A_187 : memref<32x224xf32, #tpu.memory_space<hbm>>) target(%dma_start3A_184 : memref<32x224xf32, #tpu.memory_space<vmem>>) target_semaphore(%run_scoped3A_173 : memref<!tpu.dma_semaphore, #tpu.memory_space<semaphore_mem>>)
      %dma_wait3A_188 = arith.constant 0 : i32
      %dma_wait3A_189 = arith.constant 0 : i32
      %dma_wait3A_190 = tpu.memref_slice %arg9[%run_scoped3A_64, %dma_wait3A_188, %dma_wait3A_189] : memref<2x32x224xf32, #tpu.memory_space<vmem>> -> memref<1x32x224xf32, #tpu.memory_space<vmem>>
      %dma_wait3A_191 = tpu.memref_squeeze %dma_wait3A_190 : memref<1x32x224xf32, #tpu.memory_space<vmem>> -> memref<32x224xf32, #tpu.memory_space<vmem>>
      %dma_wait3A_192 = arith.constant 0 : i32
      %dma_wait3A_193 = tpu.memref_slice %arg2[%select_n3A, %run_scoped3A_63, %mul3A_60, %dma_wait3A_192] : memref<4x2x224x224xf32, #tpu.memory_space<hbm>> -> memref<1x1x32x224xf32, #tpu.memory_space<hbm>>
      %dma_wait3A_194 = tpu.memref_squeeze %dma_wait3A_193 : memref<1x1x32x224xf32, #tpu.memory_space<hbm>> -> memref<32x224xf32, #tpu.memory_space<hbm>>
      %dma_wait3A_195 = arith.constant 0 : i32
      %dma_wait3A_196 = arith.constant 0 : i32
      %dma_wait3A_197 = tpu.memref_slice %arg9[%run_scoped3A_64, %dma_wait3A_195, %dma_wait3A_196] : memref<2x32x224xf32, #tpu.memory_space<vmem>> -> memref<1x32x224xf32, #tpu.memory_space<vmem>>
      %dma_wait3A_198 = tpu.memref_squeeze %dma_wait3A_197 : memref<1x32x224xf32, #tpu.memory_space<vmem>> -> memref<32x224xf32, #tpu.memory_space<vmem>>
      %dma_wait3A_199 = arith.constant 0 : i32
      %dma_wait3A_200 = tpu.memref_slice %arg2[%select_n3A, %run_scoped3A_63, %mul3A_60, %dma_wait3A_199] : memref<4x2x224x224xf32, #tpu.memory_space<hbm>> -> memref<1x1x32x224xf32, #tpu.memory_space<hbm>>
      %dma_wait3A_201 = tpu.memref_squeeze %dma_wait3A_200 : memref<1x1x32x224xf32, #tpu.memory_space<hbm>> -> memref<32x224xf32, #tpu.memory_space<hbm>>
      tpu.wait_dma2 semaphore(%run_scoped3A_173 : memref<!tpu.dma_semaphore, #tpu.memory_space<semaphore_mem>>) src(%dma_wait3A_201 : memref<32x224xf32, #tpu.memory_space<hbm>>) dst(%dma_wait3A_198 : memref<32x224xf32, #tpu.memory_space<vmem>>)
      tpu.yield
    }) : () -> ()
    %parallel_loop3A = arith.constant 0 : i32
    %parallel_loop3A_65 = arith.constant 28 : i32
    %parallel_loop3A_66 = arith.constant 1 : i32
    scf.for %parallel_loop3A_173 = %parallel_loop3A to %parallel_loop3A_65 step %parallel_loop3A_66  : i32 {
      %parallel_loop3A_174 = arith.addi %sub3A_61, %parallel_loop3A_173 : i32
      %parallel_loop3A_175 = arith.constant 0 : i32
      %parallel_loop3A_176 = arith.index_cast %parallel_loop3A_175 : i32 to index
      %parallel_loop3A_177 = arith.index_cast %parallel_loop3A_174 : i32 to index
      %parallel_loop3A_178 = arith.constant 0 : index
      %parallel_loop3A_179 = tpu.vector_load %arg9[%parallel_loop3A_176, %parallel_loop3A_177, %parallel_loop3A_178] {strides = array<i32>} : memref<2x32x224xf32, #tpu.memory_space<vmem>>, vector<16xf32>,
      %parallel_loop3A_180 = arith.addi %sub3A_61, %parallel_loop3A_173 : i32
      %parallel_loop3A_181 = arith.constant 1 : i32
      %parallel_loop3A_182 = arith.index_cast %parallel_loop3A_181 : i32 to index
      %parallel_loop3A_183 = arith.index_cast %parallel_loop3A_180 : i32 to index
      %parallel_loop3A_184 = arith.constant 0 : index
      %parallel_loop3A_185 = tpu.vector_load %arg9[%parallel_loop3A_182, %parallel_loop3A_183, %parallel_loop3A_184] {strides = array<i32>} : memref<2x32x224xf32, #tpu.memory_space<vmem>>, vector<16xf32>,
      %parallel_loop3A_186 = arith.constant 1.000000e+00 : f32
      %parallel_loop3A_187 = vector.broadcast %parallel_loop3A_186 : f32 to vector<16xf32>
      %parallel_loop3A_188 = arith.addf %parallel_loop3A_179, %parallel_loop3A_187 : vector<16xf32>
      %parallel_loop3A_189 = arith.constant 5.000000e-01 : f32
      %parallel_loop3A_190 = vector.broadcast %parallel_loop3A_189 : f32 to vector<16xf32>
      %parallel_loop3A_191 = arith.mulf %parallel_loop3A_188, %parallel_loop3A_190 : vector<16xf32>
      %parallel_loop3A_192 = arith.constant 2.230000e+02 : f32
      %parallel_loop3A_193 = vector.broadcast %parallel_loop3A_192 : f32 to vector<16xf32>
      %parallel_loop3A_194 = arith.mulf %parallel_loop3A_191, %parallel_loop3A_193 : vector<16xf32>
      %parallel_loop3A_195 = arith.constant 1.000000e+00 : f32
      %parallel_loop3A_196 = vector.broadcast %parallel_loop3A_195 : f32 to vector<16xf32>
      %parallel_loop3A_197 = arith.addf %parallel_loop3A_185, %parallel_loop3A_196 : vector<16xf32>
      %parallel_loop3A_198 = arith.constant 5.000000e-01 : f32
      %parallel_loop3A_199 = vector.broadcast %parallel_loop3A_198 : f32 to vector<16xf32>
      %parallel_loop3A_200 = arith.mulf %parallel_loop3A_197, %parallel_loop3A_199 : vector<16xf32>
      %parallel_loop3A_201 = arith.constant 2.230000e+02 : f32
      %parallel_loop3A_202 = vector.broadcast %parallel_loop3A_201 : f32 to vector<16xf32>
      %parallel_loop3A_203 = arith.mulf %parallel_loop3A_200, %parallel_loop3A_202 : vector<16xf32>
      %parallel_loop3A_204 = arith.constant 0.000000e+00 : f32
      %parallel_loop3A_205 = vector.broadcast %parallel_loop3A_204 : f32 to vector<16xf32>
      %parallel_loop3A_206 = arith.maximumf %parallel_loop3A_194, %parallel_loop3A_205 : vector<16xf32>
      %parallel_loop3A_207 = arith.constant 2.230000e+02 : f32
      %parallel_loop3A_208 = vector.broadcast %parallel_loop3A_207 : f32 to vector<16xf32>
      %parallel_loop3A_209 = arith.minimumf %parallel_loop3A_206, %parallel_loop3A_208 : vector<16xf32>
      %parallel_loop3A_210 = arith.constant 0.000000e+00 : f32
      %parallel_loop3A_211 = vector.broadcast %parallel_loop3A_210 : f32 to vector<16xf32>
      %parallel_loop3A_212 = arith.maximumf %parallel_loop3A_203, %parallel_loop3A_211 : vector<16xf32>
      %parallel_loop3A_213 = arith.constant 2.230000e+02 : f32
      %parallel_loop3A_214 = vector.broadcast %parallel_loop3A_213 : f32 to vector<16xf32>
      %parallel_loop3A_215 = arith.minimumf %parallel_loop3A_212, %parallel_loop3A_214 : vector<16xf32>
      %parallel_loop3A_216 = arith.fptosi %parallel_loop3A_209 : vector<16xf32> to vector<16xi32>
      %parallel_loop3A_217 = arith.constant 222 : i32
      %parallel_loop3A_218 = vector.broadcast %parallel_loop3A_217 : i32 to vector<16xi32>
      %parallel_loop3A_219 = arith.minsi %parallel_loop3A_216, %parallel_loop3A_218 : vector<16xi32>
      %parallel_loop3A_220 = arith.fptosi %parallel_loop3A_215 : vector<16xf32> to vector<16xi32>
      %parallel_loop3A_221 = arith.constant 222 : i32
      %parallel_loop3A_222 = vector.broadcast %parallel_loop3A_221 : i32 to vector<16xi32>
      %parallel_loop3A_223 = arith.minsi %parallel_loop3A_220, %parallel_loop3A_222 : vector<16xi32>
      %parallel_loop3A_224 = arith.sitofp %parallel_loop3A_219 : vector<16xi32> to vector<16xf32>
      %parallel_loop3A_225 = arith.subf %parallel_loop3A_209, %parallel_loop3A_224 : vector<16xf32>
      %parallel_loop3A_226 = arith.constant 2.550000e+02 : f32
      %parallel_loop3A_227 = vector.broadcast %parallel_loop3A_226 : f32 to vector<16xf32>
      %parallel_loop3A_228 = arith.mulf %parallel_loop3A_225, %parallel_loop3A_227 : vector<16xf32>
      %parallel_loop3A_229 = arith.constant 5.000000e-01 : f32
      %parallel_loop3A_230 = vector.broadcast %parallel_loop3A_229 : f32 to vector<16xf32>
      %parallel_loop3A_231 = arith.addf %parallel_loop3A_228, %parallel_loop3A_230 : vector<16xf32>
      %parallel_loop3A_232 = arith.fptosi %parallel_loop3A_231 : vector<16xf32> to vector<16xi32>
      %parallel_loop3A_233 = arith.sitofp %parallel_loop3A_223 : vector<16xi32> to vector<16xf32>
      %parallel_loop3A_234 = arith.subf %parallel_loop3A_215, %parallel_loop3A_233 : vector<16xf32>
      %parallel_loop3A_235 = arith.constant 2.550000e+02 : f32
      %parallel_loop3A_236 = vector.broadcast %parallel_loop3A_235 : f32 to vector<16xf32>
      %parallel_loop3A_237 = arith.mulf %parallel_loop3A_234, %parallel_loop3A_236 : vector<16xf32>
      %parallel_loop3A_238 = arith.constant 5.000000e-01 : f32
      %parallel_loop3A_239 = vector.broadcast %parallel_loop3A_238 : f32 to vector<16xf32>
      %parallel_loop3A_240 = arith.addf %parallel_loop3A_237, %parallel_loop3A_239 : vector<16xf32>
      %parallel_loop3A_241 = arith.fptosi %parallel_loop3A_240 : vector<16xf32> to vector<16xi32>
      %parallel_loop3A_242 = arith.constant 224 : i32
      %parallel_loop3A_243 = vector.broadcast %parallel_loop3A_242 : i32 to vector<16xi32>
      %parallel_loop3A_244 = arith.muli %parallel_loop3A_223, %parallel_loop3A_243 : vector<16xi32>
      %parallel_loop3A_245 = arith.addi %parallel_loop3A_244, %parallel_loop3A_219 : vector<16xi32>
      %parallel_loop3A_246 = arith.constant 16 : i32
      %parallel_loop3A_247 = vector.broadcast %parallel_loop3A_246 : i32 to vector<16xi32>
      %parallel_loop3A_248 = arith.shli %parallel_loop3A_232, %parallel_loop3A_247 : vector<16xi32>
      %parallel_loop3A_249 = arith.ori %parallel_loop3A_245, %parallel_loop3A_248 : vector<16xi32>
      %parallel_loop3A_250 = arith.constant 24 : i32
      %parallel_loop3A_251 = vector.broadcast %parallel_loop3A_250 : i32 to vector<16xi32>
      %parallel_loop3A_252 = arith.shli %parallel_loop3A_241, %parallel_loop3A_251 : vector<16xi32>
      %parallel_loop3A_253 = arith.ori %parallel_loop3A_249, %parallel_loop3A_252 : vector<16xi32>
      %parallel_loop3A_254 = arith.constant 224 : i32
      %parallel_loop3A_255 = arith.muli %parallel_loop3A_173, %parallel_loop3A_254 : i32
      %parallel_loop3A_256 = arith.constant 0 : i32
      %parallel_loop3A_257 = arith.addi %parallel_loop3A_255, %parallel_loop3A_256 : i32
      %parallel_loop3A_258 = arith.index_cast %parallel_loop3A_257 : i32 to index
      %parallel_loop3A_259 = tpu.vector_load %arg5[%parallel_loop3A_258] {strides = array<i32>} : memref<6272xi32, #tpu.memory_space<vmem>>, vector<16xi32>,
      tpu.vector_store %arg5[%parallel_loop3A_258], %parallel_loop3A_253 {strides = array<i32>} : memref<6272xi32, #tpu.memory_space<vmem>>, vector<16xi32>,
      %parallel_loop3A_260 = arith.addi %sub3A_61, %parallel_loop3A_173 : i32
      %parallel_loop3A_261 = arith.constant 0 : i32
      %parallel_loop3A_262 = arith.index_cast %parallel_loop3A_261 : i32 to index
      %parallel_loop3A_263 = arith.index_cast %parallel_loop3A_260 : i32 to index
      %parallel_loop3A_264 = arith.constant 16 : index
      %parallel_loop3A_265 = tpu.vector_load %arg9[%parallel_loop3A_262, %parallel_loop3A_263, %parallel_loop3A_264] {strides = array<i32>} : memref<2x32x224xf32, #tpu.memory_space<vmem>>, vector<16xf32>,
      %parallel_loop3A_266 = arith.addi %sub3A_61, %parallel_loop3A_173 : i32
      %parallel_loop3A_267 = arith.constant 1 : i32
      %parallel_loop3A_268 = arith.index_cast %parallel_loop3A_267 : i32 to index
      %parallel_loop3A_269 = arith.index_cast %parallel_loop3A_266 : i32 to index
      %parallel_loop3A_270 = arith.constant 16 : index
      %parallel_loop3A_271 = tpu.vector_load %arg9[%parallel_loop3A_268, %parallel_loop3A_269, %parallel_loop3A_270] {strides = array<i32>} : memref<2x32x224xf32, #tpu.memory_space<vmem>>, vector<16xf32>,
      %parallel_loop3A_272 = arith.constant 1.000000e+00 : f32
      %parallel_loop3A_273 = vector.broadcast %parallel_loop3A_272 : f32 to vector<16xf32>
      %parallel_loop3A_274 = arith.addf %parallel_loop3A_265, %parallel_loop3A_273 : vector<16xf32>
      %parallel_loop3A_275 = arith.constant 5.000000e-01 : f32
      %parallel_loop3A_276 = vector.broadcast %parallel_loop3A_275 : f32 to vector<16xf32>
      %parallel_loop3A_277 = arith.mulf %parallel_loop3A_274, %parallel_loop3A_276 : vector<16xf32>
      %parallel_loop3A_278 = arith.constant 2.230000e+02 : f32
      %parallel_loop3A_279 = vector.broadcast %parallel_loop3A_278 : f32 to vector<16xf32>
      %parallel_loop3A_280 = arith.mulf %parallel_loop3A_277, %parallel_loop3A_279 : vector<16xf32>
      %parallel_loop3A_281 = arith.constant 1.000000e+00 : f32
      %parallel_loop3A_282 = vector.broadcast %parallel_loop3A_281 : f32 to vector<16xf32>
      %parallel_loop3A_283 = arith.addf %parallel_loop3A_271, %parallel_loop3A_282 : vector<16xf32>
      %parallel_loop3A_284 = arith.constant 5.000000e-01 : f32
      %parallel_loop3A_285 = vector.broadcast %parallel_loop3A_284 : f32 to vector<16xf32>
      %parallel_loop3A_286 = arith.mulf %parallel_loop3A_283, %parallel_loop3A_285 : vector<16xf32>
      %parallel_loop3A_287 = arith.constant 2.230000e+02 : f32
      %parallel_loop3A_288 = vector.broadcast %parallel_loop3A_287 : f32 to vector<16xf32>
      %parallel_loop3A_289 = arith.mulf %parallel_loop3A_286, %parallel_loop3A_288 : vector<16xf32>
      %parallel_loop3A_290 = arith.constant 0.000000e+00 : f32
      %parallel_loop3A_291 = vector.broadcast %parallel_loop3A_290 : f32 to vector<16xf32>
      %parallel_loop3A_292 = arith.maximumf %parallel_loop3A_280, %parallel_loop3A_291 : vector<16xf32>
      %parallel_loop3A_293 = arith.constant 2.230000e+02 : f32
      %parallel_loop3A_294 = vector.broadcast %parallel_loop3A_293 : f32 to vector<16xf32>
      %parallel_loop3A_295 = arith.minimumf %parallel_loop3A_292, %parallel_loop3A_294 : vector<16xf32>
      %parallel_loop3A_296 = arith.constant 0.000000e+00 : f32
      %parallel_loop3A_297 = vector.broadcast %parallel_loop3A_296 : f32 to vector<16xf32>
      %parallel_loop3A_298 = arith.maximumf %parallel_loop3A_289, %parallel_loop3A_297 : vector<16xf32>
      %parallel_loop3A_299 = arith.constant 2.230000e+02 : f32
      %parallel_loop3A_300 = vector.broadcast %parallel_loop3A_299 : f32 to vector<16xf32>
      %parallel_loop3A_301 = arith.minimumf %parallel_loop3A_298, %parallel_loop3A_300 : vector<16xf32>
      %parallel_loop3A_302 = arith.fptosi %parallel_loop3A_295 : vector<16xf32> to vector<16xi32>
      %parallel_loop3A_303 = arith.constant 222 : i32
      %parallel_loop3A_304 = vector.broadcast %parallel_loop3A_303 : i32 to vector<16xi32>
      %parallel_loop3A_305 = arith.minsi %parallel_loop3A_302, %parallel_loop3A_304 : vector<16xi32>
      %parallel_loop3A_306 = arith.fptosi %parallel_loop3A_301 : vector<16xf32> to vector<16xi32>
      %parallel_loop3A_307 = arith.constant 222 : i32
      %parallel_loop3A_308 = vector.broadcast %parallel_loop3A_307 : i32 to vector<16xi32>
      %parallel_loop3A_309 = arith.minsi %parallel_loop3A_306, %parallel_loop3A_308 : vector<16xi32>
      %parallel_loop3A_310 = arith.sitofp %parallel_loop3A_305 : vector<16xi32> to vector<16xf32>
      %parallel_loop3A_311 = arith.subf %parallel_loop3A_295, %parallel_loop3A_310 : vector<16xf32>
      %parallel_loop3A_312 = arith.constant 2.550000e+02 : f32
      %parallel_loop3A_313 = vector.broadcast %parallel_loop3A_312 : f32 to vector<16xf32>
      %parallel_loop3A_314 = arith.mulf %parallel_loop3A_311, %parallel_loop3A_313 : vector<16xf32>
      %parallel_loop3A_315 = arith.constant 5.000000e-01 : f32
      %parallel_loop3A_316 = vector.broadcast %parallel_loop3A_315 : f32 to vector<16xf32>
      %parallel_loop3A_317 = arith.addf %parallel_loop3A_314, %parallel_loop3A_316 : vector<16xf32>
      %parallel_loop3A_318 = arith.fptosi %parallel_loop3A_317 : vector<16xf32> to vector<16xi32>
      %parallel_loop3A_319 = arith.sitofp %parallel_loop3A_309 : vector<16xi32> to vector<16xf32>
      %parallel_loop3A_320 = arith.subf %parallel_loop3A_301, %parallel_loop3A_319 : vector<16xf32>
      %parallel_loop3A_321 = arith.constant 2.550000e+02 : f32
      %parallel_loop3A_322 = vector.broadcast %parallel_loop3A_321 : f32 to vector<16xf32>
      %parallel_loop3A_323 = arith.mulf %parallel_loop3A_320, %parallel_loop3A_322 : vector<16xf32>
      %parallel_loop3A_324 = arith.constant 5.000000e-01 : f32
      %parallel_loop3A_325 = vector.broadcast %parallel_loop3A_324 : f32 to vector<16xf32>
      %parallel_loop3A_326 = arith.addf %parallel_loop3A_323, %parallel_loop3A_325 : vector<16xf32>
      %parallel_loop3A_327 = arith.fptosi %parallel_loop3A_326 : vector<16xf32> to vector<16xi32>
      %parallel_loop3A_328 = arith.constant 224 : i32
      %parallel_loop3A_329 = vector.broadcast %parallel_loop3A_328 : i32 to vector<16xi32>
      %parallel_loop3A_330 = arith.muli %parallel_loop3A_309, %parallel_loop3A_329 : vector<16xi32>
      %parallel_loop3A_331 = arith.addi %parallel_loop3A_330, %parallel_loop3A_305 : vector<16xi32>
      %parallel_loop3A_332 = arith.constant 16 : i32
      %parallel_loop3A_333 = vector.broadcast %parallel_loop3A_332 : i32 to vector<16xi32>
      %parallel_loop3A_334 = arith.shli %parallel_loop3A_318, %parallel_loop3A_333 : vector<16xi32>
      %parallel_loop3A_335 = arith.ori %parallel_loop3A_331, %parallel_loop3A_334 : vector<16xi32>
      %parallel_loop3A_336 = arith.constant 24 : i32
      %parallel_loop3A_337 = vector.broadcast %parallel_loop3A_336 : i32 to vector<16xi32>
      %parallel_loop3A_338 = arith.shli %parallel_loop3A_327, %parallel_loop3A_337 : vector<16xi32>
      %parallel_loop3A_339 = arith.ori %parallel_loop3A_335, %parallel_loop3A_338 : vector<16xi32>
      %parallel_loop3A_340 = arith.constant 224 : i32
      %parallel_loop3A_341 = arith.muli %parallel_loop3A_173, %parallel_loop3A_340 : i32
      %parallel_loop3A_342 = arith.constant 16 : i32
      %parallel_loop3A_343 = arith.addi %parallel_loop3A_341, %parallel_loop3A_342 : i32
      %parallel_loop3A_344 = arith.index_cast %parallel_loop3A_343 : i32 to index
      %parallel_loop3A_345 = tpu.vector_load %arg5[%parallel_loop3A_344] {strides = array<i32>} : memref<6272xi32, #tpu.memory_space<vmem>>, vector<16xi32>,
      tpu.vector_store %arg5[%parallel_loop3A_344], %parallel_loop3A_339 {strides = array<i32>} : memref<6272xi32, #tpu.memory_space<vmem>>, vector<16xi32>,
      %parallel_loop3A_346 = arith.addi %sub3A_61, %parallel_loop3A_173 : i32
      %parallel_loop3A_347 = arith.constant 0 : i32
      %parallel_loop3A_348 = arith.index_cast %parallel_loop3A_347 : i32 to index
      %parallel_loop3A_349 = arith.index_cast %parallel_loop3A_346 : i32 to index
      %parallel_loop3A_350 = arith.constant 32 : index
      %parallel_loop3A_351 = tpu.vector_load %arg9[%parallel_loop3A_348, %parallel_loop3A_349, %parallel_loop3A_350] {strides = array<i32>} : memref<2x32x224xf32, #tpu.memory_space<vmem>>, vector<16xf32>,
      %parallel_loop3A_352 = arith.addi %sub3A_61, %parallel_loop3A_173 : i32
      %parallel_loop3A_353 = arith.constant 1 : i32
      %parallel_loop3A_354 = arith.index_cast %parallel_loop3A_353 : i32 to index
      %parallel_loop3A_355 = arith.index_cast %parallel_loop3A_352 : i32 to index
      %parallel_loop3A_356 = arith.constant 32 : index
      %parallel_loop3A_357 = tpu.vector_load %arg9[%parallel_loop3A_354, %parallel_loop3A_355, %parallel_loop3A_356] {strides = array<i32>} : memref<2x32x224xf32, #tpu.memory_space<vmem>>, vector<16xf32>,
      %parallel_loop3A_358 = arith.constant 1.000000e+00 : f32
      %parallel_loop3A_359 = vector.broadcast %parallel_loop3A_358 : f32 to vector<16xf32>
      %parallel_loop3A_360 = arith.addf %parallel_loop3A_351, %parallel_loop3A_359 : vector<16xf32>
      %parallel_loop3A_361 = arith.constant 5.000000e-01 : f32
      %parallel_loop3A_362 = vector.broadcast %parallel_loop3A_361 : f32 to vector<16xf32>
      %parallel_loop3A_363 = arith.mulf %parallel_loop3A_360, %parallel_loop3A_362 : vector<16xf32>
      %parallel_loop3A_364 = arith.constant 2.230000e+02 : f32
      %parallel_loop3A_365 = vector.broadcast %parallel_loop3A_364 : f32 to vector<16xf32>
      %parallel_loop3A_366 = arith.mulf %parallel_loop3A_363, %parallel_loop3A_365 : vector<16xf32>
      %parallel_loop3A_367 = arith.constant 1.000000e+00 : f32
      %parallel_loop3A_368 = vector.broadcast %parallel_loop3A_367 : f32 to vector<16xf32>
      %parallel_loop3A_369 = arith.addf %parallel_loop3A_357, %parallel_loop3A_368 : vector<16xf32>
      %parallel_loop3A_370 = arith.constant 5.000000e-01 : f32
      %parallel_loop3A_371 = vector.broadcast %parallel_loop3A_370 : f32 to vector<16xf32>
      %parallel_loop3A_372 = arith.mulf %parallel_loop3A_369, %parallel_loop3A_371 : vector<16xf32>
      %parallel_loop3A_373 = arith.constant 2.230000e+02 : f32
      %parallel_loop3A_374 = vector.broadcast %parallel_loop3A_373 : f32 to vector<16xf32>
      %parallel_loop3A_375 = arith.mulf %parallel_loop3A_372, %parallel_loop3A_374 : vector<16xf32>
      %parallel_loop3A_376 = arith.constant 0.000000e+00 : f32
      %parallel_loop3A_377 = vector.broadcast %parallel_loop3A_376 : f32 to vector<16xf32>
      %parallel_loop3A_378 = arith.maximumf %parallel_loop3A_366, %parallel_loop3A_377 : vector<16xf32>
      %parallel_loop3A_379 = arith.constant 2.230000e+02 : f32
      %parallel_loop3A_380 = vector.broadcast %parallel_loop3A_379 : f32 to vector<16xf32>
      %parallel_loop3A_381 = arith.minimumf %parallel_loop3A_378, %parallel_loop3A_380 : vector<16xf32>
      %parallel_loop3A_382 = arith.constant 0.000000e+00 : f32
      %parallel_loop3A_383 = vector.broadcast %parallel_loop3A_382 : f32 to vector<16xf32>
      %parallel_loop3A_384 = arith.maximumf %parallel_loop3A_375, %parallel_loop3A_383 : vector<16xf32>
      %parallel_loop3A_385 = arith.constant 2.230000e+02 : f32
      %parallel_loop3A_386 = vector.broadcast %parallel_loop3A_385 : f32 to vector<16xf32>
      %parallel_loop3A_387 = arith.minimumf %parallel_loop3A_384, %parallel_loop3A_386 : vector<16xf32>
      %parallel_loop3A_388 = arith.fptosi %parallel_loop3A_381 : vector<16xf32> to vector<16xi32>
      %parallel_loop3A_389 = arith.constant 222 : i32
      %parallel_loop3A_390 = vector.broadcast %parallel_loop3A_389 : i32 to vector<16xi32>
      %parallel_loop3A_391 = arith.minsi %parallel_loop3A_388, %parallel_loop3A_390 : vector<16xi32>
      %parallel_loop3A_392 = arith.fptosi %parallel_loop3A_387 : vector<16xf32> to vector<16xi32>
      %parallel_loop3A_393 = arith.constant 222 : i32
      %parallel_loop3A_394 = vector.broadcast %parallel_loop3A_393 : i32 to vector<16xi32>
      %parallel_loop3A_395 = arith.minsi %parallel_loop3A_392, %parallel_loop3A_394 : vector<16xi32>
      %parallel_loop3A_396 = arith.sitofp %parallel_loop3A_391 : vector<16xi32> to vector<16xf32>
      %parallel_loop3A_397 = arith.subf %parallel_loop3A_381, %parallel_loop3A_396 : vector<16xf32>
      %parallel_loop3A_398 = arith.constant 2.550000e+02 : f32
      %parallel_loop3A_399 = vector.broadcast %parallel_loop3A_398 : f32 to vector<16xf32>
      %parallel_loop3A_400 = arith.mulf %parallel_loop3A_397, %parallel_loop3A_399 : vector<16xf32>
      %parallel_loop3A_401 = arith.constant 5.000000e-01 : f32
      %parallel_loop3A_402 = vector.broadcast %parallel_loop3A_401 : f32 to vector<16xf32>
      %parallel_loop3A_403 = arith.addf %parallel_loop3A_400, %parallel_loop3A_402 : vector<16xf32>
      %parallel_loop3A_404 = arith.fptosi %parallel_loop3A_403 : vector<16xf32> to vector<16xi32>
      %parallel_loop3A_405 = arith.sitofp %parallel_loop3A_395 : vector<16xi32> to vector<16xf32>
      %parallel_loop3A_406 = arith.subf %parallel_loop3A_387, %parallel_loop3A_405 : vector<16xf32>
      %parallel_loop3A_407 = arith.constant 2.550000e+02 : f32
      %parallel_loop3A_408 = vector.broadcast %parallel_loop3A_407 : f32 to vector<16xf32>
      %parallel_loop3A_409 = arith.mulf %parallel_loop3A_406, %parallel_loop3A_408 : vector<16xf32>
      %parallel_loop3A_410 = arith.constant 5.000000e-01 : f32
      %parallel_loop3A_411 = vector.broadcast %parallel_loop3A_410 : f32 to vector<16xf32>
      %parallel_loop3A_412 = arith.addf %parallel_loop3A_409, %parallel_loop3A_411 : vector<16xf32>
      %parallel_loop3A_413 = arith.fptosi %parallel_loop3A_412 : vector<16xf32> to vector<16xi32>
      %parallel_loop3A_414 = arith.constant 224 : i32
      %parallel_loop3A_415 = vector.broadcast %parallel_loop3A_414 : i32 to vector<16xi32>
      %parallel_loop3A_416 = arith.muli %parallel_loop3A_395, %parallel_loop3A_415 : vector<16xi32>
      %parallel_loop3A_417 = arith.addi %parallel_loop3A_416, %parallel_loop3A_391 : vector<16xi32>
      %parallel_loop3A_418 = arith.constant 16 : i32
      %parallel_loop3A_419 = vector.broadcast %parallel_loop3A_418 : i32 to vector<16xi32>
      %parallel_loop3A_420 = arith.shli %parallel_loop3A_404, %parallel_loop3A_419 : vector<16xi32>
      %parallel_loop3A_421 = arith.ori %parallel_loop3A_417, %parallel_loop3A_420 : vector<16xi32>
      %parallel_loop3A_422 = arith.constant 24 : i32
      %parallel_loop3A_423 = vector.broadcast %parallel_loop3A_422 : i32 to vector<16xi32>
      %parallel_loop3A_424 = arith.shli %parallel_loop3A_413, %parallel_loop3A_423 : vector<16xi32>
      %parallel_loop3A_425 = arith.ori %parallel_loop3A_421, %parallel_loop3A_424 : vector<16xi32>
      %parallel_loop3A_426 = arith.constant 224 : i32
      %parallel_loop3A_427 = arith.muli %parallel_loop3A_173, %parallel_loop3A_426 : i32
      %parallel_loop3A_428 = arith.constant 32 : i32
      %parallel_loop3A_429 = arith.addi %parallel_loop3A_427, %parallel_loop3A_428 : i32
      %parallel_loop3A_430 = arith.index_cast %parallel_loop3A_429 : i32 to index
      %parallel_loop3A_431 = tpu.vector_load %arg5[%parallel_loop3A_430] {strides = array<i32>} : memref<6272xi32, #tpu.memory_space<vmem>>, vector<16xi32>,
      tpu.vector_store %arg5[%parallel_loop3A_430], %parallel_loop3A_425 {strides = array<i32>} : memref<6272xi32, #tpu.memory_space<vmem>>, vector<16xi32>,
      %parallel_loop3A_432 = arith.addi %sub3A_61, %parallel_loop3A_173 : i32
      %parallel_loop3A_433 = arith.constant 0 : i32
      %parallel_loop3A_434 = arith.index_cast %parallel_loop3A_433 : i32 to index
      %parallel_loop3A_435 = arith.index_cast %parallel_loop3A_432 : i32 to index
      %parallel_loop3A_436 = arith.constant 48 : index
      %parallel_loop3A_437 = tpu.vector_load %arg9[%parallel_loop3A_434, %parallel_loop3A_435, %parallel_loop3A_436] {strides = array<i32>} : memref<2x32x224xf32, #tpu.memory_space<vmem>>, vector<16xf32>,
      %parallel_loop3A_438 = arith.addi %sub3A_61, %parallel_loop3A_173 : i32
      %parallel_loop3A_439 = arith.constant 1 : i32
      %parallel_loop3A_440 = arith.index_cast %parallel_loop3A_439 : i32 to index
      %parallel_loop3A_441 = arith.index_cast %parallel_loop3A_438 : i32 to index
      %parallel_loop3A_442 = arith.constant 48 : index
      %parallel_loop3A_443 = tpu.vector_load %arg9[%parallel_loop3A_440, %parallel_loop3A_441, %parallel_loop3A_442] {strides = array<i32>} : memref<2x32x224xf32, #tpu.memory_space<vmem>>, vector<16xf32>,
      %parallel_loop3A_444 = arith.constant 1.000000e+00 : f32
      %parallel_loop3A_445 = vector.broadcast %parallel_loop3A_444 : f32 to vector<16xf32>
      %parallel_loop3A_446 = arith.addf %parallel_loop3A_437, %parallel_loop3A_445 : vector<16xf32>
      %parallel_loop3A_447 = arith.constant 5.000000e-01 : f32
      %parallel_loop3A_448 = vector.broadcast %parallel_loop3A_447 : f32 to vector<16xf32>
      %parallel_loop3A_449 = arith.mulf %parallel_loop3A_446, %parallel_loop3A_448 : vector<16xf32>
      %parallel_loop3A_450 = arith.constant 2.230000e+02 : f32
      %parallel_loop3A_451 = vector.broadcast %parallel_loop3A_450 : f32 to vector<16xf32>
      %parallel_loop3A_452 = arith.mulf %parallel_loop3A_449, %parallel_loop3A_451 : vector<16xf32>
      %parallel_loop3A_453 = arith.constant 1.000000e+00 : f32
      %parallel_loop3A_454 = vector.broadcast %parallel_loop3A_453 : f32 to vector<16xf32>
      %parallel_loop3A_455 = arith.addf %parallel_loop3A_443, %parallel_loop3A_454 : vector<16xf32>
      %parallel_loop3A_456 = arith.constant 5.000000e-01 : f32
      %parallel_loop3A_457 = vector.broadcast %parallel_loop3A_456 : f32 to vector<16xf32>
      %parallel_loop3A_458 = arith.mulf %parallel_loop3A_455, %parallel_loop3A_457 : vector<16xf32>
      %parallel_loop3A_459 = arith.constant 2.230000e+02 : f32
      %parallel_loop3A_460 = vector.broadcast %parallel_loop3A_459 : f32 to vector<16xf32>
      %parallel_loop3A_461 = arith.mulf %parallel_loop3A_458, %parallel_loop3A_460 : vector<16xf32>
      %parallel_loop3A_462 = arith.constant 0.000000e+00 : f32
      %parallel_loop3A_463 = vector.broadcast %parallel_loop3A_462 : f32 to vector<16xf32>
      %parallel_loop3A_464 = arith.maximumf %parallel_loop3A_452, %parallel_loop3A_463 : vector<16xf32>
      %parallel_loop3A_465 = arith.constant 2.230000e+02 : f32
      %parallel_loop3A_466 = vector.broadcast %parallel_loop3A_465 : f32 to vector<16xf32>
      %parallel_loop3A_467 = arith.minimumf %parallel_loop3A_464, %parallel_loop3A_466 : vector<16xf32>
      %parallel_loop3A_468 = arith.constant 0.000000e+00 : f32
      %parallel_loop3A_469 = vector.broadcast %parallel_loop3A_468 : f32 to vector<16xf32>
      %parallel_loop3A_470 = arith.maximumf %parallel_loop3A_461, %parallel_loop3A_469 : vector<16xf32>
      %parallel_loop3A_471 = arith.constant 2.230000e+02 : f32
      %parallel_loop3A_472 = vector.broadcast %parallel_loop3A_471 : f32 to vector<16xf32>
      %parallel_loop3A_473 = arith.minimumf %parallel_loop3A_470, %parallel_loop3A_472 : vector<16xf32>
      %parallel_loop3A_474 = arith.fptosi %parallel_loop3A_467 : vector<16xf32> to vector<16xi32>
      %parallel_loop3A_475 = arith.constant 222 : i32
      %parallel_loop3A_476 = vector.broadcast %parallel_loop3A_475 : i32 to vector<16xi32>
      %parallel_loop3A_477 = arith.minsi %parallel_loop3A_474, %parallel_loop3A_476 : vector<16xi32>
      %parallel_loop3A_478 = arith.fptosi %parallel_loop3A_473 : vector<16xf32> to vector<16xi32>
      %parallel_loop3A_479 = arith.constant 222 : i32
      %parallel_loop3A_480 = vector.broadcast %parallel_loop3A_479 : i32 to vector<16xi32>
      %parallel_loop3A_481 = arith.minsi %parallel_loop3A_478, %parallel_loop3A_480 : vector<16xi32>
      %parallel_loop3A_482 = arith.sitofp %parallel_loop3A_477 : vector<16xi32> to vector<16xf32>
      %parallel_loop3A_483 = arith.subf %parallel_loop3A_467, %parallel_loop3A_482 : vector<16xf32>
      %parallel_loop3A_484 = arith.constant 2.550000e+02 : f32
      %parallel_loop3A_485 = vector.broadcast %parallel_loop3A_484 : f32 to vector<16xf32>
      %parallel_loop3A_486 = arith.mulf %parallel_loop3A_483, %parallel_loop3A_485 : vector<16xf32>
      %parallel_loop3A_487 = arith.constant 5.000000e-01 : f32
      %parallel_loop3A_488 = vector.broadcast %parallel_loop3A_487 : f32 to vector<16xf32>
      %parallel_loop3A_489 = arith.addf %parallel_loop3A_486, %parallel_loop3A_488 : vector<16xf32>
      %parallel_loop3A_490 = arith.fptosi %parallel_loop3A_489 : vector<16xf32> to vector<16xi32>
      %parallel_loop3A_491 = arith.sitofp %parallel_loop3A_481 : vector<16xi32> to vector<16xf32>
      %parallel_loop3A_492 = arith.subf %parallel_loop3A_473, %parallel_loop3A_491 : vector<16xf32>
      %parallel_loop3A_493 = arith.constant 2.550000e+02 : f32
      %parallel_loop3A_494 = vector.broadcast %parallel_loop3A_493 : f32 to vector<16xf32>
      %parallel_loop3A_495 = arith.mulf %parallel_loop3A_492, %parallel_loop3A_494 : vector<16xf32>
      %parallel_loop3A_496 = arith.constant 5.000000e-01 : f32
      %parallel_loop3A_497 = vector.broadcast %parallel_loop3A_496 : f32 to vector<16xf32>
      %parallel_loop3A_498 = arith.addf %parallel_loop3A_495, %parallel_loop3A_497 : vector<16xf32>
      %parallel_loop3A_499 = arith.fptosi %parallel_loop3A_498 : vector<16xf32> to vector<16xi32>
      %parallel_loop3A_500 = arith.constant 224 : i32
      %parallel_loop3A_501 = vector.broadcast %parallel_loop3A_500 : i32 to vector<16xi32>
      %parallel_loop3A_502 = arith.muli %parallel_loop3A_481, %parallel_loop3A_501 : vector<16xi32>
      %parallel_loop3A_503 = arith.addi %parallel_loop3A_502, %parallel_loop3A_477 : vector<16xi32>
      %parallel_loop3A_504 = arith.constant 16 : i32
      %parallel_loop3A_505 = vector.broadcast %parallel_loop3A_504 : i32 to vector<16xi32>
      %parallel_loop3A_506 = arith.shli %parallel_loop3A_490, %parallel_loop3A_505 : vector<16xi32>
      %parallel_loop3A_507 = arith.ori %parallel_loop3A_503, %parallel_loop3A_506 : vector<16xi32>
      %parallel_loop3A_508 = arith.constant 24 : i32
      %parallel_loop3A_509 = vector.broadcast %parallel_loop3A_508 : i32 to vector<16xi32>
      %parallel_loop3A_510 = arith.shli %parallel_loop3A_499, %parallel_loop3A_509 : vector<16xi32>
      %parallel_loop3A_511 = arith.ori %parallel_loop3A_507, %parallel_loop3A_510 : vector<16xi32>
      %parallel_loop3A_512 = arith.constant 224 : i32
      %parallel_loop3A_513 = arith.muli %parallel_loop3A_173, %parallel_loop3A_512 : i32
      %parallel_loop3A_514 = arith.constant 48 : i32
      %parallel_loop3A_515 = arith.addi %parallel_loop3A_513, %parallel_loop3A_514 : i32
      %parallel_loop3A_516 = arith.index_cast %parallel_loop3A_515 : i32 to index
      %parallel_loop3A_517 = tpu.vector_load %arg5[%parallel_loop3A_516] {strides = array<i32>} : memref<6272xi32, #tpu.memory_space<vmem>>, vector<16xi32>,
      tpu.vector_store %arg5[%parallel_loop3A_516], %parallel_loop3A_511 {strides = array<i32>} : memref<6272xi32, #tpu.memory_space<vmem>>, vector<16xi32>,
      %parallel_loop3A_518 = arith.addi %sub3A_61, %parallel_loop3A_173 : i32
      %parallel_loop3A_519 = arith.constant 0 : i32
      %parallel_loop3A_520 = arith.index_cast %parallel_loop3A_519 : i32 to index
      %parallel_loop3A_521 = arith.index_cast %parallel_loop3A_518 : i32 to index
      %parallel_loop3A_522 = arith.constant 64 : index
      %parallel_loop3A_523 = tpu.vector_load %arg9[%parallel_loop3A_520, %parallel_loop3A_521, %parallel_loop3A_522] {strides = array<i32>} : memref<2x32x224xf32, #tpu.memory_space<vmem>>, vector<16xf32>,
      %parallel_loop3A_524 = arith.addi %sub3A_61, %parallel_loop3A_173 : i32
      %parallel_loop3A_525 = arith.constant 1 : i32
      %parallel_loop3A_526 = arith.index_cast %parallel_loop3A_525 : i32 to index
      %parallel_loop3A_527 = arith.index_cast %parallel_loop3A_524 : i32 to index
      %parallel_loop3A_528 = arith.constant 64 : index
      %parallel_loop3A_529 = tpu.vector_load %arg9[%parallel_loop3A_526, %parallel_loop3A_527, %parallel_loop3A_528] {strides = array<i32>} : memref<2x32x224xf32, #tpu.memory_space<vmem>>, vector<16xf32>,
      %parallel_loop3A_530 = arith.constant 1.000000e+00 : f32
      %parallel_loop3A_531 = vector.broadcast %parallel_loop3A_530 : f32 to vector<16xf32>
      %parallel_loop3A_532 = arith.addf %parallel_loop3A_523, %parallel_loop3A_531 : vector<16xf32>
      %parallel_loop3A_533 = arith.constant 5.000000e-01 : f32
      %parallel_loop3A_534 = vector.broadcast %parallel_loop3A_533 : f32 to vector<16xf32>
      %parallel_loop3A_535 = arith.mulf %parallel_loop3A_532, %parallel_loop3A_534 : vector<16xf32>
      %parallel_loop3A_536 = arith.constant 2.230000e+02 : f32
      %parallel_loop3A_537 = vector.broadcast %parallel_loop3A_536 : f32 to vector<16xf32>
      %parallel_loop3A_538 = arith.mulf %parallel_loop3A_535, %parallel_loop3A_537 : vector<16xf32>
      %parallel_loop3A_539 = arith.constant 1.000000e+00 : f32
      %parallel_loop3A_540 = vector.broadcast %parallel_loop3A_539 : f32 to vector<16xf32>
      %parallel_loop3A_541 = arith.addf %parallel_loop3A_529, %parallel_loop3A_540 : vector<16xf32>
      %parallel_loop3A_542 = arith.constant 5.000000e-01 : f32
      %parallel_loop3A_543 = vector.broadcast %parallel_loop3A_542 : f32 to vector<16xf32>
      %parallel_loop3A_544 = arith.mulf %parallel_loop3A_541, %parallel_loop3A_543 : vector<16xf32>
      %parallel_loop3A_545 = arith.constant 2.230000e+02 : f32
      %parallel_loop3A_546 = vector.broadcast %parallel_loop3A_545 : f32 to vector<16xf32>
      %parallel_loop3A_547 = arith.mulf %parallel_loop3A_544, %parallel_loop3A_546 : vector<16xf32>
      %parallel_loop3A_548 = arith.constant 0.000000e+00 : f32
      %parallel_loop3A_549 = vector.broadcast %parallel_loop3A_548 : f32 to vector<16xf32>
      %parallel_loop3A_550 = arith.maximumf %parallel_loop3A_538, %parallel_loop3A_549 : vector<16xf32>
      %parallel_loop3A_551 = arith.constant 2.230000e+02 : f32
      %parallel_loop3A_552 = vector.broadcast %parallel_loop3A_551 : f32 to vector<16xf32>
      %parallel_loop3A_553 = arith.minimumf %parallel_loop3A_550, %parallel_loop3A_552 : vector<16xf32>
      %parallel_loop3A_554 = arith.constant 0.000000e+00 : f32
      %parallel_loop3A_555 = vector.broadcast %parallel_loop3A_554 : f32 to vector<16xf32>
      %parallel_loop3A_556 = arith.maximumf %parallel_loop3A_547, %parallel_loop3A_555 : vector<16xf32>
      %parallel_loop3A_557 = arith.constant 2.230000e+02 : f32
      %parallel_loop3A_558 = vector.broadcast %parallel_loop3A_557 : f32 to vector<16xf32>
      %parallel_loop3A_559 = arith.minimumf %parallel_loop3A_556, %parallel_loop3A_558 : vector<16xf32>
      %parallel_loop3A_560 = arith.fptosi %parallel_loop3A_553 : vector<16xf32> to vector<16xi32>
      %parallel_loop3A_561 = arith.constant 222 : i32
      %parallel_loop3A_562 = vector.broadcast %parallel_loop3A_561 : i32 to vector<16xi32>
      %parallel_loop3A_563 = arith.minsi %parallel_loop3A_560, %parallel_loop3A_562 : vector<16xi32>
      %parallel_loop3A_564 = arith.fptosi %parallel_loop3A_559 : vector<16xf32> to vector<16xi32>
      %parallel_loop3A_565 = arith.constant 222 : i32
      %parallel_loop3A_566 = vector.broadcast %parallel_loop3A_565 : i32 to vector<16xi32>
      %parallel_loop3A_567 = arith.minsi %parallel_loop3A_564, %parallel_loop3A_566 : vector<16xi32>
      %parallel_loop3A_568 = arith.sitofp %parallel_loop3A_563 : vector<16xi32> to vector<16xf32>
      %parallel_loop3A_569 = arith.subf %parallel_loop3A_553, %parallel_loop3A_568 : vector<16xf32>
      %parallel_loop3A_570 = arith.constant 2.550000e+02 : f32
      %parallel_loop3A_571 = vector.broadcast %parallel_loop3A_570 : f32 to vector<16xf32>
      %parallel_loop3A_572 = arith.mulf %parallel_loop3A_569, %parallel_loop3A_571 : vector<16xf32>
      %parallel_loop3A_573 = arith.constant 5.000000e-01 : f32
      %parallel_loop3A_574 = vector.broadcast %parallel_loop3A_573 : f32 to vector<16xf32>
      %parallel_loop3A_575 = arith.addf %parallel_loop3A_572, %parallel_loop3A_574 : vector<16xf32>
      %parallel_loop3A_576 = arith.fptosi %parallel_loop3A_575 : vector<16xf32> to vector<16xi32>
      %parallel_loop3A_577 = arith.sitofp %parallel_loop3A_567 : vector<16xi32> to vector<16xf32>
      %parallel_loop3A_578 = arith.subf %parallel_loop3A_559, %parallel_loop3A_577 : vector<16xf32>
      %parallel_loop3A_579 = arith.constant 2.550000e+02 : f32
      %parallel_loop3A_580 = vector.broadcast %parallel_loop3A_579 : f32 to vector<16xf32>
      %parallel_loop3A_581 = arith.mulf %parallel_loop3A_578, %parallel_loop3A_580 : vector<16xf32>
      %parallel_loop3A_582 = arith.constant 5.000000e-01 : f32
      %parallel_loop3A_583 = vector.broadcast %parallel_loop3A_582 : f32 to vector<16xf32>
      %parallel_loop3A_584 = arith.addf %parallel_loop3A_581, %parallel_loop3A_583 : vector<16xf32>
      %parallel_loop3A_585 = arith.fptosi %parallel_loop3A_584 : vector<16xf32> to vector<16xi32>
      %parallel_loop3A_586 = arith.constant 224 : i32
      %parallel_loop3A_587 = vector.broadcast %parallel_loop3A_586 : i32 to vector<16xi32>
      %parallel_loop3A_588 = arith.muli %parallel_loop3A_567, %parallel_loop3A_587 : vector<16xi32>
      %parallel_loop3A_589 = arith.addi %parallel_loop3A_588, %parallel_loop3A_563 : vector<16xi32>
      %parallel_loop3A_590 = arith.constant 16 : i32
      %parallel_loop3A_591 = vector.broadcast %parallel_loop3A_590 : i32 to vector<16xi32>
      %parallel_loop3A_592 = arith.shli %parallel_loop3A_576, %parallel_loop3A_591 : vector<16xi32>
      %parallel_loop3A_593 = arith.ori %parallel_loop3A_589, %parallel_loop3A_592 : vector<16xi32>
      %parallel_loop3A_594 = arith.constant 24 : i32
      %parallel_loop3A_595 = vector.broadcast %parallel_loop3A_594 : i32 to vector<16xi32>
      %parallel_loop3A_596 = arith.shli %parallel_loop3A_585, %parallel_loop3A_595 : vector<16xi32>
      %parallel_loop3A_597 = arith.ori %parallel_loop3A_593, %parallel_loop3A_596 : vector<16xi32>
      %parallel_loop3A_598 = arith.constant 224 : i32
      %parallel_loop3A_599 = arith.muli %parallel_loop3A_173, %parallel_loop3A_598 : i32
      %parallel_loop3A_600 = arith.constant 64 : i32
      %parallel_loop3A_601 = arith.addi %parallel_loop3A_599, %parallel_loop3A_600 : i32
      %parallel_loop3A_602 = arith.index_cast %parallel_loop3A_601 : i32 to index
      %parallel_loop3A_603 = tpu.vector_load %arg5[%parallel_loop3A_602] {strides = array<i32>} : memref<6272xi32, #tpu.memory_space<vmem>>, vector<16xi32>,
      tpu.vector_store %arg5[%parallel_loop3A_602], %parallel_loop3A_597 {strides = array<i32>} : memref<6272xi32, #tpu.memory_space<vmem>>, vector<16xi32>,
      %parallel_loop3A_604 = arith.addi %sub3A_61, %parallel_loop3A_173 : i32
      %parallel_loop3A_605 = arith.constant 0 : i32
      %parallel_loop3A_606 = arith.index_cast %parallel_loop3A_605 : i32 to index
      %parallel_loop3A_607 = arith.index_cast %parallel_loop3A_604 : i32 to index
      %parallel_loop3A_608 = arith.constant 80 : index
      %parallel_loop3A_609 = tpu.vector_load %arg9[%parallel_loop3A_606, %parallel_loop3A_607, %parallel_loop3A_608] {strides = array<i32>} : memref<2x32x224xf32, #tpu.memory_space<vmem>>, vector<16xf32>,
      %parallel_loop3A_610 = arith.addi %sub3A_61, %parallel_loop3A_173 : i32
      %parallel_loop3A_611 = arith.constant 1 : i32
      %parallel_loop3A_612 = arith.index_cast %parallel_loop3A_611 : i32 to index
      %parallel_loop3A_613 = arith.index_cast %parallel_loop3A_610 : i32 to index
      %parallel_loop3A_614 = arith.constant 80 : index
      %parallel_loop3A_615 = tpu.vector_load %arg9[%parallel_loop3A_612, %parallel_loop3A_613, %parallel_loop3A_614] {strides = array<i32>} : memref<2x32x224xf32, #tpu.memory_space<vmem>>, vector<16xf32>,
      %parallel_loop3A_616 = arith.constant 1.000000e+00 : f32
      %parallel_loop3A_617 = vector.broadcast %parallel_loop3A_616 : f32 to vector<16xf32>
      %parallel_loop3A_618 = arith.addf %parallel_loop3A_609, %parallel_loop3A_617 : vector<16xf32>
      %parallel_loop3A_619 = arith.constant 5.000000e-01 : f32
      %parallel_loop3A_620 = vector.broadcast %parallel_loop3A_619 : f32 to vector<16xf32>
      %parallel_loop3A_621 = arith.mulf %parallel_loop3A_618, %parallel_loop3A_620 : vector<16xf32>
      %parallel_loop3A_622 = arith.constant 2.230000e+02 : f32
      %parallel_loop3A_623 = vector.broadcast %parallel_loop3A_622 : f32 to vector<16xf32>
      %parallel_loop3A_624 = arith.mulf %parallel_loop3A_621, %parallel_loop3A_623 : vector<16xf32>
      %parallel_loop3A_625 = arith.constant 1.000000e+00 : f32
      %parallel_loop3A_626 = vector.broadcast %parallel_loop3A_625 : f32 to vector<16xf32>
      %parallel_loop3A_627 = arith.addf %parallel_loop3A_615, %parallel_loop3A_626 : vector<16xf32>
      %parallel_loop3A_628 = arith.constant 5.000000e-01 : f32
      %parallel_loop3A_629 = vector.broadcast %parallel_loop3A_628 : f32 to vector<16xf32>
      %parallel_loop3A_630 = arith.mulf %parallel_loop3A_627, %parallel_loop3A_629 : vector<16xf32>
      %parallel_loop3A_631 = arith.constant 2.230000e+02 : f32
      %parallel_loop3A_632 = vector.broadcast %parallel_loop3A_631 : f32 to vector<16xf32>
      %parallel_loop3A_633 = arith.mulf %parallel_loop3A_630, %parallel_loop3A_632 : vector<16xf32>
      %parallel_loop3A_634 = arith.constant 0.000000e+00 : f32
      %parallel_loop3A_635 = vector.broadcast %parallel_loop3A_634 : f32 to vector<16xf32>
      %parallel_loop3A_636 = arith.maximumf %parallel_loop3A_624, %parallel_loop3A_635 : vector<16xf32>
      %parallel_loop3A_637 = arith.constant 2.230000e+02 : f32
      %parallel_loop3A_638 = vector.broadcast %parallel_loop3A_637 : f32 to vector<16xf32>
      %parallel_loop3A_639 = arith.minimumf %parallel_loop3A_636, %parallel_loop3A_638 : vector<16xf32>
      %parallel_loop3A_640 = arith.constant 0.000000e+00 : f32
      %parallel_loop3A_641 = vector.broadcast %parallel_loop3A_640 : f32 to vector<16xf32>
      %parallel_loop3A_642 = arith.maximumf %parallel_loop3A_633, %parallel_loop3A_641 : vector<16xf32>
      %parallel_loop3A_643 = arith.constant 2.230000e+02 : f32
      %parallel_loop3A_644 = vector.broadcast %parallel_loop3A_643 : f32 to vector<16xf32>
      %parallel_loop3A_645 = arith.minimumf %parallel_loop3A_642, %parallel_loop3A_644 : vector<16xf32>
      %parallel_loop3A_646 = arith.fptosi %parallel_loop3A_639 : vector<16xf32> to vector<16xi32>
      %parallel_loop3A_647 = arith.constant 222 : i32
      %parallel_loop3A_648 = vector.broadcast %parallel_loop3A_647 : i32 to vector<16xi32>
      %parallel_loop3A_649 = arith.minsi %parallel_loop3A_646, %parallel_loop3A_648 : vector<16xi32>
      %parallel_loop3A_650 = arith.fptosi %parallel_loop3A_645 : vector<16xf32> to vector<16xi32>
      %parallel_loop3A_651 = arith.constant 222 : i32
      %parallel_loop3A_652 = vector.broadcast %parallel_loop3A_651 : i32 to vector<16xi32>
      %parallel_loop3A_653 = arith.minsi %parallel_loop3A_650, %parallel_loop3A_652 : vector<16xi32>
      %parallel_loop3A_654 = arith.sitofp %parallel_loop3A_649 : vector<16xi32> to vector<16xf32>
      %parallel_loop3A_655 = arith.subf %parallel_loop3A_639, %parallel_loop3A_654 : vector<16xf32>
      %parallel_loop3A_656 = arith.constant 2.550000e+02 : f32
      %parallel_loop3A_657 = vector.broadcast %parallel_loop3A_656 : f32 to vector<16xf32>
      %parallel_loop3A_658 = arith.mulf %parallel_loop3A_655, %parallel_loop3A_657 : vector<16xf32>
      %parallel_loop3A_659 = arith.constant 5.000000e-01 : f32
      %parallel_loop3A_660 = vector.broadcast %parallel_loop3A_659 : f32 to vector<16xf32>
      %parallel_loop3A_661 = arith.addf %parallel_loop3A_658, %parallel_loop3A_660 : vector<16xf32>
      %parallel_loop3A_662 = arith.fptosi %parallel_loop3A_661 : vector<16xf32> to vector<16xi32>
      %parallel_loop3A_663 = arith.sitofp %parallel_loop3A_653 : vector<16xi32> to vector<16xf32>
      %parallel_loop3A_664 = arith.subf %parallel_loop3A_645, %parallel_loop3A_663 : vector<16xf32>
      %parallel_loop3A_665 = arith.constant 2.550000e+02 : f32
      %parallel_loop3A_666 = vector.broadcast %parallel_loop3A_665 : f32 to vector<16xf32>
      %parallel_loop3A_667 = arith.mulf %parallel_loop3A_664, %parallel_loop3A_666 : vector<16xf32>
      %parallel_loop3A_668 = arith.constant 5.000000e-01 : f32
      %parallel_loop3A_669 = vector.broadcast %parallel_loop3A_668 : f32 to vector<16xf32>
      %parallel_loop3A_670 = arith.addf %parallel_loop3A_667, %parallel_loop3A_669 : vector<16xf32>
      %parallel_loop3A_671 = arith.fptosi %parallel_loop3A_670 : vector<16xf32> to vector<16xi32>
      %parallel_loop3A_672 = arith.constant 224 : i32
      %parallel_loop3A_673 = vector.broadcast %parallel_loop3A_672 : i32 to vector<16xi32>
      %parallel_loop3A_674 = arith.muli %parallel_loop3A_653, %parallel_loop3A_673 : vector<16xi32>
      %parallel_loop3A_675 = arith.addi %parallel_loop3A_674, %parallel_loop3A_649 : vector<16xi32>
      %parallel_loop3A_676 = arith.constant 16 : i32
      %parallel_loop3A_677 = vector.broadcast %parallel_loop3A_676 : i32 to vector<16xi32>
      %parallel_loop3A_678 = arith.shli %parallel_loop3A_662, %parallel_loop3A_677 : vector<16xi32>
      %parallel_loop3A_679 = arith.ori %parallel_loop3A_675, %parallel_loop3A_678 : vector<16xi32>
      %parallel_loop3A_680 = arith.constant 24 : i32
      %parallel_loop3A_681 = vector.broadcast %parallel_loop3A_680 : i32 to vector<16xi32>
      %parallel_loop3A_682 = arith.shli %parallel_loop3A_671, %parallel_loop3A_681 : vector<16xi32>
      %parallel_loop3A_683 = arith.ori %parallel_loop3A_679, %parallel_loop3A_682 : vector<16xi32>
      %parallel_loop3A_684 = arith.constant 224 : i32
      %parallel_loop3A_685 = arith.muli %parallel_loop3A_173, %parallel_loop3A_684 : i32
      %parallel_loop3A_686 = arith.constant 80 : i32
      %parallel_loop3A_687 = arith.addi %parallel_loop3A_685, %parallel_loop3A_686 : i32
      %parallel_loop3A_688 = arith.index_cast %parallel_loop3A_687 : i32 to index
      %parallel_loop3A_689 = tpu.vector_load %arg5[%parallel_loop3A_688] {strides = array<i32>} : memref<6272xi32, #tpu.memory_space<vmem>>, vector<16xi32>,
      tpu.vector_store %arg5[%parallel_loop3A_688], %parallel_loop3A_683 {strides = array<i32>} : memref<6272xi32, #tpu.memory_space<vmem>>, vector<16xi32>,
      %parallel_loop3A_690 = arith.addi %sub3A_61, %parallel_loop3A_173 : i32
      %parallel_loop3A_691 = arith.constant 0 : i32
      %parallel_loop3A_692 = arith.index_cast %parallel_loop3A_691 : i32 to index
      %parallel_loop3A_693 = arith.index_cast %parallel_loop3A_690 : i32 to index
      %parallel_loop3A_694 = arith.constant 96 : index
      %parallel_loop3A_695 = tpu.vector_load %arg9[%parallel_loop3A_692, %parallel_loop3A_693, %parallel_loop3A_694] {strides = array<i32>} : memref<2x32x224xf32, #tpu.memory_space<vmem>>, vector<16xf32>,
      %parallel_loop3A_696 = arith.addi %sub3A_61, %parallel_loop3A_173 : i32
      %parallel_loop3A_697 = arith.constant 1 : i32
      %parallel_loop3A_698 = arith.index_cast %parallel_loop3A_697 : i32 to index
      %parallel_loop3A_699 = arith.index_cast %parallel_loop3A_696 : i32 to index
      %parallel_loop3A_700 = arith.constant 96 : index
      %parallel_loop3A_701 = tpu.vector_load %arg9[%parallel_loop3A_698, %parallel_loop3A_699, %parallel_loop3A_700] {strides = array<i32>} : memref<2x32x224xf32, #tpu.memory_space<vmem>>, vector<16xf32>,
      %parallel_loop3A_702 = arith.constant 1.000000e+00 : f32
      %parallel_loop3A_703 = vector.broadcast %parallel_loop3A_702 : f32 to vector<16xf32>
      %parallel_loop3A_704 = arith.addf %parallel_loop3A_695, %parallel_loop3A_703 : vector<16xf32>
      %parallel_loop3A_705 = arith.constant 5.000000e-01 : f32
      %parallel_loop3A_706 = vector.broadcast %parallel_loop3A_705 : f32 to vector<16xf32>
      %parallel_loop3A_707 = arith.mulf %parallel_loop3A_704, %parallel_loop3A_706 : vector<16xf32>
      %parallel_loop3A_708 = arith.constant 2.230000e+02 : f32
      %parallel_loop3A_709 = vector.broadcast %parallel_loop3A_708 : f32 to vector<16xf32>
      %parallel_loop3A_710 = arith.mulf %parallel_loop3A_707, %parallel_loop3A_709 : vector<16xf32>
      %parallel_loop3A_711 = arith.constant 1.000000e+00 : f32
      %parallel_loop3A_712 = vector.broadcast %parallel_loop3A_711 : f32 to vector<16xf32>
      %parallel_loop3A_713 = arith.addf %parallel_loop3A_701, %parallel_loop3A_712 : vector<16xf32>
      %parallel_loop3A_714 = arith.constant 5.000000e-01 : f32
      %parallel_loop3A_715 = vector.broadcast %parallel_loop3A_714 : f32 to vector<16xf32>
      %parallel_loop3A_716 = arith.mulf %parallel_loop3A_713, %parallel_loop3A_715 : vector<16xf32>
      %parallel_loop3A_717 = arith.constant 2.230000e+02 : f32
      %parallel_loop3A_718 = vector.broadcast %parallel_loop3A_717 : f32 to vector<16xf32>
      %parallel_loop3A_719 = arith.mulf %parallel_loop3A_716, %parallel_loop3A_718 : vector<16xf32>
      %parallel_loop3A_720 = arith.constant 0.000000e+00 : f32
      %parallel_loop3A_721 = vector.broadcast %parallel_loop3A_720 : f32 to vector<16xf32>
      %parallel_loop3A_722 = arith.maximumf %parallel_loop3A_710, %parallel_loop3A_721 : vector<16xf32>
      %parallel_loop3A_723 = arith.constant 2.230000e+02 : f32
      %parallel_loop3A_724 = vector.broadcast %parallel_loop3A_723 : f32 to vector<16xf32>
      %parallel_loop3A_725 = arith.minimumf %parallel_loop3A_722, %parallel_loop3A_724 : vector<16xf32>
      %parallel_loop3A_726 = arith.constant 0.000000e+00 : f32
      %parallel_loop3A_727 = vector.broadcast %parallel_loop3A_726 : f32 to vector<16xf32>
      %parallel_loop3A_728 = arith.maximumf %parallel_loop3A_719, %parallel_loop3A_727 : vector<16xf32>
      %parallel_loop3A_729 = arith.constant 2.230000e+02 : f32
      %parallel_loop3A_730 = vector.broadcast %parallel_loop3A_729 : f32 to vector<16xf32>
      %parallel_loop3A_731 = arith.minimumf %parallel_loop3A_728, %parallel_loop3A_730 : vector<16xf32>
      %parallel_loop3A_732 = arith.fptosi %parallel_loop3A_725 : vector<16xf32> to vector<16xi32>
      %parallel_loop3A_733 = arith.constant 222 : i32
      %parallel_loop3A_734 = vector.broadcast %parallel_loop3A_733 : i32 to vector<16xi32>
      %parallel_loop3A_735 = arith.minsi %parallel_loop3A_732, %parallel_loop3A_734 : vector<16xi32>
      %parallel_loop3A_736 = arith.fptosi %parallel_loop3A_731 : vector<16xf32> to vector<16xi32>
      %parallel_loop3A_737 = arith.constant 222 : i32
      %parallel_loop3A_738 = vector.broadcast %parallel_loop3A_737 : i32 to vector<16xi32>
      %parallel_loop3A_739 = arith.minsi %parallel_loop3A_736, %parallel_loop3A_738 : vector<16xi32>
      %parallel_loop3A_740 = arith.sitofp %parallel_loop3A_735 : vector<16xi32> to vector<16xf32>
      %parallel_loop3A_741 = arith.subf %parallel_loop3A_725, %parallel_loop3A_740 : vector<16xf32>
      %parallel_loop3A_742 = arith.constant 2.550000e+02 : f32
      %parallel_loop3A_743 = vector.broadcast %parallel_loop3A_742 : f32 to vector<16xf32>
      %parallel_loop3A_744 = arith.mulf %parallel_loop3A_741, %parallel_loop3A_743 : vector<16xf32>
      %parallel_loop3A_745 = arith.constant 5.000000e-01 : f32
      %parallel_loop3A_746 = vector.broadcast %parallel_loop3A_745 : f32 to vector<16xf32>
      %parallel_loop3A_747 = arith.addf %parallel_loop3A_744, %parallel_loop3A_746 : vector<16xf32>
      %parallel_loop3A_748 = arith.fptosi %parallel_loop3A_747 : vector<16xf32> to vector<16xi32>
      %parallel_loop3A_749 = arith.sitofp %parallel_loop3A_739 : vector<16xi32> to vector<16xf32>
      %parallel_loop3A_750 = arith.subf %parallel_loop3A_731, %parallel_loop3A_749 : vector<16xf32>
      %parallel_loop3A_751 = arith.constant 2.550000e+02 : f32
      %parallel_loop3A_752 = vector.broadcast %parallel_loop3A_751 : f32 to vector<16xf32>
      %parallel_loop3A_753 = arith.mulf %parallel_loop3A_750, %parallel_loop3A_752 : vector<16xf32>
      %parallel_loop3A_754 = arith.constant 5.000000e-01 : f32
      %parallel_loop3A_755 = vector.broadcast %parallel_loop3A_754 : f32 to vector<16xf32>
      %parallel_loop3A_756 = arith.addf %parallel_loop3A_753, %parallel_loop3A_755 : vector<16xf32>
      %parallel_loop3A_757 = arith.fptosi %parallel_loop3A_756 : vector<16xf32> to vector<16xi32>
      %parallel_loop3A_758 = arith.constant 224 : i32
      %parallel_loop3A_759 = vector.broadcast %parallel_loop3A_758 : i32 to vector<16xi32>
      %parallel_loop3A_760 = arith.muli %parallel_loop3A_739, %parallel_loop3A_759 : vector<16xi32>
      %parallel_loop3A_761 = arith.addi %parallel_loop3A_760, %parallel_loop3A_735 : vector<16xi32>
      %parallel_loop3A_762 = arith.constant 16 : i32
      %parallel_loop3A_763 = vector.broadcast %parallel_loop3A_762 : i32 to vector<16xi32>
      %parallel_loop3A_764 = arith.shli %parallel_loop3A_748, %parallel_loop3A_763 : vector<16xi32>
      %parallel_loop3A_765 = arith.ori %parallel_loop3A_761, %parallel_loop3A_764 : vector<16xi32>
      %parallel_loop3A_766 = arith.constant 24 : i32
      %parallel_loop3A_767 = vector.broadcast %parallel_loop3A_766 : i32 to vector<16xi32>
      %parallel_loop3A_768 = arith.shli %parallel_loop3A_757, %parallel_loop3A_767 : vector<16xi32>
      %parallel_loop3A_769 = arith.ori %parallel_loop3A_765, %parallel_loop3A_768 : vector<16xi32>
      %parallel_loop3A_770 = arith.constant 224 : i32
      %parallel_loop3A_771 = arith.muli %parallel_loop3A_173, %parallel_loop3A_770 : i32
      %parallel_loop3A_772 = arith.constant 96 : i32
      %parallel_loop3A_773 = arith.addi %parallel_loop3A_771, %parallel_loop3A_772 : i32
      %parallel_loop3A_774 = arith.index_cast %parallel_loop3A_773 : i32 to index
      %parallel_loop3A_775 = tpu.vector_load %arg5[%parallel_loop3A_774] {strides = array<i32>} : memref<6272xi32, #tpu.memory_space<vmem>>, vector<16xi32>,
      tpu.vector_store %arg5[%parallel_loop3A_774], %parallel_loop3A_769 {strides = array<i32>} : memref<6272xi32, #tpu.memory_space<vmem>>, vector<16xi32>,
      %parallel_loop3A_776 = arith.addi %sub3A_61, %parallel_loop3A_173 : i32
      %parallel_loop3A_777 = arith.constant 0 : i32
      %parallel_loop3A_778 = arith.index_cast %parallel_loop3A_777 : i32 to index
      %parallel_loop3A_779 = arith.index_cast %parallel_loop3A_776 : i32 to index
      %parallel_loop3A_780 = arith.constant 112 : index
      %parallel_loop3A_781 = tpu.vector_load %arg9[%parallel_loop3A_778, %parallel_loop3A_779, %parallel_loop3A_780] {strides = array<i32>} : memref<2x32x224xf32, #tpu.memory_space<vmem>>, vector<16xf32>,
      %parallel_loop3A_782 = arith.addi %sub3A_61, %parallel_loop3A_173 : i32
      %parallel_loop3A_783 = arith.constant 1 : i32
      %parallel_loop3A_784 = arith.index_cast %parallel_loop3A_783 : i32 to index
      %parallel_loop3A_785 = arith.index_cast %parallel_loop3A_782 : i32 to index
      %parallel_loop3A_786 = arith.constant 112 : index
      %parallel_loop3A_787 = tpu.vector_load %arg9[%parallel_loop3A_784, %parallel_loop3A_785, %parallel_loop3A_786] {strides = array<i32>} : memref<2x32x224xf32, #tpu.memory_space<vmem>>, vector<16xf32>,
      %parallel_loop3A_788 = arith.constant 1.000000e+00 : f32
      %parallel_loop3A_789 = vector.broadcast %parallel_loop3A_788 : f32 to vector<16xf32>
      %parallel_loop3A_790 = arith.addf %parallel_loop3A_781, %parallel_loop3A_789 : vector<16xf32>
      %parallel_loop3A_791 = arith.constant 5.000000e-01 : f32
      %parallel_loop3A_792 = vector.broadcast %parallel_loop3A_791 : f32 to vector<16xf32>
      %parallel_loop3A_793 = arith.mulf %parallel_loop3A_790, %parallel_loop3A_792 : vector<16xf32>
      %parallel_loop3A_794 = arith.constant 2.230000e+02 : f32
      %parallel_loop3A_795 = vector.broadcast %parallel_loop3A_794 : f32 to vector<16xf32>
      %parallel_loop3A_796 = arith.mulf %parallel_loop3A_793, %parallel_loop3A_795 : vector<16xf32>
      %parallel_loop3A_797 = arith.constant 1.000000e+00 : f32
      %parallel_loop3A_798 = vector.broadcast %parallel_loop3A_797 : f32 to vector<16xf32>
      %parallel_loop3A_799 = arith.addf %parallel_loop3A_787, %parallel_loop3A_798 : vector<16xf32>
      %parallel_loop3A_800 = arith.constant 5.000000e-01 : f32
      %parallel_loop3A_801 = vector.broadcast %parallel_loop3A_800 : f32 to vector<16xf32>
      %parallel_loop3A_802 = arith.mulf %parallel_loop3A_799, %parallel_loop3A_801 : vector<16xf32>
      %parallel_loop3A_803 = arith.constant 2.230000e+02 : f32
      %parallel_loop3A_804 = vector.broadcast %parallel_loop3A_803 : f32 to vector<16xf32>
      %parallel_loop3A_805 = arith.mulf %parallel_loop3A_802, %parallel_loop3A_804 : vector<16xf32>
      %parallel_loop3A_806 = arith.constant 0.000000e+00 : f32
      %parallel_loop3A_807 = vector.broadcast %parallel_loop3A_806 : f32 to vector<16xf32>
      %parallel_loop3A_808 = arith.maximumf %parallel_loop3A_796, %parallel_loop3A_807 : vector<16xf32>
      %parallel_loop3A_809 = arith.constant 2.230000e+02 : f32
      %parallel_loop3A_810 = vector.broadcast %parallel_loop3A_809 : f32 to vector<16xf32>
      %parallel_loop3A_811 = arith.minimumf %parallel_loop3A_808, %parallel_loop3A_810 : vector<16xf32>
      %parallel_loop3A_812 = arith.constant 0.000000e+00 : f32
      %parallel_loop3A_813 = vector.broadcast %parallel_loop3A_812 : f32 to vector<16xf32>
      %parallel_loop3A_814 = arith.maximumf %parallel_loop3A_805, %parallel_loop3A_813 : vector<16xf32>
      %parallel_loop3A_815 = arith.constant 2.230000e+02 : f32
      %parallel_loop3A_816 = vector.broadcast %parallel_loop3A_815 : f32 to vector<16xf32>
      %parallel_loop3A_817 = arith.minimumf %parallel_loop3A_814, %parallel_loop3A_816 : vector<16xf32>
      %parallel_loop3A_818 = arith.fptosi %parallel_loop3A_811 : vector<16xf32> to vector<16xi32>
      %parallel_loop3A_819 = arith.constant 222 : i32
      %parallel_loop3A_820 = vector.broadcast %parallel_loop3A_819 : i32 to vector<16xi32>
      %parallel_loop3A_821 = arith.minsi %parallel_loop3A_818, %parallel_loop3A_820 : vector<16xi32>
      %parallel_loop3A_822 = arith.fptosi %parallel_loop3A_817 : vector<16xf32> to vector<16xi32>
      %parallel_loop3A_823 = arith.constant 222 : i32
      %parallel_loop3A_824 = vector.broadcast %parallel_loop3A_823 : i32 to vector<16xi32>
      %parallel_loop3A_825 = arith.minsi %parallel_loop3A_822, %parallel_loop3A_824 : vector<16xi32>
      %parallel_loop3A_826 = arith.sitofp %parallel_loop3A_821 : vector<16xi32> to vector<16xf32>
      %parallel_loop3A_827 = arith.subf %parallel_loop3A_811, %parallel_loop3A_826 : vector<16xf32>
      %parallel_loop3A_828 = arith.constant 2.550000e+02 : f32
      %parallel_loop3A_829 = vector.broadcast %parallel_loop3A_828 : f32 to vector<16xf32>
      %parallel_loop3A_830 = arith.mulf %parallel_loop3A_827, %parallel_loop3A_829 : vector<16xf32>
      %parallel_loop3A_831 = arith.constant 5.000000e-01 : f32
      %parallel_loop3A_832 = vector.broadcast %parallel_loop3A_831 : f32 to vector<16xf32>
      %parallel_loop3A_833 = arith.addf %parallel_loop3A_830, %parallel_loop3A_832 : vector<16xf32>
      %parallel_loop3A_834 = arith.fptosi %parallel_loop3A_833 : vector<16xf32> to vector<16xi32>
      %parallel_loop3A_835 = arith.sitofp %parallel_loop3A_825 : vector<16xi32> to vector<16xf32>
      %parallel_loop3A_836 = arith.subf %parallel_loop3A_817, %parallel_loop3A_835 : vector<16xf32>
      %parallel_loop3A_837 = arith.constant 2.550000e+02 : f32
      %parallel_loop3A_838 = vector.broadcast %parallel_loop3A_837 : f32 to vector<16xf32>
      %parallel_loop3A_839 = arith.mulf %parallel_loop3A_836, %parallel_loop3A_838 : vector<16xf32>
      %parallel_loop3A_840 = arith.constant 5.000000e-01 : f32
      %parallel_loop3A_841 = vector.broadcast %parallel_loop3A_840 : f32 to vector<16xf32>
      %parallel_loop3A_842 = arith.addf %parallel_loop3A_839, %parallel_loop3A_841 : vector<16xf32>
      %parallel_loop3A_843 = arith.fptosi %parallel_loop3A_842 : vector<16xf32> to vector<16xi32>
      %parallel_loop3A_844 = arith.constant 224 : i32
      %parallel_loop3A_845 = vector.broadcast %parallel_loop3A_844 : i32 to vector<16xi32>
      %parallel_loop3A_846 = arith.muli %parallel_loop3A_825, %parallel_loop3A_845 : vector<16xi32>
      %parallel_loop3A_847 = arith.addi %parallel_loop3A_846, %parallel_loop3A_821 : vector<16xi32>
      %parallel_loop3A_848 = arith.constant 16 : i32
      %parallel_loop3A_849 = vector.broadcast %parallel_loop3A_848 : i32 to vector<16xi32>
      %parallel_loop3A_850 = arith.shli %parallel_loop3A_834, %parallel_loop3A_849 : vector<16xi32>
      %parallel_loop3A_851 = arith.ori %parallel_loop3A_847, %parallel_loop3A_850 : vector<16xi32>
      %parallel_loop3A_852 = arith.constant 24 : i32
      %parallel_loop3A_853 = vector.broadcast %parallel_loop3A_852 : i32 to vector<16xi32>
      %parallel_loop3A_854 = arith.shli %parallel_loop3A_843, %parallel_loop3A_853 : vector<16xi32>
      %parallel_loop3A_855 = arith.ori %parallel_loop3A_851, %parallel_loop3A_854 : vector<16xi32>
      %parallel_loop3A_856 = arith.constant 224 : i32
      %parallel_loop3A_857 = arith.muli %parallel_loop3A_173, %parallel_loop3A_856 : i32
      %parallel_loop3A_858 = arith.constant 112 : i32
      %parallel_loop3A_859 = arith.addi %parallel_loop3A_857, %parallel_loop3A_858 : i32
      %parallel_loop3A_860 = arith.index_cast %parallel_loop3A_859 : i32 to index
      %parallel_loop3A_861 = tpu.vector_load %arg5[%parallel_loop3A_860] {strides = array<i32>} : memref<6272xi32, #tpu.memory_space<vmem>>, vector<16xi32>,
      tpu.vector_store %arg5[%parallel_loop3A_860], %parallel_loop3A_855 {strides = array<i32>} : memref<6272xi32, #tpu.memory_space<vmem>>, vector<16xi32>,
      %parallel_loop3A_862 = arith.addi %sub3A_61, %parallel_loop3A_173 : i32
      %parallel_loop3A_863 = arith.constant 0 : i32
      %parallel_loop3A_864 = arith.index_cast %parallel_loop3A_863 : i32 to index
      %parallel_loop3A_865 = arith.index_cast %parallel_loop3A_862 : i32 to index
      %parallel_loop3A_866 = arith.constant 128 : index
      %parallel_loop3A_867 = tpu.vector_load %arg9[%parallel_loop3A_864, %parallel_loop3A_865, %parallel_loop3A_866] {strides = array<i32>} : memref<2x32x224xf32, #tpu.memory_space<vmem>>, vector<16xf32>,
      %parallel_loop3A_868 = arith.addi %sub3A_61, %parallel_loop3A_173 : i32
      %parallel_loop3A_869 = arith.constant 1 : i32
      %parallel_loop3A_870 = arith.index_cast %parallel_loop3A_869 : i32 to index
      %parallel_loop3A_871 = arith.index_cast %parallel_loop3A_868 : i32 to index
      %parallel_loop3A_872 = arith.constant 128 : index
      %parallel_loop3A_873 = tpu.vector_load %arg9[%parallel_loop3A_870, %parallel_loop3A_871, %parallel_loop3A_872] {strides = array<i32>} : memref<2x32x224xf32, #tpu.memory_space<vmem>>, vector<16xf32>,
      %parallel_loop3A_874 = arith.constant 1.000000e+00 : f32
      %parallel_loop3A_875 = vector.broadcast %parallel_loop3A_874 : f32 to vector<16xf32>
      %parallel_loop3A_876 = arith.addf %parallel_loop3A_867, %parallel_loop3A_875 : vector<16xf32>
      %parallel_loop3A_877 = arith.constant 5.000000e-01 : f32
      %parallel_loop3A_878 = vector.broadcast %parallel_loop3A_877 : f32 to vector<16xf32>
      %parallel_loop3A_879 = arith.mulf %parallel_loop3A_876, %parallel_loop3A_878 : vector<16xf32>
      %parallel_loop3A_880 = arith.constant 2.230000e+02 : f32
      %parallel_loop3A_881 = vector.broadcast %parallel_loop3A_880 : f32 to vector<16xf32>
      %parallel_loop3A_882 = arith.mulf %parallel_loop3A_879, %parallel_loop3A_881 : vector<16xf32>
      %parallel_loop3A_883 = arith.constant 1.000000e+00 : f32
      %parallel_loop3A_884 = vector.broadcast %parallel_loop3A_883 : f32 to vector<16xf32>
      %parallel_loop3A_885 = arith.addf %parallel_loop3A_873, %parallel_loop3A_884 : vector<16xf32>
      %parallel_loop3A_886 = arith.constant 5.000000e-01 : f32
      %parallel_loop3A_887 = vector.broadcast %parallel_loop3A_886 : f32 to vector<16xf32>
      %parallel_loop3A_888 = arith.mulf %parallel_loop3A_885, %parallel_loop3A_887 : vector<16xf32>
      %parallel_loop3A_889 = arith.constant 2.230000e+02 : f32
      %parallel_loop3A_890 = vector.broadcast %parallel_loop3A_889 : f32 to vector<16xf32>
      %parallel_loop3A_891 = arith.mulf %parallel_loop3A_888, %parallel_loop3A_890 : vector<16xf32>
      %parallel_loop3A_892 = arith.constant 0.000000e+00 : f32
      %parallel_loop3A_893 = vector.broadcast %parallel_loop3A_892 : f32 to vector<16xf32>
      %parallel_loop3A_894 = arith.maximumf %parallel_loop3A_882, %parallel_loop3A_893 : vector<16xf32>
      %parallel_loop3A_895 = arith.constant 2.230000e+02 : f32
      %parallel_loop3A_896 = vector.broadcast %parallel_loop3A_895 : f32 to vector<16xf32>
      %parallel_loop3A_897 = arith.minimumf %parallel_loop3A_894, %parallel_loop3A_896 : vector<16xf32>
      %parallel_loop3A_898 = arith.constant 0.000000e+00 : f32
      %parallel_loop3A_899 = vector.broadcast %parallel_loop3A_898 : f32 to vector<16xf32>
      %parallel_loop3A_900 = arith.maximumf %parallel_loop3A_891, %parallel_loop3A_899 : vector<16xf32>
      %parallel_loop3A_901 = arith.constant 2.230000e+02 : f32
      %parallel_loop3A_902 = vector.broadcast %parallel_loop3A_901 : f32 to vector<16xf32>
      %parallel_loop3A_903 = arith.minimumf %parallel_loop3A_900, %parallel_loop3A_902 : vector<16xf32>
      %parallel_loop3A_904 = arith.fptosi %parallel_loop3A_897 : vector<16xf32> to vector<16xi32>
      %parallel_loop3A_905 = arith.constant 222 : i32
      %parallel_loop3A_906 = vector.broadcast %parallel_loop3A_905 : i32 to vector<16xi32>
      %parallel_loop3A_907 = arith.minsi %parallel_loop3A_904, %parallel_loop3A_906 : vector<16xi32>
      %parallel_loop3A_908 = arith.fptosi %parallel_loop3A_903 : vector<16xf32> to vector<16xi32>
      %parallel_loop3A_909 = arith.constant 222 : i32
      %parallel_loop3A_910 = vector.broadcast %parallel_loop3A_909 : i32 to vector<16xi32>
      %parallel_loop3A_911 = arith.minsi %parallel_loop3A_908, %parallel_loop3A_910 : vector<16xi32>
      %parallel_loop3A_912 = arith.sitofp %parallel_loop3A_907 : vector<16xi32> to vector<16xf32>
      %parallel_loop3A_913 = arith.subf %parallel_loop3A_897, %parallel_loop3A_912 : vector<16xf32>
      %parallel_loop3A_914 = arith.constant 2.550000e+02 : f32
      %parallel_loop3A_915 = vector.broadcast %parallel_loop3A_914 : f32 to vector<16xf32>
      %parallel_loop3A_916 = arith.mulf %parallel_loop3A_913, %parallel_loop3A_915 : vector<16xf32>
      %parallel_loop3A_917 = arith.constant 5.000000e-01 : f32
      %parallel_loop3A_918 = vector.broadcast %parallel_loop3A_917 : f32 to vector<16xf32>
      %parallel_loop3A_919 = arith.addf %parallel_loop3A_916, %parallel_loop3A_918 : vector<16xf32>
      %parallel_loop3A_920 = arith.fptosi %parallel_loop3A_919 : vector<16xf32> to vector<16xi32>
      %parallel_loop3A_921 = arith.sitofp %parallel_loop3A_911 : vector<16xi32> to vector<16xf32>
      %parallel_loop3A_922 = arith.subf %parallel_loop3A_903, %parallel_loop3A_921 : vector<16xf32>
      %parallel_loop3A_923 = arith.constant 2.550000e+02 : f32
      %parallel_loop3A_924 = vector.broadcast %parallel_loop3A_923 : f32 to vector<16xf32>
      %parallel_loop3A_925 = arith.mulf %parallel_loop3A_922, %parallel_loop3A_924 : vector<16xf32>
      %parallel_loop3A_926 = arith.constant 5.000000e-01 : f32
      %parallel_loop3A_927 = vector.broadcast %parallel_loop3A_926 : f32 to vector<16xf32>
      %parallel_loop3A_928 = arith.addf %parallel_loop3A_925, %parallel_loop3A_927 : vector<16xf32>
      %parallel_loop3A_929 = arith.fptosi %parallel_loop3A_928 : vector<16xf32> to vector<16xi32>
      %parallel_loop3A_930 = arith.constant 224 : i32
      %parallel_loop3A_931 = vector.broadcast %parallel_loop3A_930 : i32 to vector<16xi32>
      %parallel_loop3A_932 = arith.muli %parallel_loop3A_911, %parallel_loop3A_931 : vector<16xi32>
      %parallel_loop3A_933 = arith.addi %parallel_loop3A_932, %parallel_loop3A_907 : vector<16xi32>
      %parallel_loop3A_934 = arith.constant 16 : i32
      %parallel_loop3A_935 = vector.broadcast %parallel_loop3A_934 : i32 to vector<16xi32>
      %parallel_loop3A_936 = arith.shli %parallel_loop3A_920, %parallel_loop3A_935 : vector<16xi32>
      %parallel_loop3A_937 = arith.ori %parallel_loop3A_933, %parallel_loop3A_936 : vector<16xi32>
      %parallel_loop3A_938 = arith.constant 24 : i32
      %parallel_loop3A_939 = vector.broadcast %parallel_loop3A_938 : i32 to vector<16xi32>
      %parallel_loop3A_940 = arith.shli %parallel_loop3A_929, %parallel_loop3A_939 : vector<16xi32>
      %parallel_loop3A_941 = arith.ori %parallel_loop3A_937, %parallel_loop3A_940 : vector<16xi32>
      %parallel_loop3A_942 = arith.constant 224 : i32
      %parallel_loop3A_943 = arith.muli %parallel_loop3A_173, %parallel_loop3A_942 : i32
      %parallel_loop3A_944 = arith.constant 128 : i32
      %parallel_loop3A_945 = arith.addi %parallel_loop3A_943, %parallel_loop3A_944 : i32
      %parallel_loop3A_946 = arith.index_cast %parallel_loop3A_945 : i32 to index
      %parallel_loop3A_947 = tpu.vector_load %arg5[%parallel_loop3A_946] {strides = array<i32>} : memref<6272xi32, #tpu.memory_space<vmem>>, vector<16xi32>,
      tpu.vector_store %arg5[%parallel_loop3A_946], %parallel_loop3A_941 {strides = array<i32>} : memref<6272xi32, #tpu.memory_space<vmem>>, vector<16xi32>,
      %parallel_loop3A_948 = arith.addi %sub3A_61, %parallel_loop3A_173 : i32
      %parallel_loop3A_949 = arith.constant 0 : i32
      %parallel_loop3A_950 = arith.index_cast %parallel_loop3A_949 : i32 to index
      %parallel_loop3A_951 = arith.index_cast %parallel_loop3A_948 : i32 to index
      %parallel_loop3A_952 = arith.constant 144 : index
      %parallel_loop3A_953 = tpu.vector_load %arg9[%parallel_loop3A_950, %parallel_loop3A_951, %parallel_loop3A_952] {strides = array<i32>} : memref<2x32x224xf32, #tpu.memory_space<vmem>>, vector<16xf32>,
      %parallel_loop3A_954 = arith.addi %sub3A_61, %parallel_loop3A_173 : i32
      %parallel_loop3A_955 = arith.constant 1 : i32
      %parallel_loop3A_956 = arith.index_cast %parallel_loop3A_955 : i32 to index
      %parallel_loop3A_957 = arith.index_cast %parallel_loop3A_954 : i32 to index
      %parallel_loop3A_958 = arith.constant 144 : index
      %parallel_loop3A_959 = tpu.vector_load %arg9[%parallel_loop3A_956, %parallel_loop3A_957, %parallel_loop3A_958] {strides = array<i32>} : memref<2x32x224xf32, #tpu.memory_space<vmem>>, vector<16xf32>,
      %parallel_loop3A_960 = arith.constant 1.000000e+00 : f32
      %parallel_loop3A_961 = vector.broadcast %parallel_loop3A_960 : f32 to vector<16xf32>
      %parallel_loop3A_962 = arith.addf %parallel_loop3A_953, %parallel_loop3A_961 : vector<16xf32>
      %parallel_loop3A_963 = arith.constant 5.000000e-01 : f32
      %parallel_loop3A_964 = vector.broadcast %parallel_loop3A_963 : f32 to vector<16xf32>
      %parallel_loop3A_965 = arith.mulf %parallel_loop3A_962, %parallel_loop3A_964 : vector<16xf32>
      %parallel_loop3A_966 = arith.constant 2.230000e+02 : f32
      %parallel_loop3A_967 = vector.broadcast %parallel_loop3A_966 : f32 to vector<16xf32>
      %parallel_loop3A_968 = arith.mulf %parallel_loop3A_965, %parallel_loop3A_967 : vector<16xf32>
      %parallel_loop3A_969 = arith.constant 1.000000e+00 : f32
      %parallel_loop3A_970 = vector.broadcast %parallel_loop3A_969 : f32 to vector<16xf32>
      %parallel_loop3A_971 = arith.addf %parallel_loop3A_959, %parallel_loop3A_970 : vector<16xf32>
      %parallel_loop3A_972 = arith.constant 5.000000e-01 : f32
      %parallel_loop3A_973 = vector.broadcast %parallel_loop3A_972 : f32 to vector<16xf32>
      %parallel_loop3A_974 = arith.mulf %parallel_loop3A_971, %parallel_loop3A_973 : vector<16xf32>
      %parallel_loop3A_975 = arith.constant 2.230000e+02 : f32
      %parallel_loop3A_976 = vector.broadcast %parallel_loop3A_975 : f32 to vector<16xf32>
      %parallel_loop3A_977 = arith.mulf %parallel_loop3A_974, %parallel_loop3A_976 : vector<16xf32>
      %parallel_loop3A_978 = arith.constant 0.000000e+00 : f32
      %parallel_loop3A_979 = vector.broadcast %parallel_loop3A_978 : f32 to vector<16xf32>
      %parallel_loop3A_980 = arith.maximumf %parallel_loop3A_968, %parallel_loop3A_979 : vector<16xf32>
      %parallel_loop3A_981 = arith.constant 2.230000e+02 : f32
      %parallel_loop3A_982 = vector.broadcast %parallel_loop3A_981 : f32 to vector<16xf32>
      %parallel_loop3A_983 = arith.minimumf %parallel_loop3A_980, %parallel_loop3A_982 : vector<16xf32>
      %parallel_loop3A_984 = arith.constant 0.000000e+00 : f32
      %parallel_loop3A_985 = vector.broadcast %parallel_loop3A_984 : f32 to vector<16xf32>
      %parallel_loop3A_986 = arith.maximumf %parallel_loop3A_977, %parallel_loop3A_985 : vector<16xf32>
      %parallel_loop3A_987 = arith.constant 2.230000e+02 : f32
      %parallel_loop3A_988 = vector.broadcast %parallel_loop3A_987 : f32 to vector<16xf32>
      %parallel_loop3A_989 = arith.minimumf %parallel_loop3A_986, %parallel_loop3A_988 : vector<16xf32>
      %parallel_loop3A_990 = arith.fptosi %parallel_loop3A_983 : vector<16xf32> to vector<16xi32>
      %parallel_loop3A_991 = arith.constant 222 : i32
      %parallel_loop3A_992 = vector.broadcast %parallel_loop3A_991 : i32 to vector<16xi32>
      %parallel_loop3A_993 = arith.minsi %parallel_loop3A_990, %parallel_loop3A_992 : vector<16xi32>
      %parallel_loop3A_994 = arith.fptosi %parallel_loop3A_989 : vector<16xf32> to vector<16xi32>
      %parallel_loop3A_995 = arith.constant 222 : i32
      %parallel_loop3A_996 = vector.broadcast %parallel_loop3A_995 : i32 to vector<16xi32>
      %parallel_loop3A_997 = arith.minsi %parallel_loop3A_994, %parallel_loop3A_996 : vector<16xi32>
      %parallel_loop3A_998 = arith.sitofp %parallel_loop3A_993 : vector<16xi32> to vector<16xf32>
      %parallel_loop3A_999 = arith.subf %parallel_loop3A_983, %parallel_loop3A_998 : vector<16xf32>
      %parallel_loop3A_1000 = arith.constant 2.550000e+02 : f32
      %parallel_loop3A_1001 = vector.broadcast %parallel_loop3A_1000 : f32 to vector<16xf32>
      %parallel_loop3A_1002 = arith.mulf %parallel_loop3A_999, %parallel_loop3A_1001 : vector<16xf32>
      %parallel_loop3A_1003 = arith.constant 5.000000e-01 : f32
      %parallel_loop3A_1004 = vector.broadcast %parallel_loop3A_1003 : f32 to vector<16xf32>
      %parallel_loop3A_1005 = arith.addf %parallel_loop3A_1002, %parallel_loop3A_1004 : vector<16xf32>
      %parallel_loop3A_1006 = arith.fptosi %parallel_loop3A_1005 : vector<16xf32> to vector<16xi32>
      %parallel_loop3A_1007 = arith.sitofp %parallel_loop3A_997 : vector<16xi32> to vector<16xf32>
      %parallel_loop3A_1008 = arith.subf %parallel_loop3A_989, %parallel_loop3A_1007 : vector<16xf32>
      %parallel_loop3A_1009 = arith.constant 2.550000e+02 : f32
      %parallel_loop3A_1010 = vector.broadcast %parallel_loop3A_1009 : f32 to vector<16xf32>
      %parallel_loop3A_1011 = arith.mulf %parallel_loop3A_1008, %parallel_loop3A_1010 : vector<16xf32>
      %parallel_loop3A_1012 = arith.constant 5.000000e-01 : f32
      %parallel_loop3A_1013 = vector.broadcast %parallel_loop3A_1012 : f32 to vector<16xf32>
      %parallel_loop3A_1014 = arith.addf %parallel_loop3A_1011, %parallel_loop3A_1013 : vector<16xf32>
      %parallel_loop3A_1015 = arith.fptosi %parallel_loop3A_1014 : vector<16xf32> to vector<16xi32>
      %parallel_loop3A_1016 = arith.constant 224 : i32
      %parallel_loop3A_1017 = vector.broadcast %parallel_loop3A_1016 : i32 to vector<16xi32>
      %parallel_loop3A_1018 = arith.muli %parallel_loop3A_997, %parallel_loop3A_1017 : vector<16xi32>
      %parallel_loop3A_1019 = arith.addi %parallel_loop3A_1018, %parallel_loop3A_993 : vector<16xi32>
      %parallel_loop3A_1020 = arith.constant 16 : i32
      %parallel_loop3A_1021 = vector.broadcast %parallel_loop3A_1020 : i32 to vector<16xi32>
      %parallel_loop3A_1022 = arith.shli %parallel_loop3A_1006, %parallel_loop3A_1021 : vector<16xi32>
      %parallel_loop3A_1023 = arith.ori %parallel_loop3A_1019, %parallel_loop3A_1022 : vector<16xi32>
      %parallel_loop3A_1024 = arith.constant 24 : i32
      %parallel_loop3A_1025 = vector.broadcast %parallel_loop3A_1024 : i32 to vector<16xi32>
      %parallel_loop3A_1026 = arith.shli %parallel_loop3A_1015, %parallel_loop3A_1025 : vector<16xi32>
      %parallel_loop3A_1027 = arith.ori %parallel_loop3A_1023, %parallel_loop3A_1026 : vector<16xi32>
      %parallel_loop3A_1028 = arith.constant 224 : i32
      %parallel_loop3A_1029 = arith.muli %parallel_loop3A_173, %parallel_loop3A_1028 : i32
      %parallel_loop3A_1030 = arith.constant 144 : i32
      %parallel_loop3A_1031 = arith.addi %parallel_loop3A_1029, %parallel_loop3A_1030 : i32
      %parallel_loop3A_1032 = arith.index_cast %parallel_loop3A_1031 : i32 to index
      %parallel_loop3A_1033 = tpu.vector_load %arg5[%parallel_loop3A_1032] {strides = array<i32>} : memref<6272xi32, #tpu.memory_space<vmem>>, vector<16xi32>,
      tpu.vector_store %arg5[%parallel_loop3A_1032], %parallel_loop3A_1027 {strides = array<i32>} : memref<6272xi32, #tpu.memory_space<vmem>>, vector<16xi32>,
      %parallel_loop3A_1034 = arith.addi %sub3A_61, %parallel_loop3A_173 : i32
      %parallel_loop3A_1035 = arith.constant 0 : i32
      %parallel_loop3A_1036 = arith.index_cast %parallel_loop3A_1035 : i32 to index
      %parallel_loop3A_1037 = arith.index_cast %parallel_loop3A_1034 : i32 to index
      %parallel_loop3A_1038 = arith.constant 160 : index
      %parallel_loop3A_1039 = tpu.vector_load %arg9[%parallel_loop3A_1036, %parallel_loop3A_1037, %parallel_loop3A_1038] {strides = array<i32>} : memref<2x32x224xf32, #tpu.memory_space<vmem>>, vector<16xf32>,
      %parallel_loop3A_1040 = arith.addi %sub3A_61, %parallel_loop3A_173 : i32
      %parallel_loop3A_1041 = arith.constant 1 : i32
      %parallel_loop3A_1042 = arith.index_cast %parallel_loop3A_1041 : i32 to index
      %parallel_loop3A_1043 = arith.index_cast %parallel_loop3A_1040 : i32 to index
      %parallel_loop3A_1044 = arith.constant 160 : index
      %parallel_loop3A_1045 = tpu.vector_load %arg9[%parallel_loop3A_1042, %parallel_loop3A_1043, %parallel_loop3A_1044] {strides = array<i32>} : memref<2x32x224xf32, #tpu.memory_space<vmem>>, vector<16xf32>,
      %parallel_loop3A_1046 = arith.constant 1.000000e+00 : f32
      %parallel_loop3A_1047 = vector.broadcast %parallel_loop3A_1046 : f32 to vector<16xf32>
      %parallel_loop3A_1048 = arith.addf %parallel_loop3A_1039, %parallel_loop3A_1047 : vector<16xf32>
      %parallel_loop3A_1049 = arith.constant 5.000000e-01 : f32
      %parallel_loop3A_1050 = vector.broadcast %parallel_loop3A_1049 : f32 to vector<16xf32>
      %parallel_loop3A_1051 = arith.mulf %parallel_loop3A_1048, %parallel_loop3A_1050 : vector<16xf32>
      %parallel_loop3A_1052 = arith.constant 2.230000e+02 : f32
      %parallel_loop3A_1053 = vector.broadcast %parallel_loop3A_1052 : f32 to vector<16xf32>
      %parallel_loop3A_1054 = arith.mulf %parallel_loop3A_1051, %parallel_loop3A_1053 : vector<16xf32>
      %parallel_loop3A_1055 = arith.constant 1.000000e+00 : f32
      %parallel_loop3A_1056 = vector.broadcast %parallel_loop3A_1055 : f32 to vector<16xf32>
      %parallel_loop3A_1057 = arith.addf %parallel_loop3A_1045, %parallel_loop3A_1056 : vector<16xf32>
      %parallel_loop3A_1058 = arith.constant 5.000000e-01 : f32
      %parallel_loop3A_1059 = vector.broadcast %parallel_loop3A_1058 : f32 to vector<16xf32>
      %parallel_loop3A_1060 = arith.mulf %parallel_loop3A_1057, %parallel_loop3A_1059 : vector<16xf32>
      %parallel_loop3A_1061 = arith.constant 2.230000e+02 : f32
      %parallel_loop3A_1062 = vector.broadcast %parallel_loop3A_1061 : f32 to vector<16xf32>
      %parallel_loop3A_1063 = arith.mulf %parallel_loop3A_1060, %parallel_loop3A_1062 : vector<16xf32>
      %parallel_loop3A_1064 = arith.constant 0.000000e+00 : f32
      %parallel_loop3A_1065 = vector.broadcast %parallel_loop3A_1064 : f32 to vector<16xf32>
      %parallel_loop3A_1066 = arith.maximumf %parallel_loop3A_1054, %parallel_loop3A_1065 : vector<16xf32>
      %parallel_loop3A_1067 = arith.constant 2.230000e+02 : f32
      %parallel_loop3A_1068 = vector.broadcast %parallel_loop3A_1067 : f32 to vector<16xf32>
      %parallel_loop3A_1069 = arith.minimumf %parallel_loop3A_1066, %parallel_loop3A_1068 : vector<16xf32>
      %parallel_loop3A_1070 = arith.constant 0.000000e+00 : f32
      %parallel_loop3A_1071 = vector.broadcast %parallel_loop3A_1070 : f32 to vector<16xf32>
      %parallel_loop3A_1072 = arith.maximumf %parallel_loop3A_1063, %parallel_loop3A_1071 : vector<16xf32>
      %parallel_loop3A_1073 = arith.constant 2.230000e+02 : f32
      %parallel_loop3A_1074 = vector.broadcast %parallel_loop3A_1073 : f32 to vector<16xf32>
      %parallel_loop3A_1075 = arith.minimumf %parallel_loop3A_1072, %parallel_loop3A_1074 : vector<16xf32>
      %parallel_loop3A_1076 = arith.fptosi %parallel_loop3A_1069 : vector<16xf32> to vector<16xi32>
      %parallel_loop3A_1077 = arith.constant 222 : i32
      %parallel_loop3A_1078 = vector.broadcast %parallel_loop3A_1077 : i32 to vector<16xi32>
      %parallel_loop3A_1079 = arith.minsi %parallel_loop3A_1076, %parallel_loop3A_1078 : vector<16xi32>
      %parallel_loop3A_1080 = arith.fptosi %parallel_loop3A_1075 : vector<16xf32> to vector<16xi32>
      %parallel_loop3A_1081 = arith.constant 222 : i32
      %parallel_loop3A_1082 = vector.broadcast %parallel_loop3A_1081 : i32 to vector<16xi32>
      %parallel_loop3A_1083 = arith.minsi %parallel_loop3A_1080, %parallel_loop3A_1082 : vector<16xi32>
      %parallel_loop3A_1084 = arith.sitofp %parallel_loop3A_1079 : vector<16xi32> to vector<16xf32>
      %parallel_loop3A_1085 = arith.subf %parallel_loop3A_1069, %parallel_loop3A_1084 : vector<16xf32>
      %parallel_loop3A_1086 = arith.constant 2.550000e+02 : f32
      %parallel_loop3A_1087 = vector.broadcast %parallel_loop3A_1086 : f32 to vector<16xf32>
      %parallel_loop3A_1088 = arith.mulf %parallel_loop3A_1085, %parallel_loop3A_1087 : vector<16xf32>
      %parallel_loop3A_1089 = arith.constant 5.000000e-01 : f32
      %parallel_loop3A_1090 = vector.broadcast %parallel_loop3A_1089 : f32 to vector<16xf32>
      %parallel_loop3A_1091 = arith.addf %parallel_loop3A_1088, %parallel_loop3A_1090 : vector<16xf32>
      %parallel_loop3A_1092 = arith.fptosi %parallel_loop3A_1091 : vector<16xf32> to vector<16xi32>
      %parallel_loop3A_1093 = arith.sitofp %parallel_loop3A_1083 : vector<16xi32> to vector<16xf32>
      %parallel_loop3A_1094 = arith.subf %parallel_loop3A_1075, %parallel_loop3A_1093 : vector<16xf32>
      %parallel_loop3A_1095 = arith.constant 2.550000e+02 : f32
      %parallel_loop3A_1096 = vector.broadcast %parallel_loop3A_1095 : f32 to vector<16xf32>
      %parallel_loop3A_1097 = arith.mulf %parallel_loop3A_1094, %parallel_loop3A_1096 : vector<16xf32>
      %parallel_loop3A_1098 = arith.constant 5.000000e-01 : f32
      %parallel_loop3A_1099 = vector.broadcast %parallel_loop3A_1098 : f32 to vector<16xf32>
      %parallel_loop3A_1100 = arith.addf %parallel_loop3A_1097, %parallel_loop3A_1099 : vector<16xf32>
      %parallel_loop3A_1101 = arith.fptosi %parallel_loop3A_1100 : vector<16xf32> to vector<16xi32>
      %parallel_loop3A_1102 = arith.constant 224 : i32
      %parallel_loop3A_1103 = vector.broadcast %parallel_loop3A_1102 : i32 to vector<16xi32>
      %parallel_loop3A_1104 = arith.muli %parallel_loop3A_1083, %parallel_loop3A_1103 : vector<16xi32>
      %parallel_loop3A_1105 = arith.addi %parallel_loop3A_1104, %parallel_loop3A_1079 : vector<16xi32>
      %parallel_loop3A_1106 = arith.constant 16 : i32
      %parallel_loop3A_1107 = vector.broadcast %parallel_loop3A_1106 : i32 to vector<16xi32>
      %parallel_loop3A_1108 = arith.shli %parallel_loop3A_1092, %parallel_loop3A_1107 : vector<16xi32>
      %parallel_loop3A_1109 = arith.ori %parallel_loop3A_1105, %parallel_loop3A_1108 : vector<16xi32>
      %parallel_loop3A_1110 = arith.constant 24 : i32
      %parallel_loop3A_1111 = vector.broadcast %parallel_loop3A_1110 : i32 to vector<16xi32>
      %parallel_loop3A_1112 = arith.shli %parallel_loop3A_1101, %parallel_loop3A_1111 : vector<16xi32>
      %parallel_loop3A_1113 = arith.ori %parallel_loop3A_1109, %parallel_loop3A_1112 : vector<16xi32>
      %parallel_loop3A_1114 = arith.constant 224 : i32
      %parallel_loop3A_1115 = arith.muli %parallel_loop3A_173, %parallel_loop3A_1114 : i32
      %parallel_loop3A_1116 = arith.constant 160 : i32
      %parallel_loop3A_1117 = arith.addi %parallel_loop3A_1115, %parallel_loop3A_1116 : i32
      %parallel_loop3A_1118 = arith.index_cast %parallel_loop3A_1117 : i32 to index
      %parallel_loop3A_1119 = tpu.vector_load %arg5[%parallel_loop3A_1118] {strides = array<i32>} : memref<6272xi32, #tpu.memory_space<vmem>>, vector<16xi32>,
      tpu.vector_store %arg5[%parallel_loop3A_1118], %parallel_loop3A_1113 {strides = array<i32>} : memref<6272xi32, #tpu.memory_space<vmem>>, vector<16xi32>,
      %parallel_loop3A_1120 = arith.addi %sub3A_61, %parallel_loop3A_173 : i32
      %parallel_loop3A_1121 = arith.constant 0 : i32
      %parallel_loop3A_1122 = arith.index_cast %parallel_loop3A_1121 : i32 to index
      %parallel_loop3A_1123 = arith.index_cast %parallel_loop3A_1120 : i32 to index
      %parallel_loop3A_1124 = arith.constant 176 : index
      %parallel_loop3A_1125 = tpu.vector_load %arg9[%parallel_loop3A_1122, %parallel_loop3A_1123, %parallel_loop3A_1124] {strides = array<i32>} : memref<2x32x224xf32, #tpu.memory_space<vmem>>, vector<16xf32>,
      %parallel_loop3A_1126 = arith.addi %sub3A_61, %parallel_loop3A_173 : i32
      %parallel_loop3A_1127 = arith.constant 1 : i32
      %parallel_loop3A_1128 = arith.index_cast %parallel_loop3A_1127 : i32 to index
      %parallel_loop3A_1129 = arith.index_cast %parallel_loop3A_1126 : i32 to index
      %parallel_loop3A_1130 = arith.constant 176 : index
      %parallel_loop3A_1131 = tpu.vector_load %arg9[%parallel_loop3A_1128, %parallel_loop3A_1129, %parallel_loop3A_1130] {strides = array<i32>} : memref<2x32x224xf32, #tpu.memory_space<vmem>>, vector<16xf32>,
      %parallel_loop3A_1132 = arith.constant 1.000000e+00 : f32
      %parallel_loop3A_1133 = vector.broadcast %parallel_loop3A_1132 : f32 to vector<16xf32>
      %parallel_loop3A_1134 = arith.addf %parallel_loop3A_1125, %parallel_loop3A_1133 : vector<16xf32>
      %parallel_loop3A_1135 = arith.constant 5.000000e-01 : f32
      %parallel_loop3A_1136 = vector.broadcast %parallel_loop3A_1135 : f32 to vector<16xf32>
      %parallel_loop3A_1137 = arith.mulf %parallel_loop3A_1134, %parallel_loop3A_1136 : vector<16xf32>
      %parallel_loop3A_1138 = arith.constant 2.230000e+02 : f32
      %parallel_loop3A_1139 = vector.broadcast %parallel_loop3A_1138 : f32 to vector<16xf32>
      %parallel_loop3A_1140 = arith.mulf %parallel_loop3A_1137, %parallel_loop3A_1139 : vector<16xf32>
      %parallel_loop3A_1141 = arith.constant 1.000000e+00 : f32
      %parallel_loop3A_1142 = vector.broadcast %parallel_loop3A_1141 : f32 to vector<16xf32>
      %parallel_loop3A_1143 = arith.addf %parallel_loop3A_1131, %parallel_loop3A_1142 : vector<16xf32>
      %parallel_loop3A_1144 = arith.constant 5.000000e-01 : f32
      %parallel_loop3A_1145 = vector.broadcast %parallel_loop3A_1144 : f32 to vector<16xf32>
      %parallel_loop3A_1146 = arith.mulf %parallel_loop3A_1143, %parallel_loop3A_1145 : vector<16xf32>
      %parallel_loop3A_1147 = arith.constant 2.230000e+02 : f32
      %parallel_loop3A_1148 = vector.broadcast %parallel_loop3A_1147 : f32 to vector<16xf32>
      %parallel_loop3A_1149 = arith.mulf %parallel_loop3A_1146, %parallel_loop3A_1148 : vector<16xf32>
      %parallel_loop3A_1150 = arith.constant 0.000000e+00 : f32
      %parallel_loop3A_1151 = vector.broadcast %parallel_loop3A_1150 : f32 to vector<16xf32>
      %parallel_loop3A_1152 = arith.maximumf %parallel_loop3A_1140, %parallel_loop3A_1151 : vector<16xf32>
      %parallel_loop3A_1153 = arith.constant 2.230000e+02 : f32
      %parallel_loop3A_1154 = vector.broadcast %parallel_loop3A_1153 : f32 to vector<16xf32>
      %parallel_loop3A_1155 = arith.minimumf %parallel_loop3A_1152, %parallel_loop3A_1154 : vector<16xf32>
      %parallel_loop3A_1156 = arith.constant 0.000000e+00 : f32
      %parallel_loop3A_1157 = vector.broadcast %parallel_loop3A_1156 : f32 to vector<16xf32>
      %parallel_loop3A_1158 = arith.maximumf %parallel_loop3A_1149, %parallel_loop3A_1157 : vector<16xf32>
      %parallel_loop3A_1159 = arith.constant 2.230000e+02 : f32
      %parallel_loop3A_1160 = vector.broadcast %parallel_loop3A_1159 : f32 to vector<16xf32>
      %parallel_loop3A_1161 = arith.minimumf %parallel_loop3A_1158, %parallel_loop3A_1160 : vector<16xf32>
      %parallel_loop3A_1162 = arith.fptosi %parallel_loop3A_1155 : vector<16xf32> to vector<16xi32>
      %parallel_loop3A_1163 = arith.constant 222 : i32
      %parallel_loop3A_1164 = vector.broadcast %parallel_loop3A_1163 : i32 to vector<16xi32>
      %parallel_loop3A_1165 = arith.minsi %parallel_loop3A_1162, %parallel_loop3A_1164 : vector<16xi32>
      %parallel_loop3A_1166 = arith.fptosi %parallel_loop3A_1161 : vector<16xf32> to vector<16xi32>
      %parallel_loop3A_1167 = arith.constant 222 : i32
      %parallel_loop3A_1168 = vector.broadcast %parallel_loop3A_1167 : i32 to vector<16xi32>
      %parallel_loop3A_1169 = arith.minsi %parallel_loop3A_1166, %parallel_loop3A_1168 : vector<16xi32>
      %parallel_loop3A_1170 = arith.sitofp %parallel_loop3A_1165 : vector<16xi32> to vector<16xf32>
      %parallel_loop3A_1171 = arith.subf %parallel_loop3A_1155, %parallel_loop3A_1170 : vector<16xf32>
      %parallel_loop3A_1172 = arith.constant 2.550000e+02 : f32
      %parallel_loop3A_1173 = vector.broadcast %parallel_loop3A_1172 : f32 to vector<16xf32>
      %parallel_loop3A_1174 = arith.mulf %parallel_loop3A_1171, %parallel_loop3A_1173 : vector<16xf32>
      %parallel_loop3A_1175 = arith.constant 5.000000e-01 : f32
      %parallel_loop3A_1176 = vector.broadcast %parallel_loop3A_1175 : f32 to vector<16xf32>
      %parallel_loop3A_1177 = arith.addf %parallel_loop3A_1174, %parallel_loop3A_1176 : vector<16xf32>
      %parallel_loop3A_1178 = arith.fptosi %parallel_loop3A_1177 : vector<16xf32> to vector<16xi32>
      %parallel_loop3A_1179 = arith.sitofp %parallel_loop3A_1169 : vector<16xi32> to vector<16xf32>
      %parallel_loop3A_1180 = arith.subf %parallel_loop3A_1161, %parallel_loop3A_1179 : vector<16xf32>
      %parallel_loop3A_1181 = arith.constant 2.550000e+02 : f32
      %parallel_loop3A_1182 = vector.broadcast %parallel_loop3A_1181 : f32 to vector<16xf32>
      %parallel_loop3A_1183 = arith.mulf %parallel_loop3A_1180, %parallel_loop3A_1182 : vector<16xf32>
      %parallel_loop3A_1184 = arith.constant 5.000000e-01 : f32
      %parallel_loop3A_1185 = vector.broadcast %parallel_loop3A_1184 : f32 to vector<16xf32>
      %parallel_loop3A_1186 = arith.addf %parallel_loop3A_1183, %parallel_loop3A_1185 : vector<16xf32>
      %parallel_loop3A_1187 = arith.fptosi %parallel_loop3A_1186 : vector<16xf32> to vector<16xi32>
      %parallel_loop3A_1188 = arith.constant 224 : i32
      %parallel_loop3A_1189 = vector.broadcast %parallel_loop3A_1188 : i32 to vector<16xi32>
      %parallel_loop3A_1190 = arith.muli %parallel_loop3A_1169, %parallel_loop3A_1189 : vector<16xi32>
      %parallel_loop3A_1191 = arith.addi %parallel_loop3A_1190, %parallel_loop3A_1165 : vector<16xi32>
      %parallel_loop3A_1192 = arith.constant 16 : i32
      %parallel_loop3A_1193 = vector.broadcast %parallel_loop3A_1192 : i32 to vector<16xi32>
      %parallel_loop3A_1194 = arith.shli %parallel_loop3A_1178, %parallel_loop3A_1193 : vector<16xi32>
      %parallel_loop3A_1195 = arith.ori %parallel_loop3A_1191, %parallel_loop3A_1194 : vector<16xi32>
      %parallel_loop3A_1196 = arith.constant 24 : i32
      %parallel_loop3A_1197 = vector.broadcast %parallel_loop3A_1196 : i32 to vector<16xi32>
      %parallel_loop3A_1198 = arith.shli %parallel_loop3A_1187, %parallel_loop3A_1197 : vector<16xi32>
      %parallel_loop3A_1199 = arith.ori %parallel_loop3A_1195, %parallel_loop3A_1198 : vector<16xi32>
      %parallel_loop3A_1200 = arith.constant 224 : i32
      %parallel_loop3A_1201 = arith.muli %parallel_loop3A_173, %parallel_loop3A_1200 : i32
      %parallel_loop3A_1202 = arith.constant 176 : i32
      %parallel_loop3A_1203 = arith.addi %parallel_loop3A_1201, %parallel_loop3A_1202 : i32
      %parallel_loop3A_1204 = arith.index_cast %parallel_loop3A_1203 : i32 to index
      %parallel_loop3A_1205 = tpu.vector_load %arg5[%parallel_loop3A_1204] {strides = array<i32>} : memref<6272xi32, #tpu.memory_space<vmem>>, vector<16xi32>,
      tpu.vector_store %arg5[%parallel_loop3A_1204], %parallel_loop3A_1199 {strides = array<i32>} : memref<6272xi32, #tpu.memory_space<vmem>>, vector<16xi32>,
      %parallel_loop3A_1206 = arith.addi %sub3A_61, %parallel_loop3A_173 : i32
      %parallel_loop3A_1207 = arith.constant 0 : i32
      %parallel_loop3A_1208 = arith.index_cast %parallel_loop3A_1207 : i32 to index
      %parallel_loop3A_1209 = arith.index_cast %parallel_loop3A_1206 : i32 to index
      %parallel_loop3A_1210 = arith.constant 192 : index
      %parallel_loop3A_1211 = tpu.vector_load %arg9[%parallel_loop3A_1208, %parallel_loop3A_1209, %parallel_loop3A_1210] {strides = array<i32>} : memref<2x32x224xf32, #tpu.memory_space<vmem>>, vector<16xf32>,
      %parallel_loop3A_1212 = arith.addi %sub3A_61, %parallel_loop3A_173 : i32
      %parallel_loop3A_1213 = arith.constant 1 : i32
      %parallel_loop3A_1214 = arith.index_cast %parallel_loop3A_1213 : i32 to index
      %parallel_loop3A_1215 = arith.index_cast %parallel_loop3A_1212 : i32 to index
      %parallel_loop3A_1216 = arith.constant 192 : index
      %parallel_loop3A_1217 = tpu.vector_load %arg9[%parallel_loop3A_1214, %parallel_loop3A_1215, %parallel_loop3A_1216] {strides = array<i32>} : memref<2x32x224xf32, #tpu.memory_space<vmem>>, vector<16xf32>,
      %parallel_loop3A_1218 = arith.constant 1.000000e+00 : f32
      %parallel_loop3A_1219 = vector.broadcast %parallel_loop3A_1218 : f32 to vector<16xf32>
      %parallel_loop3A_1220 = arith.addf %parallel_loop3A_1211, %parallel_loop3A_1219 : vector<16xf32>
      %parallel_loop3A_1221 = arith.constant 5.000000e-01 : f32
      %parallel_loop3A_1222 = vector.broadcast %parallel_loop3A_1221 : f32 to vector<16xf32>
      %parallel_loop3A_1223 = arith.mulf %parallel_loop3A_1220, %parallel_loop3A_1222 : vector<16xf32>
      %parallel_loop3A_1224 = arith.constant 2.230000e+02 : f32
      %parallel_loop3A_1225 = vector.broadcast %parallel_loop3A_1224 : f32 to vector<16xf32>
      %parallel_loop3A_1226 = arith.mulf %parallel_loop3A_1223, %parallel_loop3A_1225 : vector<16xf32>
      %parallel_loop3A_1227 = arith.constant 1.000000e+00 : f32
      %parallel_loop3A_1228 = vector.broadcast %parallel_loop3A_1227 : f32 to vector<16xf32>
      %parallel_loop3A_1229 = arith.addf %parallel_loop3A_1217, %parallel_loop3A_1228 : vector<16xf32>
      %parallel_loop3A_1230 = arith.constant 5.000000e-01 : f32
      %parallel_loop3A_1231 = vector.broadcast %parallel_loop3A_1230 : f32 to vector<16xf32>
      %parallel_loop3A_1232 = arith.mulf %parallel_loop3A_1229, %parallel_loop3A_1231 : vector<16xf32>
      %parallel_loop3A_1233 = arith.constant 2.230000e+02 : f32
      %parallel_loop3A_1234 = vector.broadcast %parallel_loop3A_1233 : f32 to vector<16xf32>
      %parallel_loop3A_1235 = arith.mulf %parallel_loop3A_1232, %parallel_loop3A_1234 : vector<16xf32>
      %parallel_loop3A_1236 = arith.constant 0.000000e+00 : f32
      %parallel_loop3A_1237 = vector.broadcast %parallel_loop3A_1236 : f32 to vector<16xf32>
      %parallel_loop3A_1238 = arith.maximumf %parallel_loop3A_1226, %parallel_loop3A_1237 : vector<16xf32>
      %parallel_loop3A_1239 = arith.constant 2.230000e+02 : f32
      %parallel_loop3A_1240 = vector.broadcast %parallel_loop3A_1239 : f32 to vector<16xf32>
      %parallel_loop3A_1241 = arith.minimumf %parallel_loop3A_1238, %parallel_loop3A_1240 : vector<16xf32>
      %parallel_loop3A_1242 = arith.constant 0.000000e+00 : f32
      %parallel_loop3A_1243 = vector.broadcast %parallel_loop3A_1242 : f32 to vector<16xf32>
      %parallel_loop3A_1244 = arith.maximumf %parallel_loop3A_1235, %parallel_loop3A_1243 : vector<16xf32>
      %parallel_loop3A_1245 = arith.constant 2.230000e+02 : f32
      %parallel_loop3A_1246 = vector.broadcast %parallel_loop3A_1245 : f32 to vector<16xf32>
      %parallel_loop3A_1247 = arith.minimumf %parallel_loop3A_1244, %parallel_loop3A_1246 : vector<16xf32>
      %parallel_loop3A_1248 = arith.fptosi %parallel_loop3A_1241 : vector<16xf32> to vector<16xi32>
      %parallel_loop3A_1249 = arith.constant 222 : i32
      %parallel_loop3A_1250 = vector.broadcast %parallel_loop3A_1249 : i32 to vector<16xi32>
      %parallel_loop3A_1251 = arith.minsi %parallel_loop3A_1248, %parallel_loop3A_1250 : vector<16xi32>
      %parallel_loop3A_1252 = arith.fptosi %parallel_loop3A_1247 : vector<16xf32> to vector<16xi32>
      %parallel_loop3A_1253 = arith.constant 222 : i32
      %parallel_loop3A_1254 = vector.broadcast %parallel_loop3A_1253 : i32 to vector<16xi32>
      %parallel_loop3A_1255 = arith.minsi %parallel_loop3A_1252, %parallel_loop3A_1254 : vector<16xi32>
      %parallel_loop3A_1256 = arith.sitofp %parallel_loop3A_1251 : vector<16xi32> to vector<16xf32>
      %parallel_loop3A_1257 = arith.subf %parallel_loop3A_1241, %parallel_loop3A_1256 : vector<16xf32>
      %parallel_loop3A_1258 = arith.constant 2.550000e+02 : f32
      %parallel_loop3A_1259 = vector.broadcast %parallel_loop3A_1258 : f32 to vector<16xf32>
      %parallel_loop3A_1260 = arith.mulf %parallel_loop3A_1257, %parallel_loop3A_1259 : vector<16xf32>
      %parallel_loop3A_1261 = arith.constant 5.000000e-01 : f32
      %parallel_loop3A_1262 = vector.broadcast %parallel_loop3A_1261 : f32 to vector<16xf32>
      %parallel_loop3A_1263 = arith.addf %parallel_loop3A_1260, %parallel_loop3A_1262 : vector<16xf32>
      %parallel_loop3A_1264 = arith.fptosi %parallel_loop3A_1263 : vector<16xf32> to vector<16xi32>
      %parallel_loop3A_1265 = arith.sitofp %parallel_loop3A_1255 : vector<16xi32> to vector<16xf32>
      %parallel_loop3A_1266 = arith.subf %parallel_loop3A_1247, %parallel_loop3A_1265 : vector<16xf32>
      %parallel_loop3A_1267 = arith.constant 2.550000e+02 : f32
      %parallel_loop3A_1268 = vector.broadcast %parallel_loop3A_1267 : f32 to vector<16xf32>
      %parallel_loop3A_1269 = arith.mulf %parallel_loop3A_1266, %parallel_loop3A_1268 : vector<16xf32>
      %parallel_loop3A_1270 = arith.constant 5.000000e-01 : f32
      %parallel_loop3A_1271 = vector.broadcast %parallel_loop3A_1270 : f32 to vector<16xf32>
      %parallel_loop3A_1272 = arith.addf %parallel_loop3A_1269, %parallel_loop3A_1271 : vector<16xf32>
      %parallel_loop3A_1273 = arith.fptosi %parallel_loop3A_1272 : vector<16xf32> to vector<16xi32>
      %parallel_loop3A_1274 = arith.constant 224 : i32
      %parallel_loop3A_1275 = vector.broadcast %parallel_loop3A_1274 : i32 to vector<16xi32>
      %parallel_loop3A_1276 = arith.muli %parallel_loop3A_1255, %parallel_loop3A_1275 : vector<16xi32>
      %parallel_loop3A_1277 = arith.addi %parallel_loop3A_1276, %parallel_loop3A_1251 : vector<16xi32>
      %parallel_loop3A_1278 = arith.constant 16 : i32
      %parallel_loop3A_1279 = vector.broadcast %parallel_loop3A_1278 : i32 to vector<16xi32>
      %parallel_loop3A_1280 = arith.shli %parallel_loop3A_1264, %parallel_loop3A_1279 : vector<16xi32>
      %parallel_loop3A_1281 = arith.ori %parallel_loop3A_1277, %parallel_loop3A_1280 : vector<16xi32>
      %parallel_loop3A_1282 = arith.constant 24 : i32
      %parallel_loop3A_1283 = vector.broadcast %parallel_loop3A_1282 : i32 to vector<16xi32>
      %parallel_loop3A_1284 = arith.shli %parallel_loop3A_1273, %parallel_loop3A_1283 : vector<16xi32>
      %parallel_loop3A_1285 = arith.ori %parallel_loop3A_1281, %parallel_loop3A_1284 : vector<16xi32>
      %parallel_loop3A_1286 = arith.constant 224 : i32
      %parallel_loop3A_1287 = arith.muli %parallel_loop3A_173, %parallel_loop3A_1286 : i32
      %parallel_loop3A_1288 = arith.constant 192 : i32
      %parallel_loop3A_1289 = arith.addi %parallel_loop3A_1287, %parallel_loop3A_1288 : i32
      %parallel_loop3A_1290 = arith.index_cast %parallel_loop3A_1289 : i32 to index
      %parallel_loop3A_1291 = tpu.vector_load %arg5[%parallel_loop3A_1290] {strides = array<i32>} : memref<6272xi32, #tpu.memory_space<vmem>>, vector<16xi32>,
      tpu.vector_store %arg5[%parallel_loop3A_1290], %parallel_loop3A_1285 {strides = array<i32>} : memref<6272xi32, #tpu.memory_space<vmem>>, vector<16xi32>,
      %parallel_loop3A_1292 = arith.addi %sub3A_61, %parallel_loop3A_173 : i32
      %parallel_loop3A_1293 = arith.constant 0 : i32
      %parallel_loop3A_1294 = arith.index_cast %parallel_loop3A_1293 : i32 to index
      %parallel_loop3A_1295 = arith.index_cast %parallel_loop3A_1292 : i32 to index
      %parallel_loop3A_1296 = arith.constant 208 : index
      %parallel_loop3A_1297 = tpu.vector_load %arg9[%parallel_loop3A_1294, %parallel_loop3A_1295, %parallel_loop3A_1296] {strides = array<i32>} : memref<2x32x224xf32, #tpu.memory_space<vmem>>, vector<16xf32>,
      %parallel_loop3A_1298 = arith.addi %sub3A_61, %parallel_loop3A_173 : i32
      %parallel_loop3A_1299 = arith.constant 1 : i32
      %parallel_loop3A_1300 = arith.index_cast %parallel_loop3A_1299 : i32 to index
      %parallel_loop3A_1301 = arith.index_cast %parallel_loop3A_1298 : i32 to index
      %parallel_loop3A_1302 = arith.constant 208 : index
      %parallel_loop3A_1303 = tpu.vector_load %arg9[%parallel_loop3A_1300, %parallel_loop3A_1301, %parallel_loop3A_1302] {strides = array<i32>} : memref<2x32x224xf32, #tpu.memory_space<vmem>>, vector<16xf32>,
      %parallel_loop3A_1304 = arith.constant 1.000000e+00 : f32
      %parallel_loop3A_1305 = vector.broadcast %parallel_loop3A_1304 : f32 to vector<16xf32>
      %parallel_loop3A_1306 = arith.addf %parallel_loop3A_1297, %parallel_loop3A_1305 : vector<16xf32>
      %parallel_loop3A_1307 = arith.constant 5.000000e-01 : f32
      %parallel_loop3A_1308 = vector.broadcast %parallel_loop3A_1307 : f32 to vector<16xf32>
      %parallel_loop3A_1309 = arith.mulf %parallel_loop3A_1306, %parallel_loop3A_1308 : vector<16xf32>
      %parallel_loop3A_1310 = arith.constant 2.230000e+02 : f32
      %parallel_loop3A_1311 = vector.broadcast %parallel_loop3A_1310 : f32 to vector<16xf32>
      %parallel_loop3A_1312 = arith.mulf %parallel_loop3A_1309, %parallel_loop3A_1311 : vector<16xf32>
      %parallel_loop3A_1313 = arith.constant 1.000000e+00 : f32
      %parallel_loop3A_1314 = vector.broadcast %parallel_loop3A_1313 : f32 to vector<16xf32>
      %parallel_loop3A_1315 = arith.addf %parallel_loop3A_1303, %parallel_loop3A_1314 : vector<16xf32>
      %parallel_loop3A_1316 = arith.constant 5.000000e-01 : f32
      %parallel_loop3A_1317 = vector.broadcast %parallel_loop3A_1316 : f32 to vector<16xf32>
      %parallel_loop3A_1318 = arith.mulf %parallel_loop3A_1315, %parallel_loop3A_1317 : vector<16xf32>
      %parallel_loop3A_1319 = arith.constant 2.230000e+02 : f32
      %parallel_loop3A_1320 = vector.broadcast %parallel_loop3A_1319 : f32 to vector<16xf32>
      %parallel_loop3A_1321 = arith.mulf %parallel_loop3A_1318, %parallel_loop3A_1320 : vector<16xf32>
      %parallel_loop3A_1322 = arith.constant 0.000000e+00 : f32
      %parallel_loop3A_1323 = vector.broadcast %parallel_loop3A_1322 : f32 to vector<16xf32>
      %parallel_loop3A_1324 = arith.maximumf %parallel_loop3A_1312, %parallel_loop3A_1323 : vector<16xf32>
      %parallel_loop3A_1325 = arith.constant 2.230000e+02 : f32
      %parallel_loop3A_1326 = vector.broadcast %parallel_loop3A_1325 : f32 to vector<16xf32>
      %parallel_loop3A_1327 = arith.minimumf %parallel_loop3A_1324, %parallel_loop3A_1326 : vector<16xf32>
      %parallel_loop3A_1328 = arith.constant 0.000000e+00 : f32
      %parallel_loop3A_1329 = vector.broadcast %parallel_loop3A_1328 : f32 to vector<16xf32>
      %parallel_loop3A_1330 = arith.maximumf %parallel_loop3A_1321, %parallel_loop3A_1329 : vector<16xf32>
      %parallel_loop3A_1331 = arith.constant 2.230000e+02 : f32
      %parallel_loop3A_1332 = vector.broadcast %parallel_loop3A_1331 : f32 to vector<16xf32>
      %parallel_loop3A_1333 = arith.minimumf %parallel_loop3A_1330, %parallel_loop3A_1332 : vector<16xf32>
      %parallel_loop3A_1334 = arith.fptosi %parallel_loop3A_1327 : vector<16xf32> to vector<16xi32>
      %parallel_loop3A_1335 = arith.constant 222 : i32
      %parallel_loop3A_1336 = vector.broadcast %parallel_loop3A_1335 : i32 to vector<16xi32>
      %parallel_loop3A_1337 = arith.minsi %parallel_loop3A_1334, %parallel_loop3A_1336 : vector<16xi32>
      %parallel_loop3A_1338 = arith.fptosi %parallel_loop3A_1333 : vector<16xf32> to vector<16xi32>
      %parallel_loop3A_1339 = arith.constant 222 : i32
      %parallel_loop3A_1340 = vector.broadcast %parallel_loop3A_1339 : i32 to vector<16xi32>
      %parallel_loop3A_1341 = arith.minsi %parallel_loop3A_1338, %parallel_loop3A_1340 : vector<16xi32>
      %parallel_loop3A_1342 = arith.sitofp %parallel_loop3A_1337 : vector<16xi32> to vector<16xf32>
      %parallel_loop3A_1343 = arith.subf %parallel_loop3A_1327, %parallel_loop3A_1342 : vector<16xf32>
      %parallel_loop3A_1344 = arith.constant 2.550000e+02 : f32
      %parallel_loop3A_1345 = vector.broadcast %parallel_loop3A_1344 : f32 to vector<16xf32>
      %parallel_loop3A_1346 = arith.mulf %parallel_loop3A_1343, %parallel_loop3A_1345 : vector<16xf32>
      %parallel_loop3A_1347 = arith.constant 5.000000e-01 : f32
      %parallel_loop3A_1348 = vector.broadcast %parallel_loop3A_1347 : f32 to vector<16xf32>
      %parallel_loop3A_1349 = arith.addf %parallel_loop3A_1346, %parallel_loop3A_1348 : vector<16xf32>
      %parallel_loop3A_1350 = arith.fptosi %parallel_loop3A_1349 : vector<16xf32> to vector<16xi32>
      %parallel_loop3A_1351 = arith.sitofp %parallel_loop3A_1341 : vector<16xi32> to vector<16xf32>
      %parallel_loop3A_1352 = arith.subf %parallel_loop3A_1333, %parallel_loop3A_1351 : vector<16xf32>
      %parallel_loop3A_1353 = arith.constant 2.550000e+02 : f32
      %parallel_loop3A_1354 = vector.broadcast %parallel_loop3A_1353 : f32 to vector<16xf32>
      %parallel_loop3A_1355 = arith.mulf %parallel_loop3A_1352, %parallel_loop3A_1354 : vector<16xf32>
      %parallel_loop3A_1356 = arith.constant 5.000000e-01 : f32
      %parallel_loop3A_1357 = vector.broadcast %parallel_loop3A_1356 : f32 to vector<16xf32>
      %parallel_loop3A_1358 = arith.addf %parallel_loop3A_1355, %parallel_loop3A_1357 : vector<16xf32>
      %parallel_loop3A_1359 = arith.fptosi %parallel_loop3A_1358 : vector<16xf32> to vector<16xi32>
      %parallel_loop3A_1360 = arith.constant 224 : i32
      %parallel_loop3A_1361 = vector.broadcast %parallel_loop3A_1360 : i32 to vector<16xi32>
      %parallel_loop3A_1362 = arith.muli %parallel_loop3A_1341, %parallel_loop3A_1361 : vector<16xi32>
      %parallel_loop3A_1363 = arith.addi %parallel_loop3A_1362, %parallel_loop3A_1337 : vector<16xi32>
      %parallel_loop3A_1364 = arith.constant 16 : i32
      %parallel_loop3A_1365 = vector.broadcast %parallel_loop3A_1364 : i32 to vector<16xi32>
      %parallel_loop3A_1366 = arith.shli %parallel_loop3A_1350, %parallel_loop3A_1365 : vector<16xi32>
      %parallel_loop3A_1367 = arith.ori %parallel_loop3A_1363, %parallel_loop3A_1366 : vector<16xi32>
      %parallel_loop3A_1368 = arith.constant 24 : i32
      %parallel_loop3A_1369 = vector.broadcast %parallel_loop3A_1368 : i32 to vector<16xi32>
      %parallel_loop3A_1370 = arith.shli %parallel_loop3A_1359, %parallel_loop3A_1369 : vector<16xi32>
      %parallel_loop3A_1371 = arith.ori %parallel_loop3A_1367, %parallel_loop3A_1370 : vector<16xi32>
      %parallel_loop3A_1372 = arith.constant 224 : i32
      %parallel_loop3A_1373 = arith.muli %parallel_loop3A_173, %parallel_loop3A_1372 : i32
      %parallel_loop3A_1374 = arith.constant 208 : i32
      %parallel_loop3A_1375 = arith.addi %parallel_loop3A_1373, %parallel_loop3A_1374 : i32
      %parallel_loop3A_1376 = arith.index_cast %parallel_loop3A_1375 : i32 to index
      %parallel_loop3A_1377 = tpu.vector_load %arg5[%parallel_loop3A_1376] {strides = array<i32>} : memref<6272xi32, #tpu.memory_space<vmem>>, vector<16xi32>,
      tpu.vector_store %arg5[%parallel_loop3A_1376], %parallel_loop3A_1371 {strides = array<i32>} : memref<6272xi32, #tpu.memory_space<vmem>>, vector<16xi32>,
    } {sc.loop_unroll_factor = 2 : i64, sc.parallel_access}
    %mul3A_67 = arith.constant 6272 : i32
    %mul3A_68 = arith.muli %add3A, %mul3A_67 : i32
    %get3A = arith.constant 0 : index
    %get3A_69 = tpu.vector_load %arg5[%get3A] {strides = array<i32>} : memref<6272xi32, #tpu.memory_space<vmem>>, vector<16xi32>,
    %and3A_70 = arith.constant 65535 : i32
    %and3A_71 = vector.broadcast %and3A_70 : i32 to vector<16xi32>
    %and3A_72 = arith.andi %get3A_69, %and3A_71 : vector<16xi32>
    %add3A_73 = vector.broadcast %mul3A_18 : i32 to vector<16xi32>
    %add3A_74 = arith.addi %and3A_72, %add3A_73 : vector<16xi32>
    %dma_start3A = arith.constant 0 : i32
    %dma_start3A_75 = arith.constant 0 : i32
    %dma_start3A_76 = arith.constant 0 : i32
    %dma_start3A_77 = arith.constant 0 : i32
    %dma_start3A_78 = tpu.memref_slice %arg6[%dma_start3A, %dma_start3A_75, %dma_start3A_76, %dma_start3A_77] : memref<2x4x16x384xf32, #tpu.memory_space<vmem>> -> memref<1x1x16x384xf32, #tpu.memory_space<vmem>>
    %dma_start3A_79 = tpu.memref_squeeze %dma_start3A_78 : memref<1x1x16x384xf32, #tpu.memory_space<vmem>> -> memref<16x384xf32, #tpu.memory_space<vmem>>
    %dma_start3A_80 = arith.constant 0 : i32
    %dma_start3A_81 = arith.constant 0 : i32
    %dma_start3A_82 = tpu.memref_slice %arg3[%dma_start3A_80, %dma_start3A_81] : memref<200704x384xf32, #tpu.memory_space<hbm>> -> memref<200704x384xf32, #tpu.memory_space<hbm>>
    tpu.enqueue_indirect_dma source(%dma_start3A_82 : memref<200704x384xf32, #tpu.memory_space<hbm>>) target(%dma_start3A_79 : memref<16x384xf32, #tpu.memory_space<vmem>>) offsets(%add3A_74 : vector<16xi32>) semaphore(%arg10 : memref<!tpu.dma_semaphore, #tpu.memory_space<semaphore_mem>>)
    %add3A_83 = arith.constant 1 : i32
    %add3A_84 = vector.broadcast %add3A_83 : i32 to vector<16xi32>
    %add3A_85 = arith.addi %add3A_74, %add3A_84 : vector<16xi32>
    %dma_start3A_86 = arith.constant 0 : i32
    %dma_start3A_87 = arith.constant 1 : i32
    %dma_start3A_88 = arith.constant 0 : i32
    %dma_start3A_89 = arith.constant 0 : i32
    %dma_start3A_90 = tpu.memref_slice %arg6[%dma_start3A_86, %dma_start3A_87, %dma_start3A_88, %dma_start3A_89] : memref<2x4x16x384xf32, #tpu.memory_space<vmem>> -> memref<1x1x16x384xf32, #tpu.memory_space<vmem>>
    %dma_start3A_91 = tpu.memref_squeeze %dma_start3A_90 : memref<1x1x16x384xf32, #tpu.memory_space<vmem>> -> memref<16x384xf32, #tpu.memory_space<vmem>>
    %dma_start3A_92 = arith.constant 0 : i32
    %dma_start3A_93 = arith.constant 0 : i32
    %dma_start3A_94 = tpu.memref_slice %arg3[%dma_start3A_92, %dma_start3A_93] : memref<200704x384xf32, #tpu.memory_space<hbm>> -> memref<200704x384xf32, #tpu.memory_space<hbm>>
    tpu.enqueue_indirect_dma source(%dma_start3A_94 : memref<200704x384xf32, #tpu.memory_space<hbm>>) target(%dma_start3A_91 : memref<16x384xf32, #tpu.memory_space<vmem>>) offsets(%add3A_85 : vector<16xi32>) semaphore(%arg10 : memref<!tpu.dma_semaphore, #tpu.memory_space<semaphore_mem>>)
    %add3A_95 = arith.constant 224 : i32
    %add3A_96 = vector.broadcast %add3A_95 : i32 to vector<16xi32>
    %add3A_97 = arith.addi %add3A_74, %add3A_96 : vector<16xi32>
    %dma_start3A_98 = arith.constant 0 : i32
    %dma_start3A_99 = arith.constant 2 : i32
    %dma_start3A_100 = arith.constant 0 : i32
    %dma_start3A_101 = arith.constant 0 : i32
    %dma_start3A_102 = tpu.memref_slice %arg6[%dma_start3A_98, %dma_start3A_99, %dma_start3A_100, %dma_start3A_101] : memref<2x4x16x384xf32, #tpu.memory_space<vmem>> -> memref<1x1x16x384xf32, #tpu.memory_space<vmem>>
    %dma_start3A_103 = tpu.memref_squeeze %dma_start3A_102 : memref<1x1x16x384xf32, #tpu.memory_space<vmem>> -> memref<16x384xf32, #tpu.memory_space<vmem>>
    %dma_start3A_104 = arith.constant 0 : i32
    %dma_start3A_105 = arith.constant 0 : i32
    %dma_start3A_106 = tpu.memref_slice %arg3[%dma_start3A_104, %dma_start3A_105] : memref<200704x384xf32, #tpu.memory_space<hbm>> -> memref<200704x384xf32, #tpu.memory_space<hbm>>
    tpu.enqueue_indirect_dma source(%dma_start3A_106 : memref<200704x384xf32, #tpu.memory_space<hbm>>) target(%dma_start3A_103 : memref<16x384xf32, #tpu.memory_space<vmem>>) offsets(%add3A_97 : vector<16xi32>) semaphore(%arg10 : memref<!tpu.dma_semaphore, #tpu.memory_space<semaphore_mem>>)
    %add3A_107 = arith.constant 225 : i32
    %add3A_108 = vector.broadcast %add3A_107 : i32 to vector<16xi32>
    %add3A_109 = arith.addi %add3A_74, %add3A_108 : vector<16xi32>
    %dma_start3A_110 = arith.constant 0 : i32
    %dma_start3A_111 = arith.constant 3 : i32
    %dma_start3A_112 = arith.constant 0 : i32
    %dma_start3A_113 = arith.constant 0 : i32
    %dma_start3A_114 = tpu.memref_slice %arg6[%dma_start3A_110, %dma_start3A_111, %dma_start3A_112, %dma_start3A_113] : memref<2x4x16x384xf32, #tpu.memory_space<vmem>> -> memref<1x1x16x384xf32, #tpu.memory_space<vmem>>
    %dma_start3A_115 = tpu.memref_squeeze %dma_start3A_114 : memref<1x1x16x384xf32, #tpu.memory_space<vmem>> -> memref<16x384xf32, #tpu.memory_space<vmem>>
    %dma_start3A_116 = arith.constant 0 : i32
    %dma_start3A_117 = arith.constant 0 : i32
    %dma_start3A_118 = tpu.memref_slice %arg3[%dma_start3A_116, %dma_start3A_117] : memref<200704x384xf32, #tpu.memory_space<hbm>> -> memref<200704x384xf32, #tpu.memory_space<hbm>>
    tpu.enqueue_indirect_dma source(%dma_start3A_118 : memref<200704x384xf32, #tpu.memory_space<hbm>>) target(%dma_start3A_115 : memref<16x384xf32, #tpu.memory_space<vmem>>) offsets(%add3A_109 : vector<16xi32>) semaphore(%arg10 : memref<!tpu.dma_semaphore, #tpu.memory_space<semaphore_mem>>)
    %shift_right_arithmetic3A = arith.constant 16 : i32
    %shift_right_arithmetic3A_119 = vector.broadcast %shift_right_arithmetic3A : i32 to vector<16xi32>
    %shift_right_arithmetic3A_120 = arith.shrsi %get3A_69, %shift_right_arithmetic3A_119 : vector<16xi32>
    %and3A_121 = arith.constant 255 : i32
    %and3A_122 = vector.broadcast %and3A_121 : i32 to vector<16xi32>
    %and3A_123 = arith.andi %shift_right_arithmetic3A_120, %and3A_122 : vector<16xi32>
    %convert_element_type3A = arith.sitofp %and3A_123 : vector<16xi32> to vector<16xf32>
    %mul3A_124 = arith.constant 0.00392156886 : f32
    %mul3A_125 = vector.broadcast %mul3A_124 : f32 to vector<16xf32>
    %mul3A_126 = arith.mulf %convert_element_type3A, %mul3A_125 : vector<16xf32>
    %shift_right_logical3A = arith.constant 24 : i32
    %shift_right_logical3A_127 = vector.broadcast %shift_right_logical3A : i32 to vector<16xi32>
    %shift_right_logical3A_128 = arith.shrui %get3A_69, %shift_right_logical3A_127 : vector<16xi32>
    %convert_element_type3A_129 = arith.sitofp %shift_right_logical3A_128 : vector<16xi32> to vector<16xf32>
    %mul3A_130 = arith.constant 0.00392156886 : f32
    %mul3A_131 = vector.broadcast %mul3A_130 : f32 to vector<16xf32>
    %mul3A_132 = arith.mulf %convert_element_type3A_129, %mul3A_131 : vector<16xf32>
    %swap3A = arith.constant 0 : i32
    %swap3A_133 = arith.constant 0 : i32
    %swap3A_134 = arith.index_cast %swap3A : i32 to index
    %swap3A_135 = arith.index_cast %swap3A_133 : i32 to index
    %swap3A_136 = arith.constant 0 : index
    %swap3A_137 = tpu.vector_load %arg8[%swap3A_134, %swap3A_135, %swap3A_136] {strides = array<i32>} : memref<2x2x16xf32, #tpu.memory_space<vmem>>, vector<16xf32>,
    tpu.vector_store %arg8[%swap3A_134, %swap3A_135, %swap3A_136], %mul3A_126 {strides = array<i32>} : memref<2x2x16xf32, #tpu.memory_space<vmem>>, vector<16xf32>,
    %swap3A_138 = arith.constant 0 : i32
    %swap3A_139 = arith.constant 1 : i32
    %swap3A_140 = arith.index_cast %swap3A_138 : i32 to index
    %swap3A_141 = arith.index_cast %swap3A_139 : i32 to index
    %swap3A_142 = arith.constant 0 : index
    %swap3A_143 = tpu.vector_load %arg8[%swap3A_140, %swap3A_141, %swap3A_142] {strides = array<i32>} : memref<2x2x16xf32, #tpu.memory_space<vmem>>, vector<16xf32>,
    tpu.vector_store %arg8[%swap3A_140, %swap3A_141, %swap3A_142], %mul3A_132 {strides = array<i32>} : memref<2x2x16xf32, #tpu.memory_space<vmem>>, vector<16xf32>,
    %scan3A = arith.constant 0 : i32
    %scan3A_144 = arith.constant 196 : i32
    %scan3A_145 = arith.addi %scan3A, %scan3A_144 : i32
    %scan3A_146 = arith.constant 1 : i32
    scf.for %scan3A_173 = %scan3A to %scan3A_145 step %scan3A_146  : i32 {
      %mul3A_174 = arith.constant 1 : i32
      %mul3A_175 = arith.muli %scan3A_173, %mul3A_174 : i32
      %add3A_176 = arith.constant 0 : i32
      %add3A_177 = arith.addi %add3A_176, %mul3A_175 : i32
      %mul3A_178 = arith.constant 2 : i32
      %mul3A_179 = arith.muli %add3A_177, %mul3A_178 : i32
      %add3A_180 = arith.constant 0 : i32
      %add3A_181 = arith.addi %mul3A_179, %add3A_180 : i32
      %add3A_182 = arith.constant 1 : i32
      %add3A_183 = arith.addi %add3A_181, %add3A_182 : i32
      %lt3A_184 = arith.constant 392 : i32
      %lt3A_185 = arith.cmpi slt, %add3A_183, %lt3A_184 : i32
      %convert_element_type3A_186 = arith.extui %lt3A_185 : i1 to i32
      %cond3A = arith.constant 0 : i32
      %cond3A_187 = arith.cmpi ne, %convert_element_type3A_186, %cond3A : i32
      scf.if %cond3A_187 {
        %add3A_398 = arith.constant 1 : i32
        %add3A_399 = arith.addi %add3A_181, %add3A_398 : i32
        %mul3A_400 = arith.constant 16 : i32
        %mul3A_401 = arith.muli %add3A_399, %mul3A_400 : i32
        %get3A_402 = arith.index_cast %mul3A_401 : i32 to index
        %get3A_403 = tpu.vector_load %arg5[%get3A_402] {strides = array<i32>} : memref<6272xi32, #tpu.memory_space<vmem>>, vector<16xi32>,
        %and3A_404 = arith.constant 65535 : i32
        %and3A_405 = vector.broadcast %and3A_404 : i32 to vector<16xi32>
        %and3A_406 = arith.andi %get3A_403, %and3A_405 : vector<16xi32>
        %add3A_407 = vector.broadcast %mul3A_18 : i32 to vector<16xi32>
        %add3A_408 = arith.addi %and3A_406, %add3A_407 : vector<16xi32>
        %dma_start3A_409 = arith.constant 1 : i32
        %dma_start3A_410 = arith.constant 0 : i32
        %dma_start3A_411 = arith.constant 0 : i32
        %dma_start3A_412 = arith.constant 0 : i32
        %dma_start3A_413 = tpu.memref_slice %arg6[%dma_start3A_409, %dma_start3A_410, %dma_start3A_411, %dma_start3A_412] : memref<2x4x16x384xf32, #tpu.memory_space<vmem>> -> memref<1x1x16x384xf32, #tpu.memory_space<vmem>>
        %dma_start3A_414 = tpu.memref_squeeze %dma_start3A_413 : memref<1x1x16x384xf32, #tpu.memory_space<vmem>> -> memref<16x384xf32, #tpu.memory_space<vmem>>
        %dma_start3A_415 = arith.constant 0 : i32
        %dma_start3A_416 = arith.constant 0 : i32
        %dma_start3A_417 = tpu.memref_slice %arg3[%dma_start3A_415, %dma_start3A_416] : memref<200704x384xf32, #tpu.memory_space<hbm>> -> memref<200704x384xf32, #tpu.memory_space<hbm>>
        tpu.enqueue_indirect_dma source(%dma_start3A_417 : memref<200704x384xf32, #tpu.memory_space<hbm>>) target(%dma_start3A_414 : memref<16x384xf32, #tpu.memory_space<vmem>>) offsets(%add3A_408 : vector<16xi32>) semaphore(%arg10 : memref<!tpu.dma_semaphore, #tpu.memory_space<semaphore_mem>>)
        %add3A_418 = arith.constant 1 : i32
        %add3A_419 = vector.broadcast %add3A_418 : i32 to vector<16xi32>
        %add3A_420 = arith.addi %add3A_408, %add3A_419 : vector<16xi32>
        %dma_start3A_421 = arith.constant 1 : i32
        %dma_start3A_422 = arith.constant 1 : i32
        %dma_start3A_423 = arith.constant 0 : i32
        %dma_start3A_424 = arith.constant 0 : i32
        %dma_start3A_425 = tpu.memref_slice %arg6[%dma_start3A_421, %dma_start3A_422, %dma_start3A_423, %dma_start3A_424] : memref<2x4x16x384xf32, #tpu.memory_space<vmem>> -> memref<1x1x16x384xf32, #tpu.memory_space<vmem>>
        %dma_start3A_426 = tpu.memref_squeeze %dma_start3A_425 : memref<1x1x16x384xf32, #tpu.memory_space<vmem>> -> memref<16x384xf32, #tpu.memory_space<vmem>>
        %dma_start3A_427 = arith.constant 0 : i32
        %dma_start3A_428 = arith.constant 0 : i32
        %dma_start3A_429 = tpu.memref_slice %arg3[%dma_start3A_427, %dma_start3A_428] : memref<200704x384xf32, #tpu.memory_space<hbm>> -> memref<200704x384xf32, #tpu.memory_space<hbm>>
        tpu.enqueue_indirect_dma source(%dma_start3A_429 : memref<200704x384xf32, #tpu.memory_space<hbm>>) target(%dma_start3A_426 : memref<16x384xf32, #tpu.memory_space<vmem>>) offsets(%add3A_420 : vector<16xi32>) semaphore(%arg10 : memref<!tpu.dma_semaphore, #tpu.memory_space<semaphore_mem>>)
        %add3A_430 = arith.constant 224 : i32
        %add3A_431 = vector.broadcast %add3A_430 : i32 to vector<16xi32>
        %add3A_432 = arith.addi %add3A_408, %add3A_431 : vector<16xi32>
        %dma_start3A_433 = arith.constant 1 : i32
        %dma_start3A_434 = arith.constant 2 : i32
        %dma_start3A_435 = arith.constant 0 : i32
        %dma_start3A_436 = arith.constant 0 : i32
        %dma_start3A_437 = tpu.memref_slice %arg6[%dma_start3A_433, %dma_start3A_434, %dma_start3A_435, %dma_start3A_436] : memref<2x4x16x384xf32, #tpu.memory_space<vmem>> -> memref<1x1x16x384xf32, #tpu.memory_space<vmem>>
        %dma_start3A_438 = tpu.memref_squeeze %dma_start3A_437 : memref<1x1x16x384xf32, #tpu.memory_space<vmem>> -> memref<16x384xf32, #tpu.memory_space<vmem>>
        %dma_start3A_439 = arith.constant 0 : i32
        %dma_start3A_440 = arith.constant 0 : i32
        %dma_start3A_441 = tpu.memref_slice %arg3[%dma_start3A_439, %dma_start3A_440] : memref<200704x384xf32, #tpu.memory_space<hbm>> -> memref<200704x384xf32, #tpu.memory_space<hbm>>
        tpu.enqueue_indirect_dma source(%dma_start3A_441 : memref<200704x384xf32, #tpu.memory_space<hbm>>) target(%dma_start3A_438 : memref<16x384xf32, #tpu.memory_space<vmem>>) offsets(%add3A_432 : vector<16xi32>) semaphore(%arg10 : memref<!tpu.dma_semaphore, #tpu.memory_space<semaphore_mem>>)
        %add3A_442 = arith.constant 225 : i32
        %add3A_443 = vector.broadcast %add3A_442 : i32 to vector<16xi32>
        %add3A_444 = arith.addi %add3A_408, %add3A_443 : vector<16xi32>
        %dma_start3A_445 = arith.constant 1 : i32
        %dma_start3A_446 = arith.constant 3 : i32
        %dma_start3A_447 = arith.constant 0 : i32
        %dma_start3A_448 = arith.constant 0 : i32
        %dma_start3A_449 = tpu.memref_slice %arg6[%dma_start3A_445, %dma_start3A_446, %dma_start3A_447, %dma_start3A_448] : memref<2x4x16x384xf32, #tpu.memory_space<vmem>> -> memref<1x1x16x384xf32, #tpu.memory_space<vmem>>
        %dma_start3A_450 = tpu.memref_squeeze %dma_start3A_449 : memref<1x1x16x384xf32, #tpu.memory_space<vmem>> -> memref<16x384xf32, #tpu.memory_space<vmem>>
        %dma_start3A_451 = arith.constant 0 : i32
        %dma_start3A_452 = arith.constant 0 : i32
        %dma_start3A_453 = tpu.memref_slice %arg3[%dma_start3A_451, %dma_start3A_452] : memref<200704x384xf32, #tpu.memory_space<hbm>> -> memref<200704x384xf32, #tpu.memory_space<hbm>>
        tpu.enqueue_indirect_dma source(%dma_start3A_453 : memref<200704x384xf32, #tpu.memory_space<hbm>>) target(%dma_start3A_450 : memref<16x384xf32, #tpu.memory_space<vmem>>) offsets(%add3A_444 : vector<16xi32>) semaphore(%arg10 : memref<!tpu.dma_semaphore, #tpu.memory_space<semaphore_mem>>)
        %shift_right_arithmetic3A_454 = arith.constant 16 : i32
        %shift_right_arithmetic3A_455 = vector.broadcast %shift_right_arithmetic3A_454 : i32 to vector<16xi32>
        %shift_right_arithmetic3A_456 = arith.shrsi %get3A_403, %shift_right_arithmetic3A_455 : vector<16xi32>
        %and3A_457 = arith.constant 255 : i32
        %and3A_458 = vector.broadcast %and3A_457 : i32 to vector<16xi32>
        %and3A_459 = arith.andi %shift_right_arithmetic3A_456, %and3A_458 : vector<16xi32>
        %convert_element_type3A_460 = arith.sitofp %and3A_459 : vector<16xi32> to vector<16xf32>
        %mul3A_461 = arith.constant 0.00392156886 : f32
        %mul3A_462 = vector.broadcast %mul3A_461 : f32 to vector<16xf32>
        %mul3A_463 = arith.mulf %convert_element_type3A_460, %mul3A_462 : vector<16xf32>
        %shift_right_logical3A_464 = arith.constant 24 : i32
        %shift_right_logical3A_465 = vector.broadcast %shift_right_logical3A_464 : i32 to vector<16xi32>
        %shift_right_logical3A_466 = arith.shrui %get3A_403, %shift_right_logical3A_465 : vector<16xi32>
        %convert_element_type3A_467 = arith.sitofp %shift_right_logical3A_466 : vector<16xi32> to vector<16xf32>
        %mul3A_468 = arith.constant 0.00392156886 : f32
        %mul3A_469 = vector.broadcast %mul3A_468 : f32 to vector<16xf32>
        %mul3A_470 = arith.mulf %convert_element_type3A_467, %mul3A_469 : vector<16xf32>
        %swap3A_471 = arith.constant 1 : i32
        %swap3A_472 = arith.constant 0 : i32
        %swap3A_473 = arith.index_cast %swap3A_471 : i32 to index
        %swap3A_474 = arith.index_cast %swap3A_472 : i32 to index
        %swap3A_475 = arith.constant 0 : index
        %swap3A_476 = tpu.vector_load %arg8[%swap3A_473, %swap3A_474, %swap3A_475] {strides = array<i32>} : memref<2x2x16xf32, #tpu.memory_space<vmem>>, vector<16xf32>,
        tpu.vector_store %arg8[%swap3A_473, %swap3A_474, %swap3A_475], %mul3A_463 {strides = array<i32>} : memref<2x2x16xf32, #tpu.memory_space<vmem>>, vector<16xf32>,
        %swap3A_477 = arith.constant 1 : i32
        %swap3A_478 = arith.constant 1 : i32
        %swap3A_479 = arith.index_cast %swap3A_477 : i32 to index
        %swap3A_480 = arith.index_cast %swap3A_478 : i32 to index
        %swap3A_481 = arith.constant 0 : index
        %swap3A_482 = tpu.vector_load %arg8[%swap3A_479, %swap3A_480, %swap3A_481] {strides = array<i32>} : memref<2x2x16xf32, #tpu.memory_space<vmem>>, vector<16xf32>,
        tpu.vector_store %arg8[%swap3A_479, %swap3A_480, %swap3A_481], %mul3A_470 {strides = array<i32>} : memref<2x2x16xf32, #tpu.memory_space<vmem>>, vector<16xf32>,
      } else {
      }
      %dma_wait3A_188 = arith.constant 0 : i32
      %dma_wait3A_189 = arith.constant 0 : i32
      %dma_wait3A_190 = arith.constant 0 : i32
      %dma_wait3A_191 = arith.constant 0 : i32
      %dma_wait3A_192 = tpu.memref_slice %arg6[%dma_wait3A_188, %dma_wait3A_189, %dma_wait3A_190, %dma_wait3A_191] : memref<2x4x16x384xf32, #tpu.memory_space<vmem>> -> memref<1x1x16x384xf32, #tpu.memory_space<vmem>>
      %dma_wait3A_193 = tpu.memref_squeeze %dma_wait3A_192 : memref<1x1x16x384xf32, #tpu.memory_space<vmem>> -> memref<16x384xf32, #tpu.memory_space<vmem>>
      %dma_wait3A_194 = arith.constant 0 : i32
      %dma_wait3A_195 = arith.constant 0 : i32
      %dma_wait3A_196 = tpu.memref_slice %arg3[%dma_wait3A_194, %dma_wait3A_195] : memref<200704x384xf32, #tpu.memory_space<hbm>> -> memref<16x384xf32, #tpu.memory_space<hbm>>
      %dma_wait3A_197 = arith.constant 0 : i32
      %dma_wait3A_198 = arith.constant 0 : i32
      %dma_wait3A_199 = tpu.memref_slice %arg6[%dma_wait3A_188, %dma_wait3A_189, %dma_wait3A_197, %dma_wait3A_198] : memref<2x4x16x384xf32, #tpu.memory_space<vmem>> -> memref<1x1x16x384xf32, #tpu.memory_space<vmem>>
      %dma_wait3A_200 = tpu.memref_squeeze %dma_wait3A_199 : memref<1x1x16x384xf32, #tpu.memory_space<vmem>> -> memref<16x384xf32, #tpu.memory_space<vmem>>
      %dma_wait3A_201 = arith.constant 0 : i32
      %dma_wait3A_202 = arith.constant 0 : i32
      %dma_wait3A_203 = tpu.memref_slice %arg3[%dma_wait3A_201, %dma_wait3A_202] : memref<200704x384xf32, #tpu.memory_space<hbm>> -> memref<16x384xf32, #tpu.memory_space<hbm>>
      tpu.wait_dma2 semaphore(%arg10 : memref<!tpu.dma_semaphore, #tpu.memory_space<semaphore_mem>>) src(%dma_wait3A_203 : memref<16x384xf32, #tpu.memory_space<hbm>>) dst(%dma_wait3A_200 : memref<16x384xf32, #tpu.memory_space<vmem>>)
      %dma_wait3A_204 = arith.constant 0 : i32
      %dma_wait3A_205 = arith.constant 1 : i32
      %dma_wait3A_206 = arith.constant 0 : i32
      %dma_wait3A_207 = arith.constant 0 : i32
      %dma_wait3A_208 = tpu.memref_slice %arg6[%dma_wait3A_204, %dma_wait3A_205, %dma_wait3A_206, %dma_wait3A_207] : memref<2x4x16x384xf32, #tpu.memory_space<vmem>> -> memref<1x1x16x384xf32, #tpu.memory_space<vmem>>
      %dma_wait3A_209 = tpu.memref_squeeze %dma_wait3A_208 : memref<1x1x16x384xf32, #tpu.memory_space<vmem>> -> memref<16x384xf32, #tpu.memory_space<vmem>>
      %dma_wait3A_210 = arith.constant 0 : i32
      %dma_wait3A_211 = arith.constant 0 : i32
      %dma_wait3A_212 = tpu.memref_slice %arg3[%dma_wait3A_210, %dma_wait3A_211] : memref<200704x384xf32, #tpu.memory_space<hbm>> -> memref<16x384xf32, #tpu.memory_space<hbm>>
      %dma_wait3A_213 = arith.constant 0 : i32
      %dma_wait3A_214 = arith.constant 0 : i32
      %dma_wait3A_215 = tpu.memref_slice %arg6[%dma_wait3A_204, %dma_wait3A_205, %dma_wait3A_213, %dma_wait3A_214] : memref<2x4x16x384xf32, #tpu.memory_space<vmem>> -> memref<1x1x16x384xf32, #tpu.memory_space<vmem>>
      %dma_wait3A_216 = tpu.memref_squeeze %dma_wait3A_215 : memref<1x1x16x384xf32, #tpu.memory_space<vmem>> -> memref<16x384xf32, #tpu.memory_space<vmem>>
      %dma_wait3A_217 = arith.constant 0 : i32
      %dma_wait3A_218 = arith.constant 0 : i32
      %dma_wait3A_219 = tpu.memref_slice %arg3[%dma_wait3A_217, %dma_wait3A_218] : memref<200704x384xf32, #tpu.memory_space<hbm>> -> memref<16x384xf32, #tpu.memory_space<hbm>>
      tpu.wait_dma2 semaphore(%arg10 : memref<!tpu.dma_semaphore, #tpu.memory_space<semaphore_mem>>) src(%dma_wait3A_219 : memref<16x384xf32, #tpu.memory_space<hbm>>) dst(%dma_wait3A_216 : memref<16x384xf32, #tpu.memory_space<vmem>>)
      %dma_wait3A_220 = arith.constant 0 : i32
      %dma_wait3A_221 = arith.constant 2 : i32
      %dma_wait3A_222 = arith.constant 0 : i32
      %dma_wait3A_223 = arith.constant 0 : i32
      %dma_wait3A_224 = tpu.memref_slice %arg6[%dma_wait3A_220, %dma_wait3A_221, %dma_wait3A_222, %dma_wait3A_223] : memref<2x4x16x384xf32, #tpu.memory_space<vmem>> -> memref<1x1x16x384xf32, #tpu.memory_space<vmem>>
      %dma_wait3A_225 = tpu.memref_squeeze %dma_wait3A_224 : memref<1x1x16x384xf32, #tpu.memory_space<vmem>> -> memref<16x384xf32, #tpu.memory_space<vmem>>
      %dma_wait3A_226 = arith.constant 0 : i32
      %dma_wait3A_227 = arith.constant 0 : i32
      %dma_wait3A_228 = tpu.memref_slice %arg3[%dma_wait3A_226, %dma_wait3A_227] : memref<200704x384xf32, #tpu.memory_space<hbm>> -> memref<16x384xf32, #tpu.memory_space<hbm>>
      %dma_wait3A_229 = arith.constant 0 : i32
      %dma_wait3A_230 = arith.constant 0 : i32
      %dma_wait3A_231 = tpu.memref_slice %arg6[%dma_wait3A_220, %dma_wait3A_221, %dma_wait3A_229, %dma_wait3A_230] : memref<2x4x16x384xf32, #tpu.memory_space<vmem>> -> memref<1x1x16x384xf32, #tpu.memory_space<vmem>>
      %dma_wait3A_232 = tpu.memref_squeeze %dma_wait3A_231 : memref<1x1x16x384xf32, #tpu.memory_space<vmem>> -> memref<16x384xf32, #tpu.memory_space<vmem>>
      %dma_wait3A_233 = arith.constant 0 : i32
      %dma_wait3A_234 = arith.constant 0 : i32
      %dma_wait3A_235 = tpu.memref_slice %arg3[%dma_wait3A_233, %dma_wait3A_234] : memref<200704x384xf32, #tpu.memory_space<hbm>> -> memref<16x384xf32, #tpu.memory_space<hbm>>
      tpu.wait_dma2 semaphore(%arg10 : memref<!tpu.dma_semaphore, #tpu.memory_space<semaphore_mem>>) src(%dma_wait3A_235 : memref<16x384xf32, #tpu.memory_space<hbm>>) dst(%dma_wait3A_232 : memref<16x384xf32, #tpu.memory_space<vmem>>)
      %dma_wait3A_236 = arith.constant 0 : i32
      %dma_wait3A_237 = arith.constant 3 : i32
      %dma_wait3A_238 = arith.constant 0 : i32
      %dma_wait3A_239 = arith.constant 0 : i32
      %dma_wait3A_240 = tpu.memref_slice %arg6[%dma_wait3A_236, %dma_wait3A_237, %dma_wait3A_238, %dma_wait3A_239] : memref<2x4x16x384xf32, #tpu.memory_space<vmem>> -> memref<1x1x16x384xf32, #tpu.memory_space<vmem>>
      %dma_wait3A_241 = tpu.memref_squeeze %dma_wait3A_240 : memref<1x1x16x384xf32, #tpu.memory_space<vmem>> -> memref<16x384xf32, #tpu.memory_space<vmem>>
      %dma_wait3A_242 = arith.constant 0 : i32
      %dma_wait3A_243 = arith.constant 0 : i32
      %dma_wait3A_244 = tpu.memref_slice %arg3[%dma_wait3A_242, %dma_wait3A_243] : memref<200704x384xf32, #tpu.memory_space<hbm>> -> memref<16x384xf32, #tpu.memory_space<hbm>>
      %dma_wait3A_245 = arith.constant 0 : i32
      %dma_wait3A_246 = arith.constant 0 : i32
      %dma_wait3A_247 = tpu.memref_slice %arg6[%dma_wait3A_236, %dma_wait3A_237, %dma_wait3A_245, %dma_wait3A_246] : memref<2x4x16x384xf32, #tpu.memory_space<vmem>> -> memref<1x1x16x384xf32, #tpu.memory_space<vmem>>
      %dma_wait3A_248 = tpu.memref_squeeze %dma_wait3A_247 : memref<1x1x16x384xf32, #tpu.memory_space<vmem>> -> memref<16x384xf32, #tpu.memory_space<vmem>>
      %dma_wait3A_249 = arith.constant 0 : i32
      %dma_wait3A_250 = arith.constant 0 : i32
      %dma_wait3A_251 = tpu.memref_slice %arg3[%dma_wait3A_249, %dma_wait3A_250] : memref<200704x384xf32, #tpu.memory_space<hbm>> -> memref<16x384xf32, #tpu.memory_space<hbm>>
      tpu.wait_dma2 semaphore(%arg10 : memref<!tpu.dma_semaphore, #tpu.memory_space<semaphore_mem>>) src(%dma_wait3A_251 : memref<16x384xf32, #tpu.memory_space<hbm>>) dst(%dma_wait3A_248 : memref<16x384xf32, #tpu.memory_space<vmem>>)
      %ge3A = arith.constant 2 : i32
      %ge3A_252 = arith.cmpi sge, %add3A_181, %ge3A : i32
      %convert_element_type3A_253 = arith.extui %ge3A_252 : i1 to i32
      %cond3A_254 = arith.constant 0 : i32
      %cond3A_255 = arith.cmpi ne, %convert_element_type3A_253, %cond3A_254 : i32
      scf.if %cond3A_255 {
        %dma_wait3A_398 = arith.constant 0 : i32
        %dma_wait3A_399 = arith.constant 0 : i32
        %dma_wait3A_400 = arith.constant 0 : i32
        %dma_wait3A_401 = tpu.memref_slice %arg7[%dma_wait3A_398, %dma_wait3A_399, %dma_wait3A_400] : memref<2x16x384xf32, #tpu.memory_space<vmem>> -> memref<1x16x384xf32, #tpu.memory_space<vmem>>
        %dma_wait3A_402 = tpu.memref_squeeze %dma_wait3A_401 : memref<1x16x384xf32, #tpu.memory_space<vmem>> -> memref<16x384xf32, #tpu.memory_space<vmem>>
        %dma_wait3A_403 = arith.constant 0 : i32
        %dma_wait3A_404 = tpu.memref_slice %arg4[%mul3A_68, %dma_wait3A_403] : memref<200704x384xf32, #tpu.memory_space<hbm>> -> memref<16x384xf32, #tpu.memory_space<hbm>>
        %dma_wait3A_405 = arith.constant 0 : i32
        %dma_wait3A_406 = tpu.memref_slice %arg4[%mul3A_68, %dma_wait3A_405] : memref<200704x384xf32, #tpu.memory_space<hbm>> -> memref<16x384xf32, #tpu.memory_space<hbm>>
        %dma_wait3A_407 = arith.constant 0 : i32
        %dma_wait3A_408 = arith.constant 0 : i32
        %dma_wait3A_409 = tpu.memref_slice %arg7[%dma_wait3A_398, %dma_wait3A_407, %dma_wait3A_408] : memref<2x16x384xf32, #tpu.memory_space<vmem>> -> memref<1x16x384xf32, #tpu.memory_space<vmem>>
        %dma_wait3A_410 = tpu.memref_squeeze %dma_wait3A_409 : memref<1x16x384xf32, #tpu.memory_space<vmem>> -> memref<16x384xf32, #tpu.memory_space<vmem>>
        tpu.wait_dma2 semaphore(%arg11 : memref<!tpu.dma_semaphore, #tpu.memory_space<semaphore_mem>>) src(%dma_wait3A_410 : memref<16x384xf32, #tpu.memory_space<vmem>>) dst(%dma_wait3A_406 : memref<16x384xf32, #tpu.memory_space<hbm>>)
      } else {
      }
      %get3A_256 = arith.constant 0 : i32
      %get3A_257 = arith.constant 0 : i32
      %get3A_258 = arith.index_cast %get3A_256 : i32 to index
      %get3A_259 = arith.index_cast %get3A_257 : i32 to index
      %get3A_260 = arith.constant 0 : index
      %get3A_261 = tpu.vector_load %arg8[%get3A_258, %get3A_259, %get3A_260] {strides = array<i32>} : memref<2x2x16xf32, #tpu.memory_space<vmem>>, vector<16xf32>,
      %get3A_262 = arith.constant 0 : i32
      %get3A_263 = arith.constant 1 : i32
      %get3A_264 = arith.index_cast %get3A_262 : i32 to index
      %get3A_265 = arith.index_cast %get3A_263 : i32 to index
      %get3A_266 = arith.constant 0 : index
      %get3A_267 = tpu.vector_load %arg8[%get3A_264, %get3A_265, %get3A_266] {strides = array<i32>} : memref<2x2x16xf32, #tpu.memory_space<vmem>>, vector<16xf32>,
      %parallel_loop3A_268 = arith.constant 0 : i32
      %parallel_loop3A_269 = arith.constant 16 : i32
      %parallel_loop3A_270 = arith.constant 1 : i32
      scf.for %parallel_loop3A_398 = %parallel_loop3A_268 to %parallel_loop3A_269 step %parallel_loop3A_270  : i32 {
        %parallel_loop3A_399 = vector.broadcast %parallel_loop3A_398 : i32 to vector<16xi32>
        %parallel_loop3A_400 = arith.constant 0 : i32
        %parallel_loop3A_401 = vector.broadcast %parallel_loop3A_400 : i32 to vector<16xi32>
        %parallel_loop3A_402 = arith.cmpi slt, %parallel_loop3A_399, %parallel_loop3A_401 : vector<16xi32>
        %parallel_loop3A_403 = arith.constant 16 : i32
        %parallel_loop3A_404 = vector.broadcast %parallel_loop3A_403 : i32 to vector<16xi32>
        %parallel_loop3A_405 = arith.addi %parallel_loop3A_399, %parallel_loop3A_404 : vector<16xi32>
        %parallel_loop3A_406 = arith.select %parallel_loop3A_402, %parallel_loop3A_405, %parallel_loop3A_399 : vector<16xi1>, vector<16xi32>
        %parallel_loop3A_407 = vector.shape_cast %parallel_loop3A_406 : vector<16xi32> to vector<16x1xi32>
        %parallel_loop3A_408 = vector.shape_cast %parallel_loop3A_407 : vector<16x1xi32> to vector<16xi32>
        %parallel_loop3A_409 = tpu.dynamic_gather %get3A_261[%parallel_loop3A_408] in [0] : vector<16xf32>, vector<16xi32> -> vector<16xf32>
        %parallel_loop3A_410 = arith.constant 0 : i32
        %parallel_loop3A_411 = vector.broadcast %parallel_loop3A_410 : i32 to vector<16xi32>
        %parallel_loop3A_412 = arith.cmpi slt, %parallel_loop3A_399, %parallel_loop3A_411 : vector<16xi32>
        %parallel_loop3A_413 = arith.constant 16 : i32
        %parallel_loop3A_414 = vector.broadcast %parallel_loop3A_413 : i32 to vector<16xi32>
        %parallel_loop3A_415 = arith.addi %parallel_loop3A_399, %parallel_loop3A_414 : vector<16xi32>
        %parallel_loop3A_416 = arith.select %parallel_loop3A_412, %parallel_loop3A_415, %parallel_loop3A_399 : vector<16xi1>, vector<16xi32>
        %parallel_loop3A_417 = vector.shape_cast %parallel_loop3A_416 : vector<16xi32> to vector<16x1xi32>
        %parallel_loop3A_418 = vector.shape_cast %parallel_loop3A_417 : vector<16x1xi32> to vector<16xi32>
        %parallel_loop3A_419 = tpu.dynamic_gather %get3A_267[%parallel_loop3A_418] in [0] : vector<16xf32>, vector<16xi32> -> vector<16xf32>
        %parallel_loop3A_420 = arith.mulf %parallel_loop3A_409, %parallel_loop3A_419 : vector<16xf32>
        %parallel_loop3A_421 = arith.subf %parallel_loop3A_419, %parallel_loop3A_420 : vector<16xf32>
        %parallel_loop3A_422 = arith.subf %parallel_loop3A_409, %parallel_loop3A_420 : vector<16xf32>
        %parallel_loop3A_423 = arith.constant 1.000000e+00 : f32
        %parallel_loop3A_424 = vector.broadcast %parallel_loop3A_423 : f32 to vector<16xf32>
        %parallel_loop3A_425 = arith.subf %parallel_loop3A_424, %parallel_loop3A_409 : vector<16xf32>
        %parallel_loop3A_426 = arith.subf %parallel_loop3A_425, %parallel_loop3A_421 : vector<16xf32>
        %parallel_loop3A_427 = arith.constant 0 : i32
        %parallel_loop3A_428 = arith.constant 0 : i32
        %parallel_loop3A_429 = arith.index_cast %parallel_loop3A_427 : i32 to index
        %parallel_loop3A_430 = arith.index_cast %parallel_loop3A_428 : i32 to index
        %parallel_loop3A_431 = arith.index_cast %parallel_loop3A_398 : i32 to index
        %parallel_loop3A_432 = arith.constant 0 : index
        %parallel_loop3A_433 = tpu.vector_load %arg6[%parallel_loop3A_429, %parallel_loop3A_430, %parallel_loop3A_431, %parallel_loop3A_432] {strides = array<i32>} : memref<2x4x16x384xf32, #tpu.memory_space<vmem>>, vector<16xf32>,
        %parallel_loop3A_434 = arith.constant 0 : i32
        %parallel_loop3A_435 = arith.constant 1 : i32
        %parallel_loop3A_436 = arith.index_cast %parallel_loop3A_434 : i32 to index
        %parallel_loop3A_437 = arith.index_cast %parallel_loop3A_435 : i32 to index
        %parallel_loop3A_438 = arith.index_cast %parallel_loop3A_398 : i32 to index
        %parallel_loop3A_439 = arith.constant 0 : index
        %parallel_loop3A_440 = tpu.vector_load %arg6[%parallel_loop3A_436, %parallel_loop3A_437, %parallel_loop3A_438, %parallel_loop3A_439] {strides = array<i32>} : memref<2x4x16x384xf32, #tpu.memory_space<vmem>>, vector<16xf32>,
        %parallel_loop3A_441 = arith.constant 0 : i32
        %parallel_loop3A_442 = arith.constant 2 : i32
        %parallel_loop3A_443 = arith.index_cast %parallel_loop3A_441 : i32 to index
        %parallel_loop3A_444 = arith.index_cast %parallel_loop3A_442 : i32 to index
        %parallel_loop3A_445 = arith.index_cast %parallel_loop3A_398 : i32 to index
        %parallel_loop3A_446 = arith.constant 0 : index
        %parallel_loop3A_447 = tpu.vector_load %arg6[%parallel_loop3A_443, %parallel_loop3A_444, %parallel_loop3A_445, %parallel_loop3A_446] {strides = array<i32>} : memref<2x4x16x384xf32, #tpu.memory_space<vmem>>, vector<16xf32>,
        %parallel_loop3A_448 = arith.constant 0 : i32
        %parallel_loop3A_449 = arith.constant 3 : i32
        %parallel_loop3A_450 = arith.index_cast %parallel_loop3A_448 : i32 to index
        %parallel_loop3A_451 = arith.index_cast %parallel_loop3A_449 : i32 to index
        %parallel_loop3A_452 = arith.index_cast %parallel_loop3A_398 : i32 to index
        %parallel_loop3A_453 = arith.constant 0 : index
        %parallel_loop3A_454 = tpu.vector_load %arg6[%parallel_loop3A_450, %parallel_loop3A_451, %parallel_loop3A_452, %parallel_loop3A_453] {strides = array<i32>} : memref<2x4x16x384xf32, #tpu.memory_space<vmem>>, vector<16xf32>,
        %parallel_loop3A_455 = arith.mulf %parallel_loop3A_433, %parallel_loop3A_426 : vector<16xf32>
        %parallel_loop3A_456 = arith.mulf %parallel_loop3A_440, %parallel_loop3A_422 : vector<16xf32>
        %parallel_loop3A_457 = arith.addf %parallel_loop3A_455, %parallel_loop3A_456 : vector<16xf32>
        %parallel_loop3A_458 = arith.mulf %parallel_loop3A_447, %parallel_loop3A_421 : vector<16xf32>
        %parallel_loop3A_459 = arith.mulf %parallel_loop3A_454, %parallel_loop3A_420 : vector<16xf32>
        %parallel_loop3A_460 = arith.addf %parallel_loop3A_458, %parallel_loop3A_459 : vector<16xf32>
        %parallel_loop3A_461 = arith.addf %parallel_loop3A_457, %parallel_loop3A_460 : vector<16xf32>
        %parallel_loop3A_462 = arith.constant 0 : i32
        %parallel_loop3A_463 = arith.index_cast %parallel_loop3A_462 : i32 to index
        %parallel_loop3A_464 = arith.index_cast %parallel_loop3A_398 : i32 to index
        %parallel_loop3A_465 = arith.constant 0 : index
        %parallel_loop3A_466 = tpu.vector_load %arg7[%parallel_loop3A_463, %parallel_loop3A_464, %parallel_loop3A_465] {strides = array<i32>} : memref<2x16x384xf32, #tpu.memory_space<vmem>>, vector<16xf32>,
        tpu.vector_store %arg7[%parallel_loop3A_463, %parallel_loop3A_464, %parallel_loop3A_465], %parallel_loop3A_461 {strides = array<i32>} : memref<2x16x384xf32, #tpu.memory_space<vmem>>, vector<16xf32>,
        %parallel_loop3A_467 = arith.constant 0 : i32
        %parallel_loop3A_468 = arith.constant 0 : i32
        %parallel_loop3A_469 = arith.index_cast %parallel_loop3A_467 : i32 to index
        %parallel_loop3A_470 = arith.index_cast %parallel_loop3A_468 : i32 to index
        %parallel_loop3A_471 = arith.index_cast %parallel_loop3A_398 : i32 to index
        %parallel_loop3A_472 = arith.constant 16 : index
        %parallel_loop3A_473 = tpu.vector_load %arg6[%parallel_loop3A_469, %parallel_loop3A_470, %parallel_loop3A_471, %parallel_loop3A_472] {strides = array<i32>} : memref<2x4x16x384xf32, #tpu.memory_space<vmem>>, vector<16xf32>,
        %parallel_loop3A_474 = arith.constant 0 : i32
        %parallel_loop3A_475 = arith.constant 1 : i32
        %parallel_loop3A_476 = arith.index_cast %parallel_loop3A_474 : i32 to index
        %parallel_loop3A_477 = arith.index_cast %parallel_loop3A_475 : i32 to index
        %parallel_loop3A_478 = arith.index_cast %parallel_loop3A_398 : i32 to index
        %parallel_loop3A_479 = arith.constant 16 : index
        %parallel_loop3A_480 = tpu.vector_load %arg6[%parallel_loop3A_476, %parallel_loop3A_477, %parallel_loop3A_478, %parallel_loop3A_479] {strides = array<i32>} : memref<2x4x16x384xf32, #tpu.memory_space<vmem>>, vector<16xf32>,
        %parallel_loop3A_481 = arith.constant 0 : i32
        %parallel_loop3A_482 = arith.constant 2 : i32
        %parallel_loop3A_483 = arith.index_cast %parallel_loop3A_481 : i32 to index
        %parallel_loop3A_484 = arith.index_cast %parallel_loop3A_482 : i32 to index
        %parallel_loop3A_485 = arith.index_cast %parallel_loop3A_398 : i32 to index
        %parallel_loop3A_486 = arith.constant 16 : index
        %parallel_loop3A_487 = tpu.vector_load %arg6[%parallel_loop3A_483, %parallel_loop3A_484, %parallel_loop3A_485, %parallel_loop3A_486] {strides = array<i32>} : memref<2x4x16x384xf32, #tpu.memory_space<vmem>>, vector<16xf32>,
        %parallel_loop3A_488 = arith.constant 0 : i32
        %parallel_loop3A_489 = arith.constant 3 : i32
        %parallel_loop3A_490 = arith.index_cast %parallel_loop3A_488 : i32 to index
        %parallel_loop3A_491 = arith.index_cast %parallel_loop3A_489 : i32 to index
        %parallel_loop3A_492 = arith.index_cast %parallel_loop3A_398 : i32 to index
        %parallel_loop3A_493 = arith.constant 16 : index
        %parallel_loop3A_494 = tpu.vector_load %arg6[%parallel_loop3A_490, %parallel_loop3A_491, %parallel_loop3A_492, %parallel_loop3A_493] {strides = array<i32>} : memref<2x4x16x384xf32, #tpu.memory_space<vmem>>, vector<16xf32>,
        %parallel_loop3A_495 = arith.mulf %parallel_loop3A_473, %parallel_loop3A_426 : vector<16xf32>
        %parallel_loop3A_496 = arith.mulf %parallel_loop3A_480, %parallel_loop3A_422 : vector<16xf32>
        %parallel_loop3A_497 = arith.addf %parallel_loop3A_495, %parallel_loop3A_496 : vector<16xf32>
        %parallel_loop3A_498 = arith.mulf %parallel_loop3A_487, %parallel_loop3A_421 : vector<16xf32>
        %parallel_loop3A_499 = arith.mulf %parallel_loop3A_494, %parallel_loop3A_420 : vector<16xf32>
        %parallel_loop3A_500 = arith.addf %parallel_loop3A_498, %parallel_loop3A_499 : vector<16xf32>
        %parallel_loop3A_501 = arith.addf %parallel_loop3A_497, %parallel_loop3A_500 : vector<16xf32>
        %parallel_loop3A_502 = arith.constant 0 : i32
        %parallel_loop3A_503 = arith.index_cast %parallel_loop3A_502 : i32 to index
        %parallel_loop3A_504 = arith.index_cast %parallel_loop3A_398 : i32 to index
        %parallel_loop3A_505 = arith.constant 16 : index
        %parallel_loop3A_506 = tpu.vector_load %arg7[%parallel_loop3A_503, %parallel_loop3A_504, %parallel_loop3A_505] {strides = array<i32>} : memref<2x16x384xf32, #tpu.memory_space<vmem>>, vector<16xf32>,
        tpu.vector_store %arg7[%parallel_loop3A_503, %parallel_loop3A_504, %parallel_loop3A_505], %parallel_loop3A_501 {strides = array<i32>} : memref<2x16x384xf32, #tpu.memory_space<vmem>>, vector<16xf32>,
        %parallel_loop3A_507 = arith.constant 0 : i32
        %parallel_loop3A_508 = arith.constant 0 : i32
        %parallel_loop3A_509 = arith.index_cast %parallel_loop3A_507 : i32 to index
        %parallel_loop3A_510 = arith.index_cast %parallel_loop3A_508 : i32 to index
        %parallel_loop3A_511 = arith.index_cast %parallel_loop3A_398 : i32 to index
        %parallel_loop3A_512 = arith.constant 32 : index
        %parallel_loop3A_513 = tpu.vector_load %arg6[%parallel_loop3A_509, %parallel_loop3A_510, %parallel_loop3A_511, %parallel_loop3A_512] {strides = array<i32>} : memref<2x4x16x384xf32, #tpu.memory_space<vmem>>, vector<16xf32>,
        %parallel_loop3A_514 = arith.constant 0 : i32
        %parallel_loop3A_515 = arith.constant 1 : i32
        %parallel_loop3A_516 = arith.index_cast %parallel_loop3A_514 : i32 to index
        %parallel_loop3A_517 = arith.index_cast %parallel_loop3A_515 : i32 to index
        %parallel_loop3A_518 = arith.index_cast %parallel_loop3A_398 : i32 to index
        %parallel_loop3A_519 = arith.constant 32 : index
        %parallel_loop3A_520 = tpu.vector_load %arg6[%parallel_loop3A_516, %parallel_loop3A_517, %parallel_loop3A_518, %parallel_loop3A_519] {strides = array<i32>} : memref<2x4x16x384xf32, #tpu.memory_space<vmem>>, vector<16xf32>,
        %parallel_loop3A_521 = arith.constant 0 : i32
        %parallel_loop3A_522 = arith.constant 2 : i32
        %parallel_loop3A_523 = arith.index_cast %parallel_loop3A_521 : i32 to index
        %parallel_loop3A_524 = arith.index_cast %parallel_loop3A_522 : i32 to index
        %parallel_loop3A_525 = arith.index_cast %parallel_loop3A_398 : i32 to index
        %parallel_loop3A_526 = arith.constant 32 : index
        %parallel_loop3A_527 = tpu.vector_load %arg6[%parallel_loop3A_523, %parallel_loop3A_524, %parallel_loop3A_525, %parallel_loop3A_526] {strides = array<i32>} : memref<2x4x16x384xf32, #tpu.memory_space<vmem>>, vector<16xf32>,
        %parallel_loop3A_528 = arith.constant 0 : i32
        %parallel_loop3A_529 = arith.constant 3 : i32
        %parallel_loop3A_530 = arith.index_cast %parallel_loop3A_528 : i32 to index
        %parallel_loop3A_531 = arith.index_cast %parallel_loop3A_529 : i32 to index
        %parallel_loop3A_532 = arith.index_cast %parallel_loop3A_398 : i32 to index
        %parallel_loop3A_533 = arith.constant 32 : index
        %parallel_loop3A_534 = tpu.vector_load %arg6[%parallel_loop3A_530, %parallel_loop3A_531, %parallel_loop3A_532, %parallel_loop3A_533] {strides = array<i32>} : memref<2x4x16x384xf32, #tpu.memory_space<vmem>>, vector<16xf32>,
        %parallel_loop3A_535 = arith.mulf %parallel_loop3A_513, %parallel_loop3A_426 : vector<16xf32>
        %parallel_loop3A_536 = arith.mulf %parallel_loop3A_520, %parallel_loop3A_422 : vector<16xf32>
        %parallel_loop3A_537 = arith.addf %parallel_loop3A_535, %parallel_loop3A_536 : vector<16xf32>
        %parallel_loop3A_538 = arith.mulf %parallel_loop3A_527, %parallel_loop3A_421 : vector<16xf32>
        %parallel_loop3A_539 = arith.mulf %parallel_loop3A_534, %parallel_loop3A_420 : vector<16xf32>
        %parallel_loop3A_540 = arith.addf %parallel_loop3A_538, %parallel_loop3A_539 : vector<16xf32>
        %parallel_loop3A_541 = arith.addf %parallel_loop3A_537, %parallel_loop3A_540 : vector<16xf32>
        %parallel_loop3A_542 = arith.constant 0 : i32
        %parallel_loop3A_543 = arith.index_cast %parallel_loop3A_542 : i32 to index
        %parallel_loop3A_544 = arith.index_cast %parallel_loop3A_398 : i32 to index
        %parallel_loop3A_545 = arith.constant 32 : index
        %parallel_loop3A_546 = tpu.vector_load %arg7[%parallel_loop3A_543, %parallel_loop3A_544, %parallel_loop3A_545] {strides = array<i32>} : memref<2x16x384xf32, #tpu.memory_space<vmem>>, vector<16xf32>,
        tpu.vector_store %arg7[%parallel_loop3A_543, %parallel_loop3A_544, %parallel_loop3A_545], %parallel_loop3A_541 {strides = array<i32>} : memref<2x16x384xf32, #tpu.memory_space<vmem>>, vector<16xf32>,
        %parallel_loop3A_547 = arith.constant 0 : i32
        %parallel_loop3A_548 = arith.constant 0 : i32
        %parallel_loop3A_549 = arith.index_cast %parallel_loop3A_547 : i32 to index
        %parallel_loop3A_550 = arith.index_cast %parallel_loop3A_548 : i32 to index
        %parallel_loop3A_551 = arith.index_cast %parallel_loop3A_398 : i32 to index
        %parallel_loop3A_552 = arith.constant 48 : index
        %parallel_loop3A_553 = tpu.vector_load %arg6[%parallel_loop3A_549, %parallel_loop3A_550, %parallel_loop3A_551, %parallel_loop3A_552] {strides = array<i32>} : memref<2x4x16x384xf32, #tpu.memory_space<vmem>>, vector<16xf32>,
        %parallel_loop3A_554 = arith.constant 0 : i32
        %parallel_loop3A_555 = arith.constant 1 : i32
        %parallel_loop3A_556 = arith.index_cast %parallel_loop3A_554 : i32 to index
        %parallel_loop3A_557 = arith.index_cast %parallel_loop3A_555 : i32 to index
        %parallel_loop3A_558 = arith.index_cast %parallel_loop3A_398 : i32 to index
        %parallel_loop3A_559 = arith.constant 48 : index
        %parallel_loop3A_560 = tpu.vector_load %arg6[%parallel_loop3A_556, %parallel_loop3A_557, %parallel_loop3A_558, %parallel_loop3A_559] {strides = array<i32>} : memref<2x4x16x384xf32, #tpu.memory_space<vmem>>, vector<16xf32>,
        %parallel_loop3A_561 = arith.constant 0 : i32
        %parallel_loop3A_562 = arith.constant 2 : i32
        %parallel_loop3A_563 = arith.index_cast %parallel_loop3A_561 : i32 to index
        %parallel_loop3A_564 = arith.index_cast %parallel_loop3A_562 : i32 to index
        %parallel_loop3A_565 = arith.index_cast %parallel_loop3A_398 : i32 to index
        %parallel_loop3A_566 = arith.constant 48 : index
        %parallel_loop3A_567 = tpu.vector_load %arg6[%parallel_loop3A_563, %parallel_loop3A_564, %parallel_loop3A_565, %parallel_loop3A_566] {strides = array<i32>} : memref<2x4x16x384xf32, #tpu.memory_space<vmem>>, vector<16xf32>,
        %parallel_loop3A_568 = arith.constant 0 : i32
        %parallel_loop3A_569 = arith.constant 3 : i32
        %parallel_loop3A_570 = arith.index_cast %parallel_loop3A_568 : i32 to index
        %parallel_loop3A_571 = arith.index_cast %parallel_loop3A_569 : i32 to index
        %parallel_loop3A_572 = arith.index_cast %parallel_loop3A_398 : i32 to index
        %parallel_loop3A_573 = arith.constant 48 : index
        %parallel_loop3A_574 = tpu.vector_load %arg6[%parallel_loop3A_570, %parallel_loop3A_571, %parallel_loop3A_572, %parallel_loop3A_573] {strides = array<i32>} : memref<2x4x16x384xf32, #tpu.memory_space<vmem>>, vector<16xf32>,
        %parallel_loop3A_575 = arith.mulf %parallel_loop3A_553, %parallel_loop3A_426 : vector<16xf32>
        %parallel_loop3A_576 = arith.mulf %parallel_loop3A_560, %parallel_loop3A_422 : vector<16xf32>
        %parallel_loop3A_577 = arith.addf %parallel_loop3A_575, %parallel_loop3A_576 : vector<16xf32>
        %parallel_loop3A_578 = arith.mulf %parallel_loop3A_567, %parallel_loop3A_421 : vector<16xf32>
        %parallel_loop3A_579 = arith.mulf %parallel_loop3A_574, %parallel_loop3A_420 : vector<16xf32>
        %parallel_loop3A_580 = arith.addf %parallel_loop3A_578, %parallel_loop3A_579 : vector<16xf32>
        %parallel_loop3A_581 = arith.addf %parallel_loop3A_577, %parallel_loop3A_580 : vector<16xf32>
        %parallel_loop3A_582 = arith.constant 0 : i32
        %parallel_loop3A_583 = arith.index_cast %parallel_loop3A_582 : i32 to index
        %parallel_loop3A_584 = arith.index_cast %parallel_loop3A_398 : i32 to index
        %parallel_loop3A_585 = arith.constant 48 : index
        %parallel_loop3A_586 = tpu.vector_load %arg7[%parallel_loop3A_583, %parallel_loop3A_584, %parallel_loop3A_585] {strides = array<i32>} : memref<2x16x384xf32, #tpu.memory_space<vmem>>, vector<16xf32>,
        tpu.vector_store %arg7[%parallel_loop3A_583, %parallel_loop3A_584, %parallel_loop3A_585], %parallel_loop3A_581 {strides = array<i32>} : memref<2x16x384xf32, #tpu.memory_space<vmem>>, vector<16xf32>,
        %parallel_loop3A_587 = arith.constant 0 : i32
        %parallel_loop3A_588 = arith.constant 0 : i32
        %parallel_loop3A_589 = arith.index_cast %parallel_loop3A_587 : i32 to index
        %parallel_loop3A_590 = arith.index_cast %parallel_loop3A_588 : i32 to index
        %parallel_loop3A_591 = arith.index_cast %parallel_loop3A_398 : i32 to index
        %parallel_loop3A_592 = arith.constant 64 : index
        %parallel_loop3A_593 = tpu.vector_load %arg6[%parallel_loop3A_589, %parallel_loop3A_590, %parallel_loop3A_591, %parallel_loop3A_592] {strides = array<i32>} : memref<2x4x16x384xf32, #tpu.memory_space<vmem>>, vector<16xf32>,
        %parallel_loop3A_594 = arith.constant 0 : i32
        %parallel_loop3A_595 = arith.constant 1 : i32
        %parallel_loop3A_596 = arith.index_cast %parallel_loop3A_594 : i32 to index
        %parallel_loop3A_597 = arith.index_cast %parallel_loop3A_595 : i32 to index
        %parallel_loop3A_598 = arith.index_cast %parallel_loop3A_398 : i32 to index
        %parallel_loop3A_599 = arith.constant 64 : index
        %parallel_loop3A_600 = tpu.vector_load %arg6[%parallel_loop3A_596, %parallel_loop3A_597, %parallel_loop3A_598, %parallel_loop3A_599] {strides = array<i32>} : memref<2x4x16x384xf32, #tpu.memory_space<vmem>>, vector<16xf32>,
        %parallel_loop3A_601 = arith.constant 0 : i32
        %parallel_loop3A_602 = arith.constant 2 : i32
        %parallel_loop3A_603 = arith.index_cast %parallel_loop3A_601 : i32 to index
        %parallel_loop3A_604 = arith.index_cast %parallel_loop3A_602 : i32 to index
        %parallel_loop3A_605 = arith.index_cast %parallel_loop3A_398 : i32 to index
        %parallel_loop3A_606 = arith.constant 64 : index
        %parallel_loop3A_607 = tpu.vector_load %arg6[%parallel_loop3A_603, %parallel_loop3A_604, %parallel_loop3A_605, %parallel_loop3A_606] {strides = array<i32>} : memref<2x4x16x384xf32, #tpu.memory_space<vmem>>, vector<16xf32>,
        %parallel_loop3A_608 = arith.constant 0 : i32
        %parallel_loop3A_609 = arith.constant 3 : i32
        %parallel_loop3A_610 = arith.index_cast %parallel_loop3A_608 : i32 to index
        %parallel_loop3A_611 = arith.index_cast %parallel_loop3A_609 : i32 to index
        %parallel_loop3A_612 = arith.index_cast %parallel_loop3A_398 : i32 to index
        %parallel_loop3A_613 = arith.constant 64 : index
        %parallel_loop3A_614 = tpu.vector_load %arg6[%parallel_loop3A_610, %parallel_loop3A_611, %parallel_loop3A_612, %parallel_loop3A_613] {strides = array<i32>} : memref<2x4x16x384xf32, #tpu.memory_space<vmem>>, vector<16xf32>,
        %parallel_loop3A_615 = arith.mulf %parallel_loop3A_593, %parallel_loop3A_426 : vector<16xf32>
        %parallel_loop3A_616 = arith.mulf %parallel_loop3A_600, %parallel_loop3A_422 : vector<16xf32>
        %parallel_loop3A_617 = arith.addf %parallel_loop3A_615, %parallel_loop3A_616 : vector<16xf32>
        %parallel_loop3A_618 = arith.mulf %parallel_loop3A_607, %parallel_loop3A_421 : vector<16xf32>
        %parallel_loop3A_619 = arith.mulf %parallel_loop3A_614, %parallel_loop3A_420 : vector<16xf32>
        %parallel_loop3A_620 = arith.addf %parallel_loop3A_618, %parallel_loop3A_619 : vector<16xf32>
        %parallel_loop3A_621 = arith.addf %parallel_loop3A_617, %parallel_loop3A_620 : vector<16xf32>
        %parallel_loop3A_622 = arith.constant 0 : i32
        %parallel_loop3A_623 = arith.index_cast %parallel_loop3A_622 : i32 to index
        %parallel_loop3A_624 = arith.index_cast %parallel_loop3A_398 : i32 to index
        %parallel_loop3A_625 = arith.constant 64 : index
        %parallel_loop3A_626 = tpu.vector_load %arg7[%parallel_loop3A_623, %parallel_loop3A_624, %parallel_loop3A_625] {strides = array<i32>} : memref<2x16x384xf32, #tpu.memory_space<vmem>>, vector<16xf32>,
        tpu.vector_store %arg7[%parallel_loop3A_623, %parallel_loop3A_624, %parallel_loop3A_625], %parallel_loop3A_621 {strides = array<i32>} : memref<2x16x384xf32, #tpu.memory_space<vmem>>, vector<16xf32>,
        %parallel_loop3A_627 = arith.constant 0 : i32
        %parallel_loop3A_628 = arith.constant 0 : i32
        %parallel_loop3A_629 = arith.index_cast %parallel_loop3A_627 : i32 to index
        %parallel_loop3A_630 = arith.index_cast %parallel_loop3A_628 : i32 to index
        %parallel_loop3A_631 = arith.index_cast %parallel_loop3A_398 : i32 to index
        %parallel_loop3A_632 = arith.constant 80 : index
        %parallel_loop3A_633 = tpu.vector_load %arg6[%parallel_loop3A_629, %parallel_loop3A_630, %parallel_loop3A_631, %parallel_loop3A_632] {strides = array<i32>} : memref<2x4x16x384xf32, #tpu.memory_space<vmem>>, vector<16xf32>,
        %parallel_loop3A_634 = arith.constant 0 : i32
        %parallel_loop3A_635 = arith.constant 1 : i32
        %parallel_loop3A_636 = arith.index_cast %parallel_loop3A_634 : i32 to index
        %parallel_loop3A_637 = arith.index_cast %parallel_loop3A_635 : i32 to index
        %parallel_loop3A_638 = arith.index_cast %parallel_loop3A_398 : i32 to index
        %parallel_loop3A_639 = arith.constant 80 : index
        %parallel_loop3A_640 = tpu.vector_load %arg6[%parallel_loop3A_636, %parallel_loop3A_637, %parallel_loop3A_638, %parallel_loop3A_639] {strides = array<i32>} : memref<2x4x16x384xf32, #tpu.memory_space<vmem>>, vector<16xf32>,
        %parallel_loop3A_641 = arith.constant 0 : i32
        %parallel_loop3A_642 = arith.constant 2 : i32
        %parallel_loop3A_643 = arith.index_cast %parallel_loop3A_641 : i32 to index
        %parallel_loop3A_644 = arith.index_cast %parallel_loop3A_642 : i32 to index
        %parallel_loop3A_645 = arith.index_cast %parallel_loop3A_398 : i32 to index
        %parallel_loop3A_646 = arith.constant 80 : index
        %parallel_loop3A_647 = tpu.vector_load %arg6[%parallel_loop3A_643, %parallel_loop3A_644, %parallel_loop3A_645, %parallel_loop3A_646] {strides = array<i32>} : memref<2x4x16x384xf32, #tpu.memory_space<vmem>>, vector<16xf32>,
        %parallel_loop3A_648 = arith.constant 0 : i32
        %parallel_loop3A_649 = arith.constant 3 : i32
        %parallel_loop3A_650 = arith.index_cast %parallel_loop3A_648 : i32 to index
        %parallel_loop3A_651 = arith.index_cast %parallel_loop3A_649 : i32 to index
        %parallel_loop3A_652 = arith.index_cast %parallel_loop3A_398 : i32 to index
        %parallel_loop3A_653 = arith.constant 80 : index
        %parallel_loop3A_654 = tpu.vector_load %arg6[%parallel_loop3A_650, %parallel_loop3A_651, %parallel_loop3A_652, %parallel_loop3A_653] {strides = array<i32>} : memref<2x4x16x384xf32, #tpu.memory_space<vmem>>, vector<16xf32>,
        %parallel_loop3A_655 = arith.mulf %parallel_loop3A_633, %parallel_loop3A_426 : vector<16xf32>
        %parallel_loop3A_656 = arith.mulf %parallel_loop3A_640, %parallel_loop3A_422 : vector<16xf32>
        %parallel_loop3A_657 = arith.addf %parallel_loop3A_655, %parallel_loop3A_656 : vector<16xf32>
        %parallel_loop3A_658 = arith.mulf %parallel_loop3A_647, %parallel_loop3A_421 : vector<16xf32>
        %parallel_loop3A_659 = arith.mulf %parallel_loop3A_654, %parallel_loop3A_420 : vector<16xf32>
        %parallel_loop3A_660 = arith.addf %parallel_loop3A_658, %parallel_loop3A_659 : vector<16xf32>
        %parallel_loop3A_661 = arith.addf %parallel_loop3A_657, %parallel_loop3A_660 : vector<16xf32>
        %parallel_loop3A_662 = arith.constant 0 : i32
        %parallel_loop3A_663 = arith.index_cast %parallel_loop3A_662 : i32 to index
        %parallel_loop3A_664 = arith.index_cast %parallel_loop3A_398 : i32 to index
        %parallel_loop3A_665 = arith.constant 80 : index
        %parallel_loop3A_666 = tpu.vector_load %arg7[%parallel_loop3A_663, %parallel_loop3A_664, %parallel_loop3A_665] {strides = array<i32>} : memref<2x16x384xf32, #tpu.memory_space<vmem>>, vector<16xf32>,
        tpu.vector_store %arg7[%parallel_loop3A_663, %parallel_loop3A_664, %parallel_loop3A_665], %parallel_loop3A_661 {strides = array<i32>} : memref<2x16x384xf32, #tpu.memory_space<vmem>>, vector<16xf32>,
        %parallel_loop3A_667 = arith.constant 0 : i32
        %parallel_loop3A_668 = arith.constant 0 : i32
        %parallel_loop3A_669 = arith.index_cast %parallel_loop3A_667 : i32 to index
        %parallel_loop3A_670 = arith.index_cast %parallel_loop3A_668 : i32 to index
        %parallel_loop3A_671 = arith.index_cast %parallel_loop3A_398 : i32 to index
        %parallel_loop3A_672 = arith.constant 96 : index
        %parallel_loop3A_673 = tpu.vector_load %arg6[%parallel_loop3A_669, %parallel_loop3A_670, %parallel_loop3A_671, %parallel_loop3A_672] {strides = array<i32>} : memref<2x4x16x384xf32, #tpu.memory_space<vmem>>, vector<16xf32>,
        %parallel_loop3A_674 = arith.constant 0 : i32
        %parallel_loop3A_675 = arith.constant 1 : i32
        %parallel_loop3A_676 = arith.index_cast %parallel_loop3A_674 : i32 to index
        %parallel_loop3A_677 = arith.index_cast %parallel_loop3A_675 : i32 to index
        %parallel_loop3A_678 = arith.index_cast %parallel_loop3A_398 : i32 to index
        %parallel_loop3A_679 = arith.constant 96 : index
        %parallel_loop3A_680 = tpu.vector_load %arg6[%parallel_loop3A_676, %parallel_loop3A_677, %parallel_loop3A_678, %parallel_loop3A_679] {strides = array<i32>} : memref<2x4x16x384xf32, #tpu.memory_space<vmem>>, vector<16xf32>,
        %parallel_loop3A_681 = arith.constant 0 : i32
        %parallel_loop3A_682 = arith.constant 2 : i32
        %parallel_loop3A_683 = arith.index_cast %parallel_loop3A_681 : i32 to index
        %parallel_loop3A_684 = arith.index_cast %parallel_loop3A_682 : i32 to index
        %parallel_loop3A_685 = arith.index_cast %parallel_loop3A_398 : i32 to index
        %parallel_loop3A_686 = arith.constant 96 : index
        %parallel_loop3A_687 = tpu.vector_load %arg6[%parallel_loop3A_683, %parallel_loop3A_684, %parallel_loop3A_685, %parallel_loop3A_686] {strides = array<i32>} : memref<2x4x16x384xf32, #tpu.memory_space<vmem>>, vector<16xf32>,
        %parallel_loop3A_688 = arith.constant 0 : i32
        %parallel_loop3A_689 = arith.constant 3 : i32
        %parallel_loop3A_690 = arith.index_cast %parallel_loop3A_688 : i32 to index
        %parallel_loop3A_691 = arith.index_cast %parallel_loop3A_689 : i32 to index
        %parallel_loop3A_692 = arith.index_cast %parallel_loop3A_398 : i32 to index
        %parallel_loop3A_693 = arith.constant 96 : index
        %parallel_loop3A_694 = tpu.vector_load %arg6[%parallel_loop3A_690, %parallel_loop3A_691, %parallel_loop3A_692, %parallel_loop3A_693] {strides = array<i32>} : memref<2x4x16x384xf32, #tpu.memory_space<vmem>>, vector<16xf32>,
        %parallel_loop3A_695 = arith.mulf %parallel_loop3A_673, %parallel_loop3A_426 : vector<16xf32>
        %parallel_loop3A_696 = arith.mulf %parallel_loop3A_680, %parallel_loop3A_422 : vector<16xf32>
        %parallel_loop3A_697 = arith.addf %parallel_loop3A_695, %parallel_loop3A_696 : vector<16xf32>
        %parallel_loop3A_698 = arith.mulf %parallel_loop3A_687, %parallel_loop3A_421 : vector<16xf32>
        %parallel_loop3A_699 = arith.mulf %parallel_loop3A_694, %parallel_loop3A_420 : vector<16xf32>
        %parallel_loop3A_700 = arith.addf %parallel_loop3A_698, %parallel_loop3A_699 : vector<16xf32>
        %parallel_loop3A_701 = arith.addf %parallel_loop3A_697, %parallel_loop3A_700 : vector<16xf32>
        %parallel_loop3A_702 = arith.constant 0 : i32
        %parallel_loop3A_703 = arith.index_cast %parallel_loop3A_702 : i32 to index
        %parallel_loop3A_704 = arith.index_cast %parallel_loop3A_398 : i32 to index
        %parallel_loop3A_705 = arith.constant 96 : index
        %parallel_loop3A_706 = tpu.vector_load %arg7[%parallel_loop3A_703, %parallel_loop3A_704, %parallel_loop3A_705] {strides = array<i32>} : memref<2x16x384xf32, #tpu.memory_space<vmem>>, vector<16xf32>,
        tpu.vector_store %arg7[%parallel_loop3A_703, %parallel_loop3A_704, %parallel_loop3A_705], %parallel_loop3A_701 {strides = array<i32>} : memref<2x16x384xf32, #tpu.memory_space<vmem>>, vector<16xf32>,
        %parallel_loop3A_707 = arith.constant 0 : i32
        %parallel_loop3A_708 = arith.constant 0 : i32
        %parallel_loop3A_709 = arith.index_cast %parallel_loop3A_707 : i32 to index
        %parallel_loop3A_710 = arith.index_cast %parallel_loop3A_708 : i32 to index
        %parallel_loop3A_711 = arith.index_cast %parallel_loop3A_398 : i32 to index
        %parallel_loop3A_712 = arith.constant 112 : index
        %parallel_loop3A_713 = tpu.vector_load %arg6[%parallel_loop3A_709, %parallel_loop3A_710, %parallel_loop3A_711, %parallel_loop3A_712] {strides = array<i32>} : memref<2x4x16x384xf32, #tpu.memory_space<vmem>>, vector<16xf32>,
        %parallel_loop3A_714 = arith.constant 0 : i32
        %parallel_loop3A_715 = arith.constant 1 : i32
        %parallel_loop3A_716 = arith.index_cast %parallel_loop3A_714 : i32 to index
        %parallel_loop3A_717 = arith.index_cast %parallel_loop3A_715 : i32 to index
        %parallel_loop3A_718 = arith.index_cast %parallel_loop3A_398 : i32 to index
        %parallel_loop3A_719 = arith.constant 112 : index
        %parallel_loop3A_720 = tpu.vector_load %arg6[%parallel_loop3A_716, %parallel_loop3A_717, %parallel_loop3A_718, %parallel_loop3A_719] {strides = array<i32>} : memref<2x4x16x384xf32, #tpu.memory_space<vmem>>, vector<16xf32>,
        %parallel_loop3A_721 = arith.constant 0 : i32
        %parallel_loop3A_722 = arith.constant 2 : i32
        %parallel_loop3A_723 = arith.index_cast %parallel_loop3A_721 : i32 to index
        %parallel_loop3A_724 = arith.index_cast %parallel_loop3A_722 : i32 to index
        %parallel_loop3A_725 = arith.index_cast %parallel_loop3A_398 : i32 to index
        %parallel_loop3A_726 = arith.constant 112 : index
        %parallel_loop3A_727 = tpu.vector_load %arg6[%parallel_loop3A_723, %parallel_loop3A_724, %parallel_loop3A_725, %parallel_loop3A_726] {strides = array<i32>} : memref<2x4x16x384xf32, #tpu.memory_space<vmem>>, vector<16xf32>,
        %parallel_loop3A_728 = arith.constant 0 : i32
        %parallel_loop3A_729 = arith.constant 3 : i32
        %parallel_loop3A_730 = arith.index_cast %parallel_loop3A_728 : i32 to index
        %parallel_loop3A_731 = arith.index_cast %parallel_loop3A_729 : i32 to index
        %parallel_loop3A_732 = arith.index_cast %parallel_loop3A_398 : i32 to index
        %parallel_loop3A_733 = arith.constant 112 : index
        %parallel_loop3A_734 = tpu.vector_load %arg6[%parallel_loop3A_730, %parallel_loop3A_731, %parallel_loop3A_732, %parallel_loop3A_733] {strides = array<i32>} : memref<2x4x16x384xf32, #tpu.memory_space<vmem>>, vector<16xf32>,
        %parallel_loop3A_735 = arith.mulf %parallel_loop3A_713, %parallel_loop3A_426 : vector<16xf32>
        %parallel_loop3A_736 = arith.mulf %parallel_loop3A_720, %parallel_loop3A_422 : vector<16xf32>
        %parallel_loop3A_737 = arith.addf %parallel_loop3A_735, %parallel_loop3A_736 : vector<16xf32>
        %parallel_loop3A_738 = arith.mulf %parallel_loop3A_727, %parallel_loop3A_421 : vector<16xf32>
        %parallel_loop3A_739 = arith.mulf %parallel_loop3A_734, %parallel_loop3A_420 : vector<16xf32>
        %parallel_loop3A_740 = arith.addf %parallel_loop3A_738, %parallel_loop3A_739 : vector<16xf32>
        %parallel_loop3A_741 = arith.addf %parallel_loop3A_737, %parallel_loop3A_740 : vector<16xf32>
        %parallel_loop3A_742 = arith.constant 0 : i32
        %parallel_loop3A_743 = arith.index_cast %parallel_loop3A_742 : i32 to index
        %parallel_loop3A_744 = arith.index_cast %parallel_loop3A_398 : i32 to index
        %parallel_loop3A_745 = arith.constant 112 : index
        %parallel_loop3A_746 = tpu.vector_load %arg7[%parallel_loop3A_743, %parallel_loop3A_744, %parallel_loop3A_745] {strides = array<i32>} : memref<2x16x384xf32, #tpu.memory_space<vmem>>, vector<16xf32>,
        tpu.vector_store %arg7[%parallel_loop3A_743, %parallel_loop3A_744, %parallel_loop3A_745], %parallel_loop3A_741 {strides = array<i32>} : memref<2x16x384xf32, #tpu.memory_space<vmem>>, vector<16xf32>,
        %parallel_loop3A_747 = arith.constant 0 : i32
        %parallel_loop3A_748 = arith.constant 0 : i32
        %parallel_loop3A_749 = arith.index_cast %parallel_loop3A_747 : i32 to index
        %parallel_loop3A_750 = arith.index_cast %parallel_loop3A_748 : i32 to index
        %parallel_loop3A_751 = arith.index_cast %parallel_loop3A_398 : i32 to index
        %parallel_loop3A_752 = arith.constant 128 : index
        %parallel_loop3A_753 = tpu.vector_load %arg6[%parallel_loop3A_749, %parallel_loop3A_750, %parallel_loop3A_751, %parallel_loop3A_752] {strides = array<i32>} : memref<2x4x16x384xf32, #tpu.memory_space<vmem>>, vector<16xf32>,
        %parallel_loop3A_754 = arith.constant 0 : i32
        %parallel_loop3A_755 = arith.constant 1 : i32
        %parallel_loop3A_756 = arith.index_cast %parallel_loop3A_754 : i32 to index
        %parallel_loop3A_757 = arith.index_cast %parallel_loop3A_755 : i32 to index
        %parallel_loop3A_758 = arith.index_cast %parallel_loop3A_398 : i32 to index
        %parallel_loop3A_759 = arith.constant 128 : index
        %parallel_loop3A_760 = tpu.vector_load %arg6[%parallel_loop3A_756, %parallel_loop3A_757, %parallel_loop3A_758, %parallel_loop3A_759] {strides = array<i32>} : memref<2x4x16x384xf32, #tpu.memory_space<vmem>>, vector<16xf32>,
        %parallel_loop3A_761 = arith.constant 0 : i32
        %parallel_loop3A_762 = arith.constant 2 : i32
        %parallel_loop3A_763 = arith.index_cast %parallel_loop3A_761 : i32 to index
        %parallel_loop3A_764 = arith.index_cast %parallel_loop3A_762 : i32 to index
        %parallel_loop3A_765 = arith.index_cast %parallel_loop3A_398 : i32 to index
        %parallel_loop3A_766 = arith.constant 128 : index
        %parallel_loop3A_767 = tpu.vector_load %arg6[%parallel_loop3A_763, %parallel_loop3A_764, %parallel_loop3A_765, %parallel_loop3A_766] {strides = array<i32>} : memref<2x4x16x384xf32, #tpu.memory_space<vmem>>, vector<16xf32>,
        %parallel_loop3A_768 = arith.constant 0 : i32
        %parallel_loop3A_769 = arith.constant 3 : i32
        %parallel_loop3A_770 = arith.index_cast %parallel_loop3A_768 : i32 to index
        %parallel_loop3A_771 = arith.index_cast %parallel_loop3A_769 : i32 to index
        %parallel_loop3A_772 = arith.index_cast %parallel_loop3A_398 : i32 to index
        %parallel_loop3A_773 = arith.constant 128 : index
        %parallel_loop3A_774 = tpu.vector_load %arg6[%parallel_loop3A_770, %parallel_loop3A_771, %parallel_loop3A_772, %parallel_loop3A_773] {strides = array<i32>} : memref<2x4x16x384xf32, #tpu.memory_space<vmem>>, vector<16xf32>,
        %parallel_loop3A_775 = arith.mulf %parallel_loop3A_753, %parallel_loop3A_426 : vector<16xf32>
        %parallel_loop3A_776 = arith.mulf %parallel_loop3A_760, %parallel_loop3A_422 : vector<16xf32>
        %parallel_loop3A_777 = arith.addf %parallel_loop3A_775, %parallel_loop3A_776 : vector<16xf32>
        %parallel_loop3A_778 = arith.mulf %parallel_loop3A_767, %parallel_loop3A_421 : vector<16xf32>
        %parallel_loop3A_779 = arith.mulf %parallel_loop3A_774, %parallel_loop3A_420 : vector<16xf32>
        %parallel_loop3A_780 = arith.addf %parallel_loop3A_778, %parallel_loop3A_779 : vector<16xf32>
        %parallel_loop3A_781 = arith.addf %parallel_loop3A_777, %parallel_loop3A_780 : vector<16xf32>
        %parallel_loop3A_782 = arith.constant 0 : i32
        %parallel_loop3A_783 = arith.index_cast %parallel_loop3A_782 : i32 to index
        %parallel_loop3A_784 = arith.index_cast %parallel_loop3A_398 : i32 to index
        %parallel_loop3A_785 = arith.constant 128 : index
        %parallel_loop3A_786 = tpu.vector_load %arg7[%parallel_loop3A_783, %parallel_loop3A_784, %parallel_loop3A_785] {strides = array<i32>} : memref<2x16x384xf32, #tpu.memory_space<vmem>>, vector<16xf32>,
        tpu.vector_store %arg7[%parallel_loop3A_783, %parallel_loop3A_784, %parallel_loop3A_785], %parallel_loop3A_781 {strides = array<i32>} : memref<2x16x384xf32, #tpu.memory_space<vmem>>, vector<16xf32>,
        %parallel_loop3A_787 = arith.constant 0 : i32
        %parallel_loop3A_788 = arith.constant 0 : i32
        %parallel_loop3A_789 = arith.index_cast %parallel_loop3A_787 : i32 to index
        %parallel_loop3A_790 = arith.index_cast %parallel_loop3A_788 : i32 to index
        %parallel_loop3A_791 = arith.index_cast %parallel_loop3A_398 : i32 to index
        %parallel_loop3A_792 = arith.constant 144 : index
        %parallel_loop3A_793 = tpu.vector_load %arg6[%parallel_loop3A_789, %parallel_loop3A_790, %parallel_loop3A_791, %parallel_loop3A_792] {strides = array<i32>} : memref<2x4x16x384xf32, #tpu.memory_space<vmem>>, vector<16xf32>,
        %parallel_loop3A_794 = arith.constant 0 : i32
        %parallel_loop3A_795 = arith.constant 1 : i32
        %parallel_loop3A_796 = arith.index_cast %parallel_loop3A_794 : i32 to index
        %parallel_loop3A_797 = arith.index_cast %parallel_loop3A_795 : i32 to index
        %parallel_loop3A_798 = arith.index_cast %parallel_loop3A_398 : i32 to index
        %parallel_loop3A_799 = arith.constant 144 : index
        %parallel_loop3A_800 = tpu.vector_load %arg6[%parallel_loop3A_796, %parallel_loop3A_797, %parallel_loop3A_798, %parallel_loop3A_799] {strides = array<i32>} : memref<2x4x16x384xf32, #tpu.memory_space<vmem>>, vector<16xf32>,
        %parallel_loop3A_801 = arith.constant 0 : i32
        %parallel_loop3A_802 = arith.constant 2 : i32
        %parallel_loop3A_803 = arith.index_cast %parallel_loop3A_801 : i32 to index
        %parallel_loop3A_804 = arith.index_cast %parallel_loop3A_802 : i32 to index
        %parallel_loop3A_805 = arith.index_cast %parallel_loop3A_398 : i32 to index
        %parallel_loop3A_806 = arith.constant 144 : index
        %parallel_loop3A_807 = tpu.vector_load %arg6[%parallel_loop3A_803, %parallel_loop3A_804, %parallel_loop3A_805, %parallel_loop3A_806] {strides = array<i32>} : memref<2x4x16x384xf32, #tpu.memory_space<vmem>>, vector<16xf32>,
        %parallel_loop3A_808 = arith.constant 0 : i32
        %parallel_loop3A_809 = arith.constant 3 : i32
        %parallel_loop3A_810 = arith.index_cast %parallel_loop3A_808 : i32 to index
        %parallel_loop3A_811 = arith.index_cast %parallel_loop3A_809 : i32 to index
        %parallel_loop3A_812 = arith.index_cast %parallel_loop3A_398 : i32 to index
        %parallel_loop3A_813 = arith.constant 144 : index
        %parallel_loop3A_814 = tpu.vector_load %arg6[%parallel_loop3A_810, %parallel_loop3A_811, %parallel_loop3A_812, %parallel_loop3A_813] {strides = array<i32>} : memref<2x4x16x384xf32, #tpu.memory_space<vmem>>, vector<16xf32>,
        %parallel_loop3A_815 = arith.mulf %parallel_loop3A_793, %parallel_loop3A_426 : vector<16xf32>
        %parallel_loop3A_816 = arith.mulf %parallel_loop3A_800, %parallel_loop3A_422 : vector<16xf32>
        %parallel_loop3A_817 = arith.addf %parallel_loop3A_815, %parallel_loop3A_816 : vector<16xf32>
        %parallel_loop3A_818 = arith.mulf %parallel_loop3A_807, %parallel_loop3A_421 : vector<16xf32>
        %parallel_loop3A_819 = arith.mulf %parallel_loop3A_814, %parallel_loop3A_420 : vector<16xf32>
        %parallel_loop3A_820 = arith.addf %parallel_loop3A_818, %parallel_loop3A_819 : vector<16xf32>
        %parallel_loop3A_821 = arith.addf %parallel_loop3A_817, %parallel_loop3A_820 : vector<16xf32>
        %parallel_loop3A_822 = arith.constant 0 : i32
        %parallel_loop3A_823 = arith.index_cast %parallel_loop3A_822 : i32 to index
        %parallel_loop3A_824 = arith.index_cast %parallel_loop3A_398 : i32 to index
        %parallel_loop3A_825 = arith.constant 144 : index
        %parallel_loop3A_826 = tpu.vector_load %arg7[%parallel_loop3A_823, %parallel_loop3A_824, %parallel_loop3A_825] {strides = array<i32>} : memref<2x16x384xf32, #tpu.memory_space<vmem>>, vector<16xf32>,
        tpu.vector_store %arg7[%parallel_loop3A_823, %parallel_loop3A_824, %parallel_loop3A_825], %parallel_loop3A_821 {strides = array<i32>} : memref<2x16x384xf32, #tpu.memory_space<vmem>>, vector<16xf32>,
        %parallel_loop3A_827 = arith.constant 0 : i32
        %parallel_loop3A_828 = arith.constant 0 : i32
        %parallel_loop3A_829 = arith.index_cast %parallel_loop3A_827 : i32 to index
        %parallel_loop3A_830 = arith.index_cast %parallel_loop3A_828 : i32 to index
        %parallel_loop3A_831 = arith.index_cast %parallel_loop3A_398 : i32 to index
        %parallel_loop3A_832 = arith.constant 160 : index
        %parallel_loop3A_833 = tpu.vector_load %arg6[%parallel_loop3A_829, %parallel_loop3A_830, %parallel_loop3A_831, %parallel_loop3A_832] {strides = array<i32>} : memref<2x4x16x384xf32, #tpu.memory_space<vmem>>, vector<16xf32>,
        %parallel_loop3A_834 = arith.constant 0 : i32
        %parallel_loop3A_835 = arith.constant 1 : i32
        %parallel_loop3A_836 = arith.index_cast %parallel_loop3A_834 : i32 to index
        %parallel_loop3A_837 = arith.index_cast %parallel_loop3A_835 : i32 to index
        %parallel_loop3A_838 = arith.index_cast %parallel_loop3A_398 : i32 to index
        %parallel_loop3A_839 = arith.constant 160 : index
        %parallel_loop3A_840 = tpu.vector_load %arg6[%parallel_loop3A_836, %parallel_loop3A_837, %parallel_loop3A_838, %parallel_loop3A_839] {strides = array<i32>} : memref<2x4x16x384xf32, #tpu.memory_space<vmem>>, vector<16xf32>,
        %parallel_loop3A_841 = arith.constant 0 : i32
        %parallel_loop3A_842 = arith.constant 2 : i32
        %parallel_loop3A_843 = arith.index_cast %parallel_loop3A_841 : i32 to index
        %parallel_loop3A_844 = arith.index_cast %parallel_loop3A_842 : i32 to index
        %parallel_loop3A_845 = arith.index_cast %parallel_loop3A_398 : i32 to index
        %parallel_loop3A_846 = arith.constant 160 : index
        %parallel_loop3A_847 = tpu.vector_load %arg6[%parallel_loop3A_843, %parallel_loop3A_844, %parallel_loop3A_845, %parallel_loop3A_846] {strides = array<i32>} : memref<2x4x16x384xf32, #tpu.memory_space<vmem>>, vector<16xf32>,
        %parallel_loop3A_848 = arith.constant 0 : i32
        %parallel_loop3A_849 = arith.constant 3 : i32
        %parallel_loop3A_850 = arith.index_cast %parallel_loop3A_848 : i32 to index
        %parallel_loop3A_851 = arith.index_cast %parallel_loop3A_849 : i32 to index
        %parallel_loop3A_852 = arith.index_cast %parallel_loop3A_398 : i32 to index
        %parallel_loop3A_853 = arith.constant 160 : index
        %parallel_loop3A_854 = tpu.vector_load %arg6[%parallel_loop3A_850, %parallel_loop3A_851, %parallel_loop3A_852, %parallel_loop3A_853] {strides = array<i32>} : memref<2x4x16x384xf32, #tpu.memory_space<vmem>>, vector<16xf32>,
        %parallel_loop3A_855 = arith.mulf %parallel_loop3A_833, %parallel_loop3A_426 : vector<16xf32>
        %parallel_loop3A_856 = arith.mulf %parallel_loop3A_840, %parallel_loop3A_422 : vector<16xf32>
        %parallel_loop3A_857 = arith.addf %parallel_loop3A_855, %parallel_loop3A_856 : vector<16xf32>
        %parallel_loop3A_858 = arith.mulf %parallel_loop3A_847, %parallel_loop3A_421 : vector<16xf32>
        %parallel_loop3A_859 = arith.mulf %parallel_loop3A_854, %parallel_loop3A_420 : vector<16xf32>
        %parallel_loop3A_860 = arith.addf %parallel_loop3A_858, %parallel_loop3A_859 : vector<16xf32>
        %parallel_loop3A_861 = arith.addf %parallel_loop3A_857, %parallel_loop3A_860 : vector<16xf32>
        %parallel_loop3A_862 = arith.constant 0 : i32
        %parallel_loop3A_863 = arith.index_cast %parallel_loop3A_862 : i32 to index
        %parallel_loop3A_864 = arith.index_cast %parallel_loop3A_398 : i32 to index
        %parallel_loop3A_865 = arith.constant 160 : index
        %parallel_loop3A_866 = tpu.vector_load %arg7[%parallel_loop3A_863, %parallel_loop3A_864, %parallel_loop3A_865] {strides = array<i32>} : memref<2x16x384xf32, #tpu.memory_space<vmem>>, vector<16xf32>,
        tpu.vector_store %arg7[%parallel_loop3A_863, %parallel_loop3A_864, %parallel_loop3A_865], %parallel_loop3A_861 {strides = array<i32>} : memref<2x16x384xf32, #tpu.memory_space<vmem>>, vector<16xf32>,
        %parallel_loop3A_867 = arith.constant 0 : i32
        %parallel_loop3A_868 = arith.constant 0 : i32
        %parallel_loop3A_869 = arith.index_cast %parallel_loop3A_867 : i32 to index
        %parallel_loop3A_870 = arith.index_cast %parallel_loop3A_868 : i32 to index
        %parallel_loop3A_871 = arith.index_cast %parallel_loop3A_398 : i32 to index
        %parallel_loop3A_872 = arith.constant 176 : index
        %parallel_loop3A_873 = tpu.vector_load %arg6[%parallel_loop3A_869, %parallel_loop3A_870, %parallel_loop3A_871, %parallel_loop3A_872] {strides = array<i32>} : memref<2x4x16x384xf32, #tpu.memory_space<vmem>>, vector<16xf32>,
        %parallel_loop3A_874 = arith.constant 0 : i32
        %parallel_loop3A_875 = arith.constant 1 : i32
        %parallel_loop3A_876 = arith.index_cast %parallel_loop3A_874 : i32 to index
        %parallel_loop3A_877 = arith.index_cast %parallel_loop3A_875 : i32 to index
        %parallel_loop3A_878 = arith.index_cast %parallel_loop3A_398 : i32 to index
        %parallel_loop3A_879 = arith.constant 176 : index
        %parallel_loop3A_880 = tpu.vector_load %arg6[%parallel_loop3A_876, %parallel_loop3A_877, %parallel_loop3A_878, %parallel_loop3A_879] {strides = array<i32>} : memref<2x4x16x384xf32, #tpu.memory_space<vmem>>, vector<16xf32>,
        %parallel_loop3A_881 = arith.constant 0 : i32
        %parallel_loop3A_882 = arith.constant 2 : i32
        %parallel_loop3A_883 = arith.index_cast %parallel_loop3A_881 : i32 to index
        %parallel_loop3A_884 = arith.index_cast %parallel_loop3A_882 : i32 to index
        %parallel_loop3A_885 = arith.index_cast %parallel_loop3A_398 : i32 to index
        %parallel_loop3A_886 = arith.constant 176 : index
        %parallel_loop3A_887 = tpu.vector_load %arg6[%parallel_loop3A_883, %parallel_loop3A_884, %parallel_loop3A_885, %parallel_loop3A_886] {strides = array<i32>} : memref<2x4x16x384xf32, #tpu.memory_space<vmem>>, vector<16xf32>,
        %parallel_loop3A_888 = arith.constant 0 : i32
        %parallel_loop3A_889 = arith.constant 3 : i32
        %parallel_loop3A_890 = arith.index_cast %parallel_loop3A_888 : i32 to index
        %parallel_loop3A_891 = arith.index_cast %parallel_loop3A_889 : i32 to index
        %parallel_loop3A_892 = arith.index_cast %parallel_loop3A_398 : i32 to index
        %parallel_loop3A_893 = arith.constant 176 : index
        %parallel_loop3A_894 = tpu.vector_load %arg6[%parallel_loop3A_890, %parallel_loop3A_891, %parallel_loop3A_892, %parallel_loop3A_893] {strides = array<i32>} : memref<2x4x16x384xf32, #tpu.memory_space<vmem>>, vector<16xf32>,
        %parallel_loop3A_895 = arith.mulf %parallel_loop3A_873, %parallel_loop3A_426 : vector<16xf32>
        %parallel_loop3A_896 = arith.mulf %parallel_loop3A_880, %parallel_loop3A_422 : vector<16xf32>
        %parallel_loop3A_897 = arith.addf %parallel_loop3A_895, %parallel_loop3A_896 : vector<16xf32>
        %parallel_loop3A_898 = arith.mulf %parallel_loop3A_887, %parallel_loop3A_421 : vector<16xf32>
        %parallel_loop3A_899 = arith.mulf %parallel_loop3A_894, %parallel_loop3A_420 : vector<16xf32>
        %parallel_loop3A_900 = arith.addf %parallel_loop3A_898, %parallel_loop3A_899 : vector<16xf32>
        %parallel_loop3A_901 = arith.addf %parallel_loop3A_897, %parallel_loop3A_900 : vector<16xf32>
        %parallel_loop3A_902 = arith.constant 0 : i32
        %parallel_loop3A_903 = arith.index_cast %parallel_loop3A_902 : i32 to index
        %parallel_loop3A_904 = arith.index_cast %parallel_loop3A_398 : i32 to index
        %parallel_loop3A_905 = arith.constant 176 : index
        %parallel_loop3A_906 = tpu.vector_load %arg7[%parallel_loop3A_903, %parallel_loop3A_904, %parallel_loop3A_905] {strides = array<i32>} : memref<2x16x384xf32, #tpu.memory_space<vmem>>, vector<16xf32>,
        tpu.vector_store %arg7[%parallel_loop3A_903, %parallel_loop3A_904, %parallel_loop3A_905], %parallel_loop3A_901 {strides = array<i32>} : memref<2x16x384xf32, #tpu.memory_space<vmem>>, vector<16xf32>,
        %parallel_loop3A_907 = arith.constant 0 : i32
        %parallel_loop3A_908 = arith.constant 0 : i32
        %parallel_loop3A_909 = arith.index_cast %parallel_loop3A_907 : i32 to index
        %parallel_loop3A_910 = arith.index_cast %parallel_loop3A_908 : i32 to index
        %parallel_loop3A_911 = arith.index_cast %parallel_loop3A_398 : i32 to index
        %parallel_loop3A_912 = arith.constant 192 : index
        %parallel_loop3A_913 = tpu.vector_load %arg6[%parallel_loop3A_909, %parallel_loop3A_910, %parallel_loop3A_911, %parallel_loop3A_912] {strides = array<i32>} : memref<2x4x16x384xf32, #tpu.memory_space<vmem>>, vector<16xf32>,
        %parallel_loop3A_914 = arith.constant 0 : i32
        %parallel_loop3A_915 = arith.constant 1 : i32
        %parallel_loop3A_916 = arith.index_cast %parallel_loop3A_914 : i32 to index
        %parallel_loop3A_917 = arith.index_cast %parallel_loop3A_915 : i32 to index
        %parallel_loop3A_918 = arith.index_cast %parallel_loop3A_398 : i32 to index
        %parallel_loop3A_919 = arith.constant 192 : index
        %parallel_loop3A_920 = tpu.vector_load %arg6[%parallel_loop3A_916, %parallel_loop3A_917, %parallel_loop3A_918, %parallel_loop3A_919] {strides = array<i32>} : memref<2x4x16x384xf32, #tpu.memory_space<vmem>>, vector<16xf32>,
        %parallel_loop3A_921 = arith.constant 0 : i32
        %parallel_loop3A_922 = arith.constant 2 : i32
        %parallel_loop3A_923 = arith.index_cast %parallel_loop3A_921 : i32 to index
        %parallel_loop3A_924 = arith.index_cast %parallel_loop3A_922 : i32 to index
        %parallel_loop3A_925 = arith.index_cast %parallel_loop3A_398 : i32 to index
        %parallel_loop3A_926 = arith.constant 192 : index
        %parallel_loop3A_927 = tpu.vector_load %arg6[%parallel_loop3A_923, %parallel_loop3A_924, %parallel_loop3A_925, %parallel_loop3A_926] {strides = array<i32>} : memref<2x4x16x384xf32, #tpu.memory_space<vmem>>, vector<16xf32>,
        %parallel_loop3A_928 = arith.constant 0 : i32
        %parallel_loop3A_929 = arith.constant 3 : i32
        %parallel_loop3A_930 = arith.index_cast %parallel_loop3A_928 : i32 to index
        %parallel_loop3A_931 = arith.index_cast %parallel_loop3A_929 : i32 to index
        %parallel_loop3A_932 = arith.index_cast %parallel_loop3A_398 : i32 to index
        %parallel_loop3A_933 = arith.constant 192 : index
        %parallel_loop3A_934 = tpu.vector_load %arg6[%parallel_loop3A_930, %parallel_loop3A_931, %parallel_loop3A_932, %parallel_loop3A_933] {strides = array<i32>} : memref<2x4x16x384xf32, #tpu.memory_space<vmem>>, vector<16xf32>,
        %parallel_loop3A_935 = arith.mulf %parallel_loop3A_913, %parallel_loop3A_426 : vector<16xf32>
        %parallel_loop3A_936 = arith.mulf %parallel_loop3A_920, %parallel_loop3A_422 : vector<16xf32>
        %parallel_loop3A_937 = arith.addf %parallel_loop3A_935, %parallel_loop3A_936 : vector<16xf32>
        %parallel_loop3A_938 = arith.mulf %parallel_loop3A_927, %parallel_loop3A_421 : vector<16xf32>
        %parallel_loop3A_939 = arith.mulf %parallel_loop3A_934, %parallel_loop3A_420 : vector<16xf32>
        %parallel_loop3A_940 = arith.addf %parallel_loop3A_938, %parallel_loop3A_939 : vector<16xf32>
        %parallel_loop3A_941 = arith.addf %parallel_loop3A_937, %parallel_loop3A_940 : vector<16xf32>
        %parallel_loop3A_942 = arith.constant 0 : i32
        %parallel_loop3A_943 = arith.index_cast %parallel_loop3A_942 : i32 to index
        %parallel_loop3A_944 = arith.index_cast %parallel_loop3A_398 : i32 to index
        %parallel_loop3A_945 = arith.constant 192 : index
        %parallel_loop3A_946 = tpu.vector_load %arg7[%parallel_loop3A_943, %parallel_loop3A_944, %parallel_loop3A_945] {strides = array<i32>} : memref<2x16x384xf32, #tpu.memory_space<vmem>>, vector<16xf32>,
        tpu.vector_store %arg7[%parallel_loop3A_943, %parallel_loop3A_944, %parallel_loop3A_945], %parallel_loop3A_941 {strides = array<i32>} : memref<2x16x384xf32, #tpu.memory_space<vmem>>, vector<16xf32>,
        %parallel_loop3A_947 = arith.constant 0 : i32
        %parallel_loop3A_948 = arith.constant 0 : i32
        %parallel_loop3A_949 = arith.index_cast %parallel_loop3A_947 : i32 to index
        %parallel_loop3A_950 = arith.index_cast %parallel_loop3A_948 : i32 to index
        %parallel_loop3A_951 = arith.index_cast %parallel_loop3A_398 : i32 to index
        %parallel_loop3A_952 = arith.constant 208 : index
        %parallel_loop3A_953 = tpu.vector_load %arg6[%parallel_loop3A_949, %parallel_loop3A_950, %parallel_loop3A_951, %parallel_loop3A_952] {strides = array<i32>} : memref<2x4x16x384xf32, #tpu.memory_space<vmem>>, vector<16xf32>,
        %parallel_loop3A_954 = arith.constant 0 : i32
        %parallel_loop3A_955 = arith.constant 1 : i32
        %parallel_loop3A_956 = arith.index_cast %parallel_loop3A_954 : i32 to index
        %parallel_loop3A_957 = arith.index_cast %parallel_loop3A_955 : i32 to index
        %parallel_loop3A_958 = arith.index_cast %parallel_loop3A_398 : i32 to index
        %parallel_loop3A_959 = arith.constant 208 : index
        %parallel_loop3A_960 = tpu.vector_load %arg6[%parallel_loop3A_956, %parallel_loop3A_957, %parallel_loop3A_958, %parallel_loop3A_959] {strides = array<i32>} : memref<2x4x16x384xf32, #tpu.memory_space<vmem>>, vector<16xf32>,
        %parallel_loop3A_961 = arith.constant 0 : i32
        %parallel_loop3A_962 = arith.constant 2 : i32
        %parallel_loop3A_963 = arith.index_cast %parallel_loop3A_961 : i32 to index
        %parallel_loop3A_964 = arith.index_cast %parallel_loop3A_962 : i32 to index
        %parallel_loop3A_965 = arith.index_cast %parallel_loop3A_398 : i32 to index
        %parallel_loop3A_966 = arith.constant 208 : index
        %parallel_loop3A_967 = tpu.vector_load %arg6[%parallel_loop3A_963, %parallel_loop3A_964, %parallel_loop3A_965, %parallel_loop3A_966] {strides = array<i32>} : memref<2x4x16x384xf32, #tpu.memory_space<vmem>>, vector<16xf32>,
        %parallel_loop3A_968 = arith.constant 0 : i32
        %parallel_loop3A_969 = arith.constant 3 : i32
        %parallel_loop3A_970 = arith.index_cast %parallel_loop3A_968 : i32 to index
        %parallel_loop3A_971 = arith.index_cast %parallel_loop3A_969 : i32 to index
        %parallel_loop3A_972 = arith.index_cast %parallel_loop3A_398 : i32 to index
        %parallel_loop3A_973 = arith.constant 208 : index
        %parallel_loop3A_974 = tpu.vector_load %arg6[%parallel_loop3A_970, %parallel_loop3A_971, %parallel_loop3A_972, %parallel_loop3A_973] {strides = array<i32>} : memref<2x4x16x384xf32, #tpu.memory_space<vmem>>, vector<16xf32>,
        %parallel_loop3A_975 = arith.mulf %parallel_loop3A_953, %parallel_loop3A_426 : vector<16xf32>
        %parallel_loop3A_976 = arith.mulf %parallel_loop3A_960, %parallel_loop3A_422 : vector<16xf32>
        %parallel_loop3A_977 = arith.addf %parallel_loop3A_975, %parallel_loop3A_976 : vector<16xf32>
        %parallel_loop3A_978 = arith.mulf %parallel_loop3A_967, %parallel_loop3A_421 : vector<16xf32>
        %parallel_loop3A_979 = arith.mulf %parallel_loop3A_974, %parallel_loop3A_420 : vector<16xf32>
        %parallel_loop3A_980 = arith.addf %parallel_loop3A_978, %parallel_loop3A_979 : vector<16xf32>
        %parallel_loop3A_981 = arith.addf %parallel_loop3A_977, %parallel_loop3A_980 : vector<16xf32>
        %parallel_loop3A_982 = arith.constant 0 : i32
        %parallel_loop3A_983 = arith.index_cast %parallel_loop3A_982 : i32 to index
        %parallel_loop3A_984 = arith.index_cast %parallel_loop3A_398 : i32 to index
        %parallel_loop3A_985 = arith.constant 208 : index
        %parallel_loop3A_986 = tpu.vector_load %arg7[%parallel_loop3A_983, %parallel_loop3A_984, %parallel_loop3A_985] {strides = array<i32>} : memref<2x16x384xf32, #tpu.memory_space<vmem>>, vector<16xf32>,
        tpu.vector_store %arg7[%parallel_loop3A_983, %parallel_loop3A_984, %parallel_loop3A_985], %parallel_loop3A_981 {strides = array<i32>} : memref<2x16x384xf32, #tpu.memory_space<vmem>>, vector<16xf32>,
        %parallel_loop3A_987 = arith.constant 0 : i32
        %parallel_loop3A_988 = arith.constant 0 : i32
        %parallel_loop3A_989 = arith.index_cast %parallel_loop3A_987 : i32 to index
        %parallel_loop3A_990 = arith.index_cast %parallel_loop3A_988 : i32 to index
        %parallel_loop3A_991 = arith.index_cast %parallel_loop3A_398 : i32 to index
        %parallel_loop3A_992 = arith.constant 224 : index
        %parallel_loop3A_993 = tpu.vector_load %arg6[%parallel_loop3A_989, %parallel_loop3A_990, %parallel_loop3A_991, %parallel_loop3A_992] {strides = array<i32>} : memref<2x4x16x384xf32, #tpu.memory_space<vmem>>, vector<16xf32>,
        %parallel_loop3A_994 = arith.constant 0 : i32
        %parallel_loop3A_995 = arith.constant 1 : i32
        %parallel_loop3A_996 = arith.index_cast %parallel_loop3A_994 : i32 to index
        %parallel_loop3A_997 = arith.index_cast %parallel_loop3A_995 : i32 to index
        %parallel_loop3A_998 = arith.index_cast %parallel_loop3A_398 : i32 to index
        %parallel_loop3A_999 = arith.constant 224 : index
        %parallel_loop3A_1000 = tpu.vector_load %arg6[%parallel_loop3A_996, %parallel_loop3A_997, %parallel_loop3A_998, %parallel_loop3A_999] {strides = array<i32>} : memref<2x4x16x384xf32, #tpu.memory_space<vmem>>, vector<16xf32>,
        %parallel_loop3A_1001 = arith.constant 0 : i32
        %parallel_loop3A_1002 = arith.constant 2 : i32
        %parallel_loop3A_1003 = arith.index_cast %parallel_loop3A_1001 : i32 to index
        %parallel_loop3A_1004 = arith.index_cast %parallel_loop3A_1002 : i32 to index
        %parallel_loop3A_1005 = arith.index_cast %parallel_loop3A_398 : i32 to index
        %parallel_loop3A_1006 = arith.constant 224 : index
        %parallel_loop3A_1007 = tpu.vector_load %arg6[%parallel_loop3A_1003, %parallel_loop3A_1004, %parallel_loop3A_1005, %parallel_loop3A_1006] {strides = array<i32>} : memref<2x4x16x384xf32, #tpu.memory_space<vmem>>, vector<16xf32>,
        %parallel_loop3A_1008 = arith.constant 0 : i32
        %parallel_loop3A_1009 = arith.constant 3 : i32
        %parallel_loop3A_1010 = arith.index_cast %parallel_loop3A_1008 : i32 to index
        %parallel_loop3A_1011 = arith.index_cast %parallel_loop3A_1009 : i32 to index
        %parallel_loop3A_1012 = arith.index_cast %parallel_loop3A_398 : i32 to index
        %parallel_loop3A_1013 = arith.constant 224 : index
        %parallel_loop3A_1014 = tpu.vector_load %arg6[%parallel_loop3A_1010, %parallel_loop3A_1011, %parallel_loop3A_1012, %parallel_loop3A_1013] {strides = array<i32>} : memref<2x4x16x384xf32, #tpu.memory_space<vmem>>, vector<16xf32>,
        %parallel_loop3A_1015 = arith.mulf %parallel_loop3A_993, %parallel_loop3A_426 : vector<16xf32>
        %parallel_loop3A_1016 = arith.mulf %parallel_loop3A_1000, %parallel_loop3A_422 : vector<16xf32>
        %parallel_loop3A_1017 = arith.addf %parallel_loop3A_1015, %parallel_loop3A_1016 : vector<16xf32>
        %parallel_loop3A_1018 = arith.mulf %parallel_loop3A_1007, %parallel_loop3A_421 : vector<16xf32>
        %parallel_loop3A_1019 = arith.mulf %parallel_loop3A_1014, %parallel_loop3A_420 : vector<16xf32>
        %parallel_loop3A_1020 = arith.addf %parallel_loop3A_1018, %parallel_loop3A_1019 : vector<16xf32>
        %parallel_loop3A_1021 = arith.addf %parallel_loop3A_1017, %parallel_loop3A_1020 : vector<16xf32>
        %parallel_loop3A_1022 = arith.constant 0 : i32
        %parallel_loop3A_1023 = arith.index_cast %parallel_loop3A_1022 : i32 to index
        %parallel_loop3A_1024 = arith.index_cast %parallel_loop3A_398 : i32 to index
        %parallel_loop3A_1025 = arith.constant 224 : index
        %parallel_loop3A_1026 = tpu.vector_load %arg7[%parallel_loop3A_1023, %parallel_loop3A_1024, %parallel_loop3A_1025] {strides = array<i32>} : memref<2x16x384xf32, #tpu.memory_space<vmem>>, vector<16xf32>,
        tpu.vector_store %arg7[%parallel_loop3A_1023, %parallel_loop3A_1024, %parallel_loop3A_1025], %parallel_loop3A_1021 {strides = array<i32>} : memref<2x16x384xf32, #tpu.memory_space<vmem>>, vector<16xf32>,
        %parallel_loop3A_1027 = arith.constant 0 : i32
        %parallel_loop3A_1028 = arith.constant 0 : i32
        %parallel_loop3A_1029 = arith.index_cast %parallel_loop3A_1027 : i32 to index
        %parallel_loop3A_1030 = arith.index_cast %parallel_loop3A_1028 : i32 to index
        %parallel_loop3A_1031 = arith.index_cast %parallel_loop3A_398 : i32 to index
        %parallel_loop3A_1032 = arith.constant 240 : index
        %parallel_loop3A_1033 = tpu.vector_load %arg6[%parallel_loop3A_1029, %parallel_loop3A_1030, %parallel_loop3A_1031, %parallel_loop3A_1032] {strides = array<i32>} : memref<2x4x16x384xf32, #tpu.memory_space<vmem>>, vector<16xf32>,
        %parallel_loop3A_1034 = arith.constant 0 : i32
        %parallel_loop3A_1035 = arith.constant 1 : i32
        %parallel_loop3A_1036 = arith.index_cast %parallel_loop3A_1034 : i32 to index
        %parallel_loop3A_1037 = arith.index_cast %parallel_loop3A_1035 : i32 to index
        %parallel_loop3A_1038 = arith.index_cast %parallel_loop3A_398 : i32 to index
        %parallel_loop3A_1039 = arith.constant 240 : index
        %parallel_loop3A_1040 = tpu.vector_load %arg6[%parallel_loop3A_1036, %parallel_loop3A_1037, %parallel_loop3A_1038, %parallel_loop3A_1039] {strides = array<i32>} : memref<2x4x16x384xf32, #tpu.memory_space<vmem>>, vector<16xf32>,
        %parallel_loop3A_1041 = arith.constant 0 : i32
        %parallel_loop3A_1042 = arith.constant 2 : i32
        %parallel_loop3A_1043 = arith.index_cast %parallel_loop3A_1041 : i32 to index
        %parallel_loop3A_1044 = arith.index_cast %parallel_loop3A_1042 : i32 to index
        %parallel_loop3A_1045 = arith.index_cast %parallel_loop3A_398 : i32 to index
        %parallel_loop3A_1046 = arith.constant 240 : index
        %parallel_loop3A_1047 = tpu.vector_load %arg6[%parallel_loop3A_1043, %parallel_loop3A_1044, %parallel_loop3A_1045, %parallel_loop3A_1046] {strides = array<i32>} : memref<2x4x16x384xf32, #tpu.memory_space<vmem>>, vector<16xf32>,
        %parallel_loop3A_1048 = arith.constant 0 : i32
        %parallel_loop3A_1049 = arith.constant 3 : i32
        %parallel_loop3A_1050 = arith.index_cast %parallel_loop3A_1048 : i32 to index
        %parallel_loop3A_1051 = arith.index_cast %parallel_loop3A_1049 : i32 to index
        %parallel_loop3A_1052 = arith.index_cast %parallel_loop3A_398 : i32 to index
        %parallel_loop3A_1053 = arith.constant 240 : index
        %parallel_loop3A_1054 = tpu.vector_load %arg6[%parallel_loop3A_1050, %parallel_loop3A_1051, %parallel_loop3A_1052, %parallel_loop3A_1053] {strides = array<i32>} : memref<2x4x16x384xf32, #tpu.memory_space<vmem>>, vector<16xf32>,
        %parallel_loop3A_1055 = arith.mulf %parallel_loop3A_1033, %parallel_loop3A_426 : vector<16xf32>
        %parallel_loop3A_1056 = arith.mulf %parallel_loop3A_1040, %parallel_loop3A_422 : vector<16xf32>
        %parallel_loop3A_1057 = arith.addf %parallel_loop3A_1055, %parallel_loop3A_1056 : vector<16xf32>
        %parallel_loop3A_1058 = arith.mulf %parallel_loop3A_1047, %parallel_loop3A_421 : vector<16xf32>
        %parallel_loop3A_1059 = arith.mulf %parallel_loop3A_1054, %parallel_loop3A_420 : vector<16xf32>
        %parallel_loop3A_1060 = arith.addf %parallel_loop3A_1058, %parallel_loop3A_1059 : vector<16xf32>
        %parallel_loop3A_1061 = arith.addf %parallel_loop3A_1057, %parallel_loop3A_1060 : vector<16xf32>
        %parallel_loop3A_1062 = arith.constant 0 : i32
        %parallel_loop3A_1063 = arith.index_cast %parallel_loop3A_1062 : i32 to index
        %parallel_loop3A_1064 = arith.index_cast %parallel_loop3A_398 : i32 to index
        %parallel_loop3A_1065 = arith.constant 240 : index
        %parallel_loop3A_1066 = tpu.vector_load %arg7[%parallel_loop3A_1063, %parallel_loop3A_1064, %parallel_loop3A_1065] {strides = array<i32>} : memref<2x16x384xf32, #tpu.memory_space<vmem>>, vector<16xf32>,
        tpu.vector_store %arg7[%parallel_loop3A_1063, %parallel_loop3A_1064, %parallel_loop3A_1065], %parallel_loop3A_1061 {strides = array<i32>} : memref<2x16x384xf32, #tpu.memory_space<vmem>>, vector<16xf32>,
        %parallel_loop3A_1067 = arith.constant 0 : i32
        %parallel_loop3A_1068 = arith.constant 0 : i32
        %parallel_loop3A_1069 = arith.index_cast %parallel_loop3A_1067 : i32 to index
        %parallel_loop3A_1070 = arith.index_cast %parallel_loop3A_1068 : i32 to index
        %parallel_loop3A_1071 = arith.index_cast %parallel_loop3A_398 : i32 to index
        %parallel_loop3A_1072 = arith.constant 256 : index
        %parallel_loop3A_1073 = tpu.vector_load %arg6[%parallel_loop3A_1069, %parallel_loop3A_1070, %parallel_loop3A_1071, %parallel_loop3A_1072] {strides = array<i32>} : memref<2x4x16x384xf32, #tpu.memory_space<vmem>>, vector<16xf32>,
        %parallel_loop3A_1074 = arith.constant 0 : i32
        %parallel_loop3A_1075 = arith.constant 1 : i32
        %parallel_loop3A_1076 = arith.index_cast %parallel_loop3A_1074 : i32 to index
        %parallel_loop3A_1077 = arith.index_cast %parallel_loop3A_1075 : i32 to index
        %parallel_loop3A_1078 = arith.index_cast %parallel_loop3A_398 : i32 to index
        %parallel_loop3A_1079 = arith.constant 256 : index
        %parallel_loop3A_1080 = tpu.vector_load %arg6[%parallel_loop3A_1076, %parallel_loop3A_1077, %parallel_loop3A_1078, %parallel_loop3A_1079] {strides = array<i32>} : memref<2x4x16x384xf32, #tpu.memory_space<vmem>>, vector<16xf32>,
        %parallel_loop3A_1081 = arith.constant 0 : i32
        %parallel_loop3A_1082 = arith.constant 2 : i32
        %parallel_loop3A_1083 = arith.index_cast %parallel_loop3A_1081 : i32 to index
        %parallel_loop3A_1084 = arith.index_cast %parallel_loop3A_1082 : i32 to index
        %parallel_loop3A_1085 = arith.index_cast %parallel_loop3A_398 : i32 to index
        %parallel_loop3A_1086 = arith.constant 256 : index
        %parallel_loop3A_1087 = tpu.vector_load %arg6[%parallel_loop3A_1083, %parallel_loop3A_1084, %parallel_loop3A_1085, %parallel_loop3A_1086] {strides = array<i32>} : memref<2x4x16x384xf32, #tpu.memory_space<vmem>>, vector<16xf32>,
        %parallel_loop3A_1088 = arith.constant 0 : i32
        %parallel_loop3A_1089 = arith.constant 3 : i32
        %parallel_loop3A_1090 = arith.index_cast %parallel_loop3A_1088 : i32 to index
        %parallel_loop3A_1091 = arith.index_cast %parallel_loop3A_1089 : i32 to index
        %parallel_loop3A_1092 = arith.index_cast %parallel_loop3A_398 : i32 to index
        %parallel_loop3A_1093 = arith.constant 256 : index
        %parallel_loop3A_1094 = tpu.vector_load %arg6[%parallel_loop3A_1090, %parallel_loop3A_1091, %parallel_loop3A_1092, %parallel_loop3A_1093] {strides = array<i32>} : memref<2x4x16x384xf32, #tpu.memory_space<vmem>>, vector<16xf32>,
        %parallel_loop3A_1095 = arith.mulf %parallel_loop3A_1073, %parallel_loop3A_426 : vector<16xf32>
        %parallel_loop3A_1096 = arith.mulf %parallel_loop3A_1080, %parallel_loop3A_422 : vector<16xf32>
        %parallel_loop3A_1097 = arith.addf %parallel_loop3A_1095, %parallel_loop3A_1096 : vector<16xf32>
        %parallel_loop3A_1098 = arith.mulf %parallel_loop3A_1087, %parallel_loop3A_421 : vector<16xf32>
        %parallel_loop3A_1099 = arith.mulf %parallel_loop3A_1094, %parallel_loop3A_420 : vector<16xf32>
        %parallel_loop3A_1100 = arith.addf %parallel_loop3A_1098, %parallel_loop3A_1099 : vector<16xf32>
        %parallel_loop3A_1101 = arith.addf %parallel_loop3A_1097, %parallel_loop3A_1100 : vector<16xf32>
        %parallel_loop3A_1102 = arith.constant 0 : i32
        %parallel_loop3A_1103 = arith.index_cast %parallel_loop3A_1102 : i32 to index
        %parallel_loop3A_1104 = arith.index_cast %parallel_loop3A_398 : i32 to index
        %parallel_loop3A_1105 = arith.constant 256 : index
        %parallel_loop3A_1106 = tpu.vector_load %arg7[%parallel_loop3A_1103, %parallel_loop3A_1104, %parallel_loop3A_1105] {strides = array<i32>} : memref<2x16x384xf32, #tpu.memory_space<vmem>>, vector<16xf32>,
        tpu.vector_store %arg7[%parallel_loop3A_1103, %parallel_loop3A_1104, %parallel_loop3A_1105], %parallel_loop3A_1101 {strides = array<i32>} : memref<2x16x384xf32, #tpu.memory_space<vmem>>, vector<16xf32>,
        %parallel_loop3A_1107 = arith.constant 0 : i32
        %parallel_loop3A_1108 = arith.constant 0 : i32
        %parallel_loop3A_1109 = arith.index_cast %parallel_loop3A_1107 : i32 to index
        %parallel_loop3A_1110 = arith.index_cast %parallel_loop3A_1108 : i32 to index
        %parallel_loop3A_1111 = arith.index_cast %parallel_loop3A_398 : i32 to index
        %parallel_loop3A_1112 = arith.constant 272 : index
        %parallel_loop3A_1113 = tpu.vector_load %arg6[%parallel_loop3A_1109, %parallel_loop3A_1110, %parallel_loop3A_1111, %parallel_loop3A_1112] {strides = array<i32>} : memref<2x4x16x384xf32, #tpu.memory_space<vmem>>, vector<16xf32>,
        %parallel_loop3A_1114 = arith.constant 0 : i32
        %parallel_loop3A_1115 = arith.constant 1 : i32
        %parallel_loop3A_1116 = arith.index_cast %parallel_loop3A_1114 : i32 to index
        %parallel_loop3A_1117 = arith.index_cast %parallel_loop3A_1115 : i32 to index
        %parallel_loop3A_1118 = arith.index_cast %parallel_loop3A_398 : i32 to index
        %parallel_loop3A_1119 = arith.constant 272 : index
        %parallel_loop3A_1120 = tpu.vector_load %arg6[%parallel_loop3A_1116, %parallel_loop3A_1117, %parallel_loop3A_1118, %parallel_loop3A_1119] {strides = array<i32>} : memref<2x4x16x384xf32, #tpu.memory_space<vmem>>, vector<16xf32>,
        %parallel_loop3A_1121 = arith.constant 0 : i32
        %parallel_loop3A_1122 = arith.constant 2 : i32
        %parallel_loop3A_1123 = arith.index_cast %parallel_loop3A_1121 : i32 to index
        %parallel_loop3A_1124 = arith.index_cast %parallel_loop3A_1122 : i32 to index
        %parallel_loop3A_1125 = arith.index_cast %parallel_loop3A_398 : i32 to index
        %parallel_loop3A_1126 = arith.constant 272 : index
        %parallel_loop3A_1127 = tpu.vector_load %arg6[%parallel_loop3A_1123, %parallel_loop3A_1124, %parallel_loop3A_1125, %parallel_loop3A_1126] {strides = array<i32>} : memref<2x4x16x384xf32, #tpu.memory_space<vmem>>, vector<16xf32>,
        %parallel_loop3A_1128 = arith.constant 0 : i32
        %parallel_loop3A_1129 = arith.constant 3 : i32
        %parallel_loop3A_1130 = arith.index_cast %parallel_loop3A_1128 : i32 to index
        %parallel_loop3A_1131 = arith.index_cast %parallel_loop3A_1129 : i32 to index
        %parallel_loop3A_1132 = arith.index_cast %parallel_loop3A_398 : i32 to index
        %parallel_loop3A_1133 = arith.constant 272 : index
        %parallel_loop3A_1134 = tpu.vector_load %arg6[%parallel_loop3A_1130, %parallel_loop3A_1131, %parallel_loop3A_1132, %parallel_loop3A_1133] {strides = array<i32>} : memref<2x4x16x384xf32, #tpu.memory_space<vmem>>, vector<16xf32>,
        %parallel_loop3A_1135 = arith.mulf %parallel_loop3A_1113, %parallel_loop3A_426 : vector<16xf32>
        %parallel_loop3A_1136 = arith.mulf %parallel_loop3A_1120, %parallel_loop3A_422 : vector<16xf32>
        %parallel_loop3A_1137 = arith.addf %parallel_loop3A_1135, %parallel_loop3A_1136 : vector<16xf32>
        %parallel_loop3A_1138 = arith.mulf %parallel_loop3A_1127, %parallel_loop3A_421 : vector<16xf32>
        %parallel_loop3A_1139 = arith.mulf %parallel_loop3A_1134, %parallel_loop3A_420 : vector<16xf32>
        %parallel_loop3A_1140 = arith.addf %parallel_loop3A_1138, %parallel_loop3A_1139 : vector<16xf32>
        %parallel_loop3A_1141 = arith.addf %parallel_loop3A_1137, %parallel_loop3A_1140 : vector<16xf32>
        %parallel_loop3A_1142 = arith.constant 0 : i32
        %parallel_loop3A_1143 = arith.index_cast %parallel_loop3A_1142 : i32 to index
        %parallel_loop3A_1144 = arith.index_cast %parallel_loop3A_398 : i32 to index
        %parallel_loop3A_1145 = arith.constant 272 : index
        %parallel_loop3A_1146 = tpu.vector_load %arg7[%parallel_loop3A_1143, %parallel_loop3A_1144, %parallel_loop3A_1145] {strides = array<i32>} : memref<2x16x384xf32, #tpu.memory_space<vmem>>, vector<16xf32>,
        tpu.vector_store %arg7[%parallel_loop3A_1143, %parallel_loop3A_1144, %parallel_loop3A_1145], %parallel_loop3A_1141 {strides = array<i32>} : memref<2x16x384xf32, #tpu.memory_space<vmem>>, vector<16xf32>,
        %parallel_loop3A_1147 = arith.constant 0 : i32
        %parallel_loop3A_1148 = arith.constant 0 : i32
        %parallel_loop3A_1149 = arith.index_cast %parallel_loop3A_1147 : i32 to index
        %parallel_loop3A_1150 = arith.index_cast %parallel_loop3A_1148 : i32 to index
        %parallel_loop3A_1151 = arith.index_cast %parallel_loop3A_398 : i32 to index
        %parallel_loop3A_1152 = arith.constant 288 : index
        %parallel_loop3A_1153 = tpu.vector_load %arg6[%parallel_loop3A_1149, %parallel_loop3A_1150, %parallel_loop3A_1151, %parallel_loop3A_1152] {strides = array<i32>} : memref<2x4x16x384xf32, #tpu.memory_space<vmem>>, vector<16xf32>,
        %parallel_loop3A_1154 = arith.constant 0 : i32
        %parallel_loop3A_1155 = arith.constant 1 : i32
        %parallel_loop3A_1156 = arith.index_cast %parallel_loop3A_1154 : i32 to index
        %parallel_loop3A_1157 = arith.index_cast %parallel_loop3A_1155 : i32 to index
        %parallel_loop3A_1158 = arith.index_cast %parallel_loop3A_398 : i32 to index
        %parallel_loop3A_1159 = arith.constant 288 : index
        %parallel_loop3A_1160 = tpu.vector_load %arg6[%parallel_loop3A_1156, %parallel_loop3A_1157, %parallel_loop3A_1158, %parallel_loop3A_1159] {strides = array<i32>} : memref<2x4x16x384xf32, #tpu.memory_space<vmem>>, vector<16xf32>,
        %parallel_loop3A_1161 = arith.constant 0 : i32
        %parallel_loop3A_1162 = arith.constant 2 : i32
        %parallel_loop3A_1163 = arith.index_cast %parallel_loop3A_1161 : i32 to index
        %parallel_loop3A_1164 = arith.index_cast %parallel_loop3A_1162 : i32 to index
        %parallel_loop3A_1165 = arith.index_cast %parallel_loop3A_398 : i32 to index
        %parallel_loop3A_1166 = arith.constant 288 : index
        %parallel_loop3A_1167 = tpu.vector_load %arg6[%parallel_loop3A_1163, %parallel_loop3A_1164, %parallel_loop3A_1165, %parallel_loop3A_1166] {strides = array<i32>} : memref<2x4x16x384xf32, #tpu.memory_space<vmem>>, vector<16xf32>,
        %parallel_loop3A_1168 = arith.constant 0 : i32
        %parallel_loop3A_1169 = arith.constant 3 : i32
        %parallel_loop3A_1170 = arith.index_cast %parallel_loop3A_1168 : i32 to index
        %parallel_loop3A_1171 = arith.index_cast %parallel_loop3A_1169 : i32 to index
        %parallel_loop3A_1172 = arith.index_cast %parallel_loop3A_398 : i32 to index
        %parallel_loop3A_1173 = arith.constant 288 : index
        %parallel_loop3A_1174 = tpu.vector_load %arg6[%parallel_loop3A_1170, %parallel_loop3A_1171, %parallel_loop3A_1172, %parallel_loop3A_1173] {strides = array<i32>} : memref<2x4x16x384xf32, #tpu.memory_space<vmem>>, vector<16xf32>,
        %parallel_loop3A_1175 = arith.mulf %parallel_loop3A_1153, %parallel_loop3A_426 : vector<16xf32>
        %parallel_loop3A_1176 = arith.mulf %parallel_loop3A_1160, %parallel_loop3A_422 : vector<16xf32>
        %parallel_loop3A_1177 = arith.addf %parallel_loop3A_1175, %parallel_loop3A_1176 : vector<16xf32>
        %parallel_loop3A_1178 = arith.mulf %parallel_loop3A_1167, %parallel_loop3A_421 : vector<16xf32>
        %parallel_loop3A_1179 = arith.mulf %parallel_loop3A_1174, %parallel_loop3A_420 : vector<16xf32>
        %parallel_loop3A_1180 = arith.addf %parallel_loop3A_1178, %parallel_loop3A_1179 : vector<16xf32>
        %parallel_loop3A_1181 = arith.addf %parallel_loop3A_1177, %parallel_loop3A_1180 : vector<16xf32>
        %parallel_loop3A_1182 = arith.constant 0 : i32
        %parallel_loop3A_1183 = arith.index_cast %parallel_loop3A_1182 : i32 to index
        %parallel_loop3A_1184 = arith.index_cast %parallel_loop3A_398 : i32 to index
        %parallel_loop3A_1185 = arith.constant 288 : index
        %parallel_loop3A_1186 = tpu.vector_load %arg7[%parallel_loop3A_1183, %parallel_loop3A_1184, %parallel_loop3A_1185] {strides = array<i32>} : memref<2x16x384xf32, #tpu.memory_space<vmem>>, vector<16xf32>,
        tpu.vector_store %arg7[%parallel_loop3A_1183, %parallel_loop3A_1184, %parallel_loop3A_1185], %parallel_loop3A_1181 {strides = array<i32>} : memref<2x16x384xf32, #tpu.memory_space<vmem>>, vector<16xf32>,
        %parallel_loop3A_1187 = arith.constant 0 : i32
        %parallel_loop3A_1188 = arith.constant 0 : i32
        %parallel_loop3A_1189 = arith.index_cast %parallel_loop3A_1187 : i32 to index
        %parallel_loop3A_1190 = arith.index_cast %parallel_loop3A_1188 : i32 to index
        %parallel_loop3A_1191 = arith.index_cast %parallel_loop3A_398 : i32 to index
        %parallel_loop3A_1192 = arith.constant 304 : index
        %parallel_loop3A_1193 = tpu.vector_load %arg6[%parallel_loop3A_1189, %parallel_loop3A_1190, %parallel_loop3A_1191, %parallel_loop3A_1192] {strides = array<i32>} : memref<2x4x16x384xf32, #tpu.memory_space<vmem>>, vector<16xf32>,
        %parallel_loop3A_1194 = arith.constant 0 : i32
        %parallel_loop3A_1195 = arith.constant 1 : i32
        %parallel_loop3A_1196 = arith.index_cast %parallel_loop3A_1194 : i32 to index
        %parallel_loop3A_1197 = arith.index_cast %parallel_loop3A_1195 : i32 to index
        %parallel_loop3A_1198 = arith.index_cast %parallel_loop3A_398 : i32 to index
        %parallel_loop3A_1199 = arith.constant 304 : index
        %parallel_loop3A_1200 = tpu.vector_load %arg6[%parallel_loop3A_1196, %parallel_loop3A_1197, %parallel_loop3A_1198, %parallel_loop3A_1199] {strides = array<i32>} : memref<2x4x16x384xf32, #tpu.memory_space<vmem>>, vector<16xf32>,
        %parallel_loop3A_1201 = arith.constant 0 : i32
        %parallel_loop3A_1202 = arith.constant 2 : i32
        %parallel_loop3A_1203 = arith.index_cast %parallel_loop3A_1201 : i32 to index
        %parallel_loop3A_1204 = arith.index_cast %parallel_loop3A_1202 : i32 to index
        %parallel_loop3A_1205 = arith.index_cast %parallel_loop3A_398 : i32 to index
        %parallel_loop3A_1206 = arith.constant 304 : index
        %parallel_loop3A_1207 = tpu.vector_load %arg6[%parallel_loop3A_1203, %parallel_loop3A_1204, %parallel_loop3A_1205, %parallel_loop3A_1206] {strides = array<i32>} : memref<2x4x16x384xf32, #tpu.memory_space<vmem>>, vector<16xf32>,
        %parallel_loop3A_1208 = arith.constant 0 : i32
        %parallel_loop3A_1209 = arith.constant 3 : i32
        %parallel_loop3A_1210 = arith.index_cast %parallel_loop3A_1208 : i32 to index
        %parallel_loop3A_1211 = arith.index_cast %parallel_loop3A_1209 : i32 to index
        %parallel_loop3A_1212 = arith.index_cast %parallel_loop3A_398 : i32 to index
        %parallel_loop3A_1213 = arith.constant 304 : index
        %parallel_loop3A_1214 = tpu.vector_load %arg6[%parallel_loop3A_1210, %parallel_loop3A_1211, %parallel_loop3A_1212, %parallel_loop3A_1213] {strides = array<i32>} : memref<2x4x16x384xf32, #tpu.memory_space<vmem>>, vector<16xf32>,
        %parallel_loop3A_1215 = arith.mulf %parallel_loop3A_1193, %parallel_loop3A_426 : vector<16xf32>
        %parallel_loop3A_1216 = arith.mulf %parallel_loop3A_1200, %parallel_loop3A_422 : vector<16xf32>
        %parallel_loop3A_1217 = arith.addf %parallel_loop3A_1215, %parallel_loop3A_1216 : vector<16xf32>
        %parallel_loop3A_1218 = arith.mulf %parallel_loop3A_1207, %parallel_loop3A_421 : vector<16xf32>
        %parallel_loop3A_1219 = arith.mulf %parallel_loop3A_1214, %parallel_loop3A_420 : vector<16xf32>
        %parallel_loop3A_1220 = arith.addf %parallel_loop3A_1218, %parallel_loop3A_1219 : vector<16xf32>
        %parallel_loop3A_1221 = arith.addf %parallel_loop3A_1217, %parallel_loop3A_1220 : vector<16xf32>
        %parallel_loop3A_1222 = arith.constant 0 : i32
        %parallel_loop3A_1223 = arith.index_cast %parallel_loop3A_1222 : i32 to index
        %parallel_loop3A_1224 = arith.index_cast %parallel_loop3A_398 : i32 to index
        %parallel_loop3A_1225 = arith.constant 304 : index
        %parallel_loop3A_1226 = tpu.vector_load %arg7[%parallel_loop3A_1223, %parallel_loop3A_1224, %parallel_loop3A_1225] {strides = array<i32>} : memref<2x16x384xf32, #tpu.memory_space<vmem>>, vector<16xf32>,
        tpu.vector_store %arg7[%parallel_loop3A_1223, %parallel_loop3A_1224, %parallel_loop3A_1225], %parallel_loop3A_1221 {strides = array<i32>} : memref<2x16x384xf32, #tpu.memory_space<vmem>>, vector<16xf32>,
        %parallel_loop3A_1227 = arith.constant 0 : i32
        %parallel_loop3A_1228 = arith.constant 0 : i32
        %parallel_loop3A_1229 = arith.index_cast %parallel_loop3A_1227 : i32 to index
        %parallel_loop3A_1230 = arith.index_cast %parallel_loop3A_1228 : i32 to index
        %parallel_loop3A_1231 = arith.index_cast %parallel_loop3A_398 : i32 to index
        %parallel_loop3A_1232 = arith.constant 320 : index
        %parallel_loop3A_1233 = tpu.vector_load %arg6[%parallel_loop3A_1229, %parallel_loop3A_1230, %parallel_loop3A_1231, %parallel_loop3A_1232] {strides = array<i32>} : memref<2x4x16x384xf32, #tpu.memory_space<vmem>>, vector<16xf32>,
        %parallel_loop3A_1234 = arith.constant 0 : i32
        %parallel_loop3A_1235 = arith.constant 1 : i32
        %parallel_loop3A_1236 = arith.index_cast %parallel_loop3A_1234 : i32 to index
        %parallel_loop3A_1237 = arith.index_cast %parallel_loop3A_1235 : i32 to index
        %parallel_loop3A_1238 = arith.index_cast %parallel_loop3A_398 : i32 to index
        %parallel_loop3A_1239 = arith.constant 320 : index
        %parallel_loop3A_1240 = tpu.vector_load %arg6[%parallel_loop3A_1236, %parallel_loop3A_1237, %parallel_loop3A_1238, %parallel_loop3A_1239] {strides = array<i32>} : memref<2x4x16x384xf32, #tpu.memory_space<vmem>>, vector<16xf32>,
        %parallel_loop3A_1241 = arith.constant 0 : i32
        %parallel_loop3A_1242 = arith.constant 2 : i32
        %parallel_loop3A_1243 = arith.index_cast %parallel_loop3A_1241 : i32 to index
        %parallel_loop3A_1244 = arith.index_cast %parallel_loop3A_1242 : i32 to index
        %parallel_loop3A_1245 = arith.index_cast %parallel_loop3A_398 : i32 to index
        %parallel_loop3A_1246 = arith.constant 320 : index
        %parallel_loop3A_1247 = tpu.vector_load %arg6[%parallel_loop3A_1243, %parallel_loop3A_1244, %parallel_loop3A_1245, %parallel_loop3A_1246] {strides = array<i32>} : memref<2x4x16x384xf32, #tpu.memory_space<vmem>>, vector<16xf32>,
        %parallel_loop3A_1248 = arith.constant 0 : i32
        %parallel_loop3A_1249 = arith.constant 3 : i32
        %parallel_loop3A_1250 = arith.index_cast %parallel_loop3A_1248 : i32 to index
        %parallel_loop3A_1251 = arith.index_cast %parallel_loop3A_1249 : i32 to index
        %parallel_loop3A_1252 = arith.index_cast %parallel_loop3A_398 : i32 to index
        %parallel_loop3A_1253 = arith.constant 320 : index
        %parallel_loop3A_1254 = tpu.vector_load %arg6[%parallel_loop3A_1250, %parallel_loop3A_1251, %parallel_loop3A_1252, %parallel_loop3A_1253] {strides = array<i32>} : memref<2x4x16x384xf32, #tpu.memory_space<vmem>>, vector<16xf32>,
        %parallel_loop3A_1255 = arith.mulf %parallel_loop3A_1233, %parallel_loop3A_426 : vector<16xf32>
        %parallel_loop3A_1256 = arith.mulf %parallel_loop3A_1240, %parallel_loop3A_422 : vector<16xf32>
        %parallel_loop3A_1257 = arith.addf %parallel_loop3A_1255, %parallel_loop3A_1256 : vector<16xf32>
        %parallel_loop3A_1258 = arith.mulf %parallel_loop3A_1247, %parallel_loop3A_421 : vector<16xf32>
        %parallel_loop3A_1259 = arith.mulf %parallel_loop3A_1254, %parallel_loop3A_420 : vector<16xf32>
        %parallel_loop3A_1260 = arith.addf %parallel_loop3A_1258, %parallel_loop3A_1259 : vector<16xf32>
        %parallel_loop3A_1261 = arith.addf %parallel_loop3A_1257, %parallel_loop3A_1260 : vector<16xf32>
        %parallel_loop3A_1262 = arith.constant 0 : i32
        %parallel_loop3A_1263 = arith.index_cast %parallel_loop3A_1262 : i32 to index
        %parallel_loop3A_1264 = arith.index_cast %parallel_loop3A_398 : i32 to index
        %parallel_loop3A_1265 = arith.constant 320 : index
        %parallel_loop3A_1266 = tpu.vector_load %arg7[%parallel_loop3A_1263, %parallel_loop3A_1264, %parallel_loop3A_1265] {strides = array<i32>} : memref<2x16x384xf32, #tpu.memory_space<vmem>>, vector<16xf32>,
        tpu.vector_store %arg7[%parallel_loop3A_1263, %parallel_loop3A_1264, %parallel_loop3A_1265], %parallel_loop3A_1261 {strides = array<i32>} : memref<2x16x384xf32, #tpu.memory_space<vmem>>, vector<16xf32>,
        %parallel_loop3A_1267 = arith.constant 0 : i32
        %parallel_loop3A_1268 = arith.constant 0 : i32
        %parallel_loop3A_1269 = arith.index_cast %parallel_loop3A_1267 : i32 to index
        %parallel_loop3A_1270 = arith.index_cast %parallel_loop3A_1268 : i32 to index
        %parallel_loop3A_1271 = arith.index_cast %parallel_loop3A_398 : i32 to index
        %parallel_loop3A_1272 = arith.constant 336 : index
        %parallel_loop3A_1273 = tpu.vector_load %arg6[%parallel_loop3A_1269, %parallel_loop3A_1270, %parallel_loop3A_1271, %parallel_loop3A_1272] {strides = array<i32>} : memref<2x4x16x384xf32, #tpu.memory_space<vmem>>, vector<16xf32>,
        %parallel_loop3A_1274 = arith.constant 0 : i32
        %parallel_loop3A_1275 = arith.constant 1 : i32
        %parallel_loop3A_1276 = arith.index_cast %parallel_loop3A_1274 : i32 to index
        %parallel_loop3A_1277 = arith.index_cast %parallel_loop3A_1275 : i32 to index
        %parallel_loop3A_1278 = arith.index_cast %parallel_loop3A_398 : i32 to index
        %parallel_loop3A_1279 = arith.constant 336 : index
        %parallel_loop3A_1280 = tpu.vector_load %arg6[%parallel_loop3A_1276, %parallel_loop3A_1277, %parallel_loop3A_1278, %parallel_loop3A_1279] {strides = array<i32>} : memref<2x4x16x384xf32, #tpu.memory_space<vmem>>, vector<16xf32>,
        %parallel_loop3A_1281 = arith.constant 0 : i32
        %parallel_loop3A_1282 = arith.constant 2 : i32
        %parallel_loop3A_1283 = arith.index_cast %parallel_loop3A_1281 : i32 to index
        %parallel_loop3A_1284 = arith.index_cast %parallel_loop3A_1282 : i32 to index
        %parallel_loop3A_1285 = arith.index_cast %parallel_loop3A_398 : i32 to index
        %parallel_loop3A_1286 = arith.constant 336 : index
        %parallel_loop3A_1287 = tpu.vector_load %arg6[%parallel_loop3A_1283, %parallel_loop3A_1284, %parallel_loop3A_1285, %parallel_loop3A_1286] {strides = array<i32>} : memref<2x4x16x384xf32, #tpu.memory_space<vmem>>, vector<16xf32>,
        %parallel_loop3A_1288 = arith.constant 0 : i32
        %parallel_loop3A_1289 = arith.constant 3 : i32
        %parallel_loop3A_1290 = arith.index_cast %parallel_loop3A_1288 : i32 to index
        %parallel_loop3A_1291 = arith.index_cast %parallel_loop3A_1289 : i32 to index
        %parallel_loop3A_1292 = arith.index_cast %parallel_loop3A_398 : i32 to index
        %parallel_loop3A_1293 = arith.constant 336 : index
        %parallel_loop3A_1294 = tpu.vector_load %arg6[%parallel_loop3A_1290, %parallel_loop3A_1291, %parallel_loop3A_1292, %parallel_loop3A_1293] {strides = array<i32>} : memref<2x4x16x384xf32, #tpu.memory_space<vmem>>, vector<16xf32>,
        %parallel_loop3A_1295 = arith.mulf %parallel_loop3A_1273, %parallel_loop3A_426 : vector<16xf32>
        %parallel_loop3A_1296 = arith.mulf %parallel_loop3A_1280, %parallel_loop3A_422 : vector<16xf32>
        %parallel_loop3A_1297 = arith.addf %parallel_loop3A_1295, %parallel_loop3A_1296 : vector<16xf32>
        %parallel_loop3A_1298 = arith.mulf %parallel_loop3A_1287, %parallel_loop3A_421 : vector<16xf32>
        %parallel_loop3A_1299 = arith.mulf %parallel_loop3A_1294, %parallel_loop3A_420 : vector<16xf32>
        %parallel_loop3A_1300 = arith.addf %parallel_loop3A_1298, %parallel_loop3A_1299 : vector<16xf32>
        %parallel_loop3A_1301 = arith.addf %parallel_loop3A_1297, %parallel_loop3A_1300 : vector<16xf32>
        %parallel_loop3A_1302 = arith.constant 0 : i32
        %parallel_loop3A_1303 = arith.index_cast %parallel_loop3A_1302 : i32 to index
        %parallel_loop3A_1304 = arith.index_cast %parallel_loop3A_398 : i32 to index
        %parallel_loop3A_1305 = arith.constant 336 : index
        %parallel_loop3A_1306 = tpu.vector_load %arg7[%parallel_loop3A_1303, %parallel_loop3A_1304, %parallel_loop3A_1305] {strides = array<i32>} : memref<2x16x384xf32, #tpu.memory_space<vmem>>, vector<16xf32>,
        tpu.vector_store %arg7[%parallel_loop3A_1303, %parallel_loop3A_1304, %parallel_loop3A_1305], %parallel_loop3A_1301 {strides = array<i32>} : memref<2x16x384xf32, #tpu.memory_space<vmem>>, vector<16xf32>,
        %parallel_loop3A_1307 = arith.constant 0 : i32
        %parallel_loop3A_1308 = arith.constant 0 : i32
        %parallel_loop3A_1309 = arith.index_cast %parallel_loop3A_1307 : i32 to index
        %parallel_loop3A_1310 = arith.index_cast %parallel_loop3A_1308 : i32 to index
        %parallel_loop3A_1311 = arith.index_cast %parallel_loop3A_398 : i32 to index
        %parallel_loop3A_1312 = arith.constant 352 : index
        %parallel_loop3A_1313 = tpu.vector_load %arg6[%parallel_loop3A_1309, %parallel_loop3A_1310, %parallel_loop3A_1311, %parallel_loop3A_1312] {strides = array<i32>} : memref<2x4x16x384xf32, #tpu.memory_space<vmem>>, vector<16xf32>,
        %parallel_loop3A_1314 = arith.constant 0 : i32
        %parallel_loop3A_1315 = arith.constant 1 : i32
        %parallel_loop3A_1316 = arith.index_cast %parallel_loop3A_1314 : i32 to index
        %parallel_loop3A_1317 = arith.index_cast %parallel_loop3A_1315 : i32 to index
        %parallel_loop3A_1318 = arith.index_cast %parallel_loop3A_398 : i32 to index
        %parallel_loop3A_1319 = arith.constant 352 : index
        %parallel_loop3A_1320 = tpu.vector_load %arg6[%parallel_loop3A_1316, %parallel_loop3A_1317, %parallel_loop3A_1318, %parallel_loop3A_1319] {strides = array<i32>} : memref<2x4x16x384xf32, #tpu.memory_space<vmem>>, vector<16xf32>,
        %parallel_loop3A_1321 = arith.constant 0 : i32
        %parallel_loop3A_1322 = arith.constant 2 : i32
        %parallel_loop3A_1323 = arith.index_cast %parallel_loop3A_1321 : i32 to index
        %parallel_loop3A_1324 = arith.index_cast %parallel_loop3A_1322 : i32 to index
        %parallel_loop3A_1325 = arith.index_cast %parallel_loop3A_398 : i32 to index
        %parallel_loop3A_1326 = arith.constant 352 : index
        %parallel_loop3A_1327 = tpu.vector_load %arg6[%parallel_loop3A_1323, %parallel_loop3A_1324, %parallel_loop3A_1325, %parallel_loop3A_1326] {strides = array<i32>} : memref<2x4x16x384xf32, #tpu.memory_space<vmem>>, vector<16xf32>,
        %parallel_loop3A_1328 = arith.constant 0 : i32
        %parallel_loop3A_1329 = arith.constant 3 : i32
        %parallel_loop3A_1330 = arith.index_cast %parallel_loop3A_1328 : i32 to index
        %parallel_loop3A_1331 = arith.index_cast %parallel_loop3A_1329 : i32 to index
        %parallel_loop3A_1332 = arith.index_cast %parallel_loop3A_398 : i32 to index
        %parallel_loop3A_1333 = arith.constant 352 : index
        %parallel_loop3A_1334 = tpu.vector_load %arg6[%parallel_loop3A_1330, %parallel_loop3A_1331, %parallel_loop3A_1332, %parallel_loop3A_1333] {strides = array<i32>} : memref<2x4x16x384xf32, #tpu.memory_space<vmem>>, vector<16xf32>,
        %parallel_loop3A_1335 = arith.mulf %parallel_loop3A_1313, %parallel_loop3A_426 : vector<16xf32>
        %parallel_loop3A_1336 = arith.mulf %parallel_loop3A_1320, %parallel_loop3A_422 : vector<16xf32>
        %parallel_loop3A_1337 = arith.addf %parallel_loop3A_1335, %parallel_loop3A_1336 : vector<16xf32>
        %parallel_loop3A_1338 = arith.mulf %parallel_loop3A_1327, %parallel_loop3A_421 : vector<16xf32>
        %parallel_loop3A_1339 = arith.mulf %parallel_loop3A_1334, %parallel_loop3A_420 : vector<16xf32>
        %parallel_loop3A_1340 = arith.addf %parallel_loop3A_1338, %parallel_loop3A_1339 : vector<16xf32>
        %parallel_loop3A_1341 = arith.addf %parallel_loop3A_1337, %parallel_loop3A_1340 : vector<16xf32>
        %parallel_loop3A_1342 = arith.constant 0 : i32
        %parallel_loop3A_1343 = arith.index_cast %parallel_loop3A_1342 : i32 to index
        %parallel_loop3A_1344 = arith.index_cast %parallel_loop3A_398 : i32 to index
        %parallel_loop3A_1345 = arith.constant 352 : index
        %parallel_loop3A_1346 = tpu.vector_load %arg7[%parallel_loop3A_1343, %parallel_loop3A_1344, %parallel_loop3A_1345] {strides = array<i32>} : memref<2x16x384xf32, #tpu.memory_space<vmem>>, vector<16xf32>,
        tpu.vector_store %arg7[%parallel_loop3A_1343, %parallel_loop3A_1344, %parallel_loop3A_1345], %parallel_loop3A_1341 {strides = array<i32>} : memref<2x16x384xf32, #tpu.memory_space<vmem>>, vector<16xf32>,
        %parallel_loop3A_1347 = arith.constant 0 : i32
        %parallel_loop3A_1348 = arith.constant 0 : i32
        %parallel_loop3A_1349 = arith.index_cast %parallel_loop3A_1347 : i32 to index
        %parallel_loop3A_1350 = arith.index_cast %parallel_loop3A_1348 : i32 to index
        %parallel_loop3A_1351 = arith.index_cast %parallel_loop3A_398 : i32 to index
        %parallel_loop3A_1352 = arith.constant 368 : index
        %parallel_loop3A_1353 = tpu.vector_load %arg6[%parallel_loop3A_1349, %parallel_loop3A_1350, %parallel_loop3A_1351, %parallel_loop3A_1352] {strides = array<i32>} : memref<2x4x16x384xf32, #tpu.memory_space<vmem>>, vector<16xf32>,
        %parallel_loop3A_1354 = arith.constant 0 : i32
        %parallel_loop3A_1355 = arith.constant 1 : i32
        %parallel_loop3A_1356 = arith.index_cast %parallel_loop3A_1354 : i32 to index
        %parallel_loop3A_1357 = arith.index_cast %parallel_loop3A_1355 : i32 to index
        %parallel_loop3A_1358 = arith.index_cast %parallel_loop3A_398 : i32 to index
        %parallel_loop3A_1359 = arith.constant 368 : index
        %parallel_loop3A_1360 = tpu.vector_load %arg6[%parallel_loop3A_1356, %parallel_loop3A_1357, %parallel_loop3A_1358, %parallel_loop3A_1359] {strides = array<i32>} : memref<2x4x16x384xf32, #tpu.memory_space<vmem>>, vector<16xf32>,
        %parallel_loop3A_1361 = arith.constant 0 : i32
        %parallel_loop3A_1362 = arith.constant 2 : i32
        %parallel_loop3A_1363 = arith.index_cast %parallel_loop3A_1361 : i32 to index
        %parallel_loop3A_1364 = arith.index_cast %parallel_loop3A_1362 : i32 to index
        %parallel_loop3A_1365 = arith.index_cast %parallel_loop3A_398 : i32 to index
        %parallel_loop3A_1366 = arith.constant 368 : index
        %parallel_loop3A_1367 = tpu.vector_load %arg6[%parallel_loop3A_1363, %parallel_loop3A_1364, %parallel_loop3A_1365, %parallel_loop3A_1366] {strides = array<i32>} : memref<2x4x16x384xf32, #tpu.memory_space<vmem>>, vector<16xf32>,
        %parallel_loop3A_1368 = arith.constant 0 : i32
        %parallel_loop3A_1369 = arith.constant 3 : i32
        %parallel_loop3A_1370 = arith.index_cast %parallel_loop3A_1368 : i32 to index
        %parallel_loop3A_1371 = arith.index_cast %parallel_loop3A_1369 : i32 to index
        %parallel_loop3A_1372 = arith.index_cast %parallel_loop3A_398 : i32 to index
        %parallel_loop3A_1373 = arith.constant 368 : index
        %parallel_loop3A_1374 = tpu.vector_load %arg6[%parallel_loop3A_1370, %parallel_loop3A_1371, %parallel_loop3A_1372, %parallel_loop3A_1373] {strides = array<i32>} : memref<2x4x16x384xf32, #tpu.memory_space<vmem>>, vector<16xf32>,
        %parallel_loop3A_1375 = arith.mulf %parallel_loop3A_1353, %parallel_loop3A_426 : vector<16xf32>
        %parallel_loop3A_1376 = arith.mulf %parallel_loop3A_1360, %parallel_loop3A_422 : vector<16xf32>
        %parallel_loop3A_1377 = arith.addf %parallel_loop3A_1375, %parallel_loop3A_1376 : vector<16xf32>
        %parallel_loop3A_1378 = arith.mulf %parallel_loop3A_1367, %parallel_loop3A_421 : vector<16xf32>
        %parallel_loop3A_1379 = arith.mulf %parallel_loop3A_1374, %parallel_loop3A_420 : vector<16xf32>
        %parallel_loop3A_1380 = arith.addf %parallel_loop3A_1378, %parallel_loop3A_1379 : vector<16xf32>
        %parallel_loop3A_1381 = arith.addf %parallel_loop3A_1377, %parallel_loop3A_1380 : vector<16xf32>
        %parallel_loop3A_1382 = arith.constant 0 : i32
        %parallel_loop3A_1383 = arith.index_cast %parallel_loop3A_1382 : i32 to index
        %parallel_loop3A_1384 = arith.index_cast %parallel_loop3A_398 : i32 to index
        %parallel_loop3A_1385 = arith.constant 368 : index
        %parallel_loop3A_1386 = tpu.vector_load %arg7[%parallel_loop3A_1383, %parallel_loop3A_1384, %parallel_loop3A_1385] {strides = array<i32>} : memref<2x16x384xf32, #tpu.memory_space<vmem>>, vector<16xf32>,
        tpu.vector_store %arg7[%parallel_loop3A_1383, %parallel_loop3A_1384, %parallel_loop3A_1385], %parallel_loop3A_1381 {strides = array<i32>} : memref<2x16x384xf32, #tpu.memory_space<vmem>>, vector<16xf32>,
      } {sc.loop_unroll_factor = 1 : i64, sc.parallel_access}
      %mul3A_271 = arith.constant 16 : i32
      %mul3A_272 = arith.muli %add3A_181, %mul3A_271 : i32
      %add3A_273 = arith.addi %mul3A_68, %mul3A_272 : i32
      %dma_start3A_274 = arith.constant 0 : i32
      %dma_start3A_275 = arith.constant 0 : i32
      %dma_start3A_276 = arith.constant 0 : i32
      %dma_start3A_277 = tpu.memref_slice %arg7[%dma_start3A_274, %dma_start3A_275, %dma_start3A_276] : memref<2x16x384xf32, #tpu.memory_space<vmem>> -> memref<1x16x384xf32, #tpu.memory_space<vmem>>
      %dma_start3A_278 = tpu.memref_squeeze %dma_start3A_277 : memref<1x16x384xf32, #tpu.memory_space<vmem>> -> memref<16x384xf32, #tpu.memory_space<vmem>>
      %dma_start3A_279 = arith.constant 0 : i32
      %dma_start3A_280 = tpu.memref_slice %arg4[%add3A_273, %dma_start3A_279] : memref<200704x384xf32, #tpu.memory_space<hbm>> -> memref<16x384xf32, #tpu.memory_space<hbm>>
      %dma_start3A_281 = arith.constant 0 : i32
      %dma_start3A_282 = tpu.memref_slice %arg4[%add3A_273, %dma_start3A_281] : memref<200704x384xf32, #tpu.memory_space<hbm>> -> memref<16x384xf32, #tpu.memory_space<hbm>>
      %dma_start3A_283 = arith.constant 0 : i32
      %dma_start3A_284 = arith.constant 0 : i32
      %dma_start3A_285 = tpu.memref_slice %arg7[%dma_start3A_274, %dma_start3A_283, %dma_start3A_284] : memref<2x16x384xf32, #tpu.memory_space<vmem>> -> memref<1x16x384xf32, #tpu.memory_space<vmem>>
      %dma_start3A_286 = tpu.memref_squeeze %dma_start3A_285 : memref<1x16x384xf32, #tpu.memory_space<vmem>> -> memref<16x384xf32, #tpu.memory_space<vmem>>
      tpu.enqueue_dma source(%dma_start3A_286 : memref<16x384xf32, #tpu.memory_space<vmem>>) target(%dma_start3A_282 : memref<16x384xf32, #tpu.memory_space<hbm>>) target_semaphore(%arg11 : memref<!tpu.dma_semaphore, #tpu.memory_space<semaphore_mem>>)
      %mul3A_287 = arith.constant 2 : i32
      %mul3A_288 = arith.muli %add3A_177, %mul3A_287 : i32
      %add3A_289 = arith.constant 1 : i32
      %add3A_290 = arith.addi %mul3A_288, %add3A_289 : i32
      %add3A_291 = arith.constant 1 : i32
      %add3A_292 = arith.addi %add3A_290, %add3A_291 : i32
      %lt3A_293 = arith.constant 392 : i32
      %lt3A_294 = arith.cmpi slt, %add3A_292, %lt3A_293 : i32
      %convert_element_type3A_295 = arith.extui %lt3A_294 : i1 to i32
      %cond3A_296 = arith.constant 0 : i32
      %cond3A_297 = arith.cmpi ne, %convert_element_type3A_295, %cond3A_296 : i32
      scf.if %cond3A_297 {
        %add3A_398 = arith.constant 1 : i32
        %add3A_399 = arith.addi %add3A_290, %add3A_398 : i32
        %mul3A_400 = arith.constant 16 : i32
        %mul3A_401 = arith.muli %add3A_399, %mul3A_400 : i32
        %get3A_402 = arith.index_cast %mul3A_401 : i32 to index
        %get3A_403 = tpu.vector_load %arg5[%get3A_402] {strides = array<i32>} : memref<6272xi32, #tpu.memory_space<vmem>>, vector<16xi32>,
        %and3A_404 = arith.constant 65535 : i32
        %and3A_405 = vector.broadcast %and3A_404 : i32 to vector<16xi32>
        %and3A_406 = arith.andi %get3A_403, %and3A_405 : vector<16xi32>
        %add3A_407 = vector.broadcast %mul3A_18 : i32 to vector<16xi32>
        %add3A_408 = arith.addi %and3A_406, %add3A_407 : vector<16xi32>
        %dma_start3A_409 = arith.constant 0 : i32
        %dma_start3A_410 = arith.constant 0 : i32
        %dma_start3A_411 = arith.constant 0 : i32
        %dma_start3A_412 = arith.constant 0 : i32
        %dma_start3A_413 = tpu.memref_slice %arg6[%dma_start3A_409, %dma_start3A_410, %dma_start3A_411, %dma_start3A_412] : memref<2x4x16x384xf32, #tpu.memory_space<vmem>> -> memref<1x1x16x384xf32, #tpu.memory_space<vmem>>
        %dma_start3A_414 = tpu.memref_squeeze %dma_start3A_413 : memref<1x1x16x384xf32, #tpu.memory_space<vmem>> -> memref<16x384xf32, #tpu.memory_space<vmem>>
        %dma_start3A_415 = arith.constant 0 : i32
        %dma_start3A_416 = arith.constant 0 : i32
        %dma_start3A_417 = tpu.memref_slice %arg3[%dma_start3A_415, %dma_start3A_416] : memref<200704x384xf32, #tpu.memory_space<hbm>> -> memref<200704x384xf32, #tpu.memory_space<hbm>>
        tpu.enqueue_indirect_dma source(%dma_start3A_417 : memref<200704x384xf32, #tpu.memory_space<hbm>>) target(%dma_start3A_414 : memref<16x384xf32, #tpu.memory_space<vmem>>) offsets(%add3A_408 : vector<16xi32>) semaphore(%arg10 : memref<!tpu.dma_semaphore, #tpu.memory_space<semaphore_mem>>)
        %add3A_418 = arith.constant 1 : i32
        %add3A_419 = vector.broadcast %add3A_418 : i32 to vector<16xi32>
        %add3A_420 = arith.addi %add3A_408, %add3A_419 : vector<16xi32>
        %dma_start3A_421 = arith.constant 0 : i32
        %dma_start3A_422 = arith.constant 1 : i32
        %dma_start3A_423 = arith.constant 0 : i32
        %dma_start3A_424 = arith.constant 0 : i32
        %dma_start3A_425 = tpu.memref_slice %arg6[%dma_start3A_421, %dma_start3A_422, %dma_start3A_423, %dma_start3A_424] : memref<2x4x16x384xf32, #tpu.memory_space<vmem>> -> memref<1x1x16x384xf32, #tpu.memory_space<vmem>>
        %dma_start3A_426 = tpu.memref_squeeze %dma_start3A_425 : memref<1x1x16x384xf32, #tpu.memory_space<vmem>> -> memref<16x384xf32, #tpu.memory_space<vmem>>
        %dma_start3A_427 = arith.constant 0 : i32
        %dma_start3A_428 = arith.constant 0 : i32
        %dma_start3A_429 = tpu.memref_slice %arg3[%dma_start3A_427, %dma_start3A_428] : memref<200704x384xf32, #tpu.memory_space<hbm>> -> memref<200704x384xf32, #tpu.memory_space<hbm>>
        tpu.enqueue_indirect_dma source(%dma_start3A_429 : memref<200704x384xf32, #tpu.memory_space<hbm>>) target(%dma_start3A_426 : memref<16x384xf32, #tpu.memory_space<vmem>>) offsets(%add3A_420 : vector<16xi32>) semaphore(%arg10 : memref<!tpu.dma_semaphore, #tpu.memory_space<semaphore_mem>>)
        %add3A_430 = arith.constant 224 : i32
        %add3A_431 = vector.broadcast %add3A_430 : i32 to vector<16xi32>
        %add3A_432 = arith.addi %add3A_408, %add3A_431 : vector<16xi32>
        %dma_start3A_433 = arith.constant 0 : i32
        %dma_start3A_434 = arith.constant 2 : i32
        %dma_start3A_435 = arith.constant 0 : i32
        %dma_start3A_436 = arith.constant 0 : i32
        %dma_start3A_437 = tpu.memref_slice %arg6[%dma_start3A_433, %dma_start3A_434, %dma_start3A_435, %dma_start3A_436] : memref<2x4x16x384xf32, #tpu.memory_space<vmem>> -> memref<1x1x16x384xf32, #tpu.memory_space<vmem>>
        %dma_start3A_438 = tpu.memref_squeeze %dma_start3A_437 : memref<1x1x16x384xf32, #tpu.memory_space<vmem>> -> memref<16x384xf32, #tpu.memory_space<vmem>>
        %dma_start3A_439 = arith.constant 0 : i32
        %dma_start3A_440 = arith.constant 0 : i32
        %dma_start3A_441 = tpu.memref_slice %arg3[%dma_start3A_439, %dma_start3A_440] : memref<200704x384xf32, #tpu.memory_space<hbm>> -> memref<200704x384xf32, #tpu.memory_space<hbm>>
        tpu.enqueue_indirect_dma source(%dma_start3A_441 : memref<200704x384xf32, #tpu.memory_space<hbm>>) target(%dma_start3A_438 : memref<16x384xf32, #tpu.memory_space<vmem>>) offsets(%add3A_432 : vector<16xi32>) semaphore(%arg10 : memref<!tpu.dma_semaphore, #tpu.memory_space<semaphore_mem>>)
        %add3A_442 = arith.constant 225 : i32
        %add3A_443 = vector.broadcast %add3A_442 : i32 to vector<16xi32>
        %add3A_444 = arith.addi %add3A_408, %add3A_443 : vector<16xi32>
        %dma_start3A_445 = arith.constant 0 : i32
        %dma_start3A_446 = arith.constant 3 : i32
        %dma_start3A_447 = arith.constant 0 : i32
        %dma_start3A_448 = arith.constant 0 : i32
        %dma_start3A_449 = tpu.memref_slice %arg6[%dma_start3A_445, %dma_start3A_446, %dma_start3A_447, %dma_start3A_448] : memref<2x4x16x384xf32, #tpu.memory_space<vmem>> -> memref<1x1x16x384xf32, #tpu.memory_space<vmem>>
        %dma_start3A_450 = tpu.memref_squeeze %dma_start3A_449 : memref<1x1x16x384xf32, #tpu.memory_space<vmem>> -> memref<16x384xf32, #tpu.memory_space<vmem>>
        %dma_start3A_451 = arith.constant 0 : i32
        %dma_start3A_452 = arith.constant 0 : i32
        %dma_start3A_453 = tpu.memref_slice %arg3[%dma_start3A_451, %dma_start3A_452] : memref<200704x384xf32, #tpu.memory_space<hbm>> -> memref<200704x384xf32, #tpu.memory_space<hbm>>
        tpu.enqueue_indirect_dma source(%dma_start3A_453 : memref<200704x384xf32, #tpu.memory_space<hbm>>) target(%dma_start3A_450 : memref<16x384xf32, #tpu.memory_space<vmem>>) offsets(%add3A_444 : vector<16xi32>) semaphore(%arg10 : memref<!tpu.dma_semaphore, #tpu.memory_space<semaphore_mem>>)
        %shift_right_arithmetic3A_454 = arith.constant 16 : i32
        %shift_right_arithmetic3A_455 = vector.broadcast %shift_right_arithmetic3A_454 : i32 to vector<16xi32>
        %shift_right_arithmetic3A_456 = arith.shrsi %get3A_403, %shift_right_arithmetic3A_455 : vector<16xi32>
        %and3A_457 = arith.constant 255 : i32
        %and3A_458 = vector.broadcast %and3A_457 : i32 to vector<16xi32>
        %and3A_459 = arith.andi %shift_right_arithmetic3A_456, %and3A_458 : vector<16xi32>
        %convert_element_type3A_460 = arith.sitofp %and3A_459 : vector<16xi32> to vector<16xf32>
        %mul3A_461 = arith.constant 0.00392156886 : f32
        %mul3A_462 = vector.broadcast %mul3A_461 : f32 to vector<16xf32>
        %mul3A_463 = arith.mulf %convert_element_type3A_460, %mul3A_462 : vector<16xf32>
        %shift_right_logical3A_464 = arith.constant 24 : i32
        %shift_right_logical3A_465 = vector.broadcast %shift_right_logical3A_464 : i32 to vector<16xi32>
        %shift_right_logical3A_466 = arith.shrui %get3A_403, %shift_right_logical3A_465 : vector<16xi32>
        %convert_element_type3A_467 = arith.sitofp %shift_right_logical3A_466 : vector<16xi32> to vector<16xf32>
        %mul3A_468 = arith.constant 0.00392156886 : f32
        %mul3A_469 = vector.broadcast %mul3A_468 : f32 to vector<16xf32>
        %mul3A_470 = arith.mulf %convert_element_type3A_467, %mul3A_469 : vector<16xf32>
        %swap3A_471 = arith.constant 0 : i32
        %swap3A_472 = arith.constant 0 : i32
        %swap3A_473 = arith.index_cast %swap3A_471 : i32 to index
        %swap3A_474 = arith.index_cast %swap3A_472 : i32 to index
        %swap3A_475 = arith.constant 0 : index
        %swap3A_476 = tpu.vector_load %arg8[%swap3A_473, %swap3A_474, %swap3A_475] {strides = array<i32>} : memref<2x2x16xf32, #tpu.memory_space<vmem>>, vector<16xf32>,
        tpu.vector_store %arg8[%swap3A_473, %swap3A_474, %swap3A_475], %mul3A_463 {strides = array<i32>} : memref<2x2x16xf32, #tpu.memory_space<vmem>>, vector<16xf32>,
        %swap3A_477 = arith.constant 0 : i32
        %swap3A_478 = arith.constant 1 : i32
        %swap3A_479 = arith.index_cast %swap3A_477 : i32 to index
        %swap3A_480 = arith.index_cast %swap3A_478 : i32 to index
        %swap3A_481 = arith.constant 0 : index
        %swap3A_482 = tpu.vector_load %arg8[%swap3A_479, %swap3A_480, %swap3A_481] {strides = array<i32>} : memref<2x2x16xf32, #tpu.memory_space<vmem>>, vector<16xf32>,
        tpu.vector_store %arg8[%swap3A_479, %swap3A_480, %swap3A_481], %mul3A_470 {strides = array<i32>} : memref<2x2x16xf32, #tpu.memory_space<vmem>>, vector<16xf32>,
      } else {
      }
      %dma_wait3A_298 = arith.constant 1 : i32
      %dma_wait3A_299 = arith.constant 0 : i32
      %dma_wait3A_300 = arith.constant 0 : i32
      %dma_wait3A_301 = arith.constant 0 : i32
      %dma_wait3A_302 = tpu.memref_slice %arg6[%dma_wait3A_298, %dma_wait3A_299, %dma_wait3A_300, %dma_wait3A_301] : memref<2x4x16x384xf32, #tpu.memory_space<vmem>> -> memref<1x1x16x384xf32, #tpu.memory_space<vmem>>
      %dma_wait3A_303 = tpu.memref_squeeze %dma_wait3A_302 : memref<1x1x16x384xf32, #tpu.memory_space<vmem>> -> memref<16x384xf32, #tpu.memory_space<vmem>>
      %dma_wait3A_304 = arith.constant 0 : i32
      %dma_wait3A_305 = arith.constant 0 : i32
      %dma_wait3A_306 = tpu.memref_slice %arg3[%dma_wait3A_304, %dma_wait3A_305] : memref<200704x384xf32, #tpu.memory_space<hbm>> -> memref<16x384xf32, #tpu.memory_space<hbm>>
      %dma_wait3A_307 = arith.constant 0 : i32
      %dma_wait3A_308 = arith.constant 0 : i32
      %dma_wait3A_309 = tpu.memref_slice %arg6[%dma_wait3A_298, %dma_wait3A_299, %dma_wait3A_307, %dma_wait3A_308] : memref<2x4x16x384xf32, #tpu.memory_space<vmem>> -> memref<1x1x16x384xf32, #tpu.memory_space<vmem>>
      %dma_wait3A_310 = tpu.memref_squeeze %dma_wait3A_309 : memref<1x1x16x384xf32, #tpu.memory_space<vmem>> -> memref<16x384xf32, #tpu.memory_space<vmem>>
      %dma_wait3A_311 = arith.constant 0 : i32
      %dma_wait3A_312 = arith.constant 0 : i32
      %dma_wait3A_313 = tpu.memref_slice %arg3[%dma_wait3A_311, %dma_wait3A_312] : memref<200704x384xf32, #tpu.memory_space<hbm>> -> memref<16x384xf32, #tpu.memory_space<hbm>>
      tpu.wait_dma2 semaphore(%arg10 : memref<!tpu.dma_semaphore, #tpu.memory_space<semaphore_mem>>) src(%dma_wait3A_313 : memref<16x384xf32, #tpu.memory_space<hbm>>) dst(%dma_wait3A_310 : memref<16x384xf32, #tpu.memory_space<vmem>>)
      %dma_wait3A_314 = arith.constant 1 : i32
      %dma_wait3A_315 = arith.constant 1 : i32
      %dma_wait3A_316 = arith.constant 0 : i32
      %dma_wait3A_317 = arith.constant 0 : i32
      %dma_wait3A_318 = tpu.memref_slice %arg6[%dma_wait3A_314, %dma_wait3A_315, %dma_wait3A_316, %dma_wait3A_317] : memref<2x4x16x384xf32, #tpu.memory_space<vmem>> -> memref<1x1x16x384xf32, #tpu.memory_space<vmem>>
      %dma_wait3A_319 = tpu.memref_squeeze %dma_wait3A_318 : memref<1x1x16x384xf32, #tpu.memory_space<vmem>> -> memref<16x384xf32, #tpu.memory_space<vmem>>
      %dma_wait3A_320 = arith.constant 0 : i32
      %dma_wait3A_321 = arith.constant 0 : i32
      %dma_wait3A_322 = tpu.memref_slice %arg3[%dma_wait3A_320, %dma_wait3A_321] : memref<200704x384xf32, #tpu.memory_space<hbm>> -> memref<16x384xf32, #tpu.memory_space<hbm>>
      %dma_wait3A_323 = arith.constant 0 : i32
      %dma_wait3A_324 = arith.constant 0 : i32
      %dma_wait3A_325 = tpu.memref_slice %arg6[%dma_wait3A_314, %dma_wait3A_315, %dma_wait3A_323, %dma_wait3A_324] : memref<2x4x16x384xf32, #tpu.memory_space<vmem>> -> memref<1x1x16x384xf32, #tpu.memory_space<vmem>>
      %dma_wait3A_326 = tpu.memref_squeeze %dma_wait3A_325 : memref<1x1x16x384xf32, #tpu.memory_space<vmem>> -> memref<16x384xf32, #tpu.memory_space<vmem>>
      %dma_wait3A_327 = arith.constant 0 : i32
      %dma_wait3A_328 = arith.constant 0 : i32
      %dma_wait3A_329 = tpu.memref_slice %arg3[%dma_wait3A_327, %dma_wait3A_328] : memref<200704x384xf32, #tpu.memory_space<hbm>> -> memref<16x384xf32, #tpu.memory_space<hbm>>
      tpu.wait_dma2 semaphore(%arg10 : memref<!tpu.dma_semaphore, #tpu.memory_space<semaphore_mem>>) src(%dma_wait3A_329 : memref<16x384xf32, #tpu.memory_space<hbm>>) dst(%dma_wait3A_326 : memref<16x384xf32, #tpu.memory_space<vmem>>)
      %dma_wait3A_330 = arith.constant 1 : i32
      %dma_wait3A_331 = arith.constant 2 : i32
      %dma_wait3A_332 = arith.constant 0 : i32
      %dma_wait3A_333 = arith.constant 0 : i32
      %dma_wait3A_334 = tpu.memref_slice %arg6[%dma_wait3A_330, %dma_wait3A_331, %dma_wait3A_332, %dma_wait3A_333] : memref<2x4x16x384xf32, #tpu.memory_space<vmem>> -> memref<1x1x16x384xf32, #tpu.memory_space<vmem>>
      %dma_wait3A_335 = tpu.memref_squeeze %dma_wait3A_334 : memref<1x1x16x384xf32, #tpu.memory_space<vmem>> -> memref<16x384xf32, #tpu.memory_space<vmem>>
      %dma_wait3A_336 = arith.constant 0 : i32
      %dma_wait3A_337 = arith.constant 0 : i32
      %dma_wait3A_338 = tpu.memref_slice %arg3[%dma_wait3A_336, %dma_wait3A_337] : memref<200704x384xf32, #tpu.memory_space<hbm>> -> memref<16x384xf32, #tpu.memory_space<hbm>>
      %dma_wait3A_339 = arith.constant 0 : i32
      %dma_wait3A_340 = arith.constant 0 : i32
      %dma_wait3A_341 = tpu.memref_slice %arg6[%dma_wait3A_330, %dma_wait3A_331, %dma_wait3A_339, %dma_wait3A_340] : memref<2x4x16x384xf32, #tpu.memory_space<vmem>> -> memref<1x1x16x384xf32, #tpu.memory_space<vmem>>
      %dma_wait3A_342 = tpu.memref_squeeze %dma_wait3A_341 : memref<1x1x16x384xf32, #tpu.memory_space<vmem>> -> memref<16x384xf32, #tpu.memory_space<vmem>>
      %dma_wait3A_343 = arith.constant 0 : i32
      %dma_wait3A_344 = arith.constant 0 : i32
      %dma_wait3A_345 = tpu.memref_slice %arg3[%dma_wait3A_343, %dma_wait3A_344] : memref<200704x384xf32, #tpu.memory_space<hbm>> -> memref<16x384xf32, #tpu.memory_space<hbm>>
      tpu.wait_dma2 semaphore(%arg10 : memref<!tpu.dma_semaphore, #tpu.memory_space<semaphore_mem>>) src(%dma_wait3A_345 : memref<16x384xf32, #tpu.memory_space<hbm>>) dst(%dma_wait3A_342 : memref<16x384xf32, #tpu.memory_space<vmem>>)
      %dma_wait3A_346 = arith.constant 1 : i32
      %dma_wait3A_347 = arith.constant 3 : i32
      %dma_wait3A_348 = arith.constant 0 : i32
      %dma_wait3A_349 = arith.constant 0 : i32
      %dma_wait3A_350 = tpu.memref_slice %arg6[%dma_wait3A_346, %dma_wait3A_347, %dma_wait3A_348, %dma_wait3A_349] : memref<2x4x16x384xf32, #tpu.memory_space<vmem>> -> memref<1x1x16x384xf32, #tpu.memory_space<vmem>>
      %dma_wait3A_351 = tpu.memref_squeeze %dma_wait3A_350 : memref<1x1x16x384xf32, #tpu.memory_space<vmem>> -> memref<16x384xf32, #tpu.memory_space<vmem>>
      %dma_wait3A_352 = arith.constant 0 : i32
      %dma_wait3A_353 = arith.constant 0 : i32
      %dma_wait3A_354 = tpu.memref_slice %arg3[%dma_wait3A_352, %dma_wait3A_353] : memref<200704x384xf32, #tpu.memory_space<hbm>> -> memref<16x384xf32, #tpu.memory_space<hbm>>
      %dma_wait3A_355 = arith.constant 0 : i32
      %dma_wait3A_356 = arith.constant 0 : i32
      %dma_wait3A_357 = tpu.memref_slice %arg6[%dma_wait3A_346, %dma_wait3A_347, %dma_wait3A_355, %dma_wait3A_356] : memref<2x4x16x384xf32, #tpu.memory_space<vmem>> -> memref<1x1x16x384xf32, #tpu.memory_space<vmem>>
      %dma_wait3A_358 = tpu.memref_squeeze %dma_wait3A_357 : memref<1x1x16x384xf32, #tpu.memory_space<vmem>> -> memref<16x384xf32, #tpu.memory_space<vmem>>
      %dma_wait3A_359 = arith.constant 0 : i32
      %dma_wait3A_360 = arith.constant 0 : i32
      %dma_wait3A_361 = tpu.memref_slice %arg3[%dma_wait3A_359, %dma_wait3A_360] : memref<200704x384xf32, #tpu.memory_space<hbm>> -> memref<16x384xf32, #tpu.memory_space<hbm>>
      tpu.wait_dma2 semaphore(%arg10 : memref<!tpu.dma_semaphore, #tpu.memory_space<semaphore_mem>>) src(%dma_wait3A_361 : memref<16x384xf32, #tpu.memory_space<hbm>>) dst(%dma_wait3A_358 : memref<16x384xf32, #tpu.memory_space<vmem>>)
      %ge3A_362 = arith.constant 2 : i32
      %ge3A_363 = arith.cmpi sge, %add3A_290, %ge3A_362 : i32
      %convert_element_type3A_364 = arith.extui %ge3A_363 : i1 to i32
      %cond3A_365 = arith.constant 0 : i32
      %cond3A_366 = arith.cmpi ne, %convert_element_type3A_364, %cond3A_365 : i32
      scf.if %cond3A_366 {
        %dma_wait3A_398 = arith.constant 1 : i32
        %dma_wait3A_399 = arith.constant 0 : i32
        %dma_wait3A_400 = arith.constant 0 : i32
        %dma_wait3A_401 = tpu.memref_slice %arg7[%dma_wait3A_398, %dma_wait3A_399, %dma_wait3A_400] : memref<2x16x384xf32, #tpu.memory_space<vmem>> -> memref<1x16x384xf32, #tpu.memory_space<vmem>>
        %dma_wait3A_402 = tpu.memref_squeeze %dma_wait3A_401 : memref<1x16x384xf32, #tpu.memory_space<vmem>> -> memref<16x384xf32, #tpu.memory_space<vmem>>
        %dma_wait3A_403 = arith.constant 0 : i32
        %dma_wait3A_404 = tpu.memref_slice %arg4[%mul3A_68, %dma_wait3A_403] : memref<200704x384xf32, #tpu.memory_space<hbm>> -> memref<16x384xf32, #tpu.memory_space<hbm>>
        %dma_wait3A_405 = arith.constant 0 : i32
        %dma_wait3A_406 = tpu.memref_slice %arg4[%mul3A_68, %dma_wait3A_405] : memref<200704x384xf32, #tpu.memory_space<hbm>> -> memref<16x384xf32, #tpu.memory_space<hbm>>
        %dma_wait3A_407 = arith.constant 0 : i32
        %dma_wait3A_408 = arith.constant 0 : i32
        %dma_wait3A_409 = tpu.memref_slice %arg7[%dma_wait3A_398, %dma_wait3A_407, %dma_wait3A_408] : memref<2x16x384xf32, #tpu.memory_space<vmem>> -> memref<1x16x384xf32, #tpu.memory_space<vmem>>
        %dma_wait3A_410 = tpu.memref_squeeze %dma_wait3A_409 : memref<1x16x384xf32, #tpu.memory_space<vmem>> -> memref<16x384xf32, #tpu.memory_space<vmem>>
        tpu.wait_dma2 semaphore(%arg11 : memref<!tpu.dma_semaphore, #tpu.memory_space<semaphore_mem>>) src(%dma_wait3A_410 : memref<16x384xf32, #tpu.memory_space<vmem>>) dst(%dma_wait3A_406 : memref<16x384xf32, #tpu.memory_space<hbm>>)
      } else {
      }
      %get3A_367 = arith.constant 1 : i32
      %get3A_368 = arith.constant 0 : i32
      %get3A_369 = arith.index_cast %get3A_367 : i32 to index
      %get3A_370 = arith.index_cast %get3A_368 : i32 to index
      %get3A_371 = arith.constant 0 : index
      %get3A_372 = tpu.vector_load %arg8[%get3A_369, %get3A_370, %get3A_371] {strides = array<i32>} : memref<2x2x16xf32, #tpu.memory_space<vmem>>, vector<16xf32>,
      %get3A_373 = arith.constant 1 : i32
      %get3A_374 = arith.constant 1 : i32
      %get3A_375 = arith.index_cast %get3A_373 : i32 to index
      %get3A_376 = arith.index_cast %get3A_374 : i32 to index
      %get3A_377 = arith.constant 0 : index
      %get3A_378 = tpu.vector_load %arg8[%get3A_375, %get3A_376, %get3A_377] {strides = array<i32>} : memref<2x2x16xf32, #tpu.memory_space<vmem>>, vector<16xf32>,
      %parallel_loop3A_379 = arith.constant 0 : i32
      %parallel_loop3A_380 = arith.constant 16 : i32
      %parallel_loop3A_381 = arith.constant 1 : i32
      scf.for %parallel_loop3A_398 = %parallel_loop3A_379 to %parallel_loop3A_380 step %parallel_loop3A_381  : i32 {
        %parallel_loop3A_399 = vector.broadcast %parallel_loop3A_398 : i32 to vector<16xi32>
        %parallel_loop3A_400 = arith.constant 0 : i32
        %parallel_loop3A_401 = vector.broadcast %parallel_loop3A_400 : i32 to vector<16xi32>
        %parallel_loop3A_402 = arith.cmpi slt, %parallel_loop3A_399, %parallel_loop3A_401 : vector<16xi32>
        %parallel_loop3A_403 = arith.constant 16 : i32
        %parallel_loop3A_404 = vector.broadcast %parallel_loop3A_403 : i32 to vector<16xi32>
        %parallel_loop3A_405 = arith.addi %parallel_loop3A_399, %parallel_loop3A_404 : vector<16xi32>
        %parallel_loop3A_406 = arith.select %parallel_loop3A_402, %parallel_loop3A_405, %parallel_loop3A_399 : vector<16xi1>, vector<16xi32>
        %parallel_loop3A_407 = vector.shape_cast %parallel_loop3A_406 : vector<16xi32> to vector<16x1xi32>
        %parallel_loop3A_408 = vector.shape_cast %parallel_loop3A_407 : vector<16x1xi32> to vector<16xi32>
        %parallel_loop3A_409 = tpu.dynamic_gather %get3A_372[%parallel_loop3A_408] in [0] : vector<16xf32>, vector<16xi32> -> vector<16xf32>
        %parallel_loop3A_410 = arith.constant 0 : i32
        %parallel_loop3A_411 = vector.broadcast %parallel_loop3A_410 : i32 to vector<16xi32>
        %parallel_loop3A_412 = arith.cmpi slt, %parallel_loop3A_399, %parallel_loop3A_411 : vector<16xi32>
        %parallel_loop3A_413 = arith.constant 16 : i32
        %parallel_loop3A_414 = vector.broadcast %parallel_loop3A_413 : i32 to vector<16xi32>
        %parallel_loop3A_415 = arith.addi %parallel_loop3A_399, %parallel_loop3A_414 : vector<16xi32>
        %parallel_loop3A_416 = arith.select %parallel_loop3A_412, %parallel_loop3A_415, %parallel_loop3A_399 : vector<16xi1>, vector<16xi32>
        %parallel_loop3A_417 = vector.shape_cast %parallel_loop3A_416 : vector<16xi32> to vector<16x1xi32>
        %parallel_loop3A_418 = vector.shape_cast %parallel_loop3A_417 : vector<16x1xi32> to vector<16xi32>
        %parallel_loop3A_419 = tpu.dynamic_gather %get3A_378[%parallel_loop3A_418] in [0] : vector<16xf32>, vector<16xi32> -> vector<16xf32>
        %parallel_loop3A_420 = arith.mulf %parallel_loop3A_409, %parallel_loop3A_419 : vector<16xf32>
        %parallel_loop3A_421 = arith.subf %parallel_loop3A_419, %parallel_loop3A_420 : vector<16xf32>
        %parallel_loop3A_422 = arith.subf %parallel_loop3A_409, %parallel_loop3A_420 : vector<16xf32>
        %parallel_loop3A_423 = arith.constant 1.000000e+00 : f32
        %parallel_loop3A_424 = vector.broadcast %parallel_loop3A_423 : f32 to vector<16xf32>
        %parallel_loop3A_425 = arith.subf %parallel_loop3A_424, %parallel_loop3A_409 : vector<16xf32>
        %parallel_loop3A_426 = arith.subf %parallel_loop3A_425, %parallel_loop3A_421 : vector<16xf32>
        %parallel_loop3A_427 = arith.constant 1 : i32
        %parallel_loop3A_428 = arith.constant 0 : i32
        %parallel_loop3A_429 = arith.index_cast %parallel_loop3A_427 : i32 to index
        %parallel_loop3A_430 = arith.index_cast %parallel_loop3A_428 : i32 to index
        %parallel_loop3A_431 = arith.index_cast %parallel_loop3A_398 : i32 to index
        %parallel_loop3A_432 = arith.constant 0 : index
        %parallel_loop3A_433 = tpu.vector_load %arg6[%parallel_loop3A_429, %parallel_loop3A_430, %parallel_loop3A_431, %parallel_loop3A_432] {strides = array<i32>} : memref<2x4x16x384xf32, #tpu.memory_space<vmem>>, vector<16xf32>,
        %parallel_loop3A_434 = arith.constant 1 : i32
        %parallel_loop3A_435 = arith.constant 1 : i32
        %parallel_loop3A_436 = arith.index_cast %parallel_loop3A_434 : i32 to index
        %parallel_loop3A_437 = arith.index_cast %parallel_loop3A_435 : i32 to index
        %parallel_loop3A_438 = arith.index_cast %parallel_loop3A_398 : i32 to index
        %parallel_loop3A_439 = arith.constant 0 : index
        %parallel_loop3A_440 = tpu.vector_load %arg6[%parallel_loop3A_436, %parallel_loop3A_437, %parallel_loop3A_438, %parallel_loop3A_439] {strides = array<i32>} : memref<2x4x16x384xf32, #tpu.memory_space<vmem>>, vector<16xf32>,
        %parallel_loop3A_441 = arith.constant 1 : i32
        %parallel_loop3A_442 = arith.constant 2 : i32
        %parallel_loop3A_443 = arith.index_cast %parallel_loop3A_441 : i32 to index
        %parallel_loop3A_444 = arith.index_cast %parallel_loop3A_442 : i32 to index
        %parallel_loop3A_445 = arith.index_cast %parallel_loop3A_398 : i32 to index
        %parallel_loop3A_446 = arith.constant 0 : index
        %parallel_loop3A_447 = tpu.vector_load %arg6[%parallel_loop3A_443, %parallel_loop3A_444, %parallel_loop3A_445, %parallel_loop3A_446] {strides = array<i32>} : memref<2x4x16x384xf32, #tpu.memory_space<vmem>>, vector<16xf32>,
        %parallel_loop3A_448 = arith.constant 1 : i32
        %parallel_loop3A_449 = arith.constant 3 : i32
        %parallel_loop3A_450 = arith.index_cast %parallel_loop3A_448 : i32 to index
        %parallel_loop3A_451 = arith.index_cast %parallel_loop3A_449 : i32 to index
        %parallel_loop3A_452 = arith.index_cast %parallel_loop3A_398 : i32 to index
        %parallel_loop3A_453 = arith.constant 0 : index
        %parallel_loop3A_454 = tpu.vector_load %arg6[%parallel_loop3A_450, %parallel_loop3A_451, %parallel_loop3A_452, %parallel_loop3A_453] {strides = array<i32>} : memref<2x4x16x384xf32, #tpu.memory_space<vmem>>, vector<16xf32>,
        %parallel_loop3A_455 = arith.mulf %parallel_loop3A_433, %parallel_loop3A_426 : vector<16xf32>
        %parallel_loop3A_456 = arith.mulf %parallel_loop3A_440, %parallel_loop3A_422 : vector<16xf32>
        %parallel_loop3A_457 = arith.addf %parallel_loop3A_455, %parallel_loop3A_456 : vector<16xf32>
        %parallel_loop3A_458 = arith.mulf %parallel_loop3A_447, %parallel_loop3A_421 : vector<16xf32>
        %parallel_loop3A_459 = arith.mulf %parallel_loop3A_454, %parallel_loop3A_420 : vector<16xf32>
        %parallel_loop3A_460 = arith.addf %parallel_loop3A_458, %parallel_loop3A_459 : vector<16xf32>
        %parallel_loop3A_461 = arith.addf %parallel_loop3A_457, %parallel_loop3A_460 : vector<16xf32>
        %parallel_loop3A_462 = arith.constant 1 : i32
        %parallel_loop3A_463 = arith.index_cast %parallel_loop3A_462 : i32 to index
        %parallel_loop3A_464 = arith.index_cast %parallel_loop3A_398 : i32 to index
        %parallel_loop3A_465 = arith.constant 0 : index
        %parallel_loop3A_466 = tpu.vector_load %arg7[%parallel_loop3A_463, %parallel_loop3A_464, %parallel_loop3A_465] {strides = array<i32>} : memref<2x16x384xf32, #tpu.memory_space<vmem>>, vector<16xf32>,
        tpu.vector_store %arg7[%parallel_loop3A_463, %parallel_loop3A_464, %parallel_loop3A_465], %parallel_loop3A_461 {strides = array<i32>} : memref<2x16x384xf32, #tpu.memory_space<vmem>>, vector<16xf32>,
        %parallel_loop3A_467 = arith.constant 1 : i32
        %parallel_loop3A_468 = arith.constant 0 : i32
        %parallel_loop3A_469 = arith.index_cast %parallel_loop3A_467 : i32 to index
        %parallel_loop3A_470 = arith.index_cast %parallel_loop3A_468 : i32 to index
        %parallel_loop3A_471 = arith.index_cast %parallel_loop3A_398 : i32 to index
        %parallel_loop3A_472 = arith.constant 16 : index
        %parallel_loop3A_473 = tpu.vector_load %arg6[%parallel_loop3A_469, %parallel_loop3A_470, %parallel_loop3A_471, %parallel_loop3A_472] {strides = array<i32>} : memref<2x4x16x384xf32, #tpu.memory_space<vmem>>, vector<16xf32>,
        %parallel_loop3A_474 = arith.constant 1 : i32
        %parallel_loop3A_475 = arith.constant 1 : i32
        %parallel_loop3A_476 = arith.index_cast %parallel_loop3A_474 : i32 to index
        %parallel_loop3A_477 = arith.index_cast %parallel_loop3A_475 : i32 to index
        %parallel_loop3A_478 = arith.index_cast %parallel_loop3A_398 : i32 to index
        %parallel_loop3A_479 = arith.constant 16 : index
        %parallel_loop3A_480 = tpu.vector_load %arg6[%parallel_loop3A_476, %parallel_loop3A_477, %parallel_loop3A_478, %parallel_loop3A_479] {strides = array<i32>} : memref<2x4x16x384xf32, #tpu.memory_space<vmem>>, vector<16xf32>,
        %parallel_loop3A_481 = arith.constant 1 : i32
        %parallel_loop3A_482 = arith.constant 2 : i32
        %parallel_loop3A_483 = arith.index_cast %parallel_loop3A_481 : i32 to index
        %parallel_loop3A_484 = arith.index_cast %parallel_loop3A_482 : i32 to index
        %parallel_loop3A_485 = arith.index_cast %parallel_loop3A_398 : i32 to index
        %parallel_loop3A_486 = arith.constant 16 : index
        %parallel_loop3A_487 = tpu.vector_load %arg6[%parallel_loop3A_483, %parallel_loop3A_484, %parallel_loop3A_485, %parallel_loop3A_486] {strides = array<i32>} : memref<2x4x16x384xf32, #tpu.memory_space<vmem>>, vector<16xf32>,
        %parallel_loop3A_488 = arith.constant 1 : i32
        %parallel_loop3A_489 = arith.constant 3 : i32
        %parallel_loop3A_490 = arith.index_cast %parallel_loop3A_488 : i32 to index
        %parallel_loop3A_491 = arith.index_cast %parallel_loop3A_489 : i32 to index
        %parallel_loop3A_492 = arith.index_cast %parallel_loop3A_398 : i32 to index
        %parallel_loop3A_493 = arith.constant 16 : index
        %parallel_loop3A_494 = tpu.vector_load %arg6[%parallel_loop3A_490, %parallel_loop3A_491, %parallel_loop3A_492, %parallel_loop3A_493] {strides = array<i32>} : memref<2x4x16x384xf32, #tpu.memory_space<vmem>>, vector<16xf32>,
        %parallel_loop3A_495 = arith.mulf %parallel_loop3A_473, %parallel_loop3A_426 : vector<16xf32>
        %parallel_loop3A_496 = arith.mulf %parallel_loop3A_480, %parallel_loop3A_422 : vector<16xf32>
        %parallel_loop3A_497 = arith.addf %parallel_loop3A_495, %parallel_loop3A_496 : vector<16xf32>
        %parallel_loop3A_498 = arith.mulf %parallel_loop3A_487, %parallel_loop3A_421 : vector<16xf32>
        %parallel_loop3A_499 = arith.mulf %parallel_loop3A_494, %parallel_loop3A_420 : vector<16xf32>
        %parallel_loop3A_500 = arith.addf %parallel_loop3A_498, %parallel_loop3A_499 : vector<16xf32>
        %parallel_loop3A_501 = arith.addf %parallel_loop3A_497, %parallel_loop3A_500 : vector<16xf32>
        %parallel_loop3A_502 = arith.constant 1 : i32
        %parallel_loop3A_503 = arith.index_cast %parallel_loop3A_502 : i32 to index
        %parallel_loop3A_504 = arith.index_cast %parallel_loop3A_398 : i32 to index
        %parallel_loop3A_505 = arith.constant 16 : index
        %parallel_loop3A_506 = tpu.vector_load %arg7[%parallel_loop3A_503, %parallel_loop3A_504, %parallel_loop3A_505] {strides = array<i32>} : memref<2x16x384xf32, #tpu.memory_space<vmem>>, vector<16xf32>,
        tpu.vector_store %arg7[%parallel_loop3A_503, %parallel_loop3A_504, %parallel_loop3A_505], %parallel_loop3A_501 {strides = array<i32>} : memref<2x16x384xf32, #tpu.memory_space<vmem>>, vector<16xf32>,
        %parallel_loop3A_507 = arith.constant 1 : i32
        %parallel_loop3A_508 = arith.constant 0 : i32
        %parallel_loop3A_509 = arith.index_cast %parallel_loop3A_507 : i32 to index
        %parallel_loop3A_510 = arith.index_cast %parallel_loop3A_508 : i32 to index
        %parallel_loop3A_511 = arith.index_cast %parallel_loop3A_398 : i32 to index
        %parallel_loop3A_512 = arith.constant 32 : index
        %parallel_loop3A_513 = tpu.vector_load %arg6[%parallel_loop3A_509, %parallel_loop3A_510, %parallel_loop3A_511, %parallel_loop3A_512] {strides = array<i32>} : memref<2x4x16x384xf32, #tpu.memory_space<vmem>>, vector<16xf32>,
        %parallel_loop3A_514 = arith.constant 1 : i32
        %parallel_loop3A_515 = arith.constant 1 : i32
        %parallel_loop3A_516 = arith.index_cast %parallel_loop3A_514 : i32 to index
        %parallel_loop3A_517 = arith.index_cast %parallel_loop3A_515 : i32 to index
        %parallel_loop3A_518 = arith.index_cast %parallel_loop3A_398 : i32 to index
        %parallel_loop3A_519 = arith.constant 32 : index
        %parallel_loop3A_520 = tpu.vector_load %arg6[%parallel_loop3A_516, %parallel_loop3A_517, %parallel_loop3A_518, %parallel_loop3A_519] {strides = array<i32>} : memref<2x4x16x384xf32, #tpu.memory_space<vmem>>, vector<16xf32>,
        %parallel_loop3A_521 = arith.constant 1 : i32
        %parallel_loop3A_522 = arith.constant 2 : i32
        %parallel_loop3A_523 = arith.index_cast %parallel_loop3A_521 : i32 to index
        %parallel_loop3A_524 = arith.index_cast %parallel_loop3A_522 : i32 to index
        %parallel_loop3A_525 = arith.index_cast %parallel_loop3A_398 : i32 to index
        %parallel_loop3A_526 = arith.constant 32 : index
        %parallel_loop3A_527 = tpu.vector_load %arg6[%parallel_loop3A_523, %parallel_loop3A_524, %parallel_loop3A_525, %parallel_loop3A_526] {strides = array<i32>} : memref<2x4x16x384xf32, #tpu.memory_space<vmem>>, vector<16xf32>,
        %parallel_loop3A_528 = arith.constant 1 : i32
        %parallel_loop3A_529 = arith.constant 3 : i32
        %parallel_loop3A_530 = arith.index_cast %parallel_loop3A_528 : i32 to index
        %parallel_loop3A_531 = arith.index_cast %parallel_loop3A_529 : i32 to index
        %parallel_loop3A_532 = arith.index_cast %parallel_loop3A_398 : i32 to index
        %parallel_loop3A_533 = arith.constant 32 : index
        %parallel_loop3A_534 = tpu.vector_load %arg6[%parallel_loop3A_530, %parallel_loop3A_531, %parallel_loop3A_532, %parallel_loop3A_533] {strides = array<i32>} : memref<2x4x16x384xf32, #tpu.memory_space<vmem>>, vector<16xf32>,
        %parallel_loop3A_535 = arith.mulf %parallel_loop3A_513, %parallel_loop3A_426 : vector<16xf32>
        %parallel_loop3A_536 = arith.mulf %parallel_loop3A_520, %parallel_loop3A_422 : vector<16xf32>
        %parallel_loop3A_537 = arith.addf %parallel_loop3A_535, %parallel_loop3A_536 : vector<16xf32>
        %parallel_loop3A_538 = arith.mulf %parallel_loop3A_527, %parallel_loop3A_421 : vector<16xf32>
        %parallel_loop3A_539 = arith.mulf %parallel_loop3A_534, %parallel_loop3A_420 : vector<16xf32>
        %parallel_loop3A_540 = arith.addf %parallel_loop3A_538, %parallel_loop3A_539 : vector<16xf32>
        %parallel_loop3A_541 = arith.addf %parallel_loop3A_537, %parallel_loop3A_540 : vector<16xf32>
        %parallel_loop3A_542 = arith.constant 1 : i32
        %parallel_loop3A_543 = arith.index_cast %parallel_loop3A_542 : i32 to index
        %parallel_loop3A_544 = arith.index_cast %parallel_loop3A_398 : i32 to index
        %parallel_loop3A_545 = arith.constant 32 : index
        %parallel_loop3A_546 = tpu.vector_load %arg7[%parallel_loop3A_543, %parallel_loop3A_544, %parallel_loop3A_545] {strides = array<i32>} : memref<2x16x384xf32, #tpu.memory_space<vmem>>, vector<16xf32>,
        tpu.vector_store %arg7[%parallel_loop3A_543, %parallel_loop3A_544, %parallel_loop3A_545], %parallel_loop3A_541 {strides = array<i32>} : memref<2x16x384xf32, #tpu.memory_space<vmem>>, vector<16xf32>,
        %parallel_loop3A_547 = arith.constant 1 : i32
        %parallel_loop3A_548 = arith.constant 0 : i32
        %parallel_loop3A_549 = arith.index_cast %parallel_loop3A_547 : i32 to index
        %parallel_loop3A_550 = arith.index_cast %parallel_loop3A_548 : i32 to index
        %parallel_loop3A_551 = arith.index_cast %parallel_loop3A_398 : i32 to index
        %parallel_loop3A_552 = arith.constant 48 : index
        %parallel_loop3A_553 = tpu.vector_load %arg6[%parallel_loop3A_549, %parallel_loop3A_550, %parallel_loop3A_551, %parallel_loop3A_552] {strides = array<i32>} : memref<2x4x16x384xf32, #tpu.memory_space<vmem>>, vector<16xf32>,
        %parallel_loop3A_554 = arith.constant 1 : i32
        %parallel_loop3A_555 = arith.constant 1 : i32
        %parallel_loop3A_556 = arith.index_cast %parallel_loop3A_554 : i32 to index
        %parallel_loop3A_557 = arith.index_cast %parallel_loop3A_555 : i32 to index
        %parallel_loop3A_558 = arith.index_cast %parallel_loop3A_398 : i32 to index
        %parallel_loop3A_559 = arith.constant 48 : index
        %parallel_loop3A_560 = tpu.vector_load %arg6[%parallel_loop3A_556, %parallel_loop3A_557, %parallel_loop3A_558, %parallel_loop3A_559] {strides = array<i32>} : memref<2x4x16x384xf32, #tpu.memory_space<vmem>>, vector<16xf32>,
        %parallel_loop3A_561 = arith.constant 1 : i32
        %parallel_loop3A_562 = arith.constant 2 : i32
        %parallel_loop3A_563 = arith.index_cast %parallel_loop3A_561 : i32 to index
        %parallel_loop3A_564 = arith.index_cast %parallel_loop3A_562 : i32 to index
        %parallel_loop3A_565 = arith.index_cast %parallel_loop3A_398 : i32 to index
        %parallel_loop3A_566 = arith.constant 48 : index
        %parallel_loop3A_567 = tpu.vector_load %arg6[%parallel_loop3A_563, %parallel_loop3A_564, %parallel_loop3A_565, %parallel_loop3A_566] {strides = array<i32>} : memref<2x4x16x384xf32, #tpu.memory_space<vmem>>, vector<16xf32>,
        %parallel_loop3A_568 = arith.constant 1 : i32
        %parallel_loop3A_569 = arith.constant 3 : i32
        %parallel_loop3A_570 = arith.index_cast %parallel_loop3A_568 : i32 to index
        %parallel_loop3A_571 = arith.index_cast %parallel_loop3A_569 : i32 to index
        %parallel_loop3A_572 = arith.index_cast %parallel_loop3A_398 : i32 to index
        %parallel_loop3A_573 = arith.constant 48 : index
        %parallel_loop3A_574 = tpu.vector_load %arg6[%parallel_loop3A_570, %parallel_loop3A_571, %parallel_loop3A_572, %parallel_loop3A_573] {strides = array<i32>} : memref<2x4x16x384xf32, #tpu.memory_space<vmem>>, vector<16xf32>,
        %parallel_loop3A_575 = arith.mulf %parallel_loop3A_553, %parallel_loop3A_426 : vector<16xf32>
        %parallel_loop3A_576 = arith.mulf %parallel_loop3A_560, %parallel_loop3A_422 : vector<16xf32>
        %parallel_loop3A_577 = arith.addf %parallel_loop3A_575, %parallel_loop3A_576 : vector<16xf32>
        %parallel_loop3A_578 = arith.mulf %parallel_loop3A_567, %parallel_loop3A_421 : vector<16xf32>
        %parallel_loop3A_579 = arith.mulf %parallel_loop3A_574, %parallel_loop3A_420 : vector<16xf32>
        %parallel_loop3A_580 = arith.addf %parallel_loop3A_578, %parallel_loop3A_579 : vector<16xf32>
        %parallel_loop3A_581 = arith.addf %parallel_loop3A_577, %parallel_loop3A_580 : vector<16xf32>
        %parallel_loop3A_582 = arith.constant 1 : i32
        %parallel_loop3A_583 = arith.index_cast %parallel_loop3A_582 : i32 to index
        %parallel_loop3A_584 = arith.index_cast %parallel_loop3A_398 : i32 to index
        %parallel_loop3A_585 = arith.constant 48 : index
        %parallel_loop3A_586 = tpu.vector_load %arg7[%parallel_loop3A_583, %parallel_loop3A_584, %parallel_loop3A_585] {strides = array<i32>} : memref<2x16x384xf32, #tpu.memory_space<vmem>>, vector<16xf32>,
        tpu.vector_store %arg7[%parallel_loop3A_583, %parallel_loop3A_584, %parallel_loop3A_585], %parallel_loop3A_581 {strides = array<i32>} : memref<2x16x384xf32, #tpu.memory_space<vmem>>, vector<16xf32>,
        %parallel_loop3A_587 = arith.constant 1 : i32
        %parallel_loop3A_588 = arith.constant 0 : i32
        %parallel_loop3A_589 = arith.index_cast %parallel_loop3A_587 : i32 to index
        %parallel_loop3A_590 = arith.index_cast %parallel_loop3A_588 : i32 to index
        %parallel_loop3A_591 = arith.index_cast %parallel_loop3A_398 : i32 to index
        %parallel_loop3A_592 = arith.constant 64 : index
        %parallel_loop3A_593 = tpu.vector_load %arg6[%parallel_loop3A_589, %parallel_loop3A_590, %parallel_loop3A_591, %parallel_loop3A_592] {strides = array<i32>} : memref<2x4x16x384xf32, #tpu.memory_space<vmem>>, vector<16xf32>,
        %parallel_loop3A_594 = arith.constant 1 : i32
        %parallel_loop3A_595 = arith.constant 1 : i32
        %parallel_loop3A_596 = arith.index_cast %parallel_loop3A_594 : i32 to index
        %parallel_loop3A_597 = arith.index_cast %parallel_loop3A_595 : i32 to index
        %parallel_loop3A_598 = arith.index_cast %parallel_loop3A_398 : i32 to index
        %parallel_loop3A_599 = arith.constant 64 : index
        %parallel_loop3A_600 = tpu.vector_load %arg6[%parallel_loop3A_596, %parallel_loop3A_597, %parallel_loop3A_598, %parallel_loop3A_599] {strides = array<i32>} : memref<2x4x16x384xf32, #tpu.memory_space<vmem>>, vector<16xf32>,
        %parallel_loop3A_601 = arith.constant 1 : i32
        %parallel_loop3A_602 = arith.constant 2 : i32
        %parallel_loop3A_603 = arith.index_cast %parallel_loop3A_601 : i32 to index
        %parallel_loop3A_604 = arith.index_cast %parallel_loop3A_602 : i32 to index
        %parallel_loop3A_605 = arith.index_cast %parallel_loop3A_398 : i32 to index
        %parallel_loop3A_606 = arith.constant 64 : index
        %parallel_loop3A_607 = tpu.vector_load %arg6[%parallel_loop3A_603, %parallel_loop3A_604, %parallel_loop3A_605, %parallel_loop3A_606] {strides = array<i32>} : memref<2x4x16x384xf32, #tpu.memory_space<vmem>>, vector<16xf32>,
        %parallel_loop3A_608 = arith.constant 1 : i32
        %parallel_loop3A_609 = arith.constant 3 : i32
        %parallel_loop3A_610 = arith.index_cast %parallel_loop3A_608 : i32 to index
        %parallel_loop3A_611 = arith.index_cast %parallel_loop3A_609 : i32 to index
        %parallel_loop3A_612 = arith.index_cast %parallel_loop3A_398 : i32 to index
        %parallel_loop3A_613 = arith.constant 64 : index
        %parallel_loop3A_614 = tpu.vector_load %arg6[%parallel_loop3A_610, %parallel_loop3A_611, %parallel_loop3A_612, %parallel_loop3A_613] {strides = array<i32>} : memref<2x4x16x384xf32, #tpu.memory_space<vmem>>, vector<16xf32>,
        %parallel_loop3A_615 = arith.mulf %parallel_loop3A_593, %parallel_loop3A_426 : vector<16xf32>
        %parallel_loop3A_616 = arith.mulf %parallel_loop3A_600, %parallel_loop3A_422 : vector<16xf32>
        %parallel_loop3A_617 = arith.addf %parallel_loop3A_615, %parallel_loop3A_616 : vector<16xf32>
        %parallel_loop3A_618 = arith.mulf %parallel_loop3A_607, %parallel_loop3A_421 : vector<16xf32>
        %parallel_loop3A_619 = arith.mulf %parallel_loop3A_614, %parallel_loop3A_420 : vector<16xf32>
        %parallel_loop3A_620 = arith.addf %parallel_loop3A_618, %parallel_loop3A_619 : vector<16xf32>
        %parallel_loop3A_621 = arith.addf %parallel_loop3A_617, %parallel_loop3A_620 : vector<16xf32>
        %parallel_loop3A_622 = arith.constant 1 : i32
        %parallel_loop3A_623 = arith.index_cast %parallel_loop3A_622 : i32 to index
        %parallel_loop3A_624 = arith.index_cast %parallel_loop3A_398 : i32 to index
        %parallel_loop3A_625 = arith.constant 64 : index
        %parallel_loop3A_626 = tpu.vector_load %arg7[%parallel_loop3A_623, %parallel_loop3A_624, %parallel_loop3A_625] {strides = array<i32>} : memref<2x16x384xf32, #tpu.memory_space<vmem>>, vector<16xf32>,
        tpu.vector_store %arg7[%parallel_loop3A_623, %parallel_loop3A_624, %parallel_loop3A_625], %parallel_loop3A_621 {strides = array<i32>} : memref<2x16x384xf32, #tpu.memory_space<vmem>>, vector<16xf32>,
        %parallel_loop3A_627 = arith.constant 1 : i32
        %parallel_loop3A_628 = arith.constant 0 : i32
        %parallel_loop3A_629 = arith.index_cast %parallel_loop3A_627 : i32 to index
        %parallel_loop3A_630 = arith.index_cast %parallel_loop3A_628 : i32 to index
        %parallel_loop3A_631 = arith.index_cast %parallel_loop3A_398 : i32 to index
        %parallel_loop3A_632 = arith.constant 80 : index
        %parallel_loop3A_633 = tpu.vector_load %arg6[%parallel_loop3A_629, %parallel_loop3A_630, %parallel_loop3A_631, %parallel_loop3A_632] {strides = array<i32>} : memref<2x4x16x384xf32, #tpu.memory_space<vmem>>, vector<16xf32>,
        %parallel_loop3A_634 = arith.constant 1 : i32
        %parallel_loop3A_635 = arith.constant 1 : i32
        %parallel_loop3A_636 = arith.index_cast %parallel_loop3A_634 : i32 to index
        %parallel_loop3A_637 = arith.index_cast %parallel_loop3A_635 : i32 to index
        %parallel_loop3A_638 = arith.index_cast %parallel_loop3A_398 : i32 to index
        %parallel_loop3A_639 = arith.constant 80 : index
        %parallel_loop3A_640 = tpu.vector_load %arg6[%parallel_loop3A_636, %parallel_loop3A_637, %parallel_loop3A_638, %parallel_loop3A_639] {strides = array<i32>} : memref<2x4x16x384xf32, #tpu.memory_space<vmem>>, vector<16xf32>,
        %parallel_loop3A_641 = arith.constant 1 : i32
        %parallel_loop3A_642 = arith.constant 2 : i32
        %parallel_loop3A_643 = arith.index_cast %parallel_loop3A_641 : i32 to index
        %parallel_loop3A_644 = arith.index_cast %parallel_loop3A_642 : i32 to index
        %parallel_loop3A_645 = arith.index_cast %parallel_loop3A_398 : i32 to index
        %parallel_loop3A_646 = arith.constant 80 : index
        %parallel_loop3A_647 = tpu.vector_load %arg6[%parallel_loop3A_643, %parallel_loop3A_644, %parallel_loop3A_645, %parallel_loop3A_646] {strides = array<i32>} : memref<2x4x16x384xf32, #tpu.memory_space<vmem>>, vector<16xf32>,
        %parallel_loop3A_648 = arith.constant 1 : i32
        %parallel_loop3A_649 = arith.constant 3 : i32
        %parallel_loop3A_650 = arith.index_cast %parallel_loop3A_648 : i32 to index
        %parallel_loop3A_651 = arith.index_cast %parallel_loop3A_649 : i32 to index
        %parallel_loop3A_652 = arith.index_cast %parallel_loop3A_398 : i32 to index
        %parallel_loop3A_653 = arith.constant 80 : index
        %parallel_loop3A_654 = tpu.vector_load %arg6[%parallel_loop3A_650, %parallel_loop3A_651, %parallel_loop3A_652, %parallel_loop3A_653] {strides = array<i32>} : memref<2x4x16x384xf32, #tpu.memory_space<vmem>>, vector<16xf32>,
        %parallel_loop3A_655 = arith.mulf %parallel_loop3A_633, %parallel_loop3A_426 : vector<16xf32>
        %parallel_loop3A_656 = arith.mulf %parallel_loop3A_640, %parallel_loop3A_422 : vector<16xf32>
        %parallel_loop3A_657 = arith.addf %parallel_loop3A_655, %parallel_loop3A_656 : vector<16xf32>
        %parallel_loop3A_658 = arith.mulf %parallel_loop3A_647, %parallel_loop3A_421 : vector<16xf32>
        %parallel_loop3A_659 = arith.mulf %parallel_loop3A_654, %parallel_loop3A_420 : vector<16xf32>
        %parallel_loop3A_660 = arith.addf %parallel_loop3A_658, %parallel_loop3A_659 : vector<16xf32>
        %parallel_loop3A_661 = arith.addf %parallel_loop3A_657, %parallel_loop3A_660 : vector<16xf32>
        %parallel_loop3A_662 = arith.constant 1 : i32
        %parallel_loop3A_663 = arith.index_cast %parallel_loop3A_662 : i32 to index
        %parallel_loop3A_664 = arith.index_cast %parallel_loop3A_398 : i32 to index
        %parallel_loop3A_665 = arith.constant 80 : index
        %parallel_loop3A_666 = tpu.vector_load %arg7[%parallel_loop3A_663, %parallel_loop3A_664, %parallel_loop3A_665] {strides = array<i32>} : memref<2x16x384xf32, #tpu.memory_space<vmem>>, vector<16xf32>,
        tpu.vector_store %arg7[%parallel_loop3A_663, %parallel_loop3A_664, %parallel_loop3A_665], %parallel_loop3A_661 {strides = array<i32>} : memref<2x16x384xf32, #tpu.memory_space<vmem>>, vector<16xf32>,
        %parallel_loop3A_667 = arith.constant 1 : i32
        %parallel_loop3A_668 = arith.constant 0 : i32
        %parallel_loop3A_669 = arith.index_cast %parallel_loop3A_667 : i32 to index
        %parallel_loop3A_670 = arith.index_cast %parallel_loop3A_668 : i32 to index
        %parallel_loop3A_671 = arith.index_cast %parallel_loop3A_398 : i32 to index
        %parallel_loop3A_672 = arith.constant 96 : index
        %parallel_loop3A_673 = tpu.vector_load %arg6[%parallel_loop3A_669, %parallel_loop3A_670, %parallel_loop3A_671, %parallel_loop3A_672] {strides = array<i32>} : memref<2x4x16x384xf32, #tpu.memory_space<vmem>>, vector<16xf32>,
        %parallel_loop3A_674 = arith.constant 1 : i32
        %parallel_loop3A_675 = arith.constant 1 : i32
        %parallel_loop3A_676 = arith.index_cast %parallel_loop3A_674 : i32 to index
        %parallel_loop3A_677 = arith.index_cast %parallel_loop3A_675 : i32 to index
        %parallel_loop3A_678 = arith.index_cast %parallel_loop3A_398 : i32 to index
        %parallel_loop3A_679 = arith.constant 96 : index
        %parallel_loop3A_680 = tpu.vector_load %arg6[%parallel_loop3A_676, %parallel_loop3A_677, %parallel_loop3A_678, %parallel_loop3A_679] {strides = array<i32>} : memref<2x4x16x384xf32, #tpu.memory_space<vmem>>, vector<16xf32>,
        %parallel_loop3A_681 = arith.constant 1 : i32
        %parallel_loop3A_682 = arith.constant 2 : i32
        %parallel_loop3A_683 = arith.index_cast %parallel_loop3A_681 : i32 to index
        %parallel_loop3A_684 = arith.index_cast %parallel_loop3A_682 : i32 to index
        %parallel_loop3A_685 = arith.index_cast %parallel_loop3A_398 : i32 to index
        %parallel_loop3A_686 = arith.constant 96 : index
        %parallel_loop3A_687 = tpu.vector_load %arg6[%parallel_loop3A_683, %parallel_loop3A_684, %parallel_loop3A_685, %parallel_loop3A_686] {strides = array<i32>} : memref<2x4x16x384xf32, #tpu.memory_space<vmem>>, vector<16xf32>,
        %parallel_loop3A_688 = arith.constant 1 : i32
        %parallel_loop3A_689 = arith.constant 3 : i32
        %parallel_loop3A_690 = arith.index_cast %parallel_loop3A_688 : i32 to index
        %parallel_loop3A_691 = arith.index_cast %parallel_loop3A_689 : i32 to index
        %parallel_loop3A_692 = arith.index_cast %parallel_loop3A_398 : i32 to index
        %parallel_loop3A_693 = arith.constant 96 : index
        %parallel_loop3A_694 = tpu.vector_load %arg6[%parallel_loop3A_690, %parallel_loop3A_691, %parallel_loop3A_692, %parallel_loop3A_693] {strides = array<i32>} : memref<2x4x16x384xf32, #tpu.memory_space<vmem>>, vector<16xf32>,
        %parallel_loop3A_695 = arith.mulf %parallel_loop3A_673, %parallel_loop3A_426 : vector<16xf32>
        %parallel_loop3A_696 = arith.mulf %parallel_loop3A_680, %parallel_loop3A_422 : vector<16xf32>
        %parallel_loop3A_697 = arith.addf %parallel_loop3A_695, %parallel_loop3A_696 : vector<16xf32>
        %parallel_loop3A_698 = arith.mulf %parallel_loop3A_687, %parallel_loop3A_421 : vector<16xf32>
        %parallel_loop3A_699 = arith.mulf %parallel_loop3A_694, %parallel_loop3A_420 : vector<16xf32>
        %parallel_loop3A_700 = arith.addf %parallel_loop3A_698, %parallel_loop3A_699 : vector<16xf32>
        %parallel_loop3A_701 = arith.addf %parallel_loop3A_697, %parallel_loop3A_700 : vector<16xf32>
        %parallel_loop3A_702 = arith.constant 1 : i32
        %parallel_loop3A_703 = arith.index_cast %parallel_loop3A_702 : i32 to index
        %parallel_loop3A_704 = arith.index_cast %parallel_loop3A_398 : i32 to index
        %parallel_loop3A_705 = arith.constant 96 : index
        %parallel_loop3A_706 = tpu.vector_load %arg7[%parallel_loop3A_703, %parallel_loop3A_704, %parallel_loop3A_705] {strides = array<i32>} : memref<2x16x384xf32, #tpu.memory_space<vmem>>, vector<16xf32>,
        tpu.vector_store %arg7[%parallel_loop3A_703, %parallel_loop3A_704, %parallel_loop3A_705], %parallel_loop3A_701 {strides = array<i32>} : memref<2x16x384xf32, #tpu.memory_space<vmem>>, vector<16xf32>,
        %parallel_loop3A_707 = arith.constant 1 : i32
        %parallel_loop3A_708 = arith.constant 0 : i32
        %parallel_loop3A_709 = arith.index_cast %parallel_loop3A_707 : i32 to index
        %parallel_loop3A_710 = arith.index_cast %parallel_loop3A_708 : i32 to index
        %parallel_loop3A_711 = arith.index_cast %parallel_loop3A_398 : i32 to index
        %parallel_loop3A_712 = arith.constant 112 : index
        %parallel_loop3A_713 = tpu.vector_load %arg6[%parallel_loop3A_709, %parallel_loop3A_710, %parallel_loop3A_711, %parallel_loop3A_712] {strides = array<i32>} : memref<2x4x16x384xf32, #tpu.memory_space<vmem>>, vector<16xf32>,
        %parallel_loop3A_714 = arith.constant 1 : i32
        %parallel_loop3A_715 = arith.constant 1 : i32
        %parallel_loop3A_716 = arith.index_cast %parallel_loop3A_714 : i32 to index
        %parallel_loop3A_717 = arith.index_cast %parallel_loop3A_715 : i32 to index
        %parallel_loop3A_718 = arith.index_cast %parallel_loop3A_398 : i32 to index
        %parallel_loop3A_719 = arith.constant 112 : index
        %parallel_loop3A_720 = tpu.vector_load %arg6[%parallel_loop3A_716, %parallel_loop3A_717, %parallel_loop3A_718, %parallel_loop3A_719] {strides = array<i32>} : memref<2x4x16x384xf32, #tpu.memory_space<vmem>>, vector<16xf32>,
        %parallel_loop3A_721 = arith.constant 1 : i32
        %parallel_loop3A_722 = arith.constant 2 : i32
        %parallel_loop3A_723 = arith.index_cast %parallel_loop3A_721 : i32 to index
        %parallel_loop3A_724 = arith.index_cast %parallel_loop3A_722 : i32 to index
        %parallel_loop3A_725 = arith.index_cast %parallel_loop3A_398 : i32 to index
        %parallel_loop3A_726 = arith.constant 112 : index
        %parallel_loop3A_727 = tpu.vector_load %arg6[%parallel_loop3A_723, %parallel_loop3A_724, %parallel_loop3A_725, %parallel_loop3A_726] {strides = array<i32>} : memref<2x4x16x384xf32, #tpu.memory_space<vmem>>, vector<16xf32>,
        %parallel_loop3A_728 = arith.constant 1 : i32
        %parallel_loop3A_729 = arith.constant 3 : i32
        %parallel_loop3A_730 = arith.index_cast %parallel_loop3A_728 : i32 to index
        %parallel_loop3A_731 = arith.index_cast %parallel_loop3A_729 : i32 to index
        %parallel_loop3A_732 = arith.index_cast %parallel_loop3A_398 : i32 to index
        %parallel_loop3A_733 = arith.constant 112 : index
        %parallel_loop3A_734 = tpu.vector_load %arg6[%parallel_loop3A_730, %parallel_loop3A_731, %parallel_loop3A_732, %parallel_loop3A_733] {strides = array<i32>} : memref<2x4x16x384xf32, #tpu.memory_space<vmem>>, vector<16xf32>,
        %parallel_loop3A_735 = arith.mulf %parallel_loop3A_713, %parallel_loop3A_426 : vector<16xf32>
        %parallel_loop3A_736 = arith.mulf %parallel_loop3A_720, %parallel_loop3A_422 : vector<16xf32>
        %parallel_loop3A_737 = arith.addf %parallel_loop3A_735, %parallel_loop3A_736 : vector<16xf32>
        %parallel_loop3A_738 = arith.mulf %parallel_loop3A_727, %parallel_loop3A_421 : vector<16xf32>
        %parallel_loop3A_739 = arith.mulf %parallel_loop3A_734, %parallel_loop3A_420 : vector<16xf32>
        %parallel_loop3A_740 = arith.addf %parallel_loop3A_738, %parallel_loop3A_739 : vector<16xf32>
        %parallel_loop3A_741 = arith.addf %parallel_loop3A_737, %parallel_loop3A_740 : vector<16xf32>
        %parallel_loop3A_742 = arith.constant 1 : i32
        %parallel_loop3A_743 = arith.index_cast %parallel_loop3A_742 : i32 to index
        %parallel_loop3A_744 = arith.index_cast %parallel_loop3A_398 : i32 to index
        %parallel_loop3A_745 = arith.constant 112 : index
        %parallel_loop3A_746 = tpu.vector_load %arg7[%parallel_loop3A_743, %parallel_loop3A_744, %parallel_loop3A_745] {strides = array<i32>} : memref<2x16x384xf32, #tpu.memory_space<vmem>>, vector<16xf32>,
        tpu.vector_store %arg7[%parallel_loop3A_743, %parallel_loop3A_744, %parallel_loop3A_745], %parallel_loop3A_741 {strides = array<i32>} : memref<2x16x384xf32, #tpu.memory_space<vmem>>, vector<16xf32>,
        %parallel_loop3A_747 = arith.constant 1 : i32
        %parallel_loop3A_748 = arith.constant 0 : i32
        %parallel_loop3A_749 = arith.index_cast %parallel_loop3A_747 : i32 to index
        %parallel_loop3A_750 = arith.index_cast %parallel_loop3A_748 : i32 to index
        %parallel_loop3A_751 = arith.index_cast %parallel_loop3A_398 : i32 to index
        %parallel_loop3A_752 = arith.constant 128 : index
        %parallel_loop3A_753 = tpu.vector_load %arg6[%parallel_loop3A_749, %parallel_loop3A_750, %parallel_loop3A_751, %parallel_loop3A_752] {strides = array<i32>} : memref<2x4x16x384xf32, #tpu.memory_space<vmem>>, vector<16xf32>,
        %parallel_loop3A_754 = arith.constant 1 : i32
        %parallel_loop3A_755 = arith.constant 1 : i32
        %parallel_loop3A_756 = arith.index_cast %parallel_loop3A_754 : i32 to index
        %parallel_loop3A_757 = arith.index_cast %parallel_loop3A_755 : i32 to index
        %parallel_loop3A_758 = arith.index_cast %parallel_loop3A_398 : i32 to index
        %parallel_loop3A_759 = arith.constant 128 : index
        %parallel_loop3A_760 = tpu.vector_load %arg6[%parallel_loop3A_756, %parallel_loop3A_757, %parallel_loop3A_758, %parallel_loop3A_759] {strides = array<i32>} : memref<2x4x16x384xf32, #tpu.memory_space<vmem>>, vector<16xf32>,
        %parallel_loop3A_761 = arith.constant 1 : i32
        %parallel_loop3A_762 = arith.constant 2 : i32
        %parallel_loop3A_763 = arith.index_cast %parallel_loop3A_761 : i32 to index
        %parallel_loop3A_764 = arith.index_cast %parallel_loop3A_762 : i32 to index
        %parallel_loop3A_765 = arith.index_cast %parallel_loop3A_398 : i32 to index
        %parallel_loop3A_766 = arith.constant 128 : index
        %parallel_loop3A_767 = tpu.vector_load %arg6[%parallel_loop3A_763, %parallel_loop3A_764, %parallel_loop3A_765, %parallel_loop3A_766] {strides = array<i32>} : memref<2x4x16x384xf32, #tpu.memory_space<vmem>>, vector<16xf32>,
        %parallel_loop3A_768 = arith.constant 1 : i32
        %parallel_loop3A_769 = arith.constant 3 : i32
        %parallel_loop3A_770 = arith.index_cast %parallel_loop3A_768 : i32 to index
        %parallel_loop3A_771 = arith.index_cast %parallel_loop3A_769 : i32 to index
        %parallel_loop3A_772 = arith.index_cast %parallel_loop3A_398 : i32 to index
        %parallel_loop3A_773 = arith.constant 128 : index
        %parallel_loop3A_774 = tpu.vector_load %arg6[%parallel_loop3A_770, %parallel_loop3A_771, %parallel_loop3A_772, %parallel_loop3A_773] {strides = array<i32>} : memref<2x4x16x384xf32, #tpu.memory_space<vmem>>, vector<16xf32>,
        %parallel_loop3A_775 = arith.mulf %parallel_loop3A_753, %parallel_loop3A_426 : vector<16xf32>
        %parallel_loop3A_776 = arith.mulf %parallel_loop3A_760, %parallel_loop3A_422 : vector<16xf32>
        %parallel_loop3A_777 = arith.addf %parallel_loop3A_775, %parallel_loop3A_776 : vector<16xf32>
        %parallel_loop3A_778 = arith.mulf %parallel_loop3A_767, %parallel_loop3A_421 : vector<16xf32>
        %parallel_loop3A_779 = arith.mulf %parallel_loop3A_774, %parallel_loop3A_420 : vector<16xf32>
        %parallel_loop3A_780 = arith.addf %parallel_loop3A_778, %parallel_loop3A_779 : vector<16xf32>
        %parallel_loop3A_781 = arith.addf %parallel_loop3A_777, %parallel_loop3A_780 : vector<16xf32>
        %parallel_loop3A_782 = arith.constant 1 : i32
        %parallel_loop3A_783 = arith.index_cast %parallel_loop3A_782 : i32 to index
        %parallel_loop3A_784 = arith.index_cast %parallel_loop3A_398 : i32 to index
        %parallel_loop3A_785 = arith.constant 128 : index
        %parallel_loop3A_786 = tpu.vector_load %arg7[%parallel_loop3A_783, %parallel_loop3A_784, %parallel_loop3A_785] {strides = array<i32>} : memref<2x16x384xf32, #tpu.memory_space<vmem>>, vector<16xf32>,
        tpu.vector_store %arg7[%parallel_loop3A_783, %parallel_loop3A_784, %parallel_loop3A_785], %parallel_loop3A_781 {strides = array<i32>} : memref<2x16x384xf32, #tpu.memory_space<vmem>>, vector<16xf32>,
        %parallel_loop3A_787 = arith.constant 1 : i32
        %parallel_loop3A_788 = arith.constant 0 : i32
        %parallel_loop3A_789 = arith.index_cast %parallel_loop3A_787 : i32 to index
        %parallel_loop3A_790 = arith.index_cast %parallel_loop3A_788 : i32 to index
        %parallel_loop3A_791 = arith.index_cast %parallel_loop3A_398 : i32 to index
        %parallel_loop3A_792 = arith.constant 144 : index
        %parallel_loop3A_793 = tpu.vector_load %arg6[%parallel_loop3A_789, %parallel_loop3A_790, %parallel_loop3A_791, %parallel_loop3A_792] {strides = array<i32>} : memref<2x4x16x384xf32, #tpu.memory_space<vmem>>, vector<16xf32>,
        %parallel_loop3A_794 = arith.constant 1 : i32
        %parallel_loop3A_795 = arith.constant 1 : i32
        %parallel_loop3A_796 = arith.index_cast %parallel_loop3A_794 : i32 to index
        %parallel_loop3A_797 = arith.index_cast %parallel_loop3A_795 : i32 to index
        %parallel_loop3A_798 = arith.index_cast %parallel_loop3A_398 : i32 to index
        %parallel_loop3A_799 = arith.constant 144 : index
        %parallel_loop3A_800 = tpu.vector_load %arg6[%parallel_loop3A_796, %parallel_loop3A_797, %parallel_loop3A_798, %parallel_loop3A_799] {strides = array<i32>} : memref<2x4x16x384xf32, #tpu.memory_space<vmem>>, vector<16xf32>,
        %parallel_loop3A_801 = arith.constant 1 : i32
        %parallel_loop3A_802 = arith.constant 2 : i32
        %parallel_loop3A_803 = arith.index_cast %parallel_loop3A_801 : i32 to index
        %parallel_loop3A_804 = arith.index_cast %parallel_loop3A_802 : i32 to index
        %parallel_loop3A_805 = arith.index_cast %parallel_loop3A_398 : i32 to index
        %parallel_loop3A_806 = arith.constant 144 : index
        %parallel_loop3A_807 = tpu.vector_load %arg6[%parallel_loop3A_803, %parallel_loop3A_804, %parallel_loop3A_805, %parallel_loop3A_806] {strides = array<i32>} : memref<2x4x16x384xf32, #tpu.memory_space<vmem>>, vector<16xf32>,
        %parallel_loop3A_808 = arith.constant 1 : i32
        %parallel_loop3A_809 = arith.constant 3 : i32
        %parallel_loop3A_810 = arith.index_cast %parallel_loop3A_808 : i32 to index
        %parallel_loop3A_811 = arith.index_cast %parallel_loop3A_809 : i32 to index
        %parallel_loop3A_812 = arith.index_cast %parallel_loop3A_398 : i32 to index
        %parallel_loop3A_813 = arith.constant 144 : index
        %parallel_loop3A_814 = tpu.vector_load %arg6[%parallel_loop3A_810, %parallel_loop3A_811, %parallel_loop3A_812, %parallel_loop3A_813] {strides = array<i32>} : memref<2x4x16x384xf32, #tpu.memory_space<vmem>>, vector<16xf32>,
        %parallel_loop3A_815 = arith.mulf %parallel_loop3A_793, %parallel_loop3A_426 : vector<16xf32>
        %parallel_loop3A_816 = arith.mulf %parallel_loop3A_800, %parallel_loop3A_422 : vector<16xf32>
        %parallel_loop3A_817 = arith.addf %parallel_loop3A_815, %parallel_loop3A_816 : vector<16xf32>
        %parallel_loop3A_818 = arith.mulf %parallel_loop3A_807, %parallel_loop3A_421 : vector<16xf32>
        %parallel_loop3A_819 = arith.mulf %parallel_loop3A_814, %parallel_loop3A_420 : vector<16xf32>
        %parallel_loop3A_820 = arith.addf %parallel_loop3A_818, %parallel_loop3A_819 : vector<16xf32>
        %parallel_loop3A_821 = arith.addf %parallel_loop3A_817, %parallel_loop3A_820 : vector<16xf32>
        %parallel_loop3A_822 = arith.constant 1 : i32
        %parallel_loop3A_823 = arith.index_cast %parallel_loop3A_822 : i32 to index
        %parallel_loop3A_824 = arith.index_cast %parallel_loop3A_398 : i32 to index
        %parallel_loop3A_825 = arith.constant 144 : index
        %parallel_loop3A_826 = tpu.vector_load %arg7[%parallel_loop3A_823, %parallel_loop3A_824, %parallel_loop3A_825] {strides = array<i32>} : memref<2x16x384xf32, #tpu.memory_space<vmem>>, vector<16xf32>,
        tpu.vector_store %arg7[%parallel_loop3A_823, %parallel_loop3A_824, %parallel_loop3A_825], %parallel_loop3A_821 {strides = array<i32>} : memref<2x16x384xf32, #tpu.memory_space<vmem>>, vector<16xf32>,
        %parallel_loop3A_827 = arith.constant 1 : i32
        %parallel_loop3A_828 = arith.constant 0 : i32
        %parallel_loop3A_829 = arith.index_cast %parallel_loop3A_827 : i32 to index
        %parallel_loop3A_830 = arith.index_cast %parallel_loop3A_828 : i32 to index
        %parallel_loop3A_831 = arith.index_cast %parallel_loop3A_398 : i32 to index
        %parallel_loop3A_832 = arith.constant 160 : index
        %parallel_loop3A_833 = tpu.vector_load %arg6[%parallel_loop3A_829, %parallel_loop3A_830, %parallel_loop3A_831, %parallel_loop3A_832] {strides = array<i32>} : memref<2x4x16x384xf32, #tpu.memory_space<vmem>>, vector<16xf32>,
        %parallel_loop3A_834 = arith.constant 1 : i32
        %parallel_loop3A_835 = arith.constant 1 : i32
        %parallel_loop3A_836 = arith.index_cast %parallel_loop3A_834 : i32 to index
        %parallel_loop3A_837 = arith.index_cast %parallel_loop3A_835 : i32 to index
        %parallel_loop3A_838 = arith.index_cast %parallel_loop3A_398 : i32 to index
        %parallel_loop3A_839 = arith.constant 160 : index
        %parallel_loop3A_840 = tpu.vector_load %arg6[%parallel_loop3A_836, %parallel_loop3A_837, %parallel_loop3A_838, %parallel_loop3A_839] {strides = array<i32>} : memref<2x4x16x384xf32, #tpu.memory_space<vmem>>, vector<16xf32>,
        %parallel_loop3A_841 = arith.constant 1 : i32
        %parallel_loop3A_842 = arith.constant 2 : i32
        %parallel_loop3A_843 = arith.index_cast %parallel_loop3A_841 : i32 to index
        %parallel_loop3A_844 = arith.index_cast %parallel_loop3A_842 : i32 to index
        %parallel_loop3A_845 = arith.index_cast %parallel_loop3A_398 : i32 to index
        %parallel_loop3A_846 = arith.constant 160 : index
        %parallel_loop3A_847 = tpu.vector_load %arg6[%parallel_loop3A_843, %parallel_loop3A_844, %parallel_loop3A_845, %parallel_loop3A_846] {strides = array<i32>} : memref<2x4x16x384xf32, #tpu.memory_space<vmem>>, vector<16xf32>,
        %parallel_loop3A_848 = arith.constant 1 : i32
        %parallel_loop3A_849 = arith.constant 3 : i32
        %parallel_loop3A_850 = arith.index_cast %parallel_loop3A_848 : i32 to index
        %parallel_loop3A_851 = arith.index_cast %parallel_loop3A_849 : i32 to index
        %parallel_loop3A_852 = arith.index_cast %parallel_loop3A_398 : i32 to index
        %parallel_loop3A_853 = arith.constant 160 : index
        %parallel_loop3A_854 = tpu.vector_load %arg6[%parallel_loop3A_850, %parallel_loop3A_851, %parallel_loop3A_852, %parallel_loop3A_853] {strides = array<i32>} : memref<2x4x16x384xf32, #tpu.memory_space<vmem>>, vector<16xf32>,
        %parallel_loop3A_855 = arith.mulf %parallel_loop3A_833, %parallel_loop3A_426 : vector<16xf32>
        %parallel_loop3A_856 = arith.mulf %parallel_loop3A_840, %parallel_loop3A_422 : vector<16xf32>
        %parallel_loop3A_857 = arith.addf %parallel_loop3A_855, %parallel_loop3A_856 : vector<16xf32>
        %parallel_loop3A_858 = arith.mulf %parallel_loop3A_847, %parallel_loop3A_421 : vector<16xf32>
        %parallel_loop3A_859 = arith.mulf %parallel_loop3A_854, %parallel_loop3A_420 : vector<16xf32>
        %parallel_loop3A_860 = arith.addf %parallel_loop3A_858, %parallel_loop3A_859 : vector<16xf32>
        %parallel_loop3A_861 = arith.addf %parallel_loop3A_857, %parallel_loop3A_860 : vector<16xf32>
        %parallel_loop3A_862 = arith.constant 1 : i32
        %parallel_loop3A_863 = arith.index_cast %parallel_loop3A_862 : i32 to index
        %parallel_loop3A_864 = arith.index_cast %parallel_loop3A_398 : i32 to index
        %parallel_loop3A_865 = arith.constant 160 : index
        %parallel_loop3A_866 = tpu.vector_load %arg7[%parallel_loop3A_863, %parallel_loop3A_864, %parallel_loop3A_865] {strides = array<i32>} : memref<2x16x384xf32, #tpu.memory_space<vmem>>, vector<16xf32>,
        tpu.vector_store %arg7[%parallel_loop3A_863, %parallel_loop3A_864, %parallel_loop3A_865], %parallel_loop3A_861 {strides = array<i32>} : memref<2x16x384xf32, #tpu.memory_space<vmem>>, vector<16xf32>,
        %parallel_loop3A_867 = arith.constant 1 : i32
        %parallel_loop3A_868 = arith.constant 0 : i32
        %parallel_loop3A_869 = arith.index_cast %parallel_loop3A_867 : i32 to index
        %parallel_loop3A_870 = arith.index_cast %parallel_loop3A_868 : i32 to index
        %parallel_loop3A_871 = arith.index_cast %parallel_loop3A_398 : i32 to index
        %parallel_loop3A_872 = arith.constant 176 : index
        %parallel_loop3A_873 = tpu.vector_load %arg6[%parallel_loop3A_869, %parallel_loop3A_870, %parallel_loop3A_871, %parallel_loop3A_872] {strides = array<i32>} : memref<2x4x16x384xf32, #tpu.memory_space<vmem>>, vector<16xf32>,
        %parallel_loop3A_874 = arith.constant 1 : i32
        %parallel_loop3A_875 = arith.constant 1 : i32
        %parallel_loop3A_876 = arith.index_cast %parallel_loop3A_874 : i32 to index
        %parallel_loop3A_877 = arith.index_cast %parallel_loop3A_875 : i32 to index
        %parallel_loop3A_878 = arith.index_cast %parallel_loop3A_398 : i32 to index
        %parallel_loop3A_879 = arith.constant 176 : index
        %parallel_loop3A_880 = tpu.vector_load %arg6[%parallel_loop3A_876, %parallel_loop3A_877, %parallel_loop3A_878, %parallel_loop3A_879] {strides = array<i32>} : memref<2x4x16x384xf32, #tpu.memory_space<vmem>>, vector<16xf32>,
        %parallel_loop3A_881 = arith.constant 1 : i32
        %parallel_loop3A_882 = arith.constant 2 : i32
        %parallel_loop3A_883 = arith.index_cast %parallel_loop3A_881 : i32 to index
        %parallel_loop3A_884 = arith.index_cast %parallel_loop3A_882 : i32 to index
        %parallel_loop3A_885 = arith.index_cast %parallel_loop3A_398 : i32 to index
        %parallel_loop3A_886 = arith.constant 176 : index
        %parallel_loop3A_887 = tpu.vector_load %arg6[%parallel_loop3A_883, %parallel_loop3A_884, %parallel_loop3A_885, %parallel_loop3A_886] {strides = array<i32>} : memref<2x4x16x384xf32, #tpu.memory_space<vmem>>, vector<16xf32>,
        %parallel_loop3A_888 = arith.constant 1 : i32
        %parallel_loop3A_889 = arith.constant 3 : i32
        %parallel_loop3A_890 = arith.index_cast %parallel_loop3A_888 : i32 to index
        %parallel_loop3A_891 = arith.index_cast %parallel_loop3A_889 : i32 to index
        %parallel_loop3A_892 = arith.index_cast %parallel_loop3A_398 : i32 to index
        %parallel_loop3A_893 = arith.constant 176 : index
        %parallel_loop3A_894 = tpu.vector_load %arg6[%parallel_loop3A_890, %parallel_loop3A_891, %parallel_loop3A_892, %parallel_loop3A_893] {strides = array<i32>} : memref<2x4x16x384xf32, #tpu.memory_space<vmem>>, vector<16xf32>,
        %parallel_loop3A_895 = arith.mulf %parallel_loop3A_873, %parallel_loop3A_426 : vector<16xf32>
        %parallel_loop3A_896 = arith.mulf %parallel_loop3A_880, %parallel_loop3A_422 : vector<16xf32>
        %parallel_loop3A_897 = arith.addf %parallel_loop3A_895, %parallel_loop3A_896 : vector<16xf32>
        %parallel_loop3A_898 = arith.mulf %parallel_loop3A_887, %parallel_loop3A_421 : vector<16xf32>
        %parallel_loop3A_899 = arith.mulf %parallel_loop3A_894, %parallel_loop3A_420 : vector<16xf32>
        %parallel_loop3A_900 = arith.addf %parallel_loop3A_898, %parallel_loop3A_899 : vector<16xf32>
        %parallel_loop3A_901 = arith.addf %parallel_loop3A_897, %parallel_loop3A_900 : vector<16xf32>
        %parallel_loop3A_902 = arith.constant 1 : i32
        %parallel_loop3A_903 = arith.index_cast %parallel_loop3A_902 : i32 to index
        %parallel_loop3A_904 = arith.index_cast %parallel_loop3A_398 : i32 to index
        %parallel_loop3A_905 = arith.constant 176 : index
        %parallel_loop3A_906 = tpu.vector_load %arg7[%parallel_loop3A_903, %parallel_loop3A_904, %parallel_loop3A_905] {strides = array<i32>} : memref<2x16x384xf32, #tpu.memory_space<vmem>>, vector<16xf32>,
        tpu.vector_store %arg7[%parallel_loop3A_903, %parallel_loop3A_904, %parallel_loop3A_905], %parallel_loop3A_901 {strides = array<i32>} : memref<2x16x384xf32, #tpu.memory_space<vmem>>, vector<16xf32>,
        %parallel_loop3A_907 = arith.constant 1 : i32
        %parallel_loop3A_908 = arith.constant 0 : i32
        %parallel_loop3A_909 = arith.index_cast %parallel_loop3A_907 : i32 to index
        %parallel_loop3A_910 = arith.index_cast %parallel_loop3A_908 : i32 to index
        %parallel_loop3A_911 = arith.index_cast %parallel_loop3A_398 : i32 to index
        %parallel_loop3A_912 = arith.constant 192 : index
        %parallel_loop3A_913 = tpu.vector_load %arg6[%parallel_loop3A_909, %parallel_loop3A_910, %parallel_loop3A_911, %parallel_loop3A_912] {strides = array<i32>} : memref<2x4x16x384xf32, #tpu.memory_space<vmem>>, vector<16xf32>,
        %parallel_loop3A_914 = arith.constant 1 : i32
        %parallel_loop3A_915 = arith.constant 1 : i32
        %parallel_loop3A_916 = arith.index_cast %parallel_loop3A_914 : i32 to index
        %parallel_loop3A_917 = arith.index_cast %parallel_loop3A_915 : i32 to index
        %parallel_loop3A_918 = arith.index_cast %parallel_loop3A_398 : i32 to index
        %parallel_loop3A_919 = arith.constant 192 : index
        %parallel_loop3A_920 = tpu.vector_load %arg6[%parallel_loop3A_916, %parallel_loop3A_917, %parallel_loop3A_918, %parallel_loop3A_919] {strides = array<i32>} : memref<2x4x16x384xf32, #tpu.memory_space<vmem>>, vector<16xf32>,
        %parallel_loop3A_921 = arith.constant 1 : i32
        %parallel_loop3A_922 = arith.constant 2 : i32
        %parallel_loop3A_923 = arith.index_cast %parallel_loop3A_921 : i32 to index
        %parallel_loop3A_924 = arith.index_cast %parallel_loop3A_922 : i32 to index
        %parallel_loop3A_925 = arith.index_cast %parallel_loop3A_398 : i32 to index
        %parallel_loop3A_926 = arith.constant 192 : index
        %parallel_loop3A_927 = tpu.vector_load %arg6[%parallel_loop3A_923, %parallel_loop3A_924, %parallel_loop3A_925, %parallel_loop3A_926] {strides = array<i32>} : memref<2x4x16x384xf32, #tpu.memory_space<vmem>>, vector<16xf32>,
        %parallel_loop3A_928 = arith.constant 1 : i32
        %parallel_loop3A_929 = arith.constant 3 : i32
        %parallel_loop3A_930 = arith.index_cast %parallel_loop3A_928 : i32 to index
        %parallel_loop3A_931 = arith.index_cast %parallel_loop3A_929 : i32 to index
        %parallel_loop3A_932 = arith.index_cast %parallel_loop3A_398 : i32 to index
        %parallel_loop3A_933 = arith.constant 192 : index
        %parallel_loop3A_934 = tpu.vector_load %arg6[%parallel_loop3A_930, %parallel_loop3A_931, %parallel_loop3A_932, %parallel_loop3A_933] {strides = array<i32>} : memref<2x4x16x384xf32, #tpu.memory_space<vmem>>, vector<16xf32>,
        %parallel_loop3A_935 = arith.mulf %parallel_loop3A_913, %parallel_loop3A_426 : vector<16xf32>
        %parallel_loop3A_936 = arith.mulf %parallel_loop3A_920, %parallel_loop3A_422 : vector<16xf32>
        %parallel_loop3A_937 = arith.addf %parallel_loop3A_935, %parallel_loop3A_936 : vector<16xf32>
        %parallel_loop3A_938 = arith.mulf %parallel_loop3A_927, %parallel_loop3A_421 : vector<16xf32>
        %parallel_loop3A_939 = arith.mulf %parallel_loop3A_934, %parallel_loop3A_420 : vector<16xf32>
        %parallel_loop3A_940 = arith.addf %parallel_loop3A_938, %parallel_loop3A_939 : vector<16xf32>
        %parallel_loop3A_941 = arith.addf %parallel_loop3A_937, %parallel_loop3A_940 : vector<16xf32>
        %parallel_loop3A_942 = arith.constant 1 : i32
        %parallel_loop3A_943 = arith.index_cast %parallel_loop3A_942 : i32 to index
        %parallel_loop3A_944 = arith.index_cast %parallel_loop3A_398 : i32 to index
        %parallel_loop3A_945 = arith.constant 192 : index
        %parallel_loop3A_946 = tpu.vector_load %arg7[%parallel_loop3A_943, %parallel_loop3A_944, %parallel_loop3A_945] {strides = array<i32>} : memref<2x16x384xf32, #tpu.memory_space<vmem>>, vector<16xf32>,
        tpu.vector_store %arg7[%parallel_loop3A_943, %parallel_loop3A_944, %parallel_loop3A_945], %parallel_loop3A_941 {strides = array<i32>} : memref<2x16x384xf32, #tpu.memory_space<vmem>>, vector<16xf32>,
        %parallel_loop3A_947 = arith.constant 1 : i32
        %parallel_loop3A_948 = arith.constant 0 : i32
        %parallel_loop3A_949 = arith.index_cast %parallel_loop3A_947 : i32 to index
        %parallel_loop3A_950 = arith.index_cast %parallel_loop3A_948 : i32 to index
        %parallel_loop3A_951 = arith.index_cast %parallel_loop3A_398 : i32 to index
        %parallel_loop3A_952 = arith.constant 208 : index
        %parallel_loop3A_953 = tpu.vector_load %arg6[%parallel_loop3A_949, %parallel_loop3A_950, %parallel_loop3A_951, %parallel_loop3A_952] {strides = array<i32>} : memref<2x4x16x384xf32, #tpu.memory_space<vmem>>, vector<16xf32>,
        %parallel_loop3A_954 = arith.constant 1 : i32
        %parallel_loop3A_955 = arith.constant 1 : i32
        %parallel_loop3A_956 = arith.index_cast %parallel_loop3A_954 : i32 to index
        %parallel_loop3A_957 = arith.index_cast %parallel_loop3A_955 : i32 to index
        %parallel_loop3A_958 = arith.index_cast %parallel_loop3A_398 : i32 to index
        %parallel_loop3A_959 = arith.constant 208 : index
        %parallel_loop3A_960 = tpu.vector_load %arg6[%parallel_loop3A_956, %parallel_loop3A_957, %parallel_loop3A_958, %parallel_loop3A_959] {strides = array<i32>} : memref<2x4x16x384xf32, #tpu.memory_space<vmem>>, vector<16xf32>,
        %parallel_loop3A_961 = arith.constant 1 : i32
        %parallel_loop3A_962 = arith.constant 2 : i32
        %parallel_loop3A_963 = arith.index_cast %parallel_loop3A_961 : i32 to index
        %parallel_loop3A_964 = arith.index_cast %parallel_loop3A_962 : i32 to index
        %parallel_loop3A_965 = arith.index_cast %parallel_loop3A_398 : i32 to index
        %parallel_loop3A_966 = arith.constant 208 : index
        %parallel_loop3A_967 = tpu.vector_load %arg6[%parallel_loop3A_963, %parallel_loop3A_964, %parallel_loop3A_965, %parallel_loop3A_966] {strides = array<i32>} : memref<2x4x16x384xf32, #tpu.memory_space<vmem>>, vector<16xf32>,
        %parallel_loop3A_968 = arith.constant 1 : i32
        %parallel_loop3A_969 = arith.constant 3 : i32
        %parallel_loop3A_970 = arith.index_cast %parallel_loop3A_968 : i32 to index
        %parallel_loop3A_971 = arith.index_cast %parallel_loop3A_969 : i32 to index
        %parallel_loop3A_972 = arith.index_cast %parallel_loop3A_398 : i32 to index
        %parallel_loop3A_973 = arith.constant 208 : index
        %parallel_loop3A_974 = tpu.vector_load %arg6[%parallel_loop3A_970, %parallel_loop3A_971, %parallel_loop3A_972, %parallel_loop3A_973] {strides = array<i32>} : memref<2x4x16x384xf32, #tpu.memory_space<vmem>>, vector<16xf32>,
        %parallel_loop3A_975 = arith.mulf %parallel_loop3A_953, %parallel_loop3A_426 : vector<16xf32>
        %parallel_loop3A_976 = arith.mulf %parallel_loop3A_960, %parallel_loop3A_422 : vector<16xf32>
        %parallel_loop3A_977 = arith.addf %parallel_loop3A_975, %parallel_loop3A_976 : vector<16xf32>
        %parallel_loop3A_978 = arith.mulf %parallel_loop3A_967, %parallel_loop3A_421 : vector<16xf32>
        %parallel_loop3A_979 = arith.mulf %parallel_loop3A_974, %parallel_loop3A_420 : vector<16xf32>
        %parallel_loop3A_980 = arith.addf %parallel_loop3A_978, %parallel_loop3A_979 : vector<16xf32>
        %parallel_loop3A_981 = arith.addf %parallel_loop3A_977, %parallel_loop3A_980 : vector<16xf32>
        %parallel_loop3A_982 = arith.constant 1 : i32
        %parallel_loop3A_983 = arith.index_cast %parallel_loop3A_982 : i32 to index
        %parallel_loop3A_984 = arith.index_cast %parallel_loop3A_398 : i32 to index
        %parallel_loop3A_985 = arith.constant 208 : index
        %parallel_loop3A_986 = tpu.vector_load %arg7[%parallel_loop3A_983, %parallel_loop3A_984, %parallel_loop3A_985] {strides = array<i32>} : memref<2x16x384xf32, #tpu.memory_space<vmem>>, vector<16xf32>,
        tpu.vector_store %arg7[%parallel_loop3A_983, %parallel_loop3A_984, %parallel_loop3A_985], %parallel_loop3A_981 {strides = array<i32>} : memref<2x16x384xf32, #tpu.memory_space<vmem>>, vector<16xf32>,
        %parallel_loop3A_987 = arith.constant 1 : i32
        %parallel_loop3A_988 = arith.constant 0 : i32
        %parallel_loop3A_989 = arith.index_cast %parallel_loop3A_987 : i32 to index
        %parallel_loop3A_990 = arith.index_cast %parallel_loop3A_988 : i32 to index
        %parallel_loop3A_991 = arith.index_cast %parallel_loop3A_398 : i32 to index
        %parallel_loop3A_992 = arith.constant 224 : index
        %parallel_loop3A_993 = tpu.vector_load %arg6[%parallel_loop3A_989, %parallel_loop3A_990, %parallel_loop3A_991, %parallel_loop3A_992] {strides = array<i32>} : memref<2x4x16x384xf32, #tpu.memory_space<vmem>>, vector<16xf32>,
        %parallel_loop3A_994 = arith.constant 1 : i32
        %parallel_loop3A_995 = arith.constant 1 : i32
        %parallel_loop3A_996 = arith.index_cast %parallel_loop3A_994 : i32 to index
        %parallel_loop3A_997 = arith.index_cast %parallel_loop3A_995 : i32 to index
        %parallel_loop3A_998 = arith.index_cast %parallel_loop3A_398 : i32 to index
        %parallel_loop3A_999 = arith.constant 224 : index
        %parallel_loop3A_1000 = tpu.vector_load %arg6[%parallel_loop3A_996, %parallel_loop3A_997, %parallel_loop3A_998, %parallel_loop3A_999] {strides = array<i32>} : memref<2x4x16x384xf32, #tpu.memory_space<vmem>>, vector<16xf32>,
        %parallel_loop3A_1001 = arith.constant 1 : i32
        %parallel_loop3A_1002 = arith.constant 2 : i32
        %parallel_loop3A_1003 = arith.index_cast %parallel_loop3A_1001 : i32 to index
        %parallel_loop3A_1004 = arith.index_cast %parallel_loop3A_1002 : i32 to index
        %parallel_loop3A_1005 = arith.index_cast %parallel_loop3A_398 : i32 to index
        %parallel_loop3A_1006 = arith.constant 224 : index
        %parallel_loop3A_1007 = tpu.vector_load %arg6[%parallel_loop3A_1003, %parallel_loop3A_1004, %parallel_loop3A_1005, %parallel_loop3A_1006] {strides = array<i32>} : memref<2x4x16x384xf32, #tpu.memory_space<vmem>>, vector<16xf32>,
        %parallel_loop3A_1008 = arith.constant 1 : i32
        %parallel_loop3A_1009 = arith.constant 3 : i32
        %parallel_loop3A_1010 = arith.index_cast %parallel_loop3A_1008 : i32 to index
        %parallel_loop3A_1011 = arith.index_cast %parallel_loop3A_1009 : i32 to index
        %parallel_loop3A_1012 = arith.index_cast %parallel_loop3A_398 : i32 to index
        %parallel_loop3A_1013 = arith.constant 224 : index
        %parallel_loop3A_1014 = tpu.vector_load %arg6[%parallel_loop3A_1010, %parallel_loop3A_1011, %parallel_loop3A_1012, %parallel_loop3A_1013] {strides = array<i32>} : memref<2x4x16x384xf32, #tpu.memory_space<vmem>>, vector<16xf32>,
        %parallel_loop3A_1015 = arith.mulf %parallel_loop3A_993, %parallel_loop3A_426 : vector<16xf32>
        %parallel_loop3A_1016 = arith.mulf %parallel_loop3A_1000, %parallel_loop3A_422 : vector<16xf32>
        %parallel_loop3A_1017 = arith.addf %parallel_loop3A_1015, %parallel_loop3A_1016 : vector<16xf32>
        %parallel_loop3A_1018 = arith.mulf %parallel_loop3A_1007, %parallel_loop3A_421 : vector<16xf32>
        %parallel_loop3A_1019 = arith.mulf %parallel_loop3A_1014, %parallel_loop3A_420 : vector<16xf32>
        %parallel_loop3A_1020 = arith.addf %parallel_loop3A_1018, %parallel_loop3A_1019 : vector<16xf32>
        %parallel_loop3A_1021 = arith.addf %parallel_loop3A_1017, %parallel_loop3A_1020 : vector<16xf32>
        %parallel_loop3A_1022 = arith.constant 1 : i32
        %parallel_loop3A_1023 = arith.index_cast %parallel_loop3A_1022 : i32 to index
        %parallel_loop3A_1024 = arith.index_cast %parallel_loop3A_398 : i32 to index
        %parallel_loop3A_1025 = arith.constant 224 : index
        %parallel_loop3A_1026 = tpu.vector_load %arg7[%parallel_loop3A_1023, %parallel_loop3A_1024, %parallel_loop3A_1025] {strides = array<i32>} : memref<2x16x384xf32, #tpu.memory_space<vmem>>, vector<16xf32>,
        tpu.vector_store %arg7[%parallel_loop3A_1023, %parallel_loop3A_1024, %parallel_loop3A_1025], %parallel_loop3A_1021 {strides = array<i32>} : memref<2x16x384xf32, #tpu.memory_space<vmem>>, vector<16xf32>,
        %parallel_loop3A_1027 = arith.constant 1 : i32
        %parallel_loop3A_1028 = arith.constant 0 : i32
        %parallel_loop3A_1029 = arith.index_cast %parallel_loop3A_1027 : i32 to index
        %parallel_loop3A_1030 = arith.index_cast %parallel_loop3A_1028 : i32 to index
        %parallel_loop3A_1031 = arith.index_cast %parallel_loop3A_398 : i32 to index
        %parallel_loop3A_1032 = arith.constant 240 : index
        %parallel_loop3A_1033 = tpu.vector_load %arg6[%parallel_loop3A_1029, %parallel_loop3A_1030, %parallel_loop3A_1031, %parallel_loop3A_1032] {strides = array<i32>} : memref<2x4x16x384xf32, #tpu.memory_space<vmem>>, vector<16xf32>,
        %parallel_loop3A_1034 = arith.constant 1 : i32
        %parallel_loop3A_1035 = arith.constant 1 : i32
        %parallel_loop3A_1036 = arith.index_cast %parallel_loop3A_1034 : i32 to index
        %parallel_loop3A_1037 = arith.index_cast %parallel_loop3A_1035 : i32 to index
        %parallel_loop3A_1038 = arith.index_cast %parallel_loop3A_398 : i32 to index
        %parallel_loop3A_1039 = arith.constant 240 : index
        %parallel_loop3A_1040 = tpu.vector_load %arg6[%parallel_loop3A_1036, %parallel_loop3A_1037, %parallel_loop3A_1038, %parallel_loop3A_1039] {strides = array<i32>} : memref<2x4x16x384xf32, #tpu.memory_space<vmem>>, vector<16xf32>,
        %parallel_loop3A_1041 = arith.constant 1 : i32
        %parallel_loop3A_1042 = arith.constant 2 : i32
        %parallel_loop3A_1043 = arith.index_cast %parallel_loop3A_1041 : i32 to index
        %parallel_loop3A_1044 = arith.index_cast %parallel_loop3A_1042 : i32 to index
        %parallel_loop3A_1045 = arith.index_cast %parallel_loop3A_398 : i32 to index
        %parallel_loop3A_1046 = arith.constant 240 : index
        %parallel_loop3A_1047 = tpu.vector_load %arg6[%parallel_loop3A_1043, %parallel_loop3A_1044, %parallel_loop3A_1045, %parallel_loop3A_1046] {strides = array<i32>} : memref<2x4x16x384xf32, #tpu.memory_space<vmem>>, vector<16xf32>,
        %parallel_loop3A_1048 = arith.constant 1 : i32
        %parallel_loop3A_1049 = arith.constant 3 : i32
        %parallel_loop3A_1050 = arith.index_cast %parallel_loop3A_1048 : i32 to index
        %parallel_loop3A_1051 = arith.index_cast %parallel_loop3A_1049 : i32 to index
        %parallel_loop3A_1052 = arith.index_cast %parallel_loop3A_398 : i32 to index
        %parallel_loop3A_1053 = arith.constant 240 : index
        %parallel_loop3A_1054 = tpu.vector_load %arg6[%parallel_loop3A_1050, %parallel_loop3A_1051, %parallel_loop3A_1052, %parallel_loop3A_1053] {strides = array<i32>} : memref<2x4x16x384xf32, #tpu.memory_space<vmem>>, vector<16xf32>,
        %parallel_loop3A_1055 = arith.mulf %parallel_loop3A_1033, %parallel_loop3A_426 : vector<16xf32>
        %parallel_loop3A_1056 = arith.mulf %parallel_loop3A_1040, %parallel_loop3A_422 : vector<16xf32>
        %parallel_loop3A_1057 = arith.addf %parallel_loop3A_1055, %parallel_loop3A_1056 : vector<16xf32>
        %parallel_loop3A_1058 = arith.mulf %parallel_loop3A_1047, %parallel_loop3A_421 : vector<16xf32>
        %parallel_loop3A_1059 = arith.mulf %parallel_loop3A_1054, %parallel_loop3A_420 : vector<16xf32>
        %parallel_loop3A_1060 = arith.addf %parallel_loop3A_1058, %parallel_loop3A_1059 : vector<16xf32>
        %parallel_loop3A_1061 = arith.addf %parallel_loop3A_1057, %parallel_loop3A_1060 : vector<16xf32>
        %parallel_loop3A_1062 = arith.constant 1 : i32
        %parallel_loop3A_1063 = arith.index_cast %parallel_loop3A_1062 : i32 to index
        %parallel_loop3A_1064 = arith.index_cast %parallel_loop3A_398 : i32 to index
        %parallel_loop3A_1065 = arith.constant 240 : index
        %parallel_loop3A_1066 = tpu.vector_load %arg7[%parallel_loop3A_1063, %parallel_loop3A_1064, %parallel_loop3A_1065] {strides = array<i32>} : memref<2x16x384xf32, #tpu.memory_space<vmem>>, vector<16xf32>,
        tpu.vector_store %arg7[%parallel_loop3A_1063, %parallel_loop3A_1064, %parallel_loop3A_1065], %parallel_loop3A_1061 {strides = array<i32>} : memref<2x16x384xf32, #tpu.memory_space<vmem>>, vector<16xf32>,
        %parallel_loop3A_1067 = arith.constant 1 : i32
        %parallel_loop3A_1068 = arith.constant 0 : i32
        %parallel_loop3A_1069 = arith.index_cast %parallel_loop3A_1067 : i32 to index
        %parallel_loop3A_1070 = arith.index_cast %parallel_loop3A_1068 : i32 to index
        %parallel_loop3A_1071 = arith.index_cast %parallel_loop3A_398 : i32 to index
        %parallel_loop3A_1072 = arith.constant 256 : index
        %parallel_loop3A_1073 = tpu.vector_load %arg6[%parallel_loop3A_1069, %parallel_loop3A_1070, %parallel_loop3A_1071, %parallel_loop3A_1072] {strides = array<i32>} : memref<2x4x16x384xf32, #tpu.memory_space<vmem>>, vector<16xf32>,
        %parallel_loop3A_1074 = arith.constant 1 : i32
        %parallel_loop3A_1075 = arith.constant 1 : i32
        %parallel_loop3A_1076 = arith.index_cast %parallel_loop3A_1074 : i32 to index
        %parallel_loop3A_1077 = arith.index_cast %parallel_loop3A_1075 : i32 to index
        %parallel_loop3A_1078 = arith.index_cast %parallel_loop3A_398 : i32 to index
        %parallel_loop3A_1079 = arith.constant 256 : index
        %parallel_loop3A_1080 = tpu.vector_load %arg6[%parallel_loop3A_1076, %parallel_loop3A_1077, %parallel_loop3A_1078, %parallel_loop3A_1079] {strides = array<i32>} : memref<2x4x16x384xf32, #tpu.memory_space<vmem>>, vector<16xf32>,
        %parallel_loop3A_1081 = arith.constant 1 : i32
        %parallel_loop3A_1082 = arith.constant 2 : i32
        %parallel_loop3A_1083 = arith.index_cast %parallel_loop3A_1081 : i32 to index
        %parallel_loop3A_1084 = arith.index_cast %parallel_loop3A_1082 : i32 to index
        %parallel_loop3A_1085 = arith.index_cast %parallel_loop3A_398 : i32 to index
        %parallel_loop3A_1086 = arith.constant 256 : index
        %parallel_loop3A_1087 = tpu.vector_load %arg6[%parallel_loop3A_1083, %parallel_loop3A_1084, %parallel_loop3A_1085, %parallel_loop3A_1086] {strides = array<i32>} : memref<2x4x16x384xf32, #tpu.memory_space<vmem>>, vector<16xf32>,
        %parallel_loop3A_1088 = arith.constant 1 : i32
        %parallel_loop3A_1089 = arith.constant 3 : i32
        %parallel_loop3A_1090 = arith.index_cast %parallel_loop3A_1088 : i32 to index
        %parallel_loop3A_1091 = arith.index_cast %parallel_loop3A_1089 : i32 to index
        %parallel_loop3A_1092 = arith.index_cast %parallel_loop3A_398 : i32 to index
        %parallel_loop3A_1093 = arith.constant 256 : index
        %parallel_loop3A_1094 = tpu.vector_load %arg6[%parallel_loop3A_1090, %parallel_loop3A_1091, %parallel_loop3A_1092, %parallel_loop3A_1093] {strides = array<i32>} : memref<2x4x16x384xf32, #tpu.memory_space<vmem>>, vector<16xf32>,
        %parallel_loop3A_1095 = arith.mulf %parallel_loop3A_1073, %parallel_loop3A_426 : vector<16xf32>
        %parallel_loop3A_1096 = arith.mulf %parallel_loop3A_1080, %parallel_loop3A_422 : vector<16xf32>
        %parallel_loop3A_1097 = arith.addf %parallel_loop3A_1095, %parallel_loop3A_1096 : vector<16xf32>
        %parallel_loop3A_1098 = arith.mulf %parallel_loop3A_1087, %parallel_loop3A_421 : vector<16xf32>
        %parallel_loop3A_1099 = arith.mulf %parallel_loop3A_1094, %parallel_loop3A_420 : vector<16xf32>
        %parallel_loop3A_1100 = arith.addf %parallel_loop3A_1098, %parallel_loop3A_1099 : vector<16xf32>
        %parallel_loop3A_1101 = arith.addf %parallel_loop3A_1097, %parallel_loop3A_1100 : vector<16xf32>
        %parallel_loop3A_1102 = arith.constant 1 : i32
        %parallel_loop3A_1103 = arith.index_cast %parallel_loop3A_1102 : i32 to index
        %parallel_loop3A_1104 = arith.index_cast %parallel_loop3A_398 : i32 to index
        %parallel_loop3A_1105 = arith.constant 256 : index
        %parallel_loop3A_1106 = tpu.vector_load %arg7[%parallel_loop3A_1103, %parallel_loop3A_1104, %parallel_loop3A_1105] {strides = array<i32>} : memref<2x16x384xf32, #tpu.memory_space<vmem>>, vector<16xf32>,
        tpu.vector_store %arg7[%parallel_loop3A_1103, %parallel_loop3A_1104, %parallel_loop3A_1105], %parallel_loop3A_1101 {strides = array<i32>} : memref<2x16x384xf32, #tpu.memory_space<vmem>>, vector<16xf32>,
        %parallel_loop3A_1107 = arith.constant 1 : i32
        %parallel_loop3A_1108 = arith.constant 0 : i32
        %parallel_loop3A_1109 = arith.index_cast %parallel_loop3A_1107 : i32 to index
        %parallel_loop3A_1110 = arith.index_cast %parallel_loop3A_1108 : i32 to index
        %parallel_loop3A_1111 = arith.index_cast %parallel_loop3A_398 : i32 to index
        %parallel_loop3A_1112 = arith.constant 272 : index
        %parallel_loop3A_1113 = tpu.vector_load %arg6[%parallel_loop3A_1109, %parallel_loop3A_1110, %parallel_loop3A_1111, %parallel_loop3A_1112] {strides = array<i32>} : memref<2x4x16x384xf32, #tpu.memory_space<vmem>>, vector<16xf32>,
        %parallel_loop3A_1114 = arith.constant 1 : i32
        %parallel_loop3A_1115 = arith.constant 1 : i32
        %parallel_loop3A_1116 = arith.index_cast %parallel_loop3A_1114 : i32 to index
        %parallel_loop3A_1117 = arith.index_cast %parallel_loop3A_1115 : i32 to index
        %parallel_loop3A_1118 = arith.index_cast %parallel_loop3A_398 : i32 to index
        %parallel_loop3A_1119 = arith.constant 272 : index
        %parallel_loop3A_1120 = tpu.vector_load %arg6[%parallel_loop3A_1116, %parallel_loop3A_1117, %parallel_loop3A_1118, %parallel_loop3A_1119] {strides = array<i32>} : memref<2x4x16x384xf32, #tpu.memory_space<vmem>>, vector<16xf32>,
        %parallel_loop3A_1121 = arith.constant 1 : i32
        %parallel_loop3A_1122 = arith.constant 2 : i32
        %parallel_loop3A_1123 = arith.index_cast %parallel_loop3A_1121 : i32 to index
        %parallel_loop3A_1124 = arith.index_cast %parallel_loop3A_1122 : i32 to index
        %parallel_loop3A_1125 = arith.index_cast %parallel_loop3A_398 : i32 to index
        %parallel_loop3A_1126 = arith.constant 272 : index
        %parallel_loop3A_1127 = tpu.vector_load %arg6[%parallel_loop3A_1123, %parallel_loop3A_1124, %parallel_loop3A_1125, %parallel_loop3A_1126] {strides = array<i32>} : memref<2x4x16x384xf32, #tpu.memory_space<vmem>>, vector<16xf32>,
        %parallel_loop3A_1128 = arith.constant 1 : i32
        %parallel_loop3A_1129 = arith.constant 3 : i32
        %parallel_loop3A_1130 = arith.index_cast %parallel_loop3A_1128 : i32 to index
        %parallel_loop3A_1131 = arith.index_cast %parallel_loop3A_1129 : i32 to index
        %parallel_loop3A_1132 = arith.index_cast %parallel_loop3A_398 : i32 to index
        %parallel_loop3A_1133 = arith.constant 272 : index
        %parallel_loop3A_1134 = tpu.vector_load %arg6[%parallel_loop3A_1130, %parallel_loop3A_1131, %parallel_loop3A_1132, %parallel_loop3A_1133] {strides = array<i32>} : memref<2x4x16x384xf32, #tpu.memory_space<vmem>>, vector<16xf32>,
        %parallel_loop3A_1135 = arith.mulf %parallel_loop3A_1113, %parallel_loop3A_426 : vector<16xf32>
        %parallel_loop3A_1136 = arith.mulf %parallel_loop3A_1120, %parallel_loop3A_422 : vector<16xf32>
        %parallel_loop3A_1137 = arith.addf %parallel_loop3A_1135, %parallel_loop3A_1136 : vector<16xf32>
        %parallel_loop3A_1138 = arith.mulf %parallel_loop3A_1127, %parallel_loop3A_421 : vector<16xf32>
        %parallel_loop3A_1139 = arith.mulf %parallel_loop3A_1134, %parallel_loop3A_420 : vector<16xf32>
        %parallel_loop3A_1140 = arith.addf %parallel_loop3A_1138, %parallel_loop3A_1139 : vector<16xf32>
        %parallel_loop3A_1141 = arith.addf %parallel_loop3A_1137, %parallel_loop3A_1140 : vector<16xf32>
        %parallel_loop3A_1142 = arith.constant 1 : i32
        %parallel_loop3A_1143 = arith.index_cast %parallel_loop3A_1142 : i32 to index
        %parallel_loop3A_1144 = arith.index_cast %parallel_loop3A_398 : i32 to index
        %parallel_loop3A_1145 = arith.constant 272 : index
        %parallel_loop3A_1146 = tpu.vector_load %arg7[%parallel_loop3A_1143, %parallel_loop3A_1144, %parallel_loop3A_1145] {strides = array<i32>} : memref<2x16x384xf32, #tpu.memory_space<vmem>>, vector<16xf32>,
        tpu.vector_store %arg7[%parallel_loop3A_1143, %parallel_loop3A_1144, %parallel_loop3A_1145], %parallel_loop3A_1141 {strides = array<i32>} : memref<2x16x384xf32, #tpu.memory_space<vmem>>, vector<16xf32>,
        %parallel_loop3A_1147 = arith.constant 1 : i32
        %parallel_loop3A_1148 = arith.constant 0 : i32
        %parallel_loop3A_1149 = arith.index_cast %parallel_loop3A_1147 : i32 to index
        %parallel_loop3A_1150 = arith.index_cast %parallel_loop3A_1148 : i32 to index
        %parallel_loop3A_1151 = arith.index_cast %parallel_loop3A_398 : i32 to index
        %parallel_loop3A_1152 = arith.constant 288 : index
        %parallel_loop3A_1153 = tpu.vector_load %arg6[%parallel_loop3A_1149, %parallel_loop3A_1150, %parallel_loop3A_1151, %parallel_loop3A_1152] {strides = array<i32>} : memref<2x4x16x384xf32, #tpu.memory_space<vmem>>, vector<16xf32>,
        %parallel_loop3A_1154 = arith.constant 1 : i32
        %parallel_loop3A_1155 = arith.constant 1 : i32
        %parallel_loop3A_1156 = arith.index_cast %parallel_loop3A_1154 : i32 to index
        %parallel_loop3A_1157 = arith.index_cast %parallel_loop3A_1155 : i32 to index
        %parallel_loop3A_1158 = arith.index_cast %parallel_loop3A_398 : i32 to index
        %parallel_loop3A_1159 = arith.constant 288 : index
        %parallel_loop3A_1160 = tpu.vector_load %arg6[%parallel_loop3A_1156, %parallel_loop3A_1157, %parallel_loop3A_1158, %parallel_loop3A_1159] {strides = array<i32>} : memref<2x4x16x384xf32, #tpu.memory_space<vmem>>, vector<16xf32>,
        %parallel_loop3A_1161 = arith.constant 1 : i32
        %parallel_loop3A_1162 = arith.constant 2 : i32
        %parallel_loop3A_1163 = arith.index_cast %parallel_loop3A_1161 : i32 to index
        %parallel_loop3A_1164 = arith.index_cast %parallel_loop3A_1162 : i32 to index
        %parallel_loop3A_1165 = arith.index_cast %parallel_loop3A_398 : i32 to index
        %parallel_loop3A_1166 = arith.constant 288 : index
        %parallel_loop3A_1167 = tpu.vector_load %arg6[%parallel_loop3A_1163, %parallel_loop3A_1164, %parallel_loop3A_1165, %parallel_loop3A_1166] {strides = array<i32>} : memref<2x4x16x384xf32, #tpu.memory_space<vmem>>, vector<16xf32>,
        %parallel_loop3A_1168 = arith.constant 1 : i32
        %parallel_loop3A_1169 = arith.constant 3 : i32
        %parallel_loop3A_1170 = arith.index_cast %parallel_loop3A_1168 : i32 to index
        %parallel_loop3A_1171 = arith.index_cast %parallel_loop3A_1169 : i32 to index
        %parallel_loop3A_1172 = arith.index_cast %parallel_loop3A_398 : i32 to index
        %parallel_loop3A_1173 = arith.constant 288 : index
        %parallel_loop3A_1174 = tpu.vector_load %arg6[%parallel_loop3A_1170, %parallel_loop3A_1171, %parallel_loop3A_1172, %parallel_loop3A_1173] {strides = array<i32>} : memref<2x4x16x384xf32, #tpu.memory_space<vmem>>, vector<16xf32>,
        %parallel_loop3A_1175 = arith.mulf %parallel_loop3A_1153, %parallel_loop3A_426 : vector<16xf32>
        %parallel_loop3A_1176 = arith.mulf %parallel_loop3A_1160, %parallel_loop3A_422 : vector<16xf32>
        %parallel_loop3A_1177 = arith.addf %parallel_loop3A_1175, %parallel_loop3A_1176 : vector<16xf32>
        %parallel_loop3A_1178 = arith.mulf %parallel_loop3A_1167, %parallel_loop3A_421 : vector<16xf32>
        %parallel_loop3A_1179 = arith.mulf %parallel_loop3A_1174, %parallel_loop3A_420 : vector<16xf32>
        %parallel_loop3A_1180 = arith.addf %parallel_loop3A_1178, %parallel_loop3A_1179 : vector<16xf32>
        %parallel_loop3A_1181 = arith.addf %parallel_loop3A_1177, %parallel_loop3A_1180 : vector<16xf32>
        %parallel_loop3A_1182 = arith.constant 1 : i32
        %parallel_loop3A_1183 = arith.index_cast %parallel_loop3A_1182 : i32 to index
        %parallel_loop3A_1184 = arith.index_cast %parallel_loop3A_398 : i32 to index
        %parallel_loop3A_1185 = arith.constant 288 : index
        %parallel_loop3A_1186 = tpu.vector_load %arg7[%parallel_loop3A_1183, %parallel_loop3A_1184, %parallel_loop3A_1185] {strides = array<i32>} : memref<2x16x384xf32, #tpu.memory_space<vmem>>, vector<16xf32>,
        tpu.vector_store %arg7[%parallel_loop3A_1183, %parallel_loop3A_1184, %parallel_loop3A_1185], %parallel_loop3A_1181 {strides = array<i32>} : memref<2x16x384xf32, #tpu.memory_space<vmem>>, vector<16xf32>,
        %parallel_loop3A_1187 = arith.constant 1 : i32
        %parallel_loop3A_1188 = arith.constant 0 : i32
        %parallel_loop3A_1189 = arith.index_cast %parallel_loop3A_1187 : i32 to index
        %parallel_loop3A_1190 = arith.index_cast %parallel_loop3A_1188 : i32 to index
        %parallel_loop3A_1191 = arith.index_cast %parallel_loop3A_398 : i32 to index
        %parallel_loop3A_1192 = arith.constant 304 : index
        %parallel_loop3A_1193 = tpu.vector_load %arg6[%parallel_loop3A_1189, %parallel_loop3A_1190, %parallel_loop3A_1191, %parallel_loop3A_1192] {strides = array<i32>} : memref<2x4x16x384xf32, #tpu.memory_space<vmem>>, vector<16xf32>,
        %parallel_loop3A_1194 = arith.constant 1 : i32
        %parallel_loop3A_1195 = arith.constant 1 : i32
        %parallel_loop3A_1196 = arith.index_cast %parallel_loop3A_1194 : i32 to index
        %parallel_loop3A_1197 = arith.index_cast %parallel_loop3A_1195 : i32 to index
        %parallel_loop3A_1198 = arith.index_cast %parallel_loop3A_398 : i32 to index
        %parallel_loop3A_1199 = arith.constant 304 : index
        %parallel_loop3A_1200 = tpu.vector_load %arg6[%parallel_loop3A_1196, %parallel_loop3A_1197, %parallel_loop3A_1198, %parallel_loop3A_1199] {strides = array<i32>} : memref<2x4x16x384xf32, #tpu.memory_space<vmem>>, vector<16xf32>,
        %parallel_loop3A_1201 = arith.constant 1 : i32
        %parallel_loop3A_1202 = arith.constant 2 : i32
        %parallel_loop3A_1203 = arith.index_cast %parallel_loop3A_1201 : i32 to index
        %parallel_loop3A_1204 = arith.index_cast %parallel_loop3A_1202 : i32 to index
        %parallel_loop3A_1205 = arith.index_cast %parallel_loop3A_398 : i32 to index
        %parallel_loop3A_1206 = arith.constant 304 : index
        %parallel_loop3A_1207 = tpu.vector_load %arg6[%parallel_loop3A_1203, %parallel_loop3A_1204, %parallel_loop3A_1205, %parallel_loop3A_1206] {strides = array<i32>} : memref<2x4x16x384xf32, #tpu.memory_space<vmem>>, vector<16xf32>,
        %parallel_loop3A_1208 = arith.constant 1 : i32
        %parallel_loop3A_1209 = arith.constant 3 : i32
        %parallel_loop3A_1210 = arith.index_cast %parallel_loop3A_1208 : i32 to index
        %parallel_loop3A_1211 = arith.index_cast %parallel_loop3A_1209 : i32 to index
        %parallel_loop3A_1212 = arith.index_cast %parallel_loop3A_398 : i32 to index
        %parallel_loop3A_1213 = arith.constant 304 : index
        %parallel_loop3A_1214 = tpu.vector_load %arg6[%parallel_loop3A_1210, %parallel_loop3A_1211, %parallel_loop3A_1212, %parallel_loop3A_1213] {strides = array<i32>} : memref<2x4x16x384xf32, #tpu.memory_space<vmem>>, vector<16xf32>,
        %parallel_loop3A_1215 = arith.mulf %parallel_loop3A_1193, %parallel_loop3A_426 : vector<16xf32>
        %parallel_loop3A_1216 = arith.mulf %parallel_loop3A_1200, %parallel_loop3A_422 : vector<16xf32>
        %parallel_loop3A_1217 = arith.addf %parallel_loop3A_1215, %parallel_loop3A_1216 : vector<16xf32>
        %parallel_loop3A_1218 = arith.mulf %parallel_loop3A_1207, %parallel_loop3A_421 : vector<16xf32>
        %parallel_loop3A_1219 = arith.mulf %parallel_loop3A_1214, %parallel_loop3A_420 : vector<16xf32>
        %parallel_loop3A_1220 = arith.addf %parallel_loop3A_1218, %parallel_loop3A_1219 : vector<16xf32>
        %parallel_loop3A_1221 = arith.addf %parallel_loop3A_1217, %parallel_loop3A_1220 : vector<16xf32>
        %parallel_loop3A_1222 = arith.constant 1 : i32
        %parallel_loop3A_1223 = arith.index_cast %parallel_loop3A_1222 : i32 to index
        %parallel_loop3A_1224 = arith.index_cast %parallel_loop3A_398 : i32 to index
        %parallel_loop3A_1225 = arith.constant 304 : index
        %parallel_loop3A_1226 = tpu.vector_load %arg7[%parallel_loop3A_1223, %parallel_loop3A_1224, %parallel_loop3A_1225] {strides = array<i32>} : memref<2x16x384xf32, #tpu.memory_space<vmem>>, vector<16xf32>,
        tpu.vector_store %arg7[%parallel_loop3A_1223, %parallel_loop3A_1224, %parallel_loop3A_1225], %parallel_loop3A_1221 {strides = array<i32>} : memref<2x16x384xf32, #tpu.memory_space<vmem>>, vector<16xf32>,
        %parallel_loop3A_1227 = arith.constant 1 : i32
        %parallel_loop3A_1228 = arith.constant 0 : i32
        %parallel_loop3A_1229 = arith.index_cast %parallel_loop3A_1227 : i32 to index
        %parallel_loop3A_1230 = arith.index_cast %parallel_loop3A_1228 : i32 to index
        %parallel_loop3A_1231 = arith.index_cast %parallel_loop3A_398 : i32 to index
        %parallel_loop3A_1232 = arith.constant 320 : index
        %parallel_loop3A_1233 = tpu.vector_load %arg6[%parallel_loop3A_1229, %parallel_loop3A_1230, %parallel_loop3A_1231, %parallel_loop3A_1232] {strides = array<i32>} : memref<2x4x16x384xf32, #tpu.memory_space<vmem>>, vector<16xf32>,
        %parallel_loop3A_1234 = arith.constant 1 : i32
        %parallel_loop3A_1235 = arith.constant 1 : i32
        %parallel_loop3A_1236 = arith.index_cast %parallel_loop3A_1234 : i32 to index
        %parallel_loop3A_1237 = arith.index_cast %parallel_loop3A_1235 : i32 to index
        %parallel_loop3A_1238 = arith.index_cast %parallel_loop3A_398 : i32 to index
        %parallel_loop3A_1239 = arith.constant 320 : index
        %parallel_loop3A_1240 = tpu.vector_load %arg6[%parallel_loop3A_1236, %parallel_loop3A_1237, %parallel_loop3A_1238, %parallel_loop3A_1239] {strides = array<i32>} : memref<2x4x16x384xf32, #tpu.memory_space<vmem>>, vector<16xf32>,
        %parallel_loop3A_1241 = arith.constant 1 : i32
        %parallel_loop3A_1242 = arith.constant 2 : i32
        %parallel_loop3A_1243 = arith.index_cast %parallel_loop3A_1241 : i32 to index
        %parallel_loop3A_1244 = arith.index_cast %parallel_loop3A_1242 : i32 to index
        %parallel_loop3A_1245 = arith.index_cast %parallel_loop3A_398 : i32 to index
        %parallel_loop3A_1246 = arith.constant 320 : index
        %parallel_loop3A_1247 = tpu.vector_load %arg6[%parallel_loop3A_1243, %parallel_loop3A_1244, %parallel_loop3A_1245, %parallel_loop3A_1246] {strides = array<i32>} : memref<2x4x16x384xf32, #tpu.memory_space<vmem>>, vector<16xf32>,
        %parallel_loop3A_1248 = arith.constant 1 : i32
        %parallel_loop3A_1249 = arith.constant 3 : i32
        %parallel_loop3A_1250 = arith.index_cast %parallel_loop3A_1248 : i32 to index
        %parallel_loop3A_1251 = arith.index_cast %parallel_loop3A_1249 : i32 to index
        %parallel_loop3A_1252 = arith.index_cast %parallel_loop3A_398 : i32 to index
        %parallel_loop3A_1253 = arith.constant 320 : index
        %parallel_loop3A_1254 = tpu.vector_load %arg6[%parallel_loop3A_1250, %parallel_loop3A_1251, %parallel_loop3A_1252, %parallel_loop3A_1253] {strides = array<i32>} : memref<2x4x16x384xf32, #tpu.memory_space<vmem>>, vector<16xf32>,
        %parallel_loop3A_1255 = arith.mulf %parallel_loop3A_1233, %parallel_loop3A_426 : vector<16xf32>
        %parallel_loop3A_1256 = arith.mulf %parallel_loop3A_1240, %parallel_loop3A_422 : vector<16xf32>
        %parallel_loop3A_1257 = arith.addf %parallel_loop3A_1255, %parallel_loop3A_1256 : vector<16xf32>
        %parallel_loop3A_1258 = arith.mulf %parallel_loop3A_1247, %parallel_loop3A_421 : vector<16xf32>
        %parallel_loop3A_1259 = arith.mulf %parallel_loop3A_1254, %parallel_loop3A_420 : vector<16xf32>
        %parallel_loop3A_1260 = arith.addf %parallel_loop3A_1258, %parallel_loop3A_1259 : vector<16xf32>
        %parallel_loop3A_1261 = arith.addf %parallel_loop3A_1257, %parallel_loop3A_1260 : vector<16xf32>
        %parallel_loop3A_1262 = arith.constant 1 : i32
        %parallel_loop3A_1263 = arith.index_cast %parallel_loop3A_1262 : i32 to index
        %parallel_loop3A_1264 = arith.index_cast %parallel_loop3A_398 : i32 to index
        %parallel_loop3A_1265 = arith.constant 320 : index
        %parallel_loop3A_1266 = tpu.vector_load %arg7[%parallel_loop3A_1263, %parallel_loop3A_1264, %parallel_loop3A_1265] {strides = array<i32>} : memref<2x16x384xf32, #tpu.memory_space<vmem>>, vector<16xf32>,
        tpu.vector_store %arg7[%parallel_loop3A_1263, %parallel_loop3A_1264, %parallel_loop3A_1265], %parallel_loop3A_1261 {strides = array<i32>} : memref<2x16x384xf32, #tpu.memory_space<vmem>>, vector<16xf32>,
        %parallel_loop3A_1267 = arith.constant 1 : i32
        %parallel_loop3A_1268 = arith.constant 0 : i32
        %parallel_loop3A_1269 = arith.index_cast %parallel_loop3A_1267 : i32 to index
        %parallel_loop3A_1270 = arith.index_cast %parallel_loop3A_1268 : i32 to index
        %parallel_loop3A_1271 = arith.index_cast %parallel_loop3A_398 : i32 to index
        %parallel_loop3A_1272 = arith.constant 336 : index
        %parallel_loop3A_1273 = tpu.vector_load %arg6[%parallel_loop3A_1269, %parallel_loop3A_1270, %parallel_loop3A_1271, %parallel_loop3A_1272] {strides = array<i32>} : memref<2x4x16x384xf32, #tpu.memory_space<vmem>>, vector<16xf32>,
        %parallel_loop3A_1274 = arith.constant 1 : i32
        %parallel_loop3A_1275 = arith.constant 1 : i32
        %parallel_loop3A_1276 = arith.index_cast %parallel_loop3A_1274 : i32 to index
        %parallel_loop3A_1277 = arith.index_cast %parallel_loop3A_1275 : i32 to index
        %parallel_loop3A_1278 = arith.index_cast %parallel_loop3A_398 : i32 to index
        %parallel_loop3A_1279 = arith.constant 336 : index
        %parallel_loop3A_1280 = tpu.vector_load %arg6[%parallel_loop3A_1276, %parallel_loop3A_1277, %parallel_loop3A_1278, %parallel_loop3A_1279] {strides = array<i32>} : memref<2x4x16x384xf32, #tpu.memory_space<vmem>>, vector<16xf32>,
        %parallel_loop3A_1281 = arith.constant 1 : i32
        %parallel_loop3A_1282 = arith.constant 2 : i32
        %parallel_loop3A_1283 = arith.index_cast %parallel_loop3A_1281 : i32 to index
        %parallel_loop3A_1284 = arith.index_cast %parallel_loop3A_1282 : i32 to index
        %parallel_loop3A_1285 = arith.index_cast %parallel_loop3A_398 : i32 to index
        %parallel_loop3A_1286 = arith.constant 336 : index
        %parallel_loop3A_1287 = tpu.vector_load %arg6[%parallel_loop3A_1283, %parallel_loop3A_1284, %parallel_loop3A_1285, %parallel_loop3A_1286] {strides = array<i32>} : memref<2x4x16x384xf32, #tpu.memory_space<vmem>>, vector<16xf32>,
        %parallel_loop3A_1288 = arith.constant 1 : i32
        %parallel_loop3A_1289 = arith.constant 3 : i32
        %parallel_loop3A_1290 = arith.index_cast %parallel_loop3A_1288 : i32 to index
        %parallel_loop3A_1291 = arith.index_cast %parallel_loop3A_1289 : i32 to index
        %parallel_loop3A_1292 = arith.index_cast %parallel_loop3A_398 : i32 to index
        %parallel_loop3A_1293 = arith.constant 336 : index
        %parallel_loop3A_1294 = tpu.vector_load %arg6[%parallel_loop3A_1290, %parallel_loop3A_1291, %parallel_loop3A_1292, %parallel_loop3A_1293] {strides = array<i32>} : memref<2x4x16x384xf32, #tpu.memory_space<vmem>>, vector<16xf32>,
        %parallel_loop3A_1295 = arith.mulf %parallel_loop3A_1273, %parallel_loop3A_426 : vector<16xf32>
        %parallel_loop3A_1296 = arith.mulf %parallel_loop3A_1280, %parallel_loop3A_422 : vector<16xf32>
        %parallel_loop3A_1297 = arith.addf %parallel_loop3A_1295, %parallel_loop3A_1296 : vector<16xf32>
        %parallel_loop3A_1298 = arith.mulf %parallel_loop3A_1287, %parallel_loop3A_421 : vector<16xf32>
        %parallel_loop3A_1299 = arith.mulf %parallel_loop3A_1294, %parallel_loop3A_420 : vector<16xf32>
        %parallel_loop3A_1300 = arith.addf %parallel_loop3A_1298, %parallel_loop3A_1299 : vector<16xf32>
        %parallel_loop3A_1301 = arith.addf %parallel_loop3A_1297, %parallel_loop3A_1300 : vector<16xf32>
        %parallel_loop3A_1302 = arith.constant 1 : i32
        %parallel_loop3A_1303 = arith.index_cast %parallel_loop3A_1302 : i32 to index
        %parallel_loop3A_1304 = arith.index_cast %parallel_loop3A_398 : i32 to index
        %parallel_loop3A_1305 = arith.constant 336 : index
        %parallel_loop3A_1306 = tpu.vector_load %arg7[%parallel_loop3A_1303, %parallel_loop3A_1304, %parallel_loop3A_1305] {strides = array<i32>} : memref<2x16x384xf32, #tpu.memory_space<vmem>>, vector<16xf32>,
        tpu.vector_store %arg7[%parallel_loop3A_1303, %parallel_loop3A_1304, %parallel_loop3A_1305], %parallel_loop3A_1301 {strides = array<i32>} : memref<2x16x384xf32, #tpu.memory_space<vmem>>, vector<16xf32>,
        %parallel_loop3A_1307 = arith.constant 1 : i32
        %parallel_loop3A_1308 = arith.constant 0 : i32
        %parallel_loop3A_1309 = arith.index_cast %parallel_loop3A_1307 : i32 to index
        %parallel_loop3A_1310 = arith.index_cast %parallel_loop3A_1308 : i32 to index
        %parallel_loop3A_1311 = arith.index_cast %parallel_loop3A_398 : i32 to index
        %parallel_loop3A_1312 = arith.constant 352 : index
        %parallel_loop3A_1313 = tpu.vector_load %arg6[%parallel_loop3A_1309, %parallel_loop3A_1310, %parallel_loop3A_1311, %parallel_loop3A_1312] {strides = array<i32>} : memref<2x4x16x384xf32, #tpu.memory_space<vmem>>, vector<16xf32>,
        %parallel_loop3A_1314 = arith.constant 1 : i32
        %parallel_loop3A_1315 = arith.constant 1 : i32
        %parallel_loop3A_1316 = arith.index_cast %parallel_loop3A_1314 : i32 to index
        %parallel_loop3A_1317 = arith.index_cast %parallel_loop3A_1315 : i32 to index
        %parallel_loop3A_1318 = arith.index_cast %parallel_loop3A_398 : i32 to index
        %parallel_loop3A_1319 = arith.constant 352 : index
        %parallel_loop3A_1320 = tpu.vector_load %arg6[%parallel_loop3A_1316, %parallel_loop3A_1317, %parallel_loop3A_1318, %parallel_loop3A_1319] {strides = array<i32>} : memref<2x4x16x384xf32, #tpu.memory_space<vmem>>, vector<16xf32>,
        %parallel_loop3A_1321 = arith.constant 1 : i32
        %parallel_loop3A_1322 = arith.constant 2 : i32
        %parallel_loop3A_1323 = arith.index_cast %parallel_loop3A_1321 : i32 to index
        %parallel_loop3A_1324 = arith.index_cast %parallel_loop3A_1322 : i32 to index
        %parallel_loop3A_1325 = arith.index_cast %parallel_loop3A_398 : i32 to index
        %parallel_loop3A_1326 = arith.constant 352 : index
        %parallel_loop3A_1327 = tpu.vector_load %arg6[%parallel_loop3A_1323, %parallel_loop3A_1324, %parallel_loop3A_1325, %parallel_loop3A_1326] {strides = array<i32>} : memref<2x4x16x384xf32, #tpu.memory_space<vmem>>, vector<16xf32>,
        %parallel_loop3A_1328 = arith.constant 1 : i32
        %parallel_loop3A_1329 = arith.constant 3 : i32
        %parallel_loop3A_1330 = arith.index_cast %parallel_loop3A_1328 : i32 to index
        %parallel_loop3A_1331 = arith.index_cast %parallel_loop3A_1329 : i32 to index
        %parallel_loop3A_1332 = arith.index_cast %parallel_loop3A_398 : i32 to index
        %parallel_loop3A_1333 = arith.constant 352 : index
        %parallel_loop3A_1334 = tpu.vector_load %arg6[%parallel_loop3A_1330, %parallel_loop3A_1331, %parallel_loop3A_1332, %parallel_loop3A_1333] {strides = array<i32>} : memref<2x4x16x384xf32, #tpu.memory_space<vmem>>, vector<16xf32>,
        %parallel_loop3A_1335 = arith.mulf %parallel_loop3A_1313, %parallel_loop3A_426 : vector<16xf32>
        %parallel_loop3A_1336 = arith.mulf %parallel_loop3A_1320, %parallel_loop3A_422 : vector<16xf32>
        %parallel_loop3A_1337 = arith.addf %parallel_loop3A_1335, %parallel_loop3A_1336 : vector<16xf32>
        %parallel_loop3A_1338 = arith.mulf %parallel_loop3A_1327, %parallel_loop3A_421 : vector<16xf32>
        %parallel_loop3A_1339 = arith.mulf %parallel_loop3A_1334, %parallel_loop3A_420 : vector<16xf32>
        %parallel_loop3A_1340 = arith.addf %parallel_loop3A_1338, %parallel_loop3A_1339 : vector<16xf32>
        %parallel_loop3A_1341 = arith.addf %parallel_loop3A_1337, %parallel_loop3A_1340 : vector<16xf32>
        %parallel_loop3A_1342 = arith.constant 1 : i32
        %parallel_loop3A_1343 = arith.index_cast %parallel_loop3A_1342 : i32 to index
        %parallel_loop3A_1344 = arith.index_cast %parallel_loop3A_398 : i32 to index
        %parallel_loop3A_1345 = arith.constant 352 : index
        %parallel_loop3A_1346 = tpu.vector_load %arg7[%parallel_loop3A_1343, %parallel_loop3A_1344, %parallel_loop3A_1345] {strides = array<i32>} : memref<2x16x384xf32, #tpu.memory_space<vmem>>, vector<16xf32>,
        tpu.vector_store %arg7[%parallel_loop3A_1343, %parallel_loop3A_1344, %parallel_loop3A_1345], %parallel_loop3A_1341 {strides = array<i32>} : memref<2x16x384xf32, #tpu.memory_space<vmem>>, vector<16xf32>,
        %parallel_loop3A_1347 = arith.constant 1 : i32
        %parallel_loop3A_1348 = arith.constant 0 : i32
        %parallel_loop3A_1349 = arith.index_cast %parallel_loop3A_1347 : i32 to index
        %parallel_loop3A_1350 = arith.index_cast %parallel_loop3A_1348 : i32 to index
        %parallel_loop3A_1351 = arith.index_cast %parallel_loop3A_398 : i32 to index
        %parallel_loop3A_1352 = arith.constant 368 : index
        %parallel_loop3A_1353 = tpu.vector_load %arg6[%parallel_loop3A_1349, %parallel_loop3A_1350, %parallel_loop3A_1351, %parallel_loop3A_1352] {strides = array<i32>} : memref<2x4x16x384xf32, #tpu.memory_space<vmem>>, vector<16xf32>,
        %parallel_loop3A_1354 = arith.constant 1 : i32
        %parallel_loop3A_1355 = arith.constant 1 : i32
        %parallel_loop3A_1356 = arith.index_cast %parallel_loop3A_1354 : i32 to index
        %parallel_loop3A_1357 = arith.index_cast %parallel_loop3A_1355 : i32 to index
        %parallel_loop3A_1358 = arith.index_cast %parallel_loop3A_398 : i32 to index
        %parallel_loop3A_1359 = arith.constant 368 : index
        %parallel_loop3A_1360 = tpu.vector_load %arg6[%parallel_loop3A_1356, %parallel_loop3A_1357, %parallel_loop3A_1358, %parallel_loop3A_1359] {strides = array<i32>} : memref<2x4x16x384xf32, #tpu.memory_space<vmem>>, vector<16xf32>,
        %parallel_loop3A_1361 = arith.constant 1 : i32
        %parallel_loop3A_1362 = arith.constant 2 : i32
        %parallel_loop3A_1363 = arith.index_cast %parallel_loop3A_1361 : i32 to index
        %parallel_loop3A_1364 = arith.index_cast %parallel_loop3A_1362 : i32 to index
        %parallel_loop3A_1365 = arith.index_cast %parallel_loop3A_398 : i32 to index
        %parallel_loop3A_1366 = arith.constant 368 : index
        %parallel_loop3A_1367 = tpu.vector_load %arg6[%parallel_loop3A_1363, %parallel_loop3A_1364, %parallel_loop3A_1365, %parallel_loop3A_1366] {strides = array<i32>} : memref<2x4x16x384xf32, #tpu.memory_space<vmem>>, vector<16xf32>,
        %parallel_loop3A_1368 = arith.constant 1 : i32
        %parallel_loop3A_1369 = arith.constant 3 : i32
        %parallel_loop3A_1370 = arith.index_cast %parallel_loop3A_1368 : i32 to index
        %parallel_loop3A_1371 = arith.index_cast %parallel_loop3A_1369 : i32 to index
        %parallel_loop3A_1372 = arith.index_cast %parallel_loop3A_398 : i32 to index
        %parallel_loop3A_1373 = arith.constant 368 : index
        %parallel_loop3A_1374 = tpu.vector_load %arg6[%parallel_loop3A_1370, %parallel_loop3A_1371, %parallel_loop3A_1372, %parallel_loop3A_1373] {strides = array<i32>} : memref<2x4x16x384xf32, #tpu.memory_space<vmem>>, vector<16xf32>,
        %parallel_loop3A_1375 = arith.mulf %parallel_loop3A_1353, %parallel_loop3A_426 : vector<16xf32>
        %parallel_loop3A_1376 = arith.mulf %parallel_loop3A_1360, %parallel_loop3A_422 : vector<16xf32>
        %parallel_loop3A_1377 = arith.addf %parallel_loop3A_1375, %parallel_loop3A_1376 : vector<16xf32>
        %parallel_loop3A_1378 = arith.mulf %parallel_loop3A_1367, %parallel_loop3A_421 : vector<16xf32>
        %parallel_loop3A_1379 = arith.mulf %parallel_loop3A_1374, %parallel_loop3A_420 : vector<16xf32>
        %parallel_loop3A_1380 = arith.addf %parallel_loop3A_1378, %parallel_loop3A_1379 : vector<16xf32>
        %parallel_loop3A_1381 = arith.addf %parallel_loop3A_1377, %parallel_loop3A_1380 : vector<16xf32>
        %parallel_loop3A_1382 = arith.constant 1 : i32
        %parallel_loop3A_1383 = arith.index_cast %parallel_loop3A_1382 : i32 to index
        %parallel_loop3A_1384 = arith.index_cast %parallel_loop3A_398 : i32 to index
        %parallel_loop3A_1385 = arith.constant 368 : index
        %parallel_loop3A_1386 = tpu.vector_load %arg7[%parallel_loop3A_1383, %parallel_loop3A_1384, %parallel_loop3A_1385] {strides = array<i32>} : memref<2x16x384xf32, #tpu.memory_space<vmem>>, vector<16xf32>,
        tpu.vector_store %arg7[%parallel_loop3A_1383, %parallel_loop3A_1384, %parallel_loop3A_1385], %parallel_loop3A_1381 {strides = array<i32>} : memref<2x16x384xf32, #tpu.memory_space<vmem>>, vector<16xf32>,
      } {sc.loop_unroll_factor = 1 : i64, sc.parallel_access}
      %mul3A_382 = arith.constant 16 : i32
      %mul3A_383 = arith.muli %add3A_290, %mul3A_382 : i32
      %add3A_384 = arith.addi %mul3A_68, %mul3A_383 : i32
      %dma_start3A_385 = arith.constant 1 : i32
      %dma_start3A_386 = arith.constant 0 : i32
      %dma_start3A_387 = arith.constant 0 : i32
      %dma_start3A_388 = tpu.memref_slice %arg7[%dma_start3A_385, %dma_start3A_386, %dma_start3A_387] : memref<2x16x384xf32, #tpu.memory_space<vmem>> -> memref<1x16x384xf32, #tpu.memory_space<vmem>>
      %dma_start3A_389 = tpu.memref_squeeze %dma_start3A_388 : memref<1x16x384xf32, #tpu.memory_space<vmem>> -> memref<16x384xf32, #tpu.memory_space<vmem>>
      %dma_start3A_390 = arith.constant 0 : i32
      %dma_start3A_391 = tpu.memref_slice %arg4[%add3A_384, %dma_start3A_390] : memref<200704x384xf32, #tpu.memory_space<hbm>> -> memref<16x384xf32, #tpu.memory_space<hbm>>
      %dma_start3A_392 = arith.constant 0 : i32
      %dma_start3A_393 = tpu.memref_slice %arg4[%add3A_384, %dma_start3A_392] : memref<200704x384xf32, #tpu.memory_space<hbm>> -> memref<16x384xf32, #tpu.memory_space<hbm>>
      %dma_start3A_394 = arith.constant 0 : i32
      %dma_start3A_395 = arith.constant 0 : i32
      %dma_start3A_396 = tpu.memref_slice %arg7[%dma_start3A_385, %dma_start3A_394, %dma_start3A_395] : memref<2x16x384xf32, #tpu.memory_space<vmem>> -> memref<1x16x384xf32, #tpu.memory_space<vmem>>
      %dma_start3A_397 = tpu.memref_squeeze %dma_start3A_396 : memref<1x16x384xf32, #tpu.memory_space<vmem>> -> memref<16x384xf32, #tpu.memory_space<vmem>>
      tpu.enqueue_dma source(%dma_start3A_397 : memref<16x384xf32, #tpu.memory_space<vmem>>) target(%dma_start3A_393 : memref<16x384xf32, #tpu.memory_space<hbm>>) target_semaphore(%arg11 : memref<!tpu.dma_semaphore, #tpu.memory_space<semaphore_mem>>)
    }
    %scan3A_147 = arith.constant 196 : i32
    %dma_wait3A = arith.constant 0 : i32
    %dma_wait3A_148 = arith.constant 0 : i32
    %dma_wait3A_149 = arith.constant 0 : i32
    %dma_wait3A_150 = tpu.memref_slice %arg7[%dma_wait3A, %dma_wait3A_148, %dma_wait3A_149] : memref<2x16x384xf32, #tpu.memory_space<vmem>> -> memref<1x16x384xf32, #tpu.memory_space<vmem>>
    %dma_wait3A_151 = tpu.memref_squeeze %dma_wait3A_150 : memref<1x16x384xf32, #tpu.memory_space<vmem>> -> memref<16x384xf32, #tpu.memory_space<vmem>>
    %dma_wait3A_152 = arith.constant 0 : i32
    %dma_wait3A_153 = tpu.memref_slice %arg4[%mul3A_68, %dma_wait3A_152] : memref<200704x384xf32, #tpu.memory_space<hbm>> -> memref<16x384xf32, #tpu.memory_space<hbm>>
    %dma_wait3A_154 = arith.constant 0 : i32
    %dma_wait3A_155 = tpu.memref_slice %arg4[%mul3A_68, %dma_wait3A_154] : memref<200704x384xf32, #tpu.memory_space<hbm>> -> memref<16x384xf32, #tpu.memory_space<hbm>>
    %dma_wait3A_156 = arith.constant 0 : i32
    %dma_wait3A_157 = arith.constant 0 : i32
    %dma_wait3A_158 = tpu.memref_slice %arg7[%dma_wait3A, %dma_wait3A_156, %dma_wait3A_157] : memref<2x16x384xf32, #tpu.memory_space<vmem>> -> memref<1x16x384xf32, #tpu.memory_space<vmem>>
    %dma_wait3A_159 = tpu.memref_squeeze %dma_wait3A_158 : memref<1x16x384xf32, #tpu.memory_space<vmem>> -> memref<16x384xf32, #tpu.memory_space<vmem>>
    tpu.wait_dma2 semaphore(%arg11 : memref<!tpu.dma_semaphore, #tpu.memory_space<semaphore_mem>>) src(%dma_wait3A_159 : memref<16x384xf32, #tpu.memory_space<vmem>>) dst(%dma_wait3A_155 : memref<16x384xf32, #tpu.memory_space<hbm>>)
    %dma_wait3A_160 = arith.constant 1 : i32
    %dma_wait3A_161 = arith.constant 0 : i32
    %dma_wait3A_162 = arith.constant 0 : i32
    %dma_wait3A_163 = tpu.memref_slice %arg7[%dma_wait3A_160, %dma_wait3A_161, %dma_wait3A_162] : memref<2x16x384xf32, #tpu.memory_space<vmem>> -> memref<1x16x384xf32, #tpu.memory_space<vmem>>
    %dma_wait3A_164 = tpu.memref_squeeze %dma_wait3A_163 : memref<1x16x384xf32, #tpu.memory_space<vmem>> -> memref<16x384xf32, #tpu.memory_space<vmem>>
    %dma_wait3A_165 = arith.constant 0 : i32
    %dma_wait3A_166 = tpu.memref_slice %arg4[%mul3A_68, %dma_wait3A_165] : memref<200704x384xf32, #tpu.memory_space<hbm>> -> memref<16x384xf32, #tpu.memory_space<hbm>>
    %dma_wait3A_167 = arith.constant 0 : i32
    %dma_wait3A_168 = tpu.memref_slice %arg4[%mul3A_68, %dma_wait3A_167] : memref<200704x384xf32, #tpu.memory_space<hbm>> -> memref<16x384xf32, #tpu.memory_space<hbm>>
    %dma_wait3A_169 = arith.constant 0 : i32
    %dma_wait3A_170 = arith.constant 0 : i32
    %dma_wait3A_171 = tpu.memref_slice %arg7[%dma_wait3A_160, %dma_wait3A_169, %dma_wait3A_170] : memref<2x16x384xf32, #tpu.memory_space<vmem>> -> memref<1x16x384xf32, #tpu.memory_space<vmem>>
    %dma_wait3A_172 = tpu.memref_squeeze %dma_wait3A_171 : memref<1x16x384xf32, #tpu.memory_space<vmem>> -> memref<16x384xf32, #tpu.memory_space<vmem>>
    tpu.wait_dma2 semaphore(%arg11 : memref<!tpu.dma_semaphore, #tpu.memory_space<semaphore_mem>>) src(%dma_wait3A_172 : memref<16x384xf32, #tpu.memory_space<vmem>>) dst(%dma_wait3A_168 : memref<16x384xf32, #tpu.memory_space<hbm>>)
    return
  }
}

</mosaic_0001>

<sc_bundles>
// kernel: kernel.3.cloned.1.call-start
scs
__scs_entry_jumppad:
0x0: {  	(pc) =	sbr.rel $0x88, $3  }
0x1: {  	(tag) =	ssettag $0x0;
	lr =	simm.s32 $0x1  }
0x2: {  	[smem:$0x3F9F] =	sst lr;
	_ =	strace $0xD0000000  }
0x3: {  	_ = 	snop  }
0x4: {  	_ = 	snop  }
0x5: {  	_ = 	snop  }
0x6: {  	_ = 	snop  }
0x7: {  	_ = 	snop  }
__scs_overlays_trampoline_lowered:
0x8: {  	[smem:$0x3FAE] =	sst s0  }
0x9: {  	[smem:$0x3FAF] =	sst s1  }
0xa: {  	[smem:$0x3FB0] =	sst s2  }
0xb: {  	[smem:$0x3FB1] =	sst s3  }
0xc: {  	[smem:$0x3FB2] =	sst s4  }
0xd: {  	[smem:$0x3FB3] =	sst s5  }
0xe: {  	[smem:$0x3FB4] =	sst s6  }
0xf: {  	[smem:$0x3FB5] =	sst s7  }
0x10: {  	[smem:$0x3FB6] =	sst s8  }
0x11: {  	[smem:$0x3FB7] =	sst s9;
	s0 =	simm.s32 @!p0 $0x0  }
0x12: {  	s1 =	sld [smem:$0x3F9D];
	s0 =	simm.s32 @p0 $0x1  }
0x13: {  	[smem:$0x3FB8] =	sst s0;
	s0 =	simm.s32 @!p1 $0x0  }
0x14: {  	s2 =	sld [smem:$0x3F9C];
	s0 =	simm.s32 @p1 $0x1  }
0x15: {  	[smem:$0x3FB9] =	sst s0;
	s0 =	simm.s32 @!p2 $0x0  }
0x16: {  	s3 =	sld [smem:$0x3FDB];
	s0 =	simm.s32 @p2 $0x1  }
0x17: {  	s4 =	simm.s32 $0x1BF5;
	[smem:$0x3FBB] =	sst s0  }
0x18: {  	s0 =	sld [smem:$0x3F9E];
	_ =	swait.ge [sflag:s4], $0x0  }
0x19: {  	s7 =	sld [smem:$0x3F9F]  }
0x1a: {  	s8 =	sadd.s32 $0xFFFFE003, lr  }
0x1b: {  	s9 =	sadd.s32 $0xFFFFFEF7, lr;
	s5 =	simm.s32 $0xFFFFFFFF;
	p2 =	slt.u32 s8, $0xFFFFF086  }
0x1c: {  	p1 =	slt.u32 s9, $0xF7A;
	s5 =	simm.s32 @!p2 $0x0  }
0x1d: {  	s5 =	simm.s32 @p1 $0x1;
	p0 =	seq.s32 s7, s2  }
0x1e: {  	s7 =	smul.u32 @!p0 $0xF7A, s2;
	p2 =	seq.s32 @!p0 s5, $0x0  }
0x1f: {  	s9 =	smul.u32 $0xF7A, s1;
	s8 =	simm.s32 @!p0 $0x1BF5;
	p2 =	por !p2, p0  }
0x20: {  	[sflag:s8] =	ssyncset.s32 @!p0 $0xFFFFF086;
	s6 =	sadd.s32 @!p0 s3, s7;
	s7 =	simm.s32 @!p0 $0x108  }
0x21: {  	s3 =	sadd.s32 s3, s9;
	s6 =	sadd.s32 @!p0 $0x88, s6;
	s7 =	simm.s32 @p2 $0x1082  }
0x22: {  	[simem:s7], [sflag:s8] =	dma.local @!p0 [hbm:s6], $0xF7A  }
0x23: {  	s9 =	sor.u32 $0xD0000000, s2;
	s6 =	simm.s32 $0x108;
	_ =	swait.ge @!p0 [sflag:s8], $0x0  }
0x24: {  	s3 =	sadd.s32 $0x88, s3;
	s6 =	simm.s32 @!p1 $0x1082;
	[sflag:s4] =	ssyncset.s32 $0xFFFFF086  }
0x25: {  	[simem:s6], [sflag:s4] =	dma.local [hbm:s3], $0xF7A  }
0x26: {  	[smem:$0x3F9F] =	sst s1;
	(tag) =	ssettag s2;
	_ =	strace s9  }
0x27: {  	s1 =	sld [smem:$0x3FAF]  }
0x28: {  	s2 =	sld [smem:$0x3FB0]  }
0x29: {  	s4 =	sld [smem:$0x3FB2]  }
0x2a: {  	p0 =	seq.s32 s5, $0x0;
	s5 =	sld [smem:$0x3FB3]  }
0x2b: {  	s6 =	sld [smem:$0x3FB4]  }
0x2c: {  	s7 =	sld [smem:$0x3FB5]  }
0x2d: {  	s3 =	simm.s32 $0x108;
	s8 =	sld [smem:$0x3FB6]  }
0x2e: {  	s3 =	simm.s32 @!p0 $0x1082;
	s9 =	sld [smem:$0x3FB7]  }
0x2f: {  	lr =	sadd.s32 s0, s3;
	s0 =	sld [smem:$0x3FAE]  }
0x30: {  	s3 =	sld [smem:$0x3FB1]  }
0x31: {  	[smem:$0x3FBA] =	sst s10  }
0x32: {  	s10 =	sld [smem:$0x3FB8];
	_ =	sdelay $0x3  }
0x33: {  	p0 =	seq.s32 s10, $0x1;
	s10 =	sld [smem:$0x3FBA];
	_ =	sdelay $0x3  }
0x34: {  	[smem:$0x3FBA] =	sst s10  }
0x35: {  	s10 =	sld [smem:$0x3FB9];
	_ =	sdelay $0x3  }
0x36: {  	p1 =	seq.s32 s10, $0x1;
	s10 =	sld [smem:$0x3FBA];
	_ =	sdelay $0x3  }
0x37: {  	[smem:$0x3FBA] =	sst s10  }
0x38: {  	s10 =	sld [smem:$0x3FBB]  }
0x39: {  	_ = 	snop;
	(pc) =	sbr.ind lr, $3  }
0x3a: {  	_ = 	snop  }
0x3b: {  	_ = 	snop  }
0x3c: {  	p2 =	seq.s32 s10, $0x1;
	s10 =	sld [smem:$0x3FBA]  }
0x3d: {  	_ =	shalt  }
0x3e: {  	_ =	shalt  }
0x3f: {  	_ =	shalt  }
0x40: {  	_ =	shalt  }
0x41: {  	_ =	shalt  }
0x42: {  	_ =	shalt  }
0x43: {  	_ =	shalt  }
0x44: {  	_ =	shalt  }
0x45: {  	_ =	shalt  }
0x46: {  	_ =	shalt  }
0x47: {  	_ =	shalt  }
0x48: {  	_ =	shalt  }
0x49: {  	_ =	shalt  }
0x4a: {  	_ =	shalt  }
0x4b: {  	_ =	shalt  }
0x4c: {  	_ =	shalt  }
0x4d: {  	_ =	shalt  }
0x4e: {  	_ =	shalt  }
0x4f: {  	_ =	shalt  }
0x50: {  	_ =	shalt  }
0x51: {  	_ =	shalt  }
0x52: {  	_ =	shalt  }
0x53: {  	_ =	shalt  }
0x54: {  	_ =	shalt  }
0x55: {  	_ =	shalt  }
0x56: {  	_ =	shalt  }
0x57: {  	_ =	shalt  }
0x58: {  	_ =	shalt  }
0x59: {  	_ =	shalt  }
0x5a: {  	_ =	shalt  }
0x5b: {  	_ =	shalt  }
0x5c: {  	_ =	shalt  }
0x5d: {  	_ =	shalt  }
0x5e: {  	_ =	shalt  }
0x5f: {  	_ =	shalt  }
0x60: {  	_ =	shalt  }
0x61: {  	_ =	shalt  }
0x62: {  	_ =	shalt  }
0x63: {  	_ =	shalt  }
0x64: {  	_ =	shalt  }
0x65: {  	_ =	shalt  }
0x66: {  	_ =	shalt  }
0x67: {  	_ =	shalt  }
0x68: {  	_ =	shalt  }
0x69: {  	_ =	shalt  }
0x6a: {  	_ =	shalt  }
0x6b: {  	_ =	shalt  }
0x6c: {  	_ =	shalt  }
0x6d: {  	_ =	shalt  }
0x6e: {  	_ =	shalt  }
0x6f: {  	_ =	shalt  }
0x70: {  	_ =	shalt  }
0x71: {  	_ =	shalt  }
0x72: {  	_ =	shalt  }
0x73: {  	_ =	shalt  }
0x74: {  	_ =	shalt  }
0x75: {  	_ =	shalt  }
0x76: {  	_ =	shalt  }
0x77: {  	_ =	shalt  }
0x78: {  	_ =	shalt  }
0x79: {  	_ =	shalt  }
0x7a: {  	_ =	shalt  }
0x7b: {  	_ =	shalt  }
0x7c: {  	_ =	shalt  }
0x7d: {  	_ =	shalt  }
0x7e: {  	_ =	shalt  }
0x7f: {  	_ =	shalt  }
0x80: {  	_ =	shalt  }
0x81: {  	_ =	shalt  }
0x82: {  	_ =	shalt  }
0x83: {  	_ =	shalt  }
0x84: {  	_ =	shalt  }
0x85: {  	_ =	shalt  }
0x86: {  	_ =	shalt  }
0x87: {  	_ =	shalt  }
.Lfunc_end0:
.L_simem_size_0:
called_computation_lowered:
.L_overlay_start_0:
0x88: {  	s2 =	sld [smem:$0x3FD9]  }
0x89: {  	s3 =	sld [smem:$0x3FFE];
	_ =	sdelay $0x1  }
0x8a: {  	s1 =	srdreg.scid  }
0x8b: {  	s0 =	sand.u32 $0x1, s1  }
0x8c: {  	s17 =	sshll.u32 s0, $0xA;
	s2 =	sadd.s32 s3, s2  }
0x8d: {  	s2 =	sadd.s32 s2, s17  }
0x8e: {  	[smem:$0x3FC6] =	sst s2  }
0x8f: {  	_ = 	snop  }
0x90: {  	s2 =	sld [smem:$0x3FC9]  }
0x91: {  	s18 =	sld [smem:$0x3FD0];
	(tm) =	ssettm $0x1  }
0x92: {  	s4 =	sld [smem:$0x3FFB];
	_ =	sdelay $0x3  }
0x93: {  	_ =	strace s4  }
0x94: {  	s4 =	sld [smem:$0x3FFC];
	_ =	sdelay $0x3  }
0x95: {  	_ =	strace s4  }
0x96: {  	s4 =	sld [smem:$0x3FFD];
	_ =	sdelay $0x3  }
0x97: {  	_ =	strace s4  }
0x98: {  	_ =	strace $0x8FFFFFFF  }
0x99: {  	s19 =	sld [smem:$0x3FDB];
	_ =	sdelay $0x1  }
0x9a: {  	s5 =	simm.s32 $_scs_section_size  }
0x9b: {  	s6 =	simm.s32 $_size__tile_overlayer_lowered;
	s7 =	simm.s32 $_tile_overlayer_lowered  }
0x9c: {  	s22 =	simm.s32 $0x1BFF;
	s21 =	sshll.u32 s7, $0x1;
	s4 =	sadd.s32 s5, s19  }
0x9d: {  	s8 =	simm.s32 $0x0;
	s20 =	sshll.u32 s6, $0x1;
	s6 =	sadd.s32 s21, s4  }
0x9e: {  	[timem:s8], [sflag:s22] =	dma.local [hbm:s6], s20  }
0x9f: {  	_ =	swait.ge [sflag:s22], s20  }
0xa0: {  	s5 =	ssub.s32 $0x0, s20;
	[sflag:s22] =	ssyncset.done $0x0  }
0xa1: {  	[sflag:s22] =	ssyncadd.s32 s5;
	_ =	sdelay $0x1  }
0xa2: {  	s23 =	simm.s32 $0x1B8B  }
0xa3: {  	_ =	swait.ge [sflag:s23], $0x1  }
0xa4: {  	[sflag:s23] =	ssyncset.done $0x0  }
0xa5: {  	s25 =	simm.s32 $0x1B8E;
	s24 =	sld [smem:$0x3FFE];
	[sflag:s23] =	ssyncadd.s32 $0xFFFFFFFF  }
0xa6: {  	s26 =	simm.s32 $execute0_lowered;
	[smem:$0x3FD2] =	sst s25  }
0xa7: {  	s6 =	sshll.u32 s26, $0x1;
	_ =	strace $0x80000046;
	[dreg:$0x1] =	wrdreg $0xFFFFFFFF  }
0xa8: {  	s28 =	simm.s32 $_size_execute0_lowered;
	s4 =	sadd.s32 s4, s6;
	[dreg:$0x0] =	wrdreg $0x0  }
0xa9: {  	s6 =	sshll.u32 s28, $0x1;
	[dreg:$0x2] =	wrdreg s4  }
0xaa: {  	[dreg:$0x3] =	wrdreg s6  }
0xab: {  	[dreg:$0x4] =	wrdreg $0xC0  }
0xac: {  	_ =	task [dreg:s8], $0x5FFFF  }
0xad: {  	[dreg:$0x1] =	wrdreg $0xFFFFFFFF  }
0xae: {  	[dreg:$0x0] =	wrdreg $0x60  }
0xaf: {  	[dreg:$0x2] =	wrdreg s24  }
0xb0: {  	[dreg:$0x3] =	wrdreg s2  }
0xb1: {  	[dreg:$0x4] =	wrdreg s18  }
0xb2: {  	[dreg:$0x5] =	wrdreg $0x9  }
0xb3: {  	_ =	task.clear_ibuf [dreg:s8], $0x6FFFF;
	_ =	strace $0x90000046  }
0xb4: {  	s29 =	simm.s32 $0x9;
	_ =	strace $0x80000048  }
0xb5: {  	_ =	swait.ge [sflag:s29], $0x1  }
0xb6: {  	[sflag:s29] =	ssyncadd.s32 $0xFFFFFFFF  }
0xb7: {  	_ =	strace $0x90000048  }
0xb8: {  	_ =	sfence  }
0xb9: {  	s30 =	sld [smem:$0x0];
	_ =	sdelay $0x2  }
0xba: {  	s31 =	sshll.u32 s1, $0xD;
	s1 =	sshrl.u32 s1, $0x2  }
0xbb: {  	s3 =	sand.u32 $0x4000, s31;
	s1 =	sadd.s32 s1, s30  }
0xbc: {  	s0 =	sor.u32 s3, s0;
	s1 =	sshll.u32 s1, $0x11  }
0xbd: {  	s0 =	sor.u32 s1, s0  }
0xbe: {  	s0 =	sadd.s32 $0x8F2B, s0  }
0xbf: {  	[sflag:s0] =	ssyncadd.remote.s32 $0x1  }
0xc0: {  	_ =	sfence.sel $0xFFFF  }
0xc1: {  	[dreg:$0x0] =	wrdreg $0xFFFFFFFF;
	(pc) =	sbr.abs _section_cstart, $3  }
0xc2: {  	[dreg:$0x1] =	wrdreg $0xFFFFFFFF  }
0xc3: {  	_ =	task.clear_ibuf [dreg:s8], $0x2FFFF;
	_ =	strace $0x9FFFFFFF  }
0xc4: {  	(tm) =	ssettm $0x7FFFFFFF  }
0xc5: {  	_ =	shalt  }
tec
execute0_lowered:
.L_overlay_start_1:
0x0: {  	(tag) =	ssettag $0x1  }
0x1: {  	s0 =	srdreg.scid;
	s3 =	stileid.u32  }
0x2: {  	s5 =	rddreg [dreg:$0x0];
	s10 =	simm.s32 $0xA480;
	s11 =	simm.s32 $0xA880  }
0x3: {  	s13 =	simm.s32 $0xB080;
	s15 =	simm.s32 $0xB480;
	s16 =	simm.s32 $0xBC80  }
0x4: {  	s17 =	simm.s32 $0xC080;
	s18 =	simm.s32 $0xC880;
	s19 =	simm.s32 $0xCC80  }
0x5: {  	s20 =	simm.s32 $0xD480;
	s21 =	simm.s32 $0x1;
	s22 =	simm.s32 $0xD880  }
0x6: {  	s0 =	sand.u32 $0x1, s0;
	s1 =	sshll.u32 s3, $0x1;
	s6 =	sshrl.u32 s3, $0x2  }
0x7: {  	s23 =	simm.s32 $0xF080;
	s1 =	sor.u32 s0, s1;
	s7 =	smul.u32 $0x1C000, s6  }
0x8: {  	s3 =	rddreg [dreg:$0x2];
	s12 =	smul.u32 $0xC400, s6;
	s2 =	sand.u32 $0x7, s1  }
0x9: {  	s26 =	ssub.s32 $0x2, s0;
	s31 =	sshll.u32 s0, $0x9;
	s4 =	smul.u32 $0x1C00, s2  }
0xa: {  	s0 =	sshll.u32 s0, $0xA;
	s28 =	sshrl.u32 s26, $0x1;
	s2 =	rddreg [dreg:$0x1]  }
0xb: {  	s9 =	ssub.s32 s26, s28;
	s8 =	sand.u32 $0xF800, s4;
	s4 =	simm.s32 $0x0  }
0xc: {  	s0 =	sor.u32 $0x100, s0;
	s30 =	smax.u32 s9, $0x1;
	[smem:$0x7FF] =	sst s4  }
0xd: {  	s7 =	sadd.s32 s7, s8;
	_ =	strace $0x80000047;
	[dreg:$0x6] =	wrdreg s30  }
0xe: {  	s6 =	simm.s32 $0x9880;
	s7 =	sshrl.u32 s7, $0x3;
	[dreg:$0x8] =	wrdreg s0  }
0xf: {  	s5 =	sadd.s32 s7, s5;
	s7 =	smul.u32 $0x1880, s1;
	s1 =	sor.u32 $0x80, s31  }
0x10: {  	v0 =	vmov s12;
	s12 =	simm.s32 $0x0;
	s29 =	sadd.s32 $0x400, s5;
	[dreg:$0x7] =	wrdreg s1  }
0x11: {  	s9 =	simm.s32 $0x9C80;
	s5 =	sadd.s32 $0x2000, s5;
	[dreg:$0x4] =	wrdreg s29  }
0x12: {  	v1 =	vlaneseq.u32;
	s8 =	sadd.s32 $0x100, s2;
	[dreg:$0x5] =	wrdreg s5;
	s5 =	simm.s32 $0x9080  }
.LBB2_1:
0x13: {  	[dreg:$0x9] =	wrdreg s12  }
0x14: {  	s0 =	rddreg [dreg:$0x4];
	s1 =	simm.s32 $0x10A80;
	s26 =	simm.s32 $0x3  }
0x15: {  	[tilespmem:s1], [sflag:$0x3] =	stream.linear.gather [hbm4b:s0+s4], $0x2000, $0x38;
	[tilespmem:$0x14A80] =	vst v63  }
0x16: {  	_ =	swait.ge [sflag:s26], $0x2000  }
0x17: {  	[sflag:s26] =	ssyncset.done $0x0  }
0x18: {  	s31 =	simm.s32 $0x12A80;
	s30 =	rddreg [dreg:$0x5];
	[sflag:s26] =	ssyncadd.s32 $0xFFFFE000  }
0x19: {  	[tilespmem:s31], [sflag:$0x3] =	stream.linear.gather [hbm4b:s30+s4], $0x2000, $0x38;
	[tilespmem:$0x14A80] =	vst v63  }
0x1a: {  	s24 =	simm.s32 $0xFFFFFFFE;
	_ =	swait.ge [sflag:s26], $0x2000  }
0x1b: {  	s25 =	simm.s32 $0xE0;
	[sflag:s26] =	ssyncset.done $0x0;
	s28 =	rddreg [dreg:$0x8]  }
0x1c: {  	s29 =	rddreg [dreg:$0x7];
	[sflag:s26] =	ssyncadd.s32 $0xFFFFE000;
	s26 =	simm.s32 $0xE0  }
.LBB2_2:
0x1d: {  	s0 =	sadd.s32 $0xFFFFFF00, s28;
	s1 =	sadd.s32 $0xFFFFFF80, s29  }
0x1e: {  	s0 =	sand.u32 $0x3800, s0;
	s1 =	sand.u32 $0x300, s1  }
0x1f: {  	s1 =	sor.u32 s1, s0  }
0x20: {  	v2 =	vld [tilespmem:s1+$0x10A80]  }
0x21: {  	v3 =	vld [tilespmem:s1+$0x12A80];
	_ =	sdelay $0x3  }
0x22: {  	v2 =	vadd.f32 $1.000000000e+00, v2  }
0x23: {  	v3 =	vadd.f32 $1.000000000e+00, v3  }
0x24: {  	v2 =	vmul.f32 $5.000000000e-01, v2  }
0x25: {  	v3 =	vmul.f32 $5.000000000e-01, v3  }
0x26: {  	v2 =	vmul.f32 $2.230000000e+02, v2  }
0x27: {  	v3 =	vmul.f32 $2.230000000e+02, v3  }
0x28: {  	v2 =	vmax.f32 v2, $0.0e+00  }
0x29: {  	v3 =	vmax.f32 v3, $0.0e+00;
	v2 =	vmin.f32 v2, $2.230000000e+02  }
0x2a: {  	v3 =	vmin.f32 v3, $2.230000000e+02;
	v4 =	vtrunc.f32 v2  }
0x2b: {  	v5 =	vtrunc.f32 v3;
	v4 =	vcvt.f32.s32 v4  }
0x2c: {  	v5 =	vcvt.f32.s32 v5  }
0x2d: {  	vm0 =	vlt.s32 v4, $0xDE  }
0x2e: {  	vm11 =	vlt.s32 v5, $0xDE;
	v4 =	vnsel vm0, $0xDE, v4  }
0x2f: {  	v5 =	vnsel vm11, $0xDE, v5;
	v6 =	vcvt.s32.f32 v4  }
0x30: {  	v7 =	vcvt.s32.f32 v5  }
0x31: {  	v2 =	vsub.f32 v2, v6  }
0x32: {  	v3 =	vsub.f32 v3, v7  }
0x33: {  	v2 =	vmul.f32 $2.550000000e+02, v2  }
0x34: {  	v3 =	vmul.f32 $2.550000000e+02, v3  }
0x35: {  	v2 =	vadd.f32 $5.000000000e-01, v2  }
0x36: {  	v3 =	vadd.f32 $5.000000000e-01, v3  }
0x37: {  	v2 =	vtrunc.f32 v2  }
0x38: {  	v5 =	vmul.u32 $0xE0, v5;
	v3 =	vtrunc.f32 v3;
	v2 =	vcvt.f32.s32 v2  }
0x39: {  	v3 =	vcvt.f32.s32 v3  }
0x3a: {  	v4 =	vadd.s32 v4, v5;
	v2 =	vshll.u32 v2, $0x10  }
0x3b: {  	v3 =	vshll.u32 v3, $0x18;
	v2 =	vor.u32 v4, v2  }
0x3c: {  	v2 =	vor.u32 v3, v2  }
0x3d: {  	s30 =	sadd.s32 $0x10A80, s1;
	[tilespmem:s25+$0xFFFFFF20] =	vst v2  }
0x3e: {  	s12 =	sadd.s32 $0x12A80, s1;
	v2 =	vld [tilespmem:s30+$0x10]  }
0x3f: {  	v3 =	vld [tilespmem:s12+$0x10];
	_ =	sdelay $0x3  }
0x40: {  	v2 =	vadd.f32 $1.000000000e+00, v2  }
0x41: {  	v3 =	vadd.f32 $1.000000000e+00, v3  }
0x42: {  	v2 =	vmul.f32 $5.000000000e-01, v2  }
0x43: {  	s31 =	sand.u32 $0x3800, s28;
	s14 =	sand.u32 $0x380, s29;
	v3 =	vmul.f32 $5.000000000e-01, v3  }
0x44: {  	s0 =	sor.u32 s14, s31;
	v2 =	vmul.f32 $2.230000000e+02, v2  }
0x45: {  	v47 =	vld [tilespmem:s0+$0x12A80];
	v3 =	vmul.f32 $2.230000000e+02, v3  }
0x46: {  	v46 =	vld [tilespmem:s0+$0x10A80];
	v2 =	vmax.f32 v2, $0.0e+00  }
0x47: {  	v3 =	vmax.f32 v3, $0.0e+00;
	v2 =	vmin.f32 v2, $2.230000000e+02  }
0x48: {  	v3 =	vmin.f32 v3, $2.230000000e+02;
	v44 =	vtrunc.f32 v2  }
0x49: {  	v45 =	vtrunc.f32 v3;
	v4 =	vcvt.f32.s32 v44  }
0x4a: {  	v7 =	vadd.f32 $1.000000000e+00, v47;
	v5 =	vcvt.f32.s32 v45  }
0x4b: {  	v6 =	vadd.f32 $1.000000000e+00, v46;
	vm12 =	vlt.s32 v4, $0xDE  }
0x4c: {  	v7 =	vmul.f32 $5.000000000e-01, v7;
	vm13 =	vlt.s32 v5, $0xDE;
	v4 =	vnsel vm12, $0xDE, v4  }
0x4d: {  	v6 =	vmul.f32 $5.000000000e-01, v6;
	v5 =	vnsel vm13, $0xDE, v5;
	v8 =	vcvt.s32.f32 v4  }
0x4e: {  	v7 =	vmul.f32 $2.230000000e+02, v7;
	v48 =	vcvt.s32.f32 v5  }
0x4f: {  	v2 =	vsub.f32 v2, v8  }
0x50: {  	v6 =	vmul.f32 $2.230000000e+02, v6;
	v7 =	vmax.f32 v7, $0.0e+00;
	v3 =	vsub.f32 v3, v48  }
0x51: {  	v7 =	vmin.f32 v7, $2.230000000e+02;
	v2 =	vmul.f32 $2.550000000e+02, v2  }
0x52: {  	v6 =	vmax.f32 v6, $0.0e+00;
	v9 =	vtrunc.f32 v7;
	v3 =	vmul.f32 $2.550000000e+02, v3  }
0x53: {  	v6 =	vmin.f32 v6, $2.230000000e+02;
	v9 =	vcvt.f32.s32 v9;
	v2 =	vadd.f32 $5.000000000e-01, v2  }
0x54: {  	v49 =	vtrunc.f32 v6;
	v3 =	vadd.f32 $5.000000000e-01, v3  }
0x55: {  	vm15 =	vlt.s32 v9, $0xDE;
	v8 =	vcvt.f32.s32 v49;
	v2 =	vtrunc.f32 v2  }
0x56: {  	v5 =	vmul.u32 $0xE0, v5;
	v3 =	vtrunc.f32 v3;
	v2 =	vcvt.f32.s32 v2  }
0x57: {  	v51 =	vnsel vm15, $0xDE, v9;
	vm14 =	vlt.s32 v8, $0xDE;
	v3 =	vcvt.f32.s32 v3  }
0x58: {  	v4 =	vadd.s32 v4, v5;
	v50 =	vnsel vm14, $0xDE, v8;
	v2 =	vshll.u32 v2, $0x10  }
0x59: {  	v8 =	vcvt.s32.f32 v50;
	v3 =	vshll.u32 v3, $0x18;
	v2 =	vor.u32 v4, v2  }
0x5a: {  	v2 =	vor.u32 v3, v2;
	v3 =	vcvt.s32.f32 v51  }
0x5b: {  	[tilespmem:s25+$0xFFFFFF30] =	vst v2;
	v2 =	vsub.f32 v6, v8  }
0x5c: {  	v3 =	vsub.f32 v7, v3  }
0x5d: {  	v52 =	vld [tilespmem:s30+$0x20];
	v2 =	vmul.f32 $2.550000000e+02, v2  }
0x5e: {  	v53 =	vld [tilespmem:s12+$0x20];
	v3 =	vmul.f32 $2.550000000e+02, v3  }
0x5f: {  	v2 =	vadd.f32 $5.000000000e-01, v2  }
0x60: {  	v3 =	vadd.f32 $5.000000000e-01, v3  }
0x61: {  	v5 =	vmul.u32 $0xE0, v51;
	v2 =	vtrunc.f32 v2  }
0x62: {  	v6 =	vadd.f32 $1.000000000e+00, v52;
	v2 =	vcvt.f32.s32 v2;
	v3 =	vtrunc.f32 v3  }
0x63: {  	v7 =	vadd.f32 $1.000000000e+00, v53;
	v3 =	vcvt.f32.s32 v3  }
0x64: {  	v4 =	vadd.s32 v50, v5;
	v6 =	vmul.f32 $5.000000000e-01, v6;
	v2 =	vshll.u32 v2, $0x10  }
0x65: {  	v54 =	vmul.f32 $5.000000000e-01, v7;
	v2 =	vor.u32 v4, v2;
	v3 =	vshll.u32 v3, $0x18  }
0x66: {  	v55 =	vmul.f32 $2.230000000e+02, v6;
	v2 =	vor.u32 v3, v2  }
0x67: {  	s31 =	sadd.s32 $0x10A80, s0;
	v3 =	vmul.f32 $2.230000000e+02, v54;
	[tilespmem:s25+$0x0] =	vst v2  }
0x68: {  	s14 =	sadd.s32 $0x12A80, s0;
	v2 =	vmax.f32 v55, $0.0e+00;
	v56 =	vld [tilespmem:s31+$0x10]  }
0x69: {  	v2 =	vmin.f32 v2, $2.230000000e+02;
	v3 =	vmax.f32 v3, $0.0e+00;
	v57 =	vld [tilespmem:s14+$0x10]  }
0x6a: {  	v3 =	vmin.f32 v3, $2.230000000e+02;
	v58 =	vtrunc.f32 v2  }
0x6b: {  	v6 =	vcvt.f32.s32 v58;
	v59 =	vtrunc.f32 v3  }
0x6c: {  	v7 =	vcvt.f32.s32 v59  }
0x6d: {  	vm4 =	vlt.s32 v6, $0xDE;
	v4 =	vadd.f32 $1.000000000e+00, v56  }
0x6e: {  	v6 =	vnsel vm4, $0xDE, v6;
	vm5 =	vlt.s32 v7, $0xDE;
	v5 =	vadd.f32 $1.000000000e+00, v57  }
0x6f: {  	v7 =	vnsel vm5, $0xDE, v7;
	v60 =	vcvt.s32.f32 v6;
	v4 =	vmul.f32 $5.000000000e-01, v4  }
0x70: {  	v61 =	vcvt.s32.f32 v7;
	v5 =	vmul.f32 $5.000000000e-01, v5  }
0x71: {  	v2 =	vsub.f32 v2, v60;
	v4 =	vmul.f32 $2.230000000e+02, v4  }
0x72: {  	v3 =	vsub.f32 v3, v61;
	v5 =	vmul.f32 $2.230000000e+02, v5  }
0x73: {  	v2 =	vmul.f32 $2.550000000e+02, v2;
	v4 =	vmax.f32 v4, $0.0e+00  }
0x74: {  	v3 =	vmul.f32 $2.550000000e+02, v3;
	v5 =	vmax.f32 v5, $0.0e+00;
	v4 =	vmin.f32 v4, $2.230000000e+02  }
0x75: {  	v2 =	vadd.f32 $5.000000000e-01, v2;
	v5 =	vmin.f32 v5, $2.230000000e+02;
	v62 =	vtrunc.f32 v4  }
0x76: {  	v63 =	vtrunc.f32 v5;
	v8 =	vcvt.f32.s32 v62  }
0x77: {  	v3 =	vadd.f32 $5.000000000e-01, v3;
	v2 =	vtrunc.f32 v2;
	v9 =	vcvt.f32.s32 v63  }
0x78: {  	v7 =	vmul.u32 $0xE0, v7;
	v2 =	vcvt.f32.s32 v2;
	vm6 =	vlt.s32 v8, $0xDE  }
0x79: {  	v3 =	vtrunc.f32 v3;
	vm7 =	vlt.s32 v9, $0xDE;
	v8 =	vnsel vm6, $0xDE, v8  }
0x7a: {  	v3 =	vcvt.f32.s32 v3;
	v9 =	vnsel vm7, $0xDE, v9;
	v10 =	vcvt.s32.f32 v8  }
0x7b: {  	v6 =	vadd.s32 v6, v7;
	v2 =	vshll.u32 v2, $0x10;
	v11 =	vcvt.s32.f32 v9  }
0x7c: {  	v2 =	vor.u32 v6, v2;
	v3 =	vshll.u32 v3, $0x18;
	v4 =	vsub.f32 v4, v10  }
0x7d: {  	v2 =	vor.u32 v3, v2;
	v3 =	vsub.f32 v5, v11  }
0x7e: {  	[tilespmem:s25+$0xFFFFFF40] =	vst v2;
	v2 =	vmul.f32 $2.550000000e+02, v4  }
0x7f: {  	v3 =	vmul.f32 $2.550000000e+02, v3  }
0x80: {  	v2 =	vadd.f32 $5.000000000e-01, v2  }
0x81: {  	v3 =	vadd.f32 $5.000000000e-01, v3  }
0x82: {  	v12 =	vld [tilespmem:s30+$0x30];
	v2 =	vtrunc.f32 v2  }
0x83: {  	v14 =	vmul.u32 $0xE0, v9;
	v3 =	vtrunc.f32 v3;
	v2 =	vcvt.f32.s32 v2  }
0x84: {  	v13 =	vld [tilespmem:s12+$0x30];
	v3 =	vcvt.f32.s32 v3  }
0x85: {  	v6 =	vadd.s32 v8, v14;
	v2 =	vshll.u32 v2, $0x10  }
0x86: {  	v3 =	vshll.u32 v3, $0x18;
	v2 =	vor.u32 v6, v2  }
0x87: {  	v4 =	vadd.f32 $1.000000000e+00, v12;
	v2 =	vor.u32 v3, v2  }
0x88: {  	[tilespmem:s25+$0x10] =	vst v2  }
0x89: {  	v5 =	vadd.f32 $1.000000000e+00, v13;
	v4 =	vmul.f32 $5.000000000e-01, v4;
	v15 =	vld [tilespmem:s31+$0x20]  }
0x8a: {  	v16 =	vld [tilespmem:s14+$0x20]  }
0x8b: {  	v3 =	vmul.f32 $2.230000000e+02, v4;
	v2 =	vmul.f32 $5.000000000e-01, v5;
	_ =	sdelay $0x1  }
0x8c: {  	v3 =	vmax.f32 v3, $0.0e+00;
	v2 =	vmul.f32 $2.230000000e+02, v2  }
0x8d: {  	v3 =	vmin.f32 v3, $2.230000000e+02;
	v4 =	vadd.f32 $1.000000000e+00, v15  }
0x8e: {  	v17 =	vtrunc.f32 v3;
	v2 =	vmax.f32 v2, $0.0e+00;
	v5 =	vadd.f32 $1.000000000e+00, v16  }
0x8f: {  	v6 =	vcvt.f32.s32 v17;
	v2 =	vmin.f32 v2, $2.230000000e+02;
	v4 =	vmul.f32 $5.000000000e-01, v4  }
0x90: {  	v18 =	vtrunc.f32 v2;
	v5 =	vmul.f32 $5.000000000e-01, v5  }
0x91: {  	vm8 =	vlt.s32 v6, $0xDE;
	v7 =	vcvt.f32.s32 v18;
	v4 =	vmul.f32 $2.230000000e+02, v4  }
0x92: {  	v6 =	vnsel vm8, $0xDE, v6;
	v5 =	vmul.f32 $2.230000000e+02, v5  }
0x93: {  	v19 =	vcvt.s32.f32 v6;
	vm9 =	vlt.s32 v7, $0xDE;
	v4 =	vmax.f32 v4, $0.0e+00  }
0x94: {  	v7 =	vnsel vm9, $0xDE, v7;
	v5 =	vmax.f32 v5, $0.0e+00;
	v4 =	vmin.f32 v4, $2.230000000e+02  }
0x95: {  	v20 =	vcvt.s32.f32 v7;
	v5 =	vmin.f32 v5, $2.230000000e+02;
	v21 =	vtrunc.f32 v4  }
0x96: {  	v3 =	vsub.f32 v3, v19;
	v22 =	vtrunc.f32 v5;
	v9 =	vcvt.f32.s32 v21  }
0x97: {  	v2 =	vsub.f32 v2, v20;
	v23 =	vcvt.f32.s32 v22  }
0x98: {  	v3 =	vmul.f32 $2.550000000e+02, v3;
	vm10 =	vlt.s32 v9, $0xDE  }
0x99: {  	v2 =	vmul.f32 $2.550000000e+02, v2;
	vm11 =	vlt.s32 v23, $0xDE;
	v9 =	vnsel vm10, $0xDE, v9  }
0x9a: {  	v3 =	vadd.f32 $5.000000000e-01, v3;
	v8 =	vnsel vm11, $0xDE, v23;
	v24 =	vcvt.s32.f32 v9  }
0x9b: {  	v2 =	vadd.f32 $5.000000000e-01, v2;
	v11 =	vcvt.s32.f32 v8  }
0x9c: {  	v7 =	vmul.u32 $0xE0, v7;
	v3 =	vtrunc.f32 v3;
	v4 =	vsub.f32 v4, v24  }
0x9d: {  	v3 =	vcvt.f32.s32 v3;
	v2 =	vtrunc.f32 v2;
	v5 =	vsub.f32 v5, v11  }
0x9e: {  	v2 =	vcvt.f32.s32 v2;
	v4 =	vmul.f32 $2.550000000e+02, v4  }
0x9f: {  	v6 =	vadd.s32 v6, v7;
	v3 =	vshll.u32 v3, $0x10;
	v5 =	vmul.f32 $2.550000000e+02, v5  }
0xa0: {  	v3 =	vor.u32 v6, v3;
	v2 =	vshll.u32 v2, $0x18;
	v4 =	vadd.f32 $5.000000000e-01, v4  }
0xa1: {  	v2 =	vor.u32 v2, v3;
	v3 =	vadd.f32 $5.000000000e-01, v5  }
0xa2: {  	[tilespmem:s25+$0xFFFFFF50] =	vst v2;
	v2 =	vtrunc.f32 v4  }
0xa3: {  	v26 =	vmul.u32 $0xE0, v8;
	v3 =	vtrunc.f32 v3;
	v2 =	vcvt.f32.s32 v2  }
0xa4: {  	v3 =	vcvt.f32.s32 v3  }
0xa5: {  	v5 =	vadd.s32 v9, v26;
	v2 =	vshll.u32 v2, $0x10  }
0xa6: {  	v27 =	vld [tilespmem:s12+$0x40];
	v3 =	vshll.u32 v3, $0x18;
	v2 =	vor.u32 v5, v2  }
0xa7: {  	v25 =	vld [tilespmem:s30+$0x40];
	v2 =	vor.u32 v3, v2  }
0xa8: {  	[tilespmem:s25+$0x20] =	vst v2  }
0xa9: {  	v2 =	vld [tilespmem:s31+$0x30]  }
0xaa: {  	v28 =	vld [tilespmem:s14+$0x30]  }
0xab: {  	v29 =	vadd.f32 $1.000000000e+00, v27  }
0xac: {  	v3 =	vadd.f32 $1.000000000e+00, v25  }
0xad: {  	v5 =	vmul.f32 $5.000000000e-01, v29  }
0xae: {  	v3 =	vmul.f32 $5.000000000e-01, v3;
	v2 =	vadd.f32 $1.000000000e+00, v2  }
0xaf: {  	v5 =	vmul.f32 $2.230000000e+02, v5;
	v4 =	vadd.f32 $1.000000000e+00, v28  }
0xb0: {  	v3 =	vmul.f32 $2.230000000e+02, v3;
	v2 =	vmul.f32 $5.000000000e-01, v2  }
0xb1: {  	v4 =	vmul.f32 $5.000000000e-01, v4  }
0xb2: {  	v5 =	vmax.f32 v5, $0.0e+00;
	v3 =	vmax.f32 v3, $0.0e+00;
	v2 =	vmul.f32 $2.230000000e+02, v2  }
0xb3: {  	v5 =	vmin.f32 v5, $2.230000000e+02;
	v3 =	vmin.f32 v3, $2.230000000e+02;
	v4 =	vmul.f32 $2.230000000e+02, v4  }
0xb4: {  	v31 =	vtrunc.f32 v5;
	v30 =	vtrunc.f32 v3;
	v2 =	vmax.f32 v2, $0.0e+00  }
0xb5: {  	v6 =	vcvt.f32.s32 v30;
	v4 =	vmax.f32 v4, $0.0e+00;
	v2 =	vmin.f32 v2, $2.230000000e+02  }
0xb6: {  	v7 =	vcvt.f32.s32 v31;
	v4 =	vmin.f32 v4, $2.230000000e+02;
	v33 =	vtrunc.f32 v2  }
0xb7: {  	vm12 =	vlt.s32 v6, $0xDE;
	v34 =	vtrunc.f32 v4;
	v9 =	vcvt.f32.s32 v33  }
0xb8: {  	vm13 =	vlt.s32 v7, $0xDE;
	v6 =	vnsel vm12, $0xDE, v6;
	v35 =	vcvt.f32.s32 v34  }
0xb9: {  	v7 =	vnsel vm13, $0xDE, v7;
	v32 =	vcvt.s32.f32 v6;
	vm14 =	vlt.s32 v9, $0xDE  }
0xba: {  	v36 =	vcvt.s32.f32 v7;
	vm15 =	vlt.s32 v35, $0xDE;
	v9 =	vnsel vm14, $0xDE, v9  }
0xbb: {  	v3 =	vsub.f32 v3, v32;
	v8 =	vnsel vm15, $0xDE, v35;
	v37 =	vcvt.s32.f32 v9  }
0xbc: {  	v5 =	vsub.f32 v5, v36;
	v38 =	vcvt.s32.f32 v8  }
0xbd: {  	v3 =	vmul.f32 $2.550000000e+02, v3;
	v2 =	vsub.f32 v2, v37  }
0xbe: {  	v5 =	vmul.f32 $2.550000000e+02, v5;
	v4 =	vsub.f32 v4, v38  }
0xbf: {  	v7 =	vmul.u32 $0xE0, v7;
	v3 =	vadd.f32 $5.000000000e-01, v3;
	v2 =	vmul.f32 $2.550000000e+02, v2  }
0xc0: {  	v5 =	vadd.f32 $5.000000000e-01, v5;
	v4 =	vmul.f32 $2.550000000e+02, v4  }
0xc1: {  	v6 =	vadd.s32 v6, v7;
	v3 =	vtrunc.f32 v3;
	v2 =	vadd.f32 $5.000000000e-01, v2  }
0xc2: {  	v5 =	vtrunc.f32 v5;
	v3 =	vcvt.f32.s32 v3;
	v4 =	vadd.f32 $5.000000000e-01, v4  }
0xc3: {  	v5 =	vcvt.f32.s32 v5;
	v39 =	vmul.u32 $0xE0, v8;
	v2 =	vtrunc.f32 v2  }
0xc4: {  	v3 =	vshll.u32 v3, $0x10;
	v4 =	vtrunc.f32 v4;
	v2 =	vcvt.f32.s32 v2  }
0xc5: {  	v5 =	vshll.u32 v5, $0x18;
	v3 =	vor.u32 v6, v3;
	v4 =	vcvt.f32.s32 v4  }
0xc6: {  	v40 =	vadd.s32 v9, v39;
	v3 =	vor.u32 v5, v3;
	v2 =	vshll.u32 v2, $0x10  }
0xc7: {  	[tilespmem:s25+$0xFFFFFF60] =	vst v3;
	v3 =	vshll.u32 v4, $0x18;
	v2 =	vor.u32 v40, v2  }
0xc8: {  	v41 =	vld [tilespmem:s30+$0x50];
	v2 =	vor.u32 v3, v2  }
0xc9: {  	v42 =	vld [tilespmem:s12+$0x50];
	[tilespmem:s25+$0x30] =	vst v2  }
0xca: {  	v2 =	vld [tilespmem:s31+$0x40]  }
0xcb: {  	v3 =	vld [tilespmem:s14+$0x40];
	_ =	sdelay $0x1  }
0xcc: {  	v4 =	vadd.f32 $1.000000000e+00, v41  }
0xcd: {  	v5 =	vadd.f32 $1.000000000e+00, v42  }
0xce: {  	v4 =	vmul.f32 $5.000000000e-01, v4;
	v2 =	vadd.f32 $1.000000000e+00, v2  }
0xcf: {  	v5 =	vmul.f32 $5.000000000e-01, v5;
	v3 =	vadd.f32 $1.000000000e+00, v3  }
0xd0: {  	v4 =	vmul.f32 $2.230000000e+02, v4;
	v2 =	vmul.f32 $5.000000000e-01, v2  }
0xd1: {  	v5 =	vmul.f32 $2.230000000e+02, v5;
	v3 =	vmul.f32 $5.000000000e-01, v3  }
0xd2: {  	v2 =	vmul.f32 $2.230000000e+02, v2  }
0xd3: {  	v4 =	vmax.f32 v4, $0.0e+00;
	v5 =	vmax.f32 v5, $0.0e+00;
	v3 =	vmul.f32 $2.230000000e+02, v3  }
0xd4: {  	v4 =	vmin.f32 v4, $2.230000000e+02;
	v5 =	vmin.f32 v5, $2.230000000e+02;
	v2 =	vmax.f32 v2, $0.0e+00  }
0xd5: {  	v43 =	vtrunc.f32 v4;
	v3 =	vmax.f32 v3, $0.0e+00;
	v2 =	vmin.f32 v2, $2.230000000e+02  }
0xd6: {  	v46 =	vtrunc.f32 v5;
	v3 =	vmin.f32 v3, $2.230000000e+02;
	v44 =	vtrunc.f32 v2  }
0xd7: {  	v45 =	vtrunc.f32 v3;
	v7 =	vcvt.f32.s32 v44  }
0xd8: {  	v6 =	vcvt.f32.s32 v43;
	v8 =	vcvt.f32.s32 v45  }
0xd9: {  	v9 =	vcvt.f32.s32 v46;
	vm1 =	vlt.s32 v7, $0xDE  }
0xda: {  	vm4 =	vlt.s32 v6, $0xDE;
	vm2 =	vlt.s32 v8, $0xDE;
	v7 =	vnsel vm1, $0xDE, v7  }
0xdb: {  	vm5 =	vlt.s32 v9, $0xDE;
	v8 =	vnsel vm2, $0xDE, v8;
	v48 =	vcvt.s32.f32 v7  }
0xdc: {  	v6 =	vnsel vm4, $0xDE, v6;
	v9 =	vnsel vm5, $0xDE, v9;
	v12 =	vcvt.s32.f32 v8  }
0xdd: {  	v47 =	vcvt.s32.f32 v6;
	v49 =	vcvt.s32.f32 v9;
	v2 =	vsub.f32 v2, v48  }
0xde: {  	v3 =	vsub.f32 v3, v12  }
0xdf: {  	v4 =	vsub.f32 v4, v47;
	v5 =	vsub.f32 v5, v49;
	v2 =	vmul.f32 $2.550000000e+02, v2  }
0xe0: {  	v3 =	vmul.f32 $2.550000000e+02, v3  }
0xe1: {  	v4 =	vmul.f32 $2.550000000e+02, v4;
	v5 =	vmul.f32 $2.550000000e+02, v5;
	v2 =	vadd.f32 $5.000000000e-01, v2  }
0xe2: {  	v3 =	vadd.f32 $5.000000000e-01, v3  }
0xe3: {  	v4 =	vadd.f32 $5.000000000e-01, v4;
	v5 =	vadd.f32 $5.000000000e-01, v5;
	v2 =	vtrunc.f32 v2  }
0xe4: {  	v8 =	vmul.u32 $0xE0, v8;
	v3 =	vtrunc.f32 v3;
	v2 =	vcvt.f32.s32 v2  }
0xe5: {  	v50 =	vmul.u32 $0xE0, v9;
	v4 =	vtrunc.f32 v4;
	v3 =	vcvt.f32.s32 v3  }
0xe6: {  	v5 =	vtrunc.f32 v5;
	v7 =	vadd.s32 v7, v8;
	v2 =	vshll.u32 v2, $0x10  }
0xe7: {  	v4 =	vcvt.f32.s32 v4;
	v3 =	vshll.u32 v3, $0x18;
	v2 =	vor.u32 v7, v2  }
0xe8: {  	v5 =	vcvt.f32.s32 v5;
	v2 =	vor.u32 v3, v2  }
0xe9: {  	v4 =	vshll.u32 v4, $0x10;
	v3 =	vadd.s32 v6, v50;
	[tilespmem:s25+$0x40] =	vst v2  }
0xea: {  	v2 =	vor.u32 v3, v4;
	v3 =	vshll.u32 v5, $0x18;
	v51 =	vld [tilespmem:s31+$0x50]  }
0xeb: {  	v2 =	vor.u32 v3, v2;
	v3 =	vld [tilespmem:s14+$0x50];
	_ =	sdelay $0x3  }
0xec: {  	[tilespmem:s25+$0xFFFFFF70] =	vst v2;
	v4 =	vadd.f32 $1.000000000e+00, v51  }
0xed: {  	v2 =	vld [tilespmem:s30+$0x60];
	v3 =	vadd.f32 $1.000000000e+00, v3  }
0xee: {  	v52 =	vld [tilespmem:s12+$0x60];
	v4 =	vmul.f32 $5.000000000e-01, v4  }
0xef: {  	v3 =	vmul.f32 $5.000000000e-01, v3  }
0xf0: {  	v4 =	vmul.f32 $2.230000000e+02, v4  }
0xf1: {  	v3 =	vmul.f32 $2.230000000e+02, v3  }
0xf2: {  	v2 =	vadd.f32 $1.000000000e+00, v2;
	v4 =	vmax.f32 v4, $0.0e+00  }
0xf3: {  	v5 =	vadd.f32 $1.000000000e+00, v52;
	v3 =	vmax.f32 v3, $0.0e+00;
	v4 =	vmin.f32 v4, $2.230000000e+02  }
0xf4: {  	v2 =	vmul.f32 $5.000000000e-01, v2;
	v3 =	vmin.f32 v3, $2.230000000e+02;
	v53 =	vtrunc.f32 v4  }
0xf5: {  	v54 =	vtrunc.f32 v3;
	v6 =	vcvt.f32.s32 v53  }
0xf6: {  	v5 =	vmul.f32 $5.000000000e-01, v5;
	v7 =	vcvt.f32.s32 v54  }
0xf7: {  	v2 =	vmul.f32 $2.230000000e+02, v2;
	vm6 =	vlt.s32 v6, $0xDE  }
0xf8: {  	v5 =	vmul.f32 $2.230000000e+02, v5;
	vm7 =	vlt.s32 v7, $0xDE;
	v6 =	vnsel vm6, $0xDE, v6  }
0xf9: {  	v2 =	vmax.f32 v2, $0.0e+00;
	v7 =	vnsel vm7, $0xDE, v7;
	v56 =	vcvt.s32.f32 v6  }
0xfa: {  	v5 =	vmax.f32 v5, $0.0e+00;
	v2 =	vmin.f32 v2, $2.230000000e+02;
	v58 =	vcvt.s32.f32 v7  }
0xfb: {  	v5 =	vmin.f32 v5, $2.230000000e+02;
	v55 =	vtrunc.f32 v2;
	v4 =	vsub.f32 v4, v56  }
0xfc: {  	v57 =	vtrunc.f32 v5;
	v8 =	vcvt.f32.s32 v55;
	v3 =	vsub.f32 v3, v58  }
0xfd: {  	v59 =	vcvt.f32.s32 v57;
	v4 =	vmul.f32 $2.550000000e+02, v4  }
0xfe: {  	vm8 =	vlt.s32 v8, $0xDE;
	v3 =	vmul.f32 $2.550000000e+02, v3  }
0xff: {  	vm9 =	vlt.s32 v59, $0xDE;
	v8 =	vnsel vm8, $0xDE, v8;
	v4 =	vadd.f32 $5.000000000e-01, v4  }
0x100: {  	v9 =	vnsel vm9, $0xDE, v59;
	v60 =	vcvt.s32.f32 v8;
	v3 =	vadd.f32 $5.000000000e-01, v3  }
0x101: {  	v7 =	vmul.u32 $0xE0, v7;
	v61 =	vcvt.s32.f32 v9;
	v4 =	vtrunc.f32 v4  }
0x102: {  	v2 =	vsub.f32 v2, v60;
	v3 =	vtrunc.f32 v3;
	v4 =	vcvt.f32.s32 v4  }
0x103: {  	v5 =	vsub.f32 v5, v61;
	v3 =	vcvt.f32.s32 v3  }
0x104: {  	v6 =	vadd.s32 v6, v7;
	v2 =	vmul.f32 $2.550000000e+02, v2;
	v4 =	vshll.u32 v4, $0x10  }
0x105: {  	v5 =	vmul.f32 $2.550000000e+02, v5;
	v3 =	vshll.u32 v3, $0x18;
	v4 =	vor.u32 v6, v4  }
0x106: {  	v2 =	vadd.f32 $5.000000000e-01, v2;
	v3 =	vor.u32 v3, v4  }
0x107: {  	v5 =	vadd.f32 $5.000000000e-01, v5;
	[tilespmem:s25+$0x50] =	vst v3  }
0x108: {  	v63 =	vmul.u32 $0xE0, v9;
	v2 =	vtrunc.f32 v2;
	v9 =	vld [tilespmem:s31+$0x60]  }
0x109: {  	v62 =	vtrunc.f32 v5;
	v2 =	vcvt.f32.s32 v2;
	v10 =	vld [tilespmem:s14+$0x60]  }
0x10a: {  	v3 =	vcvt.f32.s32 v62  }
0x10b: {  	v5 =	vadd.s32 v8, v63;
	v2 =	vshll.u32 v2, $0x10  }
0x10c: {  	v2 =	vor.u32 v5, v2;
	v3 =	vshll.u32 v3, $0x18  }
0x10d: {  	v2 =	vor.u32 v3, v2;
	v3 =	vadd.f32 $1.000000000e+00, v9  }
0x10e: {  	v11 =	vadd.f32 $1.000000000e+00, v10  }
0x10f: {  	[tilespmem:s25+$0xFFFFFF80] =	vst v2;
	v3 =	vmul.f32 $5.000000000e-01, v3  }
0x110: {  	v2 =	vld [tilespmem:s30+$0x70];
	v4 =	vmul.f32 $5.000000000e-01, v11  }
0x111: {  	v12 =	vld [tilespmem:s12+$0x70];
	v3 =	vmul.f32 $2.230000000e+02, v3  }
0x112: {  	v4 =	vmul.f32 $2.230000000e+02, v4  }
0x113: {  	v3 =	vmax.f32 v3, $0.0e+00  }
0x114: {  	v4 =	vmax.f32 v4, $0.0e+00;
	v3 =	vmin.f32 v3, $2.230000000e+02  }
0x115: {  	v2 =	vadd.f32 $1.000000000e+00, v2;
	v4 =	vmin.f32 v4, $2.230000000e+02;
	v13 =	vtrunc.f32 v3  }
0x116: {  	v5 =	vadd.f32 $1.000000000e+00, v12;
	v14 =	vtrunc.f32 v4;
	v6 =	vcvt.f32.s32 v13  }
0x117: {  	v2 =	vmul.f32 $5.000000000e-01, v2;
	v7 =	vcvt.f32.s32 v14  }
0x118: {  	v5 =	vmul.f32 $5.000000000e-01, v5;
	vm10 =	vlt.s32 v6, $0xDE  }
0x119: {  	v2 =	vmul.f32 $2.230000000e+02, v2;
	vm11 =	vlt.s32 v7, $0xDE;
	v6 =	vnsel vm10, $0xDE, v6  }
0x11a: {  	v7 =	vnsel vm11, $0xDE, v7;
	v15 =	vcvt.s32.f32 v6  }
0x11b: {  	v5 =	vmul.f32 $2.230000000e+02, v5;
	v2 =	vmax.f32 v2, $0.0e+00;
	v16 =	vcvt.s32.f32 v7  }
0x11c: {  	v2 =	vmin.f32 v2, $2.230000000e+02;
	v3 =	vsub.f32 v3, v15  }
0x11d: {  	v5 =	vmax.f32 v5, $0.0e+00;
	v17 =	vtrunc.f32 v2;
	v4 =	vsub.f32 v4, v16  }
0x11e: {  	v5 =	vmin.f32 v5, $2.230000000e+02;
	v18 =	vcvt.f32.s32 v17;
	v3 =	vmul.f32 $2.550000000e+02, v3  }
0x11f: {  	v19 =	vtrunc.f32 v5;
	v4 =	vmul.f32 $2.550000000e+02, v4  }
0x120: {  	v9 =	vcvt.f32.s32 v19;
	vm12 =	vlt.s32 v18, $0xDE;
	v3 =	vadd.f32 $5.000000000e-01, v3  }
0x121: {  	v7 =	vmul.u32 $0xE0, v7;
	v8 =	vnsel vm12, $0xDE, v18;
	v4 =	vadd.f32 $5.000000000e-01, v4  }
0x122: {  	vm13 =	vlt.s32 v9, $0xDE;
	v20 =	vcvt.s32.f32 v8;
	v3 =	vtrunc.f32 v3  }
0x123: {  	v9 =	vnsel vm13, $0xDE, v9;
	v4 =	vtrunc.f32 v4;
	v3 =	vcvt.f32.s32 v3  }
0x124: {  	v21 =	vcvt.s32.f32 v9;
	v4 =	vcvt.f32.s32 v4  }
0x125: {  	v6 =	vadd.s32 v6, v7;
	v2 =	vsub.f32 v2, v20;
	v3 =	vshll.u32 v3, $0x10  }
0x126: {  	v5 =	vsub.f32 v5, v21;
	v4 =	vshll.u32 v4, $0x18;
	v3 =	vor.u32 v6, v3  }
0x127: {  	v2 =	vmul.f32 $2.550000000e+02, v2;
	v3 =	vor.u32 v4, v3  }
0x128: {  	v22 =	vmul.f32 $2.550000000e+02, v5;
	[tilespmem:s25+$0x60] =	vst v3  }
0x129: {  	v2 =	vadd.f32 $5.000000000e-01, v2;
	v3 =	vld [tilespmem:s31+$0x70]  }
0x12a: {  	v4 =	vadd.f32 $5.000000000e-01, v22;
	v23 =	vld [tilespmem:s14+$0x70]  }
0x12b: {  	v2 =	vtrunc.f32 v2  }
0x12c: {  	v24 =	vmul.u32 $0xE0, v9;
	v2 =	vcvt.f32.s32 v2;
	v4 =	vtrunc.f32 v4  }
0x12d: {  	v4 =	vcvt.f32.s32 v4  }
0x12e: {  	v6 =	vadd.s32 v8, v24;
	v2 =	vshll.u32 v2, $0x10;
	v3 =	vadd.f32 $1.000000000e+00, v3  }
0x12f: {  	v2 =	vor.u32 v6, v2;
	v4 =	vshll.u32 v4, $0x18;
	v5 =	vadd.f32 $1.000000000e+00, v23  }
0x130: {  	v2 =	vor.u32 v4, v2;
	v3 =	vmul.f32 $5.000000000e-01, v3  }
0x131: {  	[tilespmem:s25+$0xFFFFFF90] =	vst v2;
	v2 =	vmul.f32 $5.000000000e-01, v5  }
0x132: {  	v3 =	vmul.f32 $2.230000000e+02, v3  }
0x133: {  	v25 =	vld [tilespmem:s30+$0x400];
	v2 =	vmul.f32 $2.230000000e+02, v2  }
0x134: {  	v26 =	vld [tilespmem:s1+$0x12E80];
	v3 =	vmax.f32 v3, $0.0e+00  }
0x135: {  	v2 =	vmax.f32 v2, $0.0e+00;
	v3 =	vmin.f32 v3, $2.230000000e+02  }
0x136: {  	v2 =	vmin.f32 v2, $2.230000000e+02;
	v27 =	vtrunc.f32 v3  }
0x137: {  	v28 =	vtrunc.f32 v2;
	v6 =	vcvt.f32.s32 v27  }
0x138: {  	v4 =	vadd.f32 $1.000000000e+00, v25;
	v7 =	vcvt.f32.s32 v28  }
0x139: {  	v5 =	vadd.f32 $1.000000000e+00, v26;
	vm14 =	vlt.s32 v6, $0xDE  }
0x13a: {  	v4 =	vmul.f32 $5.000000000e-01, v4;
	vm15 =	vlt.s32 v7, $0xDE;
	v6 =	vnsel vm14, $0xDE, v6  }
0x13b: {  	v5 =	vmul.f32 $5.000000000e-01, v5;
	v7 =	vnsel vm15, $0xDE, v7;
	v29 =	vcvt.s32.f32 v6  }
0x13c: {  	v30 =	vcvt.s32.f32 v7  }
0x13d: {  	v4 =	vmul.f32 $2.230000000e+02, v4;
	v5 =	vmul.f32 $2.230000000e+02, v5;
	v3 =	vsub.f32 v3, v29  }
0x13e: {  	v2 =	vsub.f32 v2, v30  }
0x13f: {  	v4 =	vmax.f32 v4, $0.0e+00;
	v5 =	vmax.f32 v5, $0.0e+00;
	v3 =	vmul.f32 $2.550000000e+02, v3  }
0x140: {  	v4 =	vmin.f32 v4, $2.230000000e+02;
	v5 =	vmin.f32 v5, $2.230000000e+02;
	v2 =	vmul.f32 $2.550000000e+02, v2  }
0x141: {  	v7 =	vmul.u32 $0xE0, v7;
	v31 =	vtrunc.f32 v4;
	v3 =	vadd.f32 $5.000000000e-01, v3  }
0x142: {  	v32 =	vtrunc.f32 v5;
	v8 =	vcvt.f32.s32 v31;
	v2 =	vadd.f32 $5.000000000e-01, v2  }
0x143: {  	v9 =	vcvt.f32.s32 v32;
	v3 =	vtrunc.f32 v3  }
0x144: {  	v6 =	vadd.s32 v6, v7;
	v2 =	vtrunc.f32 v2;
	v3 =	vcvt.f32.s32 v3  }
0x145: {  	vm4 =	vlt.s32 v8, $0xDE;
	vm5 =	vlt.s32 v9, $0xDE;
	v2 =	vcvt.f32.s32 v2  }
0x146: {  	v8 =	vnsel vm4, $0xDE, v8;
	v34 =	vnsel vm5, $0xDE, v9;
	v3 =	vshll.u32 v3, $0x10  }
0x147: {  	v33 =	vcvt.s32.f32 v8;
	v2 =	vshll.u32 v2, $0x18;
	v3 =	vor.u32 v6, v3  }
0x148: {  	v35 =	vcvt.s32.f32 v34;
	v2 =	vor.u32 v2, v3  }
0x149: {  	v4 =	vsub.f32 v4, v33;
	[tilespmem:s25+$0x70] =	vst v2  }
0x14a: {  	v3 =	vsub.f32 v5, v35;
	v36 =	vld [tilespmem:s31+$0x400]  }
0x14b: {  	v2 =	vmul.f32 $2.550000000e+02, v4;
	v37 =	vld [tilespmem:s0+$0x12E80]  }
0x14c: {  	v3 =	vmul.f32 $2.550000000e+02, v3  }
0x14d: {  	v2 =	vadd.f32 $5.000000000e-01, v2  }
0x14e: {  	v3 =	vadd.f32 $5.000000000e-01, v3  }
0x14f: {  	v38 =	vmul.u32 $0xE0, v34;
	v2 =	vtrunc.f32 v2;
	v4 =	vadd.f32 $1.000000000e+00, v36  }
0x150: {  	v2 =	vcvt.f32.s32 v2;
	v3 =	vtrunc.f32 v3;
	v5 =	vadd.f32 $1.000000000e+00, v37  }
0x151: {  	v3 =	vcvt.f32.s32 v3;
	v4 =	vmul.f32 $5.000000000e-01, v4  }
0x152: {  	v6 =	vadd.s32 v8, v38;
	v2 =	vshll.u32 v2, $0x10;
	v5 =	vmul.f32 $5.000000000e-01, v5  }
0x153: {  	s14 =	sadd.s32 $0xFFFFFF20, s26;
	v2 =	vor.u32 v6, v2;
	v3 =	vshll.u32 v3, $0x18;
	v4 =	vmul.f32 $2.230000000e+02, v4  }
0x154: {  	s12 =	sand.u32 $0x1FC0, s14;
	v2 =	vor.u32 v3, v2;
	v3 =	vmul.f32 $2.230000000e+02, v5  }
0x155: {  	[tilespmem:s12+$0x80] =	vst v2;
	v2 =	vmax.f32 v4, $0.0e+00  }
0x156: {  	v3 =	vmax.f32 v3, $0.0e+00;
	v2 =	vmin.f32 v2, $2.230000000e+02  }
0x157: {  	v3 =	vmin.f32 v3, $2.230000000e+02;
	v40 =	vtrunc.f32 v2  }
0x158: {  	v41 =	vtrunc.f32 v3;
	v5 =	vcvt.f32.s32 v40  }
0x159: {  	s1 =	sadd.s32 $0x12E80, s1;
	v39 =	vld [tilespmem:s30+$0x410];
	v6 =	vcvt.f32.s32 v41  }
0x15a: {  	v42 =	vld [tilespmem:s1+$0x10];
	vm6 =	vlt.s32 v5, $0xDE  }
0x15b: {  	vm7 =	vlt.s32 v6, $0xDE;
	v5 =	vnsel vm6, $0xDE, v5  }
0x15c: {  	v6 =	vnsel vm7, $0xDE, v6;
	v43 =	vcvt.s32.f32 v5  }
0x15d: {  	v44 =	vcvt.s32.f32 v6  }
0x15e: {  	v4 =	vadd.f32 $1.000000000e+00, v39;
	v2 =	vsub.f32 v2, v43  }
0x15f: {  	v7 =	vadd.f32 $1.000000000e+00, v42;
	v3 =	vsub.f32 v3, v44  }
0x160: {  	v4 =	vmul.f32 $5.000000000e-01, v4;
	v2 =	vmul.f32 $2.550000000e+02, v2  }
0x161: {  	v7 =	vmul.f32 $5.000000000e-01, v7;
	v3 =	vmul.f32 $2.550000000e+02, v3  }
0x162: {  	v6 =	vmul.u32 $0xE0, v6;
	v4 =	vmul.f32 $2.230000000e+02, v4;
	v2 =	vadd.f32 $5.000000000e-01, v2  }
0x163: {  	v7 =	vmul.f32 $2.230000000e+02, v7;
	v3 =	vadd.f32 $5.000000000e-01, v3  }
0x164: {  	v5 =	vadd.s32 v5, v6;
	v4 =	vmax.f32 v4, $0.0e+00;
	v2 =	vtrunc.f32 v2  }
0x165: {  	v4 =	vmin.f32 v4, $2.230000000e+02;
	v3 =	vtrunc.f32 v3;
	v2 =	vcvt.f32.s32 v2  }
0x166: {  	v7 =	vmax.f32 v7, $0.0e+00;
	v45 =	vtrunc.f32 v4;
	v3 =	vcvt.f32.s32 v3  }
0x167: {  	v7 =	vmin.f32 v7, $2.230000000e+02;
	v8 =	vcvt.f32.s32 v45;
	v2 =	vshll.u32 v2, $0x10  }
0x168: {  	v46 =	vtrunc.f32 v7;
	v3 =	vshll.u32 v3, $0x18;
	v2 =	vor.u32 v5, v2  }
0x169: {  	s14 =	sand.u32 $0x1FE0, s26;
	v47 =	vcvt.f32.s32 v46;
	vm8 =	vlt.s32 v8, $0xDE;
	v2 =	vor.u32 v3, v2  }
0x16a: {  	v48 =	vnsel vm8, $0xDE, v8;
	[tilespmem:s14+$0x80] =	vst v2  }
0x16b: {  	s0 =	sadd.s32 $0x12E80, s0;
	vm9 =	vlt.s32 v47, $0xDE;
	v2 =	vcvt.s32.f32 v48;
	v49 =	vld [tilespmem:s31+$0x410]  }
0x16c: {  	v3 =	vnsel vm9, $0xDE, v47;
	v51 =	vld [tilespmem:s0+$0x10]  }
0x16d: {  	v50 =	vcvt.s32.f32 v3;
	v2 =	vsub.f32 v4, v2;
	_ =	sdelay $0x1  }
0x16e: {  	v4 =	vsub.f32 v7, v50;
	v2 =	vmul.f32 $2.550000000e+02, v2  }
0x16f: {  	v6 =	vadd.f32 $1.000000000e+00, v49  }
0x170: {  	v4 =	vmul.f32 $2.550000000e+02, v4;
	v2 =	vadd.f32 $5.000000000e-01, v2;
	v52 =	vadd.f32 $1.000000000e+00, v51  }
0x171: {  	v3 =	vmul.u32 $0xE0, v3;
	v6 =	vmul.f32 $5.000000000e-01, v6  }
0x172: {  	v4 =	vadd.f32 $5.000000000e-01, v4;
	v2 =	vtrunc.f32 v2;
	v7 =	vmul.f32 $5.000000000e-01, v52  }
0x173: {  	v2 =	vcvt.f32.s32 v2;
	v6 =	vmul.f32 $2.230000000e+02, v6  }
0x174: {  	v3 =	vadd.s32 v48, v3;
	v4 =	vtrunc.f32 v4;
	v7 =	vmul.f32 $2.230000000e+02, v7  }
0x175: {  	v4 =	vcvt.f32.s32 v4;
	v2 =	vshll.u32 v2, $0x10;
	v53 =	vmax.f32 v6, $0.0e+00  }
0x176: {  	v2 =	vor.u32 v3, v2;
	v54 =	vmax.f32 v7, $0.0e+00;
	v3 =	vmin.f32 v53, $2.230000000e+02  }
0x177: {  	v4 =	vshll.u32 v4, $0x18;
	v5 =	vmin.f32 v54, $2.230000000e+02;
	v55 =	vtrunc.f32 v3  }
0x178: {  	v2 =	vor.u32 v4, v2;
	v57 =	vtrunc.f32 v5;
	v56 =	vcvt.f32.s32 v55  }
0x179: {  	[tilespmem:s25+$0xFFFFFFB0] =	vst v2;
	v2 =	vcvt.f32.s32 v57  }
0x17a: {  	vm10 =	vlt.s32 v56, $0xDE  }
0x17b: {  	v58 =	vld [tilespmem:s30+$0x420];
	vm11 =	vlt.s32 v2, $0xDE;
	v4 =	vnsel vm10, $0xDE, v56  }
0x17c: {  	v2 =	vnsel vm11, $0xDE, v2;
	v59 =	vcvt.s32.f32 v4  }
0x17d: {  	v61 =	vcvt.s32.f32 v2  }
0x17e: {  	v3 =	vsub.f32 v3, v59  }
0x17f: {  	v5 =	vsub.f32 v5, v61  }
0x180: {  	v60 =	vld [tilespmem:s1+$0x20];
	v6 =	vadd.f32 $1.000000000e+00, v58;
	v3 =	vmul.f32 $2.550000000e+02, v3  }
0x181: {  	v5 =	vmul.f32 $2.550000000e+02, v5  }
0x182: {  	v6 =	vmul.f32 $5.000000000e-01, v6;
	v3 =	vadd.f32 $5.000000000e-01, v3  }
0x183: {  	v5 =	vadd.f32 $5.000000000e-01, v5  }
0x184: {  	v2 =	vmul.u32 $0xE0, v2;
	v6 =	vmul.f32 $2.230000000e+02, v6;
	v3 =	vtrunc.f32 v3  }
0x185: {  	v62 =	vadd.f32 $1.000000000e+00, v60;
	v5 =	vtrunc.f32 v5;
	v3 =	vcvt.f32.s32 v3  }
0x186: {  	v2 =	vadd.s32 v4, v2;
	v6 =	vmax.f32 v6, $0.0e+00;
	v5 =	vcvt.f32.s32 v5  }
0x187: {  	v7 =	vmul.f32 $5.000000000e-01, v62;
	v63 =	vmin.f32 v6, $2.230000000e+02;
	v3 =	vshll.u32 v3, $0x10  }
0x188: {  	v6 =	vtrunc.f32 v63;
	v2 =	vor.u32 v2, v3;
	v3 =	vshll.u32 v5, $0x18  }
0x189: {  	v7 =	vmul.f32 $2.230000000e+02, v7;
	v12 =	vcvt.f32.s32 v6;
	v2 =	vor.u32 v3, v2  }
0x18a: {  	[tilespmem:s25+$0x90] =	vst v2  }
0x18b: {  	v11 =	vmax.f32 v7, $0.0e+00;
	vm12 =	vlt.s32 v12, $0xDE;
	v13 =	vld [tilespmem:s31+$0x420]  }
0x18c: {  	v3 =	vmin.f32 v11, $2.230000000e+02;
	v5 =	vnsel vm12, $0xDE, v12;
	v14 =	vld [tilespmem:s0+$0x20]  }
0x18d: {  	v2 =	vtrunc.f32 v3;
	v15 =	vcvt.s32.f32 v5  }
0x18e: {  	v2 =	vcvt.f32.s32 v2  }
0x18f: {  	v4 =	vsub.f32 v63, v15  }
0x190: {  	vm13 =	vlt.s32 v2, $0xDE;
	v6 =	vadd.f32 $1.000000000e+00, v13  }
0x191: {  	v2 =	vnsel vm13, $0xDE, v2;
	v4 =	vmul.f32 $2.550000000e+02, v4;
	v7 =	vadd.f32 $1.000000000e+00, v14  }
0x192: {  	v16 =	vcvt.s32.f32 v2;
	v6 =	vmul.f32 $5.000000000e-01, v6  }
0x193: {  	v7 =	vmul.f32 $5.000000000e-01, v7  }
0x194: {  	v4 =	vadd.f32 $5.000000000e-01, v4;
	v3 =	vsub.f32 v3, v16;
	v6 =	vmul.f32 $2.230000000e+02, v6  }
0x195: {  	v2 =	vmul.u32 $0xE0, v2;
	v7 =	vmul.f32 $2.230000000e+02, v7  }
0x196: {  	v4 =	vtrunc.f32 v4;
	v3 =	vmul.f32 $2.550000000e+02, v3;
	v6 =	vmax.f32 v6, $0.0e+00  }
0x197: {  	v4 =	vcvt.f32.s32 v4;
	v7 =	vmax.f32 v7, $0.0e+00;
	v6 =	vmin.f32 v6, $2.230000000e+02  }
0x198: {  	v3 =	vadd.f32 $5.000000000e-01, v3;
	v7 =	vmin.f32 v7, $2.230000000e+02;
	v17 =	vtrunc.f32 v6  }
0x199: {  	v18 =	vtrunc.f32 v7;
	v8 =	vcvt.f32.s32 v17  }
0x19a: {  	v2 =	vadd.s32 v5, v2;
	v3 =	vtrunc.f32 v3;
	v9 =	vcvt.f32.s32 v18  }
0x19b: {  	v4 =	vshll.u32 v4, $0x10;
	v3 =	vcvt.f32.s32 v3;
	vm14 =	vlt.s32 v8, $0xDE  }
0x19c: {  	v2 =	vor.u32 v2, v4;
	vm15 =	vlt.s32 v9, $0xDE;
	v19 =	vnsel vm14, $0xDE, v8  }
0x19d: {  	v3 =	vshll.u32 v3, $0x18;
	v20 =	vnsel vm15, $0xDE, v9;
	v8 =	vcvt.s32.f32 v19  }
0x19e: {  	v2 =	vor.u32 v3, v2;
	v3 =	vcvt.s32.f32 v20  }
0x19f: {  	[tilespmem:s25+$0xFFFFFFC0] =	vst v2;
	v2 =	vsub.f32 v6, v8  }
0x1a0: {  	v3 =	vsub.f32 v7, v3  }
0x1a1: {  	v21 =	vld [tilespmem:s30+$0x430];
	v2 =	vmul.f32 $2.550000000e+02, v2  }
0x1a2: {  	v22 =	vld [tilespmem:s1+$0x30];
	v3 =	vmul.f32 $2.550000000e+02, v3  }
0x1a3: {  	v2 =	vadd.f32 $5.000000000e-01, v2  }
0x1a4: {  	v3 =	vadd.f32 $5.000000000e-01, v3  }
0x1a5: {  	v5 =	vmul.u32 $0xE0, v20;
	v2 =	vtrunc.f32 v2  }
0x1a6: {  	v6 =	vadd.f32 $1.000000000e+00, v21;
	v3 =	vtrunc.f32 v3;
	v2 =	vcvt.f32.s32 v2  }
0x1a7: {  	v7 =	vadd.f32 $1.000000000e+00, v22;
	v3 =	vcvt.f32.s32 v3  }
0x1a8: {  	v4 =	vadd.s32 v19, v5;
	v6 =	vmul.f32 $5.000000000e-01, v6;
	v2 =	vshll.u32 v2, $0x10  }
0x1a9: {  	v23 =	vmul.f32 $5.000000000e-01, v7;
	v3 =	vshll.u32 v3, $0x18;
	v2 =	vor.u32 v4, v2  }
0x1aa: {  	v24 =	vmul.f32 $2.230000000e+02, v6;
	v2 =	vor.u32 v3, v2  }
0x1ab: {  	v3 =	vmul.f32 $2.230000000e+02, v23;
	[tilespmem:s25+$0xA0] =	vst v2  }
0x1ac: {  	v2 =	vmax.f32 v24, $0.0e+00;
	v25 =	vld [tilespmem:s31+$0x430]  }
0x1ad: {  	v2 =	vmin.f32 v2, $2.230000000e+02;
	v3 =	vmax.f32 v3, $0.0e+00;
	v26 =	vld [tilespmem:s0+$0x30]  }
0x1ae: {  	v3 =	vmin.f32 v3, $2.230000000e+02;
	v27 =	vtrunc.f32 v2  }
0x1af: {  	v6 =	vcvt.f32.s32 v27;
	v28 =	vtrunc.f32 v3  }
0x1b0: {  	v7 =	vcvt.f32.s32 v28  }
0x1b1: {  	vm4 =	vlt.s32 v6, $0xDE;
	v4 =	vadd.f32 $1.000000000e+00, v25  }
0x1b2: {  	v6 =	vnsel vm4, $0xDE, v6;
	vm5 =	vlt.s32 v7, $0xDE;
	v5 =	vadd.f32 $1.000000000e+00, v26  }
0x1b3: {  	v7 =	vnsel vm5, $0xDE, v7;
	v29 =	vcvt.s32.f32 v6;
	v4 =	vmul.f32 $5.000000000e-01, v4  }
0x1b4: {  	v30 =	vcvt.s32.f32 v7;
	v5 =	vmul.f32 $5.000000000e-01, v5  }
0x1b5: {  	v2 =	vsub.f32 v2, v29;
	v4 =	vmul.f32 $2.230000000e+02, v4  }
0x1b6: {  	v3 =	vsub.f32 v3, v30;
	v5 =	vmul.f32 $2.230000000e+02, v5  }
0x1b7: {  	v2 =	vmul.f32 $2.550000000e+02, v2;
	v4 =	vmax.f32 v4, $0.0e+00  }
0x1b8: {  	v3 =	vmul.f32 $2.550000000e+02, v3;
	v5 =	vmax.f32 v5, $0.0e+00;
	v4 =	vmin.f32 v4, $2.230000000e+02  }
0x1b9: {  	v2 =	vadd.f32 $5.000000000e-01, v2;
	v5 =	vmin.f32 v5, $2.230000000e+02;
	v31 =	vtrunc.f32 v4  }
0x1ba: {  	v32 =	vtrunc.f32 v5;
	v8 =	vcvt.f32.s32 v31  }
0x1bb: {  	v3 =	vadd.f32 $5.000000000e-01, v3;
	v2 =	vtrunc.f32 v2;
	v9 =	vcvt.f32.s32 v32  }
0x1bc: {  	v7 =	vmul.u32 $0xE0, v7;
	v2 =	vcvt.f32.s32 v2;
	vm6 =	vlt.s32 v8, $0xDE  }
0x1bd: {  	v3 =	vtrunc.f32 v3;
	vm7 =	vlt.s32 v9, $0xDE;
	v8 =	vnsel vm6, $0xDE, v8  }
0x1be: {  	v3 =	vcvt.f32.s32 v3;
	v9 =	vnsel vm7, $0xDE, v9;
	v33 =	vcvt.s32.f32 v8  }
0x1bf: {  	v6 =	vadd.s32 v6, v7;
	v2 =	vshll.u32 v2, $0x10;
	v34 =	vcvt.s32.f32 v9  }
0x1c0: {  	v2 =	vor.u32 v6, v2;
	v3 =	vshll.u32 v3, $0x18;
	v4 =	vsub.f32 v4, v33  }
0x1c1: {  	v2 =	vor.u32 v3, v2;
	v3 =	vsub.f32 v5, v34  }
0x1c2: {  	[tilespmem:s25+$0xFFFFFFD0] =	vst v2;
	v2 =	vmul.f32 $2.550000000e+02, v4  }
0x1c3: {  	v3 =	vmul.f32 $2.550000000e+02, v3  }
0x1c4: {  	v2 =	vadd.f32 $5.000000000e-01, v2  }
0x1c5: {  	v3 =	vadd.f32 $5.000000000e-01, v3  }
0x1c6: {  	v35 =	vld [tilespmem:s30+$0x440];
	v2 =	vtrunc.f32 v2  }
0x1c7: {  	v37 =	vmul.u32 $0xE0, v9;
	v3 =	vtrunc.f32 v3;
	v2 =	vcvt.f32.s32 v2  }
0x1c8: {  	v36 =	vld [tilespmem:s1+$0x40];
	v3 =	vcvt.f32.s32 v3  }
0x1c9: {  	v6 =	vadd.s32 v8, v37;
	v2 =	vshll.u32 v2, $0x10  }
0x1ca: {  	v3 =	vshll.u32 v3, $0x18;
	v2 =	vor.u32 v6, v2  }
0x1cb: {  	v4 =	vadd.f32 $1.000000000e+00, v35;
	v2 =	vor.u32 v3, v2  }
0x1cc: {  	[tilespmem:s25+$0xB0] =	vst v2  }
0x1cd: {  	v5 =	vadd.f32 $1.000000000e+00, v36;
	v4 =	vmul.f32 $5.000000000e-01, v4;
	v38 =	vld [tilespmem:s31+$0x440]  }
0x1ce: {  	v39 =	vld [tilespmem:s0+$0x40]  }
0x1cf: {  	v3 =	vmul.f32 $2.230000000e+02, v4;
	v2 =	vmul.f32 $5.000000000e-01, v5;
	_ =	sdelay $0x1  }
0x1d0: {  	v3 =	vmax.f32 v3, $0.0e+00;
	v2 =	vmul.f32 $2.230000000e+02, v2  }
0x1d1: {  	v3 =	vmin.f32 v3, $2.230000000e+02;
	v4 =	vadd.f32 $1.000000000e+00, v38  }
0x1d2: {  	v40 =	vtrunc.f32 v3;
	v2 =	vmax.f32 v2, $0.0e+00;
	v5 =	vadd.f32 $1.000000000e+00, v39  }
0x1d3: {  	v6 =	vcvt.f32.s32 v40;
	v2 =	vmin.f32 v2, $2.230000000e+02;
	v4 =	vmul.f32 $5.000000000e-01, v4  }
0x1d4: {  	v41 =	vtrunc.f32 v2;
	v5 =	vmul.f32 $5.000000000e-01, v5  }
0x1d5: {  	vm8 =	vlt.s32 v6, $0xDE;
	v7 =	vcvt.f32.s32 v41;
	v4 =	vmul.f32 $2.230000000e+02, v4  }
0x1d6: {  	v6 =	vnsel vm8, $0xDE, v6;
	v5 =	vmul.f32 $2.230000000e+02, v5  }
0x1d7: {  	v42 =	vcvt.s32.f32 v6;
	vm9 =	vlt.s32 v7, $0xDE;
	v4 =	vmax.f32 v4, $0.0e+00  }
0x1d8: {  	v7 =	vnsel vm9, $0xDE, v7;
	v5 =	vmax.f32 v5, $0.0e+00;
	v4 =	vmin.f32 v4, $2.230000000e+02  }
0x1d9: {  	v43 =	vcvt.s32.f32 v7;
	v5 =	vmin.f32 v5, $2.230000000e+02;
	v44 =	vtrunc.f32 v4  }
0x1da: {  	v3 =	vsub.f32 v3, v42;
	v45 =	vtrunc.f32 v5;
	v9 =	vcvt.f32.s32 v44  }
0x1db: {  	v2 =	vsub.f32 v2, v43;
	v46 =	vcvt.f32.s32 v45  }
0x1dc: {  	v3 =	vmul.f32 $2.550000000e+02, v3;
	vm10 =	vlt.s32 v9, $0xDE  }
0x1dd: {  	v2 =	vmul.f32 $2.550000000e+02, v2;
	vm11 =	vlt.s32 v46, $0xDE;
	v9 =	vnsel vm10, $0xDE, v9  }
0x1de: {  	v3 =	vadd.f32 $5.000000000e-01, v3;
	v8 =	vnsel vm11, $0xDE, v46;
	v47 =	vcvt.s32.f32 v9  }
0x1df: {  	v2 =	vadd.f32 $5.000000000e-01, v2;
	v48 =	vcvt.s32.f32 v8  }
0x1e0: {  	v7 =	vmul.u32 $0xE0, v7;
	v3 =	vtrunc.f32 v3;
	v4 =	vsub.f32 v4, v47  }
0x1e1: {  	v3 =	vcvt.f32.s32 v3;
	v2 =	vtrunc.f32 v2;
	v5 =	vsub.f32 v5, v48  }
0x1e2: {  	v2 =	vcvt.f32.s32 v2;
	v4 =	vmul.f32 $2.550000000e+02, v4  }
0x1e3: {  	v6 =	vadd.s32 v6, v7;
	v3 =	vshll.u32 v3, $0x10;
	v5 =	vmul.f32 $2.550000000e+02, v5  }
0x1e4: {  	v3 =	vor.u32 v6, v3;
	v2 =	vshll.u32 v2, $0x18;
	v4 =	vadd.f32 $5.000000000e-01, v4  }
0x1e5: {  	v2 =	vor.u32 v2, v3;
	v3 =	vadd.f32 $5.000000000e-01, v5  }
0x1e6: {  	[tilespmem:s25+$0xFFFFFFE0] =	vst v2;
	v2 =	vtrunc.f32 v4  }
0x1e7: {  	v50 =	vmul.u32 $0xE0, v8;
	v3 =	vtrunc.f32 v3;
	v2 =	vcvt.f32.s32 v2  }
0x1e8: {  	v3 =	vcvt.f32.s32 v3  }
0x1e9: {  	v5 =	vadd.s32 v9, v50;
	v2 =	vshll.u32 v2, $0x10  }
0x1ea: {  	v51 =	vld [tilespmem:s1+$0x50];
	v3 =	vshll.u32 v3, $0x18;
	v2 =	vor.u32 v5, v2  }
0x1eb: {  	v2 =	vor.u32 v3, v2  }
0x1ec: {  	v49 =	vld [tilespmem:s30+$0x450];
	[tilespmem:s25+$0xC0] =	vst v2  }
0x1ed: {  	v2 =	vld [tilespmem:s31+$0x450]  }
0x1ee: {  	v52 =	vld [tilespmem:s0+$0x50]  }
0x1ef: {  	v53 =	vadd.f32 $1.000000000e+00, v51;
	_ =	sdelay $0x1  }
0x1f0: {  	v3 =	vadd.f32 $1.000000000e+00, v49;
	v5 =	vmul.f32 $5.000000000e-01, v53  }
0x1f1: {  	v2 =	vadd.f32 $1.000000000e+00, v2  }
0x1f2: {  	v3 =	vmul.f32 $5.000000000e-01, v3;
	v5 =	vmul.f32 $2.230000000e+02, v5;
	v4 =	vadd.f32 $1.000000000e+00, v52  }
0x1f3: {  	v2 =	vmul.f32 $5.000000000e-01, v2  }
0x1f4: {  	v3 =	vmul.f32 $2.230000000e+02, v3;
	v5 =	vmax.f32 v5, $0.0e+00;
	v4 =	vmul.f32 $5.000000000e-01, v4  }
0x1f5: {  	v5 =	vmin.f32 v5, $2.230000000e+02;
	v2 =	vmul.f32 $2.230000000e+02, v2  }
0x1f6: {  	v3 =	vmax.f32 v3, $0.0e+00;
	v55 =	vtrunc.f32 v5;
	v4 =	vmul.f32 $2.230000000e+02, v4  }
0x1f7: {  	v3 =	vmin.f32 v3, $2.230000000e+02;
	v7 =	vcvt.f32.s32 v55;
	v2 =	vmax.f32 v2, $0.0e+00  }
0x1f8: {  	v54 =	vtrunc.f32 v3;
	v4 =	vmax.f32 v4, $0.0e+00;
	v2 =	vmin.f32 v2, $2.230000000e+02  }
0x1f9: {  	v6 =	vcvt.f32.s32 v54;
	v4 =	vmin.f32 v4, $2.230000000e+02;
	v57 =	vtrunc.f32 v2  }
0x1fa: {  	vm13 =	vlt.s32 v7, $0xDE;
	v58 =	vtrunc.f32 v4;
	v9 =	vcvt.f32.s32 v57  }
0x1fb: {  	v7 =	vnsel vm13, $0xDE, v7;
	vm12 =	vlt.s32 v6, $0xDE;
	v10 =	vcvt.f32.s32 v58  }
0x1fc: {  	v59 =	vcvt.s32.f32 v7;
	v6 =	vnsel vm12, $0xDE, v6;
	vm14 =	vlt.s32 v9, $0xDE  }
0x1fd: {  	v56 =	vcvt.s32.f32 v6;
	vm15 =	vlt.s32 v10, $0xDE;
	v9 =	vnsel vm14, $0xDE, v9  }
0x1fe: {  	v5 =	vsub.f32 v5, v59;
	v10 =	vnsel vm15, $0xDE, v10;
	v60 =	vcvt.s32.f32 v9  }
0x1ff: {  	v3 =	vsub.f32 v3, v56;
	v61 =	vcvt.s32.f32 v10  }
0x200: {  	v5 =	vmul.f32 $2.550000000e+02, v5;
	v2 =	vsub.f32 v2, v60  }
0x201: {  	v3 =	vmul.f32 $2.550000000e+02, v3;
	v4 =	vsub.f32 v4, v61  }
0x202: {  	v5 =	vadd.f32 $5.000000000e-01, v5;
	v2 =	vmul.f32 $2.550000000e+02, v2  }
0x203: {  	v3 =	vadd.f32 $5.000000000e-01, v3;
	v4 =	vmul.f32 $2.550000000e+02, v4  }
0x204: {  	v7 =	vmul.u32 $0xE0, v7;
	v5 =	vtrunc.f32 v5;
	v2 =	vadd.f32 $5.000000000e-01, v2  }
0x205: {  	v5 =	vcvt.f32.s32 v5;
	v3 =	vtrunc.f32 v3;
	v4 =	vadd.f32 $5.000000000e-01, v4  }
0x206: {  	s24 =	sadd.s32 $0x2, s24;
	v62 =	vmul.u32 $0xE0, v10;
	v3 =	vcvt.f32.s32 v3;
	v2 =	vtrunc.f32 v2  }
0x207: {  	p0 =	slt.u32 s24, $0x1A;
	v6 =	vadd.s32 v6, v7;
	v4 =	vtrunc.f32 v4;
	v2 =	vcvt.f32.s32 v2  }
.Ltmp0:
0x208: {  	v63 =	vadd.s32 v9, v62;
	v3 =	vshll.u32 v3, $0x10;
	v4 =	vcvt.f32.s32 v4;
	(pc) =	sbr.rel @p0 .LBB2_2-.Ltmp0, $4  }
0x209: {  	v5 =	vshll.u32 v5, $0x18;
	v3 =	vor.u32 v6, v3;
	v2 =	vshll.u32 v2, $0x10  }
0x20a: {  	v3 =	vor.u32 v5, v3;
	v4 =	vshll.u32 v4, $0x18;
	v2 =	vor.u32 v63, v2  }
0x20b: {  	s29 =	sadd.s32 $0x100, s29;
	[tilespmem:s25+$0xFFFFFFF0] =	vst v3;
	v2 =	vor.u32 v4, v2  }
0x20c: {  	s28 =	sadd.s32 $0x200, s28;
	s26 =	sadd.s32 $0x1C0, s26;
	[tilespmem:s25+$0xD0] =	vst v2;
	s25 =	sadd.s32 $0x1C0, s25  }
0x20d: {  	v5 =	vld [tilespmem:$0x0];
	_ =	sdelay $0x4  }
0x20e: {  	v2 =	vand.u32 $0xFFFF, v5  }
0x20f: {  	v6 =	vadd.s32 v0, v2  }
0x210: {  	v7 =	vshrl.u32 v6, $0x3  }
0x211: {  	v2 =	vmul.u32 $0x18, v7  }
0x212: {  	v8 =	vand.u32 $0x7, v5  }
0x213: {  	v3 =	vshrl.u32 v1, $0x3;
	v9 =	vor.u32 v8, v2;
	v2 =	vand.u32 $0x7, v1  }
0x214: {  	v3 =	vmul.u32 $0x8, v3;
	v4 =	vperm.xlane v9, v2;
	_ =	sdelay $0x1  }
0x215: {  	v10 =	vadd.s32 v3, v4  }
0x216: {  	v11 =	vadd.s32 $0x1, v6;
	v4 =	vor.u32 $0x8, v1  }
0x217: {  	v12 =	vshrl.u32 v11, $0x3;
	v9 =	vperm.xlane v9, v4  }
0x218: {  	v12 =	vmul.u32 $0x18, v12  }
0x219: {  	vm0 =	vmmov $0xffff;
	s24 =	simm.s32 $0x0;
	s29 =	simm.s32 $0x1880;
	v11 =	vand.u32 $0x7, v11;
	v9 =	vadd.s32 v3, v9  }
0x21a: {  	v11 =	vor.u32 v11, v12;
	[tilespmem:s29], [sflag:$0x1] =	stream.indirect_vreg.gather [hbm4b:s2+s24], $0x80, v10, vm0, $0xb8;
	[tilespmem:$0x14A80] =	vst v63  }
0x21b: {  	vm1 =	vmmov $0xff;
	s30 =	simm.s32 $0x2080;
	v12 =	vperm.xlane v11, v2  }
0x21c: {  	[tilespmem:s30], [sflag:$0x1] =	stream.indirect_vreg.gather [hbm4b:s8+s24], $0x80, v10, vm1, $0xb8;
	[tilespmem:$0x14A80] =	vst v63  }
0x21d: {  	s31 =	simm.s32 $0x2480;
	v59 =	vadd.s32 v3, v12  }
0x21e: {  	[tilespmem:s31], [sflag:$0x1] =	stream.indirect_vreg.gather [hbm4b:s2+s24], $0x80, v9, vm0, $0xb8;
	[tilespmem:$0x14A80] =	vst v63  }
0x21f: {  	s0 =	simm.s32 $0x2C80;
	v7 =	vadd.s32 $0x1C, v7;
	v11 =	vperm.xlane v11, v4  }
0x220: {  	v7 =	vmul.u32 $0x18, v7;
	[tilespmem:s0], [sflag:$0x1] =	stream.indirect_vreg.gather [hbm4b:s8+s24], $0x80, v9, vm1, $0xb8;
	[tilespmem:$0x14A80] =	vst v63  }
0x221: {  	s1 =	simm.s32 $0x3080;
	v60 =	vadd.s32 v3, v11  }
0x222: {  	v7 =	vor.u32 v8, v7;
	[tilespmem:s1], [sflag:$0x1] =	stream.indirect_vreg.gather [hbm4b:s2+s24], $0x80, v59, vm0, $0xb8;
	[tilespmem:$0x14A80] =	vst v63  }
0x223: {  	s12 =	simm.s32 $0x3880;
	v8 =	vperm.xlane v7, v2  }
0x224: {  	[tilespmem:s12], [sflag:$0x1] =	stream.indirect_vreg.gather [hbm4b:s8+s24], $0x80, v59, vm1, $0xb8;
	[tilespmem:$0x14A80] =	vst v63  }
0x225: {  	s14 =	simm.s32 $0x3C80;
	v8 =	vadd.s32 v3, v8  }
0x226: {  	v6 =	vadd.s32 $0xE1, v6;
	[tilespmem:s14], [sflag:$0x1] =	stream.indirect_vreg.gather [hbm4b:s2+s24], $0x80, v60, vm0, $0xb8;
	[tilespmem:$0x14A80] =	vst v63  }
0x227: {  	s25 =	simm.s32 $0x4480;
	v61 =	vshrl.u32 v6, $0x3;
	v7 =	vperm.xlane v7, v4  }
0x228: {  	v62 =	vmul.u32 $0x18, v61;
	[tilespmem:s25], [sflag:$0x1] =	stream.indirect_vreg.gather [hbm4b:s8+s24], $0x80, v60, vm1, $0xb8;
	[tilespmem:$0x14A80] =	vst v63  }
0x229: {  	s26 =	simm.s32 $0x4880;
	v6 =	vand.u32 $0x7, v6;
	v7 =	vadd.s32 v3, v7  }
0x22a: {  	v6 =	vor.u32 v6, v62;
	[tilespmem:s26], [sflag:$0x1] =	stream.indirect_vreg.gather [hbm4b:s2+s24], $0x80, v8, vm0, $0xb8;
	[tilespmem:$0x14A80] =	vst v63  }
0x22b: {  	s28 =	simm.s32 $0x5080;
	v9 =	vperm.xlane v6, v2  }
0x22c: {  	[tilespmem:s28], [sflag:$0x1] =	stream.indirect_vreg.gather [hbm4b:s8+s24], $0x80, v8, vm1, $0xb8;
	[tilespmem:$0x14A80] =	vst v63  }
0x22d: {  	v63 =	vadd.s32 v3, v9;
	s1 =	simm.s32 $0x5480  }
0x22e: {  	[tilespmem:s1], [sflag:$0x1] =	stream.indirect_vreg.gather [hbm4b:s2+s24], $0x80, v7, vm0, $0xb8;
	[tilespmem:$0x14A80] =	vst v63  }
0x22f: {  	v6 =	vperm.xlane v6, v4;
	s12 =	simm.s32 $0x5C80  }
0x230: {  	[tilespmem:s12], [sflag:$0x1] =	stream.indirect_vreg.gather [hbm4b:s8+s24], $0x80, v7, vm1, $0xb8;
	[tilespmem:$0x14A80] =	vst v63  }
0x231: {  	v6 =	vadd.s32 v3, v6;
	s14 =	simm.s32 $0x6080  }
0x232: {  	[tilespmem:s14], [sflag:$0x1] =	stream.indirect_vreg.gather [hbm4b:s2+s24], $0x80, v63, vm0, $0xb8;
	[tilespmem:$0x14A80] =	vst v63  }
0x233: {  	s25 =	simm.s32 $0x6880;
	v7 =	vshrl.u32 v5, $0x10  }
0x234: {  	v7 =	vand.u32 $0xFF, v7;
	[tilespmem:s25], [sflag:$0x1] =	stream.indirect_vreg.gather [hbm4b:s8+s24], $0x80, v63, vm1, $0xb8;
	[tilespmem:$0x14A80] =	vst v63  }
0x235: {  	s26 =	simm.s32 $0x6C80;
	v5 =	vshrl.u32 v5, $0x18;
	v7 =	vcvt.s32.f32 v7  }
0x236: {  	v5 =	vcvt.s32.f32 v5;
	[tilespmem:s26], [sflag:$0x1] =	stream.indirect_vreg.gather [hbm4b:s2+s24], $0x80, v6, vm0, $0xb8;
	[tilespmem:$0x14A80] =	vst v63  }
0x237: {  	s28 =	simm.s32 $0x7480;
	v7 =	vmul.f32 $3.921568860e-03, v7  }
0x238: {  	v5 =	vmul.f32 $3.921568860e-03, v5;
	[tilespmem:s28], [sflag:$0x1] =	stream.indirect_vreg.gather [hbm4b:s8+s24], $0x80, v6, vm1, $0xb8;
	[tilespmem:$0x14A80] =	vst v63  }
0x239: {  	[tilespmem:$0x10880] =	vst v7  }
0x23a: {  	s25 =	simm.s32 $0x0;
	[tilespmem:$0x10900] =	vst v5  }
.LBB2_4:
0x23b: {  	s0 =	sshllo.u32 s25, $0x1  }
0x23c: {  	s26 =	sshll.u32 s0, $0x4  }
0x23d: {  	s0 =	sand.u32 $0x3FFFFFF0, s26  }
0x23e: {  	v5 =	vld [tilespmem:s0+$0x0];
	_ =	sdelay $0x4  }
0x23f: {  	v6 =	vand.u32 $0xFFFF, v5  }
0x240: {  	v6 =	vadd.s32 v0, v6  }
0x241: {  	v7 =	vshrl.u32 v6, $0x3  }
0x242: {  	v8 =	vmul.u32 $0x18, v7  }
0x243: {  	v9 =	vand.u32 $0x7, v5  }
0x244: {  	v8 =	vor.u32 v9, v8  }
0x245: {  	v10 =	vperm.xlane v8, v2;
	_ =	sdelay $0x1  }
0x246: {  	v10 =	vadd.s32 v3, v10  }
0x247: {  	v11 =	vadd.s32 $0x1, v6  }
0x248: {  	v12 =	vshrl.u32 v11, $0x3;
	v8 =	vperm.xlane v8, v4  }
0x249: {  	v12 =	vmul.u32 $0x18, v12  }
0x24a: {  	s14 =	simm.s32 $0x7880;
	v11 =	vand.u32 $0x7, v11;
	v8 =	vadd.s32 v3, v8  }
0x24b: {  	v11 =	vor.u32 v11, v12;
	[tilespmem:s14], [sflag:$0x1] =	stream.indirect_vreg.gather [hbm4b:s2+s4], $0x80, v10, vm0, $0xb8;
	[tilespmem:$0x14A80] =	vst v63  }
0x24c: {  	s1 =	simm.s32 $0x8080;
	v12 =	vperm.xlane v11, v2  }
0x24d: {  	[tilespmem:s1], [sflag:$0x1] =	stream.indirect_vreg.gather [hbm4b:s8+s4], $0x80, v10, vm1, $0xb8;
	[tilespmem:$0x14A80] =	vst v63  }
0x24e: {  	s12 =	simm.s32 $0x8480;
	v10 =	vadd.s32 v3, v12  }
0x24f: {  	[tilespmem:s12], [sflag:$0x1] =	stream.indirect_vreg.gather [hbm4b:s2+s4], $0x80, v8, vm0, $0xb8;
	[tilespmem:$0x14A80] =	vst v63  }
0x250: {  	v7 =	vadd.s32 $0x1C, v7;
	v11 =	vperm.xlane v11, v4;
	s14 =	simm.s32 $0x8C80  }
0x251: {  	v7 =	vmul.u32 $0x18, v7;
	[tilespmem:s14], [sflag:$0x1] =	stream.indirect_vreg.gather [hbm4b:s8+s4], $0x80, v8, vm1, $0xb8;
	[tilespmem:$0x14A80] =	vst v63  }
0x252: {  	v8 =	vadd.s32 v3, v11  }
0x253: {  	v7 =	vor.u32 v9, v7;
	[tilespmem:s5], [sflag:$0x1] =	stream.indirect_vreg.gather [hbm4b:s2+s4], $0x80, v10, vm0, $0xb8;
	[tilespmem:$0x14A80] =	vst v63  }
0x254: {  	v9 =	vperm.xlane v7, v2  }
0x255: {  	[tilespmem:s6], [sflag:$0x1] =	stream.indirect_vreg.gather [hbm4b:s8+s4], $0x80, v10, vm1, $0xb8;
	[tilespmem:$0x14A80] =	vst v63  }
0x256: {  	v9 =	vadd.s32 v3, v9  }
0x257: {  	v6 =	vadd.s32 $0xE1, v6;
	[tilespmem:s9], [sflag:$0x1] =	stream.indirect_vreg.gather [hbm4b:s2+s4], $0x80, v8, vm0, $0xb8;
	[tilespmem:$0x14A80] =	vst v63  }
0x258: {  	v7 =	vperm.xlane v7, v4;
	v10 =	vshrl.u32 v6, $0x3  }
0x259: {  	[tilespmem:s10], [sflag:$0x1] =	stream.indirect_vreg.gather [hbm4b:s8+s4], $0x80, v8, vm1, $0xb8;
	v8 =	vmul.u32 $0x18, v10;
	[tilespmem:$0x14A80] =	vst v63  }
0x25a: {  	v7 =	vadd.s32 v3, v7;
	v6 =	vand.u32 $0x7, v6  }
0x25b: {  	[tilespmem:s11], [sflag:$0x1] =	stream.indirect_vreg.gather [hbm4b:s2+s4], $0x80, v9, vm0, $0xb8;
	v6 =	vor.u32 v6, v8;
	[tilespmem:$0x14A80] =	vst v63  }
0x25c: {  	v8 =	vperm.xlane v6, v2  }
0x25d: {  	[tilespmem:s13], [sflag:$0x1] =	stream.indirect_vreg.gather [hbm4b:s8+s4], $0x80, v9, vm1, $0xb8;
	[tilespmem:$0x14A80] =	vst v63  }
0x25e: {  	v8 =	vadd.s32 v3, v8  }
0x25f: {  	[tilespmem:s15], [sflag:$0x1] =	stream.indirect_vreg.gather [hbm4b:s2+s4], $0x80, v7, vm0, $0xb8;
	[tilespmem:$0x14A80] =	vst v63  }
0x260: {  	v6 =	vperm.xlane v6, v4  }
0x261: {  	[tilespmem:s16], [sflag:$0x1] =	stream.indirect_vreg.gather [hbm4b:s8+s4], $0x80, v7, vm1, $0xb8;
	[tilespmem:$0x14A80] =	vst v63  }
0x262: {  	v6 =	vadd.s32 v3, v6  }
0x263: {  	[tilespmem:s17], [sflag:$0x1] =	stream.indirect_vreg.gather [hbm4b:s2+s4], $0x80, v8, vm0, $0xb8;
	[tilespmem:$0x14A80] =	vst v63  }
0x264: {  	v7 =	vshrl.u32 v5, $0x10  }
0x265: {  	v7 =	vand.u32 $0xFF, v7;
	[tilespmem:s18], [sflag:$0x1] =	stream.indirect_vreg.gather [hbm4b:s8+s4], $0x80, v8, vm1, $0xb8;
	[tilespmem:$0x14A80] =	vst v63  }
0x266: {  	v5 =	vshrl.u32 v5, $0x18;
	v7 =	vcvt.s32.f32 v7  }
0x267: {  	v5 =	vcvt.s32.f32 v5;
	[tilespmem:s19], [sflag:$0x1] =	stream.indirect_vreg.gather [hbm4b:s2+s4], $0x80, v6, vm0, $0xb8;
	[tilespmem:$0x14A80] =	vst v63  }
0x268: {  	v7 =	vmul.f32 $3.921568860e-03, v7  }
0x269: {  	v5 =	vmul.f32 $3.921568860e-03, v5;
	[tilespmem:s20], [sflag:$0x1] =	stream.indirect_vreg.gather [hbm4b:s8+s4], $0x80, v6, vm1, $0xb8;
	[tilespmem:$0x14A80] =	vst v63  }
0x26a: {  	[tilespmem:$0x10980] =	vst v7  }
0x26b: {  	[tilespmem:$0x10A00] =	vst v5  }
0x26c: {  	_ =	swait.ge [sflag:s21], $0x1800  }
0x26d: {  	[sflag:s21] =	ssyncset.done $0x0  }
0x26e: {  	[sflag:s21] =	ssyncadd.s32 $0xFFFFE800  }
0x26f: {  	_ =	swait.ge [sflag:s21], $0x1800  }
0x270: {  	[sflag:s21] =	ssyncset.done $0x0  }
0x271: {  	[sflag:s21] =	ssyncadd.s32 $0xFFFFE800  }
0x272: {  	_ =	swait.ge [sflag:s21], $0x1800  }
0x273: {  	[sflag:s21] =	ssyncset.done $0x0  }
0x274: {  	[sflag:s21] =	ssyncadd.s32 $0xFFFFE800  }
0x275: {  	_ =	swait.ge [sflag:s21], $0x1800  }
0x276: {  	p0 =	seq.s32 s25, $0x0;
	[sflag:s21] =	ssyncset.done $0x0  }
0x277: {  	s0 =	simm.s32 @!p0 $0x2;
	[sflag:s21] =	ssyncadd.s32 $0xFFFFE800  }
0x278: {  	_ =	swait.ge @!p0 [sflag:s0], $0x1800  }
0x279: {  	[sflag:s0] =	ssyncset.done @!p0 $0x0  }
0x27a: {  	[sflag:s0] =	ssyncadd.s32 @!p0 $0xFFFFE800  }
0x27b: {  	v9 =	vld [tilespmem:$0x10880]  }
0x27c: {  	s1 =	simm.s32 $0x0;
	v10 =	vld [tilespmem:$0x10900]  }
0x27d: {  	s0 =	smul.u32 $0xC00, s1  }
0x27e: {  	s1 =	sand.u32 $0x380, s24  }
0x27f: {  	s28 =	sor.u32 s1, s0  }
0x280: {  	v5 =	vmov s24;
	v11 =	vld [tilespmem:s28+$0x20F0]  }
0x281: {  	v12 =	vld [tilespmem:s28+$0x38F0];
	v7 =	vperm.xlane v9, v5;
	v6 =	vperm.xlane v10, v5  }
0x282: {  	v13 =	vld [tilespmem:s28+$0x50F0]  }
0x283: {  	v14 =	vld [tilespmem:s28+$0x68F0];
	v5 =	vmul.f32 v6, v7  }
0x284: {  	v15 =	vld [tilespmem:s28+$0x1880]  }
0x285: {  	v18 =	vld [tilespmem:s28+$0x6080];
	v8 =	vsub.f32 $1.000000000e+00, v7;
	v6 =	vsub.f32 v6, v5  }
0x286: {  	v17 =	vld [tilespmem:s28+$0x4880];
	v7 =	vsub.f32 v7, v5  }
0x287: {  	v16 =	vld [tilespmem:s28+$0x3080];
	v8 =	vsub.f32 v8, v6  }
0x288: {  	v19 =	vld [tilespmem:s28+$0x1890];
	v14 =	vmul.f32 v14, v5;
	v12 =	vmul.f32 v12, v7  }
0x289: {  	v20 =	vld [tilespmem:s28+$0x3090];
	v13 =	vmul.f32 v13, v6;
	v11 =	vmul.f32 v11, v8  }
0x28a: {  	v21 =	vld [tilespmem:s28+$0x4890];
	v18 =	vmul.f32 v18, v5  }
0x28b: {  	v22 =	vld [tilespmem:s28+$0x48A0];
	v17 =	vmul.f32 v17, v6;
	v11 =	vadd.f32 v12, v11;
	v12 =	vadd.f32 v14, v13  }
0x28c: {  	v13 =	vld [tilespmem:s28+$0x6090];
	v14 =	vmul.f32 v8, v15;
	v15 =	vmul.f32 v7, v16  }
0x28d: {  	v16 =	vld [tilespmem:s28+$0x18A0];
	v11 =	vadd.f32 v12, v11  }
0x28e: {  	v12 =	vld [tilespmem:s28+$0x30A0];
	v14 =	vadd.f32 v14, v15;
	v15 =	vadd.f32 v18, v17  }
0x28f: {  	[tilespmem:s28+$0xE0F0] =	vst v11;
	v11 =	vld [tilespmem:s28+$0x60A0]  }
0x290: {  	v17 =	vmul.f32 v19, v8;
	v18 =	vmul.f32 v20, v7;
	v20 =	vld [tilespmem:s28+$0x30B0];
	v14 =	vadd.f32 v15, v14  }
0x291: {  	v19 =	vmul.f32 v21, v6;
	v15 =	vld [tilespmem:s28+$0x18B0];
	v13 =	vmul.f32 v13, v5  }
0x292: {  	[tilespmem:s28+$0xD880] =	vst v14;
	v14 =	vadd.f32 v18, v17;
	v17 =	vld [tilespmem:s28+$0x48B0]  }
0x293: {  	v16 =	vmul.f32 v16, v8;
	v18 =	vld [tilespmem:s28+$0x60B0];
	v13 =	vadd.f32 v13, v19;
	v12 =	vmul.f32 v12, v7  }
0x294: {  	v21 =	vld [tilespmem:s28+$0x30C0];
	v19 =	vmul.f32 v22, v6;
	v11 =	vmul.f32 v11, v5  }
0x295: {  	v13 =	vadd.f32 v13, v14;
	v14 =	vld [tilespmem:s28+$0x18C0]  }
0x296: {  	v12 =	vadd.f32 v12, v16;
	v16 =	vld [tilespmem:s28+$0x60C0];
	v11 =	vadd.f32 v11, v19  }
0x297: {  	v15 =	vmul.f32 v15, v8;
	[tilespmem:s28+$0xD890] =	vst v13;
	v13 =	vld [tilespmem:s28+$0x48C0];
	v19 =	vmul.f32 v20, v7  }
0x298: {  	v17 =	vmul.f32 v17, v6;
	v18 =	vmul.f32 v18, v5;
	v20 =	vld [tilespmem:s28+$0x30D0];
	v11 =	vadd.f32 v11, v12  }
0x299: {  	v12 =	vld [tilespmem:s28+$0x18D0]  }
0x29a: {  	[tilespmem:s28+$0xD8A0] =	vst v11;
	v11 =	vadd.f32 v19, v15;
	v15 =	vadd.f32 v18, v17;
	v17 =	vld [tilespmem:s28+$0x48D0]  }
0x29b: {  	v14 =	vmul.f32 v14, v8;
	v16 =	vmul.f32 v16, v5;
	v18 =	vld [tilespmem:s28+$0x60D0]  }
0x29c: {  	v19 =	vmul.f32 v21, v7;
	v21 =	vld [tilespmem:s28+$0x30E0];
	v13 =	vmul.f32 v13, v6;
	v11 =	vadd.f32 v15, v11  }
0x29d: {  	v15 =	vld [tilespmem:s28+$0x18E0]  }
0x29e: {  	v13 =	vadd.f32 v16, v13;
	v16 =	vld [tilespmem:s28+$0x60E0];
	[tilespmem:s28+$0xD8B0] =	vst v11;
	v11 =	vadd.f32 v19, v14  }
0x29f: {  	v12 =	vmul.f32 v12, v8;
	v14 =	vld [tilespmem:s28+$0x48E0];
	v19 =	vmul.f32 v20, v7  }
0x2a0: {  	v20 =	vld [tilespmem:s28+$0x30F0];
	v17 =	vmul.f32 v17, v6;
	v18 =	vmul.f32 v18, v5;
	v11 =	vadd.f32 v13, v11  }
0x2a1: {  	v13 =	vld [tilespmem:s28+$0x18F0]  }
0x2a2: {  	[tilespmem:s28+$0xD8C0] =	vst v11;
	v11 =	vadd.f32 v19, v12;
	v12 =	vadd.f32 v18, v17;
	v17 =	vld [tilespmem:s28+$0x48F0]  }
0x2a3: {  	v15 =	vmul.f32 v15, v8;
	v18 =	vld [tilespmem:s28+$0x60F0];
	v19 =	vmul.f32 v21, v7  }
0x2a4: {  	v16 =	vmul.f32 v16, v5;
	v21 =	vld [tilespmem:s28+$0x3480];
	v14 =	vmul.f32 v14, v6;
	v11 =	vadd.f32 v12, v11  }
0x2a5: {  	v12 =	vld [tilespmem:s28+$0x1C80]  }
0x2a6: {  	v14 =	vadd.f32 v16, v14;
	v16 =	vld [tilespmem:s28+$0x6480];
	[tilespmem:s28+$0xD8D0] =	vst v11;
	v11 =	vadd.f32 v19, v15  }
0x2a7: {  	v13 =	vmul.f32 v13, v8;
	v15 =	vld [tilespmem:s28+$0x4C80];
	v19 =	vmul.f32 v20, v7  }
0x2a8: {  	v20 =	vld [tilespmem:s28+$0x3490];
	v17 =	vmul.f32 v17, v6;
	v18 =	vmul.f32 v18, v5;
	v11 =	vadd.f32 v14, v11  }
0x2a9: {  	v14 =	vld [tilespmem:s28+$0x1C90]  }
0x2aa: {  	[tilespmem:s28+$0xD8E0] =	vst v11;
	v11 =	vadd.f32 v19, v13;
	v13 =	vadd.f32 v18, v17;
	v17 =	vld [tilespmem:s28+$0x4C90]  }
0x2ab: {  	v12 =	vmul.f32 v12, v8;
	v18 =	vld [tilespmem:s28+$0x6490];
	v19 =	vmul.f32 v21, v7  }
0x2ac: {  	v16 =	vmul.f32 v16, v5;
	v21 =	vld [tilespmem:s28+$0x34A0];
	v15 =	vmul.f32 v15, v6;
	v11 =	vadd.f32 v13, v11  }
0x2ad: {  	v13 =	vld [tilespmem:s28+$0x1CA0]  }
0x2ae: {  	[tilespmem:s28+$0xD8F0] =	vst v11;
	v11 =	vadd.f32 v19, v12;
	v12 =	vadd.f32 v16, v15;
	v15 =	vld [tilespmem:s28+$0x4CA0]  }
0x2af: {  	v14 =	vmul.f32 v14, v8;
	v16 =	vld [tilespmem:s28+$0x64A0];
	v19 =	vmul.f32 v20, v7  }
0x2b0: {  	v20 =	vld [tilespmem:s28+$0x34B0];
	v17 =	vmul.f32 v17, v6;
	v18 =	vmul.f32 v18, v5;
	v11 =	vadd.f32 v12, v11  }
0x2b1: {  	v12 =	vld [tilespmem:s28+$0x1CB0]  }
0x2b2: {  	[tilespmem:s28+$0xDC80] =	vst v11;
	v11 =	vadd.f32 v19, v14;
	v14 =	vadd.f32 v18, v17;
	v17 =	vld [tilespmem:s28+$0x4CB0]  }
0x2b3: {  	v13 =	vmul.f32 v13, v8;
	v18 =	vld [tilespmem:s28+$0x64B0];
	v19 =	vmul.f32 v21, v7  }
0x2b4: {  	v21 =	vld [tilespmem:s28+$0x34C0];
	v15 =	vmul.f32 v15, v6;
	v16 =	vmul.f32 v16, v5;
	v11 =	vadd.f32 v14, v11  }
0x2b5: {  	v14 =	vld [tilespmem:s28+$0x1CC0]  }
0x2b6: {  	[tilespmem:s28+$0xDC90] =	vst v11;
	v11 =	vadd.f32 v19, v13;
	v13 =	vadd.f32 v16, v15;
	v15 =	vld [tilespmem:s28+$0x4CC0]  }
0x2b7: {  	v12 =	vmul.f32 v12, v8;
	v16 =	vld [tilespmem:s28+$0x64C0];
	v19 =	vmul.f32 v20, v7  }
0x2b8: {  	v20 =	vld [tilespmem:s28+$0x34D0];
	v17 =	vmul.f32 v17, v6;
	v18 =	vmul.f32 v18, v5;
	v11 =	vadd.f32 v13, v11  }
0x2b9: {  	v13 =	vld [tilespmem:s28+$0x1CD0]  }
0x2ba: {  	[tilespmem:s28+$0xDCA0] =	vst v11;
	v11 =	vadd.f32 v19, v12;
	v12 =	vadd.f32 v18, v17;
	v17 =	vld [tilespmem:s28+$0x4CD0]  }
0x2bb: {  	v14 =	vmul.f32 v14, v8;
	v18 =	vld [tilespmem:s28+$0x64D0];
	v19 =	vmul.f32 v21, v7  }
0x2bc: {  	v21 =	vld [tilespmem:s28+$0x34E0];
	v15 =	vmul.f32 v15, v6;
	v16 =	vmul.f32 v16, v5;
	v11 =	vadd.f32 v12, v11  }
0x2bd: {  	v12 =	vld [tilespmem:s28+$0x1CE0]  }
0x2be: {  	[tilespmem:s28+$0xDCB0] =	vst v11;
	v11 =	vadd.f32 v19, v14;
	v14 =	vadd.f32 v16, v15;
	v15 =	vld [tilespmem:s28+$0x4CE0]  }
0x2bf: {  	v13 =	vmul.f32 v13, v8;
	v16 =	vld [tilespmem:s28+$0x64E0];
	v19 =	vmul.f32 v20, v7  }
0x2c0: {  	v20 =	vld [tilespmem:s28+$0x34F0];
	v17 =	vmul.f32 v17, v6;
	v18 =	vmul.f32 v18, v5;
	v11 =	vadd.f32 v14, v11  }
0x2c1: {  	v14 =	vld [tilespmem:s28+$0x1CF0]  }
0x2c2: {  	[tilespmem:s28+$0xDCC0] =	vst v11;
	v11 =	vadd.f32 v19, v13;
	v13 =	vadd.f32 v18, v17;
	v17 =	vld [tilespmem:s28+$0x4CF0]  }
0x2c3: {  	v12 =	vmul.f32 v12, v8;
	v18 =	vld [tilespmem:s28+$0x64F0];
	v19 =	vmul.f32 v21, v7  }
0x2c4: {  	v21 =	vld [tilespmem:s28+$0x3880];
	v15 =	vmul.f32 v15, v6;
	v16 =	vmul.f32 v16, v5;
	v11 =	vadd.f32 v13, v11  }
0x2c5: {  	v13 =	vld [tilespmem:s28+$0x2080]  }
0x2c6: {  	[tilespmem:s28+$0xDCD0] =	vst v11;
	v11 =	vadd.f32 v19, v12;
	v12 =	vadd.f32 v16, v15;
	v15 =	vld [tilespmem:s28+$0x5080]  }
0x2c7: {  	v14 =	vmul.f32 v14, v8;
	v16 =	vld [tilespmem:s28+$0x6880];
	v19 =	vmul.f32 v20, v7  }
0x2c8: {  	v20 =	vld [tilespmem:s28+$0x3890];
	v17 =	vmul.f32 v17, v6;
	v18 =	vmul.f32 v18, v5;
	v11 =	vadd.f32 v12, v11  }
0x2c9: {  	v12 =	vld [tilespmem:s28+$0x2090]  }
0x2ca: {  	[tilespmem:s28+$0xDCE0] =	vst v11;
	v11 =	vadd.f32 v19, v14;
	v14 =	vadd.f32 v18, v17;
	v17 =	vld [tilespmem:s28+$0x5090]  }
0x2cb: {  	v13 =	vmul.f32 v13, v8;
	v18 =	vld [tilespmem:s28+$0x6890];
	v19 =	vmul.f32 v21, v7  }
0x2cc: {  	v21 =	vld [tilespmem:s28+$0x38A0];
	v15 =	vmul.f32 v15, v6;
	v16 =	vmul.f32 v16, v5;
	v11 =	vadd.f32 v14, v11  }
0x2cd: {  	v14 =	vld [tilespmem:s28+$0x20A0]  }
0x2ce: {  	[tilespmem:s28+$0xDCF0] =	vst v11;
	v11 =	vadd.f32 v19, v13;
	v13 =	vadd.f32 v16, v15;
	v15 =	vld [tilespmem:s28+$0x50A0]  }
0x2cf: {  	v12 =	vmul.f32 v12, v8;
	v16 =	vld [tilespmem:s28+$0x68A0];
	v19 =	vmul.f32 v20, v7  }
0x2d0: {  	v20 =	vld [tilespmem:s28+$0x38B0];
	v17 =	vmul.f32 v17, v6;
	v18 =	vmul.f32 v18, v5;
	v11 =	vadd.f32 v13, v11  }
0x2d1: {  	v13 =	vld [tilespmem:s28+$0x20B0]  }
0x2d2: {  	[tilespmem:s28+$0xE080] =	vst v11;
	v11 =	vadd.f32 v19, v12;
	v12 =	vadd.f32 v18, v17;
	v17 =	vld [tilespmem:s28+$0x50B0]  }
0x2d3: {  	v14 =	vmul.f32 v14, v8;
	v18 =	vld [tilespmem:s28+$0x68B0];
	v19 =	vmul.f32 v21, v7  }
0x2d4: {  	v22 =	vld [tilespmem:s28+$0x68C0];
	v11 =	vadd.f32 v12, v11;
	v12 =	vmul.f32 v15, v6;
	v15 =	vmul.f32 v16, v5  }
0x2d5: {  	v21 =	vld [tilespmem:s28+$0x20C0]  }
0x2d6: {  	v16 =	vld [tilespmem:s28+$0x38C0];
	[tilespmem:s28+$0xE090] =	vst v11;
	v11 =	vadd.f32 v19, v14;
	v12 =	vadd.f32 v15, v12  }
0x2d7: {  	v13 =	vmul.f32 v13, v8;
	v19 =	vld [tilespmem:s28+$0x50C0];
	v14 =	vmul.f32 v20, v7  }
0x2d8: {  	v20 =	vld [tilespmem:s28+$0x20D0];
	v15 =	vmul.f32 v18, v5;
	v11 =	vadd.f32 v12, v11;
	v12 =	vmul.f32 v17, v6  }
0x2d9: {  	v17 =	vld [tilespmem:s28+$0x38D0]  }
0x2da: {  	v13 =	vadd.f32 v14, v13;
	v14 =	vadd.f32 v15, v12;
	v12 =	vld [tilespmem:s28+$0x50D0]  }
0x2db: {  	s14 =	simm.s32 $0x1;
	[tilespmem:s28+$0xE0A0] =	vst v11;
	v11 =	vld [tilespmem:s28+$0x68D0]  }
0x2dc: {  	s12 =	simm.s32 $0x0;
	v23 =	vmov s14;
	v18 =	vmul.f32 v21, v8;
	v16 =	vmul.f32 v16, v7;
	v15 =	vld [tilespmem:s28+$0x20E0]  }
0x2dd: {  	s12 =	smul.u32 $0xC00, s12;
	s0 =	simm.s32 $0x80;
	v22 =	vmul.f32 v22, v5;
	v19 =	vmul.f32 v19, v6;
	v21 =	vadd.f32 v14, v13;
	v14 =	vld [tilespmem:s28+$0x38E0]  }
0x2de: {  	s14 =	sand.u32 $0x380, s0;
	v13 =	vadd.f32 v16, v18;
	v18 =	vmul.f32 v20, v8;
	v16 =	vld [tilespmem:s28+$0x50E0];
	v20 =	vmul.f32 v17, v7  }
0x2df: {  	s1 =	simm.s32 $0x2;
	s12 =	sor.u32 s14, s12;
	v19 =	vadd.f32 v22, v19;
	v22 =	vperm.xlane v10, v23;
	v17 =	vld [tilespmem:s28+$0x68E0];
	[tilespmem:s28+$0xE0B0] =	vst v21;
	v21 =	vperm.xlane v9, v23  }
.LBB2_5:
0x2e0: {  	p1 =	sne.s32 s1, $0xF;
	v23 =	vld [tilespmem:s12+$0x20F0];
	v18 =	vadd.f32 v20, v18;
	v12 =	vmul.f32 v12, v6;
	v11 =	vmul.f32 v11, v5  }
0x2e1: {  	v13 =	vadd.f32 v19, v13;
	v20 =	vmul.f32 v22, v21;
	v24 =	vld [tilespmem:s12+$0x38F0];
	v8 =	vmul.f32 v15, v8  }
0x2e2: {  	v15 =	vld [tilespmem:s12+$0x50F0];
	v11 =	vadd.f32 v11, v12;
	v7 =	vmul.f32 v14, v7  }
0x2e3: {  	v12 =	vsub.f32 $1.000000000e+00, v21;
	v14 =	vld [tilespmem:s12+$0x68F0];
	[tilespmem:s28+$0xE0C0] =	vst v13;
	v13 =	vmul.f32 v16, v6;
	v6 =	vsub.f32 v22, v20  }
0x2e4: {  	v16 =	vld [tilespmem:s12+$0x1880];
	v11 =	vadd.f32 v11, v18;
	v18 =	vadd.f32 v7, v8;
	v17 =	vmul.f32 v17, v5;
	v5 =	vmovc v20  }
0x2e5: {  	v7 =	vsub.f32 v21, v5;
	v8 =	vsub.f32 v12, v6;
	v12 =	vld [tilespmem:s12+$0x3080]  }
0x2e6: {  	v19 =	vld [tilespmem:s12+$0x4880];
	[tilespmem:s28+$0xE0D0] =	vst v11;
	v11 =	vadd.f32 v17, v13  }
0x2e7: {  	v13 =	vld [tilespmem:s12+$0x6080];
	v17 =	vmul.f32 v23, v8;
	v20 =	vmul.f32 v24, v7  }
0x2e8: {  	v15 =	vmul.f32 v15, v6;
	v21 =	vld [tilespmem:s12+$0x1890];
	v14 =	vmul.f32 v14, v5;
	v11 =	vadd.f32 v11, v18  }
0x2e9: {  	v16 =	vmul.f32 v8, v16;
	v18 =	vld [tilespmem:s12+$0x3090]  }
0x2ea: {  	v17 =	vadd.f32 v20, v17;
	v12 =	vmul.f32 v7, v12;
	v22 =	vld [tilespmem:s12+$0x4890];
	v14 =	vadd.f32 v14, v15;
	[tilespmem:s28+$0xE0E0] =	vst v11;
	s28 =	smov.u32 s12  }
0x2eb: {  	v11 =	vmul.f32 v19, v6;
	v15 =	vld [tilespmem:s28+$0x6090]  }
0x2ec: {  	v12 =	vadd.f32 v16, v12;
	v13 =	vmul.f32 v13, v5;
	v16 =	vld [tilespmem:s28+$0x18A0];
	v14 =	vadd.f32 v14, v17  }
0x2ed: {  	v17 =	vmul.f32 v21, v8;
	v19 =	vld [tilespmem:s28+$0x30A0]  }
0x2ee: {  	v11 =	vadd.f32 v13, v11;
	v13 =	vmul.f32 v18, v7;
	v18 =	vld [tilespmem:s28+$0x48A0];
	[tilespmem:s28+$0xE0F0] =	vst v14  }
0x2ef: {  	v14 =	vmul.f32 v22, v6;
	v20 =	vld [tilespmem:s28+$0x60A0]  }
0x2f0: {  	v11 =	vadd.f32 v11, v12;
	v12 =	vadd.f32 v13, v17;
	v13 =	vmul.f32 v15, v5;
	v15 =	vld [tilespmem:s28+$0x18B0]  }
0x2f1: {  	v16 =	vmul.f32 v16, v8;
	v17 =	vld [tilespmem:s28+$0x30B0]  }
0x2f2: {  	[tilespmem:s28+$0xD880] =	vst v11;
	v11 =	vadd.f32 v13, v14;
	v13 =	vmul.f32 v19, v7;
	v14 =	vld [tilespmem:s28+$0x48B0]  }
0x2f3: {  	v18 =	vmul.f32 v18, v6;
	v19 =	vld [tilespmem:s28+$0x60B0]  }
0x2f4: {  	v11 =	vadd.f32 v11, v12;
	v12 =	vadd.f32 v13, v16;
	v13 =	vmul.f32 v20, v5;
	v16 =	vld [tilespmem:s28+$0x18C0]  }
0x2f5: {  	v15 =	vmul.f32 v15, v8;
	v20 =	vld [tilespmem:s28+$0x30C0]  }
0x2f6: {  	[tilespmem:s28+$0xD890] =	vst v11;
	v11 =	vadd.f32 v13, v18;
	v13 =	vmul.f32 v17, v7;
	v17 =	vld [tilespmem:s28+$0x48C0]  }
0x2f7: {  	v14 =	vmul.f32 v14, v6;
	v18 =	vld [tilespmem:s28+$0x60C0]  }
0x2f8: {  	v11 =	vadd.f32 v11, v12;
	v12 =	vadd.f32 v13, v15;
	v13 =	vmul.f32 v19, v5;
	v15 =	vld [tilespmem:s28+$0x18D0]  }
0x2f9: {  	v16 =	vmul.f32 v16, v8;
	v19 =	vld [tilespmem:s28+$0x30D0]  }
0x2fa: {  	[tilespmem:s28+$0xD8A0] =	vst v11;
	v11 =	vadd.f32 v13, v14;
	v13 =	vmul.f32 v20, v7;
	v14 =	vld [tilespmem:s28+$0x48D0]  }
0x2fb: {  	v17 =	vmul.f32 v17, v6;
	v20 =	vld [tilespmem:s28+$0x60D0]  }
0x2fc: {  	v11 =	vadd.f32 v11, v12;
	v12 =	vadd.f32 v13, v16;
	v13 =	vmul.f32 v18, v5;
	v16 =	vld [tilespmem:s28+$0x18E0]  }
0x2fd: {  	v15 =	vmul.f32 v15, v8;
	v18 =	vld [tilespmem:s28+$0x30E0]  }
0x2fe: {  	[tilespmem:s28+$0xD8B0] =	vst v11;
	v11 =	vadd.f32 v13, v17;
	v13 =	vmul.f32 v19, v7;
	v17 =	vld [tilespmem:s28+$0x48E0]  }
0x2ff: {  	v14 =	vmul.f32 v14, v6;
	v19 =	vld [tilespmem:s28+$0x60E0]  }
0x300: {  	v11 =	vadd.f32 v11, v12;
	v12 =	vadd.f32 v13, v15;
	v13 =	vmul.f32 v20, v5;
	v15 =	vld [tilespmem:s28+$0x18F0]  }
0x301: {  	v16 =	vmul.f32 v16, v8;
	v20 =	vld [tilespmem:s28+$0x30F0]  }
0x302: {  	[tilespmem:s28+$0xD8C0] =	vst v11;
	v11 =	vadd.f32 v13, v14;
	v13 =	vmul.f32 v18, v7;
	v14 =	vld [tilespmem:s28+$0x48F0]  }
0x303: {  	v17 =	vmul.f32 v17, v6;
	v18 =	vld [tilespmem:s28+$0x60F0]  }
0x304: {  	v11 =	vadd.f32 v11, v12;
	v12 =	vadd.f32 v13, v16;
	v13 =	vmul.f32 v19, v5;
	v16 =	vld [tilespmem:s28+$0x1C80]  }
0x305: {  	v15 =	vmul.f32 v15, v8;
	v19 =	vld [tilespmem:s28+$0x3480]  }
0x306: {  	[tilespmem:s28+$0xD8D0] =	vst v11;
	v11 =	vadd.f32 v13, v17;
	v13 =	vmul.f32 v20, v7;
	v17 =	vld [tilespmem:s28+$0x4C80]  }
0x307: {  	v14 =	vmul.f32 v14, v6;
	v20 =	vld [tilespmem:s28+$0x6480]  }
0x308: {  	v11 =	vadd.f32 v11, v12;
	v12 =	vadd.f32 v13, v15;
	v13 =	vmul.f32 v18, v5;
	v15 =	vld [tilespmem:s28+$0x1C90]  }
0x309: {  	v16 =	vmul.f32 v16, v8;
	v18 =	vld [tilespmem:s28+$0x3490]  }
0x30a: {  	[tilespmem:s28+$0xD8E0] =	vst v11;
	v11 =	vadd.f32 v13, v14;
	v13 =	vmul.f32 v19, v7;
	v14 =	vld [tilespmem:s28+$0x4C90]  }
0x30b: {  	v17 =	vmul.f32 v17, v6;
	v19 =	vld [tilespmem:s28+$0x6490]  }
0x30c: {  	v11 =	vadd.f32 v11, v12;
	v12 =	vadd.f32 v13, v16;
	v13 =	vmul.f32 v20, v5;
	v16 =	vld [tilespmem:s28+$0x1CA0]  }
0x30d: {  	v15 =	vmul.f32 v15, v8;
	v20 =	vld [tilespmem:s28+$0x34A0]  }
0x30e: {  	[tilespmem:s28+$0xD8F0] =	vst v11;
	v11 =	vadd.f32 v13, v17;
	v13 =	vmul.f32 v18, v7;
	v17 =	vld [tilespmem:s28+$0x4CA0]  }
0x30f: {  	v14 =	vmul.f32 v14, v6;
	v18 =	vld [tilespmem:s28+$0x64A0]  }
0x310: {  	v11 =	vadd.f32 v11, v12;
	v12 =	vadd.f32 v13, v15;
	v13 =	vmul.f32 v19, v5;
	v15 =	vld [tilespmem:s28+$0x1CB0]  }
0x311: {  	v16 =	vmul.f32 v16, v8;
	v19 =	vld [tilespmem:s28+$0x34B0]  }
0x312: {  	[tilespmem:s28+$0xDC80] =	vst v11;
	v11 =	vadd.f32 v13, v14;
	v13 =	vmul.f32 v20, v7;
	v14 =	vld [tilespmem:s28+$0x4CB0]  }
0x313: {  	v17 =	vmul.f32 v17, v6;
	v20 =	vld [tilespmem:s28+$0x64B0]  }
0x314: {  	v11 =	vadd.f32 v11, v12;
	v12 =	vadd.f32 v13, v16;
	v13 =	vmul.f32 v18, v5;
	v16 =	vld [tilespmem:s28+$0x1CC0]  }
0x315: {  	v15 =	vmul.f32 v15, v8;
	v18 =	vld [tilespmem:s28+$0x34C0]  }
0x316: {  	[tilespmem:s28+$0xDC90] =	vst v11;
	v11 =	vadd.f32 v13, v17;
	v13 =	vmul.f32 v19, v7;
	v17 =	vld [tilespmem:s28+$0x4CC0]  }
0x317: {  	v14 =	vmul.f32 v14, v6;
	v19 =	vld [tilespmem:s28+$0x64C0]  }
0x318: {  	v11 =	vadd.f32 v11, v12;
	v12 =	vadd.f32 v13, v15;
	v13 =	vmul.f32 v20, v5;
	v15 =	vld [tilespmem:s28+$0x1CD0]  }
0x319: {  	v16 =	vmul.f32 v16, v8;
	v20 =	vld [tilespmem:s28+$0x34D0]  }
0x31a: {  	[tilespmem:s28+$0xDCA0] =	vst v11;
	v11 =	vadd.f32 v13, v14;
	v13 =	vmul.f32 v18, v7;
	v14 =	vld [tilespmem:s28+$0x4CD0]  }
0x31b: {  	v17 =	vmul.f32 v17, v6;
	v18 =	vld [tilespmem:s28+$0x64D0]  }
0x31c: {  	v11 =	vadd.f32 v11, v12;
	v12 =	vadd.f32 v13, v16;
	v13 =	vmul.f32 v19, v5;
	v16 =	vld [tilespmem:s28+$0x1CE0]  }
0x31d: {  	v15 =	vmul.f32 v15, v8;
	v19 =	vld [tilespmem:s28+$0x34E0]  }
0x31e: {  	[tilespmem:s28+$0xDCB0] =	vst v11;
	v11 =	vadd.f32 v13, v17;
	v13 =	vmul.f32 v20, v7;
	v17 =	vld [tilespmem:s28+$0x4CE0]  }
0x31f: {  	v14 =	vmul.f32 v14, v6;
	v20 =	vld [tilespmem:s28+$0x64E0]  }
0x320: {  	v11 =	vadd.f32 v11, v12;
	v12 =	vadd.f32 v13, v15;
	v13 =	vmul.f32 v18, v5;
	v15 =	vld [tilespmem:s28+$0x1CF0]  }
0x321: {  	v16 =	vmul.f32 v16, v8;
	v18 =	vld [tilespmem:s28+$0x34F0]  }
0x322: {  	[tilespmem:s28+$0xDCC0] =	vst v11;
	v11 =	vadd.f32 v13, v14;
	v13 =	vmul.f32 v19, v7;
	v14 =	vld [tilespmem:s28+$0x4CF0]  }
0x323: {  	v17 =	vmul.f32 v17, v6;
	v19 =	vld [tilespmem:s28+$0x64F0]  }
0x324: {  	v11 =	vadd.f32 v11, v12;
	v12 =	vadd.f32 v13, v16;
	v13 =	vmul.f32 v20, v5;
	v16 =	vld [tilespmem:s28+$0x2080]  }
0x325: {  	v15 =	vmul.f32 v15, v8;
	v20 =	vld [tilespmem:s28+$0x3880]  }
0x326: {  	[tilespmem:s28+$0xDCD0] =	vst v11;
	v11 =	vadd.f32 v13, v17;
	v13 =	vmul.f32 v18, v7;
	v17 =	vld [tilespmem:s28+$0x5080]  }
0x327: {  	v14 =	vmul.f32 v14, v6;
	v18 =	vld [tilespmem:s28+$0x6880]  }
0x328: {  	v11 =	vadd.f32 v11, v12;
	v12 =	vadd.f32 v13, v15;
	v13 =	vmul.f32 v19, v5;
	v15 =	vld [tilespmem:s28+$0x2090]  }
0x329: {  	v16 =	vmul.f32 v16, v8;
	v19 =	vld [tilespmem:s28+$0x3890]  }
0x32a: {  	[tilespmem:s28+$0xDCE0] =	vst v11;
	v11 =	vadd.f32 v13, v14;
	v13 =	vmul.f32 v20, v7;
	v14 =	vld [tilespmem:s28+$0x5090]  }
0x32b: {  	v17 =	vmul.f32 v17, v6;
	v20 =	vld [tilespmem:s28+$0x6890]  }
0x32c: {  	v11 =	vadd.f32 v11, v12;
	v12 =	vadd.f32 v13, v16;
	v13 =	vmul.f32 v18, v5;
	v16 =	vld [tilespmem:s28+$0x20A0]  }
0x32d: {  	v15 =	vmul.f32 v15, v8;
	v18 =	vld [tilespmem:s28+$0x38A0]  }
0x32e: {  	[tilespmem:s28+$0xDCF0] =	vst v11;
	v11 =	vadd.f32 v13, v17;
	v13 =	vmul.f32 v19, v7;
	v17 =	vld [tilespmem:s28+$0x50A0]  }
0x32f: {  	v14 =	vmul.f32 v14, v6;
	v19 =	vld [tilespmem:s28+$0x68A0]  }
0x330: {  	v11 =	vadd.f32 v11, v12;
	v12 =	vadd.f32 v13, v15;
	v13 =	vmul.f32 v20, v5;
	v15 =	vld [tilespmem:s28+$0x20B0]  }
0x331: {  	v16 =	vmul.f32 v16, v8;
	v20 =	vld [tilespmem:s28+$0x38B0]  }
0x332: {  	[tilespmem:s28+$0xE080] =	vst v11;
	v11 =	vadd.f32 v13, v14;
	v13 =	vmul.f32 v18, v7;
	v14 =	vld [tilespmem:s28+$0x50B0]  }
0x333: {  	v17 =	vmul.f32 v17, v6;
	v18 =	vld [tilespmem:s28+$0x68B0]  }
0x334: {  	v11 =	vadd.f32 v11, v12;
	v12 =	vadd.f32 v13, v16;
	v13 =	vmul.f32 v19, v5;
	v16 =	vld [tilespmem:s28+$0x20C0]  }
0x335: {  	v15 =	vmul.f32 v15, v8;
	v19 =	vld [tilespmem:s28+$0x38C0]  }
0x336: {  	[tilespmem:s28+$0xE090] =	vst v11;
	v11 =	vadd.f32 v13, v17;
	v13 =	vmul.f32 v20, v7;
	v17 =	vld [tilespmem:s28+$0x50C0]  }
0x337: {  	v14 =	vmul.f32 v14, v6;
	v20 =	vld [tilespmem:s28+$0x68C0]  }
0x338: {  	v11 =	vadd.f32 v11, v12;
	v13 =	vadd.f32 v13, v15;
	v12 =	vmul.f32 v18, v5;
	v18 =	vld [tilespmem:s28+$0x20D0]  }
0x339: {  	v15 =	vmul.f32 v16, v8;
	v16 =	vld [tilespmem:s28+$0x38D0]  }
0x33a: {  	[tilespmem:s28+$0xE0A0] =	vst v11;
	v14 =	vadd.f32 v12, v14;
	v19 =	vmul.f32 v19, v7;
	v12 =	vld [tilespmem:s28+$0x50D0]  }
.Ltmp1:
0x33b: {  	v17 =	vmul.f32 v17, v6;
	v11 =	vld [tilespmem:s28+$0x68D0];
	(pc) =	sbr.rel @p1 .LBB2_5-.Ltmp1, $4  }
0x33c: {  	s12 =	sshrl.u32 s1, $0x3;
	v21 =	vadd.f32 v14, v13;
	v13 =	vadd.f32 v19, v15;
	v19 =	vmul.f32 v20, v5;
	v15 =	vld [tilespmem:s28+$0x20E0]  }
0x33d: {  	s0 =	sadd.s32 $0x80, s0;
	s12 =	smul.u32 $0xC00, s12;
	v18 =	vmul.f32 v18, v8;
	v14 =	vld [tilespmem:s28+$0x38E0]  }
0x33e: {  	s14 =	sand.u32 $0x380, s0;
	v22 =	vmov s1;
	[tilespmem:s28+$0xE0B0] =	vst v21;
	v19 =	vadd.f32 v19, v17;
	v20 =	vmul.f32 v16, v7;
	v16 =	vld [tilespmem:s28+$0x50E0]  }
0x33f: {  	s12 =	sor.u32 s14, s12;
	s1 =	sadd.s32 $0x1, s1;
	v21 =	vperm.xlane v9, v22;
	v22 =	vperm.xlane v10, v22;
	v17 =	vld [tilespmem:s28+$0x68E0]  }
0x340: {  	v23 =	vld [tilespmem:s12+$0x20F0]  }
0x341: {  	v24 =	vld [tilespmem:s12+$0x38F0]  }
0x342: {  	v25 =	vld [tilespmem:s12+$0x50F0]  }
0x343: {  	v26 =	vld [tilespmem:s12+$0x68F0]  }
0x344: {  	v27 =	vld [tilespmem:s12+$0x1880]  }
0x345: {  	v28 =	vld [tilespmem:s12+$0x3080]  }
0x346: {  	v29 =	vld [tilespmem:s12+$0x4880]  }
0x347: {  	v30 =	vld [tilespmem:s12+$0x6080]  }
0x348: {  	v31 =	vld [tilespmem:s12+$0x1890]  }
0x349: {  	v32 =	vld [tilespmem:s12+$0x3090]  }
0x34a: {  	v33 =	vld [tilespmem:s12+$0x4890]  }
0x34b: {  	v53 =	vld [tilespmem:s12+$0x6090]  }
0x34c: {  	v56 =	vld [tilespmem:s12+$0x18A0]  }
0x34d: {  	v57 =	vld [tilespmem:s12+$0x30A0]  }
0x34e: {  	v34 =	vld [tilespmem:s12+$0x48A0]  }
0x34f: {  	v59 =	vld [tilespmem:s12+$0x60A0]  }
0x350: {  	v62 =	vld [tilespmem:s12+$0x18B0]  }
0x351: {  	v36 =	vld [tilespmem:s12+$0x30B0]  }
0x352: {  	v38 =	vld [tilespmem:s12+$0x48B0]  }
0x353: {  	v39 =	vld [tilespmem:s12+$0x60B0]  }
0x354: {  	v40 =	vld [tilespmem:s12+$0x18C0]  }
0x355: {  	v42 =	vld [tilespmem:s12+$0x30C0]  }
0x356: {  	v43 =	vld [tilespmem:s12+$0x48C0];
	v9 =	vmul.f32 v22, v21  }
0x357: {  	v44 =	vld [tilespmem:s12+$0x60C0]  }
0x358: {  	v46 =	vld [tilespmem:s12+$0x18D0];
	v51 =	vsub.f32 $1.000000000e+00, v21;
	v21 =	vsub.f32 v21, v9  }
0x359: {  	v47 =	vld [tilespmem:s12+$0x30D0];
	v10 =	vsub.f32 v22, v9  }
0x35a: {  	v50 =	vld [tilespmem:s12+$0x48D0];
	v24 =	vmul.f32 v24, v21  }
0x35b: {  	v22 =	vsub.f32 v51, v10;
	v25 =	vmul.f32 v25, v10;
	v26 =	vmul.f32 v26, v9;
	v51 =	vld [tilespmem:s12+$0x60D0]  }
0x35c: {  	v29 =	vmul.f32 v29, v10;
	v45 =	vmul.f32 v36, v21;
	v36 =	vld [tilespmem:s12+$0x60F0]  }
0x35d: {  	v30 =	vmul.f32 v30, v9;
	v52 =	vadd.f32 v26, v25;
	v25 =	vmul.f32 v53, v9;
	v53 =	vld [tilespmem:s12+$0x18E0]  }
0x35e: {  	v55 =	vmul.f32 v21, v28;
	v28 =	vmul.f32 v56, v22;
	v56 =	vld [tilespmem:s12+$0x48E0]  }
0x35f: {  	v54 =	vmul.f32 v22, v27;
	v58 =	vadd.f32 v30, v29;
	v29 =	vmul.f32 v38, v10;
	v38 =	vld [tilespmem:s12+$0x1C80]  }
0x360: {  	v23 =	vmul.f32 v23, v22;
	v30 =	vmul.f32 v39, v9;
	v39 =	vld [tilespmem:s12+$0x3480]  }
0x361: {  	v61 =	vmul.f32 v32, v21;
	v60 =	vmul.f32 v31, v22;
	v26 =	vadd.f32 v54, v55;
	v54 =	vld [tilespmem:s12+$0x30E0]  }
0x362: {  	v63 =	vmul.f32 v33, v10;
	v23 =	vadd.f32 v24, v23;
	v24 =	vmul.f32 v57, v21;
	v57 =	vld [tilespmem:s12+$0x60E0]  }
0x363: {  	v27 =	vmul.f32 v62, v22;
	v37 =	vadd.f32 v61, v60;
	v60 =	vld [tilespmem:s12+$0x30F0]  }
0x364: {  	v25 =	vadd.f32 v25, v63;
	v63 =	vld [tilespmem:s12+$0x48F0]  }
0x365: {  	v48 =	vadd.f32 v45, v27;
	v45 =	vld [tilespmem:s12+$0x3490]  }
0x366: {  	v49 =	vadd.f32 v30, v29;
	v30 =	vmul.f32 v51, v9;
	v51 =	vld [tilespmem:s12+$0x1CA0]  }
0x367: {  	v29 =	vmul.f32 v50, v10;
	v23 =	vadd.f32 v52, v23;
	v52 =	vmul.f32 v42, v21;
	v42 =	vld [tilespmem:s12+$0x6480]  }
0x368: {  	v26 =	vadd.f32 v58, v26;
	v24 =	vadd.f32 v24, v28;
	v28 =	vmul.f32 v44, v9;
	v44 =	vld [tilespmem:s12+$0x1C90]  }
0x369: {  	v41 =	vmul.f32 v34, v10;
	v25 =	vadd.f32 v25, v37;
	[tilespmem:s12+$0xE0F0] =	vst v23;
	v23 =	vmul.f32 v59, v9;
	v59 =	vld [tilespmem:s12+$0x18F0]  }
0x36a: {  	v62 =	vadd.f32 v30, v29;
	[tilespmem:s12+$0xD880] =	vst v26;
	v26 =	vmul.f32 v40, v22;
	v29 =	vmul.f32 v63, v10;
	v63 =	vld [tilespmem:s12+$0x64B0]  }
0x36b: {  	v23 =	vadd.f32 v23, v41;
	v41 =	vld [tilespmem:s12+$0x4C80]  }
0x36c: {  	v27 =	vmul.f32 v53, v22;
	[tilespmem:s12+$0xD890] =	vst v25;
	v25 =	vmul.f32 v43, v10;
	v55 =	vadd.f32 v52, v26;
	v52 =	vld [tilespmem:s12+$0x34A0]  }
0x36d: {  	v37 =	vmul.f32 v54, v21;
	v26 =	vmul.f32 v56, v10;
	v56 =	vld [tilespmem:s12+$0x64A0]  }
0x36e: {  	v25 =	vadd.f32 v28, v25;
	v28 =	vmul.f32 v57, v9;
	v57 =	vmul.f32 v45, v21;
	v45 =	vld [tilespmem:s12+$0x34D0]  }
0x36f: {  	v40 =	vadd.f32 v37, v27;
	v37 =	vld [tilespmem:s12+$0x1CC0];
	v23 =	vadd.f32 v23, v24  }
0x370: {  	v26 =	vadd.f32 v28, v26;
	v28 =	vmul.f32 v42, v9;
	v42 =	vld [tilespmem:s12+$0x64C0]  }
0x371: {  	v58 =	vmul.f32 v47, v21;
	v24 =	vmul.f32 v46, v22;
	[tilespmem:s12+$0xD8A0] =	vst v23;
	v23 =	vadd.f32 v49, v48;
	v48 =	vld [tilespmem:s12+$0x4C90]  }
0x372: {  	v49 =	vld [tilespmem:s12+$0x6490]  }
0x373: {  	v61 =	vadd.f32 v58, v24;
	v58 =	vld [tilespmem:s12+$0x1CB0]  }
0x374: {  	v24 =	vmul.f32 v38, v22;
	v38 =	vld [tilespmem:s12+$0x34C0]  }
0x375: {  	v27 =	vmul.f32 v41, v10;
	v41 =	vld [tilespmem:s12+$0x4CC0]  }
0x376: {  	v30 =	vmul.f32 v36, v9;
	v36 =	vmul.f32 v52, v21;
	v52 =	vld [tilespmem:s12+$0x34E0]  }
0x377: {  	[tilespmem:s12+$0xD8B0] =	vst v23;
	v23 =	vadd.f32 v25, v55;
	v55 =	vld [tilespmem:s12+$0x4CA0]  }
0x378: {  	v25 =	vmul.f32 v59, v22;
	v59 =	vld [tilespmem:s12+$0x34B0]  }
0x379: {  	v43 =	vmul.f32 v60, v21;
	v54 =	vadd.f32 v28, v27;
	v28 =	vmul.f32 v56, v9;
	v56 =	vld [tilespmem:s12+$0x64E0]  }
0x37a: {  	[tilespmem:s12+$0xD8C0] =	vst v23;
	v23 =	vadd.f32 v62, v61;
	v62 =	vld [tilespmem:s12+$0x4CB0]  }
0x37b: {  	v46 =	vadd.f32 v43, v25;
	v25 =	vmul.f32 v51, v22;
	v51 =	vld [tilespmem:s12+$0x1CE0]  }
0x37c: {  	v50 =	vmul.f32 v39, v21;
	v47 =	vadd.f32 v30, v29;
	v29 =	vmul.f32 v48, v10;
	v48 =	vld [tilespmem:s12+$0x4CD0]  }
0x37d: {  	v30 =	vmul.f32 v49, v9;
	v49 =	vld [tilespmem:s12+$0x64D0]  }
0x37e: {  	v53 =	vadd.f32 v50, v24;
	v24 =	vmul.f32 v58, v22;
	v58 =	vld [tilespmem:s12+$0x1CF0]  }
0x37f: {  	v50 =	vmul.f32 v38, v21;
	v38 =	vld [tilespmem:s12+$0x3880]  }
0x380: {  	[tilespmem:s12+$0xD8D0] =	vst v23;
	v23 =	vadd.f32 v26, v40;
	v26 =	vmul.f32 v44, v22;
	v44 =	vld [tilespmem:s12+$0x1CD0]  }
0x381: {  	v39 =	vadd.f32 v36, v25;
	v36 =	vmul.f32 v52, v21;
	v52 =	vld [tilespmem:s12+$0x38A0]  }
0x382: {  	v27 =	vmul.f32 v55, v10;
	v55 =	vld [tilespmem:s12+$0x4CE0]  }
0x383: {  	v43 =	vmul.f32 v59, v21;
	v59 =	vld [tilespmem:s12+$0x34F0]  }
0x384: {  	v61 =	vadd.f32 v30, v29;
	v30 =	vmul.f32 v63, v9;
	v63 =	vld [tilespmem:s12+$0x64F0]  }
0x385: {  	v60 =	vadd.f32 v57, v26;
	v26 =	vmul.f32 v37, v22;
	v37 =	vld [tilespmem:s12+$0x2080]  }
0x386: {  	v57 =	vmul.f32 v45, v21;
	v45 =	vld [tilespmem:s12+$0x3890]  }
0x387: {  	v12 =	vmul.f32 v12, v6;
	v29 =	vmul.f32 v62, v10;
	v62 =	vld [tilespmem:s12+$0x4CF0]  }
0x388: {  	v11 =	vmul.f32 v11, v5;
	v40 =	vadd.f32 v28, v27;
	v27 =	vmul.f32 v41, v10;
	v41 =	vld [tilespmem:s12+$0x5080]  }
0x389: {  	v8 =	vmul.f32 v15, v8;
	[tilespmem:s12+$0xD8E0] =	vst v23;
	v23 =	vadd.f32 v47, v46;
	v28 =	vmul.f32 v42, v9;
	v42 =	vld [tilespmem:s12+$0x6880]  }
0x38a: {  	v7 =	vmul.f32 v14, v7;
	v46 =	vadd.f32 v43, v24;
	v24 =	vmul.f32 v51, v22;
	v51 =	vld [tilespmem:s12+$0x20A0]  }
0x38b: {  	[tilespmem:s12+$0xD8F0] =	vst v23;
	v23 =	vadd.f32 v54, v53;
	v53 =	vadd.f32 v50, v26;
	v26 =	vmul.f32 v58, v22;
	v58 =	vld [tilespmem:s12+$0x20B0]  }
0x38c: {  	v18 =	vadd.f32 v20, v18;
	v6 =	vmul.f32 v16, v6;
	v50 =	vmul.f32 v38, v21;
	v38 =	vld [tilespmem:s12+$0x38C0]  }
0x38d: {  	v13 =	vadd.f32 v19, v13;
	v5 =	vmul.f32 v17, v5;
	v25 =	vmul.f32 v44, v22;
	v44 =	vld [tilespmem:s12+$0x2090]  }
0x38e: {  	v11 =	vadd.f32 v11, v12;
	v47 =	vadd.f32 v30, v29;
	v29 =	vmul.f32 v48, v10;
	v48 =	vld [tilespmem:s12+$0x5090]  }
0x38f: {  	v7 =	vadd.f32 v7, v8;
	v5 =	vadd.f32 v5, v6;
	v30 =	vmul.f32 v49, v9;
	v49 =	vld [tilespmem:s12+$0x6890]  }
0x390: {  	v11 =	vadd.f32 v11, v18;
	v54 =	vadd.f32 v28, v27;
	v28 =	vmul.f32 v56, v9;
	v56 =	vld [tilespmem:s12+$0x68A0]  }
0x391: {  	v5 =	vadd.f32 v5, v7;
	[tilespmem:s12+$0xDC80] =	vst v23;
	v23 =	vadd.f32 v61, v60;
	v27 =	vmul.f32 v55, v10;
	v55 =	vld [tilespmem:s12+$0x50A0]  }
0x392: {  	v43 =	vmul.f32 v59, v21;
	v59 =	vld [tilespmem:s12+$0x38B0];
	v60 =	vadd.f32 v57, v25;
	v61 =	vadd.f32 v30, v29  }
0x393: {  	v30 =	vmul.f32 v63, v9;
	v25 =	vmul.f32 v37, v22;
	v63 =	vld [tilespmem:s12+$0x68B0];
	[tilespmem:s12+$0xDC90] =	vst v23;
	v23 =	vadd.f32 v40, v39  }
0x394: {  	v57 =	vmul.f32 v45, v21;
	v37 =	vld [tilespmem:s12+$0x20C0];
	v39 =	vadd.f32 v36, v24;
	v29 =	vmul.f32 v62, v10  }
0x395: {  	v45 =	vld [tilespmem:s12+$0x38D0];
	v40 =	vadd.f32 v28, v27;
	v27 =	vmul.f32 v41, v10;
	[tilespmem:s12+$0xDCA0] =	vst v23;
	v23 =	vadd.f32 v47, v46  }
0x396: {  	v28 =	vmul.f32 v42, v9;
	v62 =	vld [tilespmem:s12+$0x50B0];
	v36 =	vmul.f32 v52, v21;
	v47 =	vadd.f32 v30, v29  }
0x397: {  	v41 =	vld [tilespmem:s12+$0x50C0];
	v24 =	vmul.f32 v44, v22;
	v29 =	vmul.f32 v48, v10;
	[tilespmem:s12+$0xDCB0] =	vst v23;
	v23 =	vadd.f32 v54, v53  }
0x398: {  	v42 =	vld [tilespmem:s12+$0x68C0];
	v46 =	vadd.f32 v43, v26;
	v30 =	vmul.f32 v49, v9;
	v26 =	vmul.f32 v51, v22  }
0x399: {  	v52 =	vld [tilespmem:s12+$0x38E0];
	v43 =	vmul.f32 v59, v21;
	v53 =	vadd.f32 v50, v25;
	[tilespmem:s12+$0xDCC0] =	vst v23;
	v23 =	vadd.f32 v61, v60  }
0x39a: {  	v44 =	vld [tilespmem:s12+$0x20D0];
	v54 =	vadd.f32 v28, v27;
	v27 =	vmul.f32 v55, v10;
	v28 =	vmul.f32 v56, v9  }
0x39b: {  	v48 =	vld [tilespmem:s12+$0x50D0];
	v25 =	vmul.f32 v58, v22;
	v6 =	vmul.f32 v37, v22;
	[tilespmem:s12+$0xDCD0] =	vst v23;
	v23 =	vadd.f32 v40, v39  }
0x39c: {  	v49 =	vld [tilespmem:s12+$0x68D0];
	v58 =	vmul.f32 v45, v21;
	v56 =	vmul.f32 v41, v10;
	v60 =	vadd.f32 v57, v24  }
0x39d: {  	v51 =	vld [tilespmem:s12+$0x20E0];
	v61 =	vadd.f32 v30, v29;
	v29 =	vmul.f32 v62, v10;
	[tilespmem:s12+$0xDCE0] =	vst v23;
	v23 =	vadd.f32 v47, v46  }
0x39e: {  	v55 =	vld [tilespmem:s12+$0x68E0];
	v30 =	vmul.f32 v63, v9;
	v57 =	vmul.f32 v42, v9;
	v39 =	vadd.f32 v36, v26  }
0x39f: {  	v7 =	vmul.f32 v44, v22;
	v40 =	vadd.f32 v28, v27;
	[tilespmem:s12+$0xDCF0] =	vst v23;
	v23 =	vadd.f32 v54, v53;
	v53 =	vld [tilespmem:s12+$0x50E0]  }
0x3a0: {  	v14 =	vmul.f32 v52, v21;
	v46 =	vadd.f32 v43, v25;
	v47 =	vadd.f32 v30, v29  }
0x3a1: {  	[tilespmem:s28+$0xE0C0] =	vst v13;
	v16 =	vadd.f32 v57, v56;
	v7 =	vadd.f32 v58, v7;
	v54 =	vmul.f32 v38, v21  }
0x3a2: {  	v59 =	vmul.f32 v48, v10;
	v50 =	vadd.f32 v47, v46;
	[tilespmem:s12+$0xE080] =	vst v23;
	v23 =	vadd.f32 v61, v60  }
0x3a3: {  	[tilespmem:s28+$0xE0D0] =	vst v11;
	v6 =	vadd.f32 v54, v6;
	v60 =	vmul.f32 v49, v9;
	v61 =	vmul.f32 v51, v22  }
0x3a4: {  	v9 =	vmul.f32 v55, v9;
	[tilespmem:s12+$0xE090] =	vst v23;
	v23 =	vadd.f32 v40, v39;
	v8 =	vmul.f32 v53, v10  }
0x3a5: {  	s0 =	sshll.u32 s25, $0x5;
	[tilespmem:s28+$0xE0E0] =	vst v5;
	v6 =	vadd.f32 v16, v6;
	v62 =	vadd.f32 v60, v59  }
0x3a6: {  	p1 =	seq.s32 s25, $0xC3;
	s1 =	sadd.s32 s7, s0;
	[tilespmem:s12+$0xE0B0] =	vst v50;
	v63 =	vadd.f32 v14, v61;
	v8 =	vadd.f32 v9, v8  }
.Ltmp2:
0x3a7: {  	s1 =	sshrl.u32 s1, $0x3;
	[tilespmem:s12+$0xE0A0] =	vst v23;
	v5 =	vadd.f32 v62, v7;
	(pc) =	sbr.rel @p1 .LBB2_8-.Ltmp2, $4  }
0x3a8: {  	s1 =	smul.u32 $0x180, s1;
	[tilespmem:s12+$0xE0C0] =	vst v6;
	v6 =	vadd.f32 v8, v63  }
0x3a9: {  	[tilespmem:s12+$0xE0D0] =	vst v5  }
0x3aa: {  	s1 =	sadd.s32 s3, s1;
	[tilespmem:s12+$0xE0E0] =	vst v6  }
0x3ab: {  	[hbm4b:s1+s4] =	stream.linear.scatter [tilespmem:s22], [sflag:$0x2], $0x1800, $0x38;
	[tilespmem:$0x14A80] =	vst v63  }
0x3ac: {  	s0 =	sand.u32 $0x3FFFFFE0, s0  }
0x3ad: {  	v5 =	vld [tilespmem:s0+$0x20];
	_ =	sdelay $0x4  }
0x3ae: {  	v6 =	vand.u32 $0xFFFF, v5  }
0x3af: {  	v6 =	vadd.s32 v0, v6  }
0x3b0: {  	v7 =	vshrl.u32 v6, $0x3  }
0x3b1: {  	v8 =	vmul.u32 $0x18, v7  }
0x3b2: {  	v9 =	vand.u32 $0x7, v5  }
0x3b3: {  	v8 =	vor.u32 v9, v8  }
0x3b4: {  	v10 =	vperm.xlane v8, v2;
	_ =	sdelay $0x1  }
0x3b5: {  	v10 =	vadd.s32 v3, v10  }
0x3b6: {  	v11 =	vadd.s32 $0x1, v6  }
0x3b7: {  	v12 =	vshrl.u32 v11, $0x3;
	v8 =	vperm.xlane v8, v4  }
0x3b8: {  	v12 =	vmul.u32 $0x18, v12  }
0x3b9: {  	v11 =	vand.u32 $0x7, v11;
	v8 =	vadd.s32 v3, v8  }
0x3ba: {  	v11 =	vor.u32 v11, v12;
	[tilespmem:s29], [sflag:$0x1] =	stream.indirect_vreg.gather [hbm4b:s2+s4], $0x80, v10, vm0, $0xb8;
	[tilespmem:$0x14A80] =	vst v63  }
0x3bb: {  	v12 =	vperm.xlane v11, v2  }
0x3bc: {  	[tilespmem:s30], [sflag:$0x1] =	stream.indirect_vreg.gather [hbm4b:s8+s4], $0x80, v10, vm1, $0xb8;
	[tilespmem:$0x14A80] =	vst v63  }
0x3bd: {  	v60 =	vadd.s32 v3, v12  }
0x3be: {  	[tilespmem:s31], [sflag:$0x1] =	stream.indirect_vreg.gather [hbm4b:s2+s4], $0x80, v8, vm0, $0xb8;
	[tilespmem:$0x14A80] =	vst v63  }
0x3bf: {  	s28 =	simm.s32 $0x2C80;
	v7 =	vadd.s32 $0x1C, v7;
	v11 =	vperm.xlane v11, v4  }
0x3c0: {  	v7 =	vmul.u32 $0x18, v7;
	[tilespmem:s28], [sflag:$0x1] =	stream.indirect_vreg.gather [hbm4b:s8+s4], $0x80, v8, vm1, $0xb8;
	[tilespmem:$0x14A80] =	vst v63  }
0x3c1: {  	s1 =	simm.s32 $0x3080;
	v61 =	vadd.s32 v3, v11  }
0x3c2: {  	v7 =	vor.u32 v9, v7;
	[tilespmem:s1], [sflag:$0x1] =	stream.indirect_vreg.gather [hbm4b:s2+s4], $0x80, v60, vm0, $0xb8;
	[tilespmem:$0x14A80] =	vst v63  }
0x3c3: {  	s12 =	simm.s32 $0x3880;
	v9 =	vperm.xlane v7, v2  }
0x3c4: {  	[tilespmem:s12], [sflag:$0x1] =	stream.indirect_vreg.gather [hbm4b:s8+s4], $0x80, v60, vm1, $0xb8;
	[tilespmem:$0x14A80] =	vst v63  }
0x3c5: {  	s14 =	simm.s32 $0x3C80;
	v9 =	vadd.s32 v3, v9  }
0x3c6: {  	v6 =	vadd.s32 $0xE1, v6;
	[tilespmem:s14], [sflag:$0x1] =	stream.indirect_vreg.gather [hbm4b:s2+s4], $0x80, v61, vm0, $0xb8;
	[tilespmem:$0x14A80] =	vst v63  }
0x3c7: {  	v62 =	vshrl.u32 v6, $0x3;
	v7 =	vperm.xlane v7, v4;
	s28 =	simm.s32 $0x4480  }
0x3c8: {  	v63 =	vmul.u32 $0x18, v62;
	[tilespmem:s28], [sflag:$0x1] =	stream.indirect_vreg.gather [hbm4b:s8+s4], $0x80, v61, vm1, $0xb8;
	[tilespmem:$0x14A80] =	vst v63  }
0x3c9: {  	v6 =	vand.u32 $0x7, v6;
	v7 =	vadd.s32 v3, v7;
	s1 =	simm.s32 $0x4880  }
0x3ca: {  	v6 =	vor.u32 v6, v63;
	[tilespmem:s1], [sflag:$0x1] =	stream.indirect_vreg.gather [hbm4b:s2+s4], $0x80, v9, vm0, $0xb8;
	[tilespmem:$0x14A80] =	vst v63  }
0x3cb: {  	v8 =	vperm.xlane v6, v2;
	s12 =	simm.s32 $0x5080  }
0x3cc: {  	[tilespmem:s12], [sflag:$0x1] =	stream.indirect_vreg.gather [hbm4b:s8+s4], $0x80, v9, vm1, $0xb8;
	[tilespmem:$0x14A80] =	vst v63  }
0x3cd: {  	v8 =	vadd.s32 v3, v8;
	s14 =	simm.s32 $0x5480  }
0x3ce: {  	[tilespmem:s14], [sflag:$0x1] =	stream.indirect_vreg.gather [hbm4b:s2+s4], $0x80, v7, vm0, $0xb8;
	[tilespmem:$0x14A80] =	vst v63  }
0x3cf: {  	v6 =	vperm.xlane v6, v4;
	s28 =	simm.s32 $0x5C80  }
0x3d0: {  	[tilespmem:s28], [sflag:$0x1] =	stream.indirect_vreg.gather [hbm4b:s8+s4], $0x80, v7, vm1, $0xb8;
	[tilespmem:$0x14A80] =	vst v63  }
0x3d1: {  	v6 =	vadd.s32 v3, v6;
	s1 =	simm.s32 $0x6080  }
0x3d2: {  	[tilespmem:s1], [sflag:$0x1] =	stream.indirect_vreg.gather [hbm4b:s2+s4], $0x80, v8, vm0, $0xb8;
	[tilespmem:$0x14A80] =	vst v63  }
0x3d3: {  	s12 =	simm.s32 $0x6880;
	v7 =	vshrl.u32 v5, $0x10  }
0x3d4: {  	v7 =	vand.u32 $0xFF, v7;
	[tilespmem:s12], [sflag:$0x1] =	stream.indirect_vreg.gather [hbm4b:s8+s4], $0x80, v8, vm1, $0xb8;
	[tilespmem:$0x14A80] =	vst v63  }
0x3d5: {  	s14 =	simm.s32 $0x6C80;
	v5 =	vshrl.u32 v5, $0x18;
	v7 =	vcvt.s32.f32 v7  }
0x3d6: {  	v5 =	vcvt.s32.f32 v5;
	[tilespmem:s14], [sflag:$0x1] =	stream.indirect_vreg.gather [hbm4b:s2+s4], $0x80, v6, vm0, $0xb8;
	[tilespmem:$0x14A80] =	vst v63  }
0x3d7: {  	s28 =	simm.s32 $0x7480;
	v7 =	vmul.f32 $3.921568860e-03, v7  }
0x3d8: {  	v5 =	vmul.f32 $3.921568860e-03, v5;
	[tilespmem:s28], [sflag:$0x1] =	stream.indirect_vreg.gather [hbm4b:s8+s4], $0x80, v6, vm1, $0xb8;
	[tilespmem:$0x14A80] =	vst v63  }
0x3d9: {  	[tilespmem:$0x10880] =	vst v7  }
0x3da: {  	[tilespmem:$0x10900] =	vst v5  }
.LBB2_8:
0x3db: {  	_ =	swait.ge [sflag:s21], $0x1800  }
0x3dc: {  	[sflag:s21] =	ssyncset.done $0x0  }
0x3dd: {  	[sflag:s21] =	ssyncadd.s32 $0xFFFFE800  }
0x3de: {  	_ =	swait.ge [sflag:s21], $0x1800  }
0x3df: {  	[sflag:s21] =	ssyncset.done $0x0  }
0x3e0: {  	[sflag:s21] =	ssyncadd.s32 $0xFFFFE800  }
0x3e1: {  	_ =	swait.ge [sflag:s21], $0x1800  }
0x3e2: {  	[sflag:s21] =	ssyncset.done $0x0  }
0x3e3: {  	[sflag:s21] =	ssyncadd.s32 $0xFFFFE800  }
0x3e4: {  	_ =	swait.ge [sflag:s21], $0x1800  }
0x3e5: {  	[sflag:s21] =	ssyncset.done $0x0  }
0x3e6: {  	s0 =	simm.s32 @!p0 $0x2;
	[sflag:s21] =	ssyncadd.s32 $0xFFFFE800  }
0x3e7: {  	_ =	swait.ge @!p0 [sflag:s0], $0x1800  }
0x3e8: {  	[sflag:s0] =	ssyncset.done @!p0 $0x0  }
0x3e9: {  	[sflag:s0] =	ssyncadd.s32 @!p0 $0xFFFFE800  }
0x3ea: {  	v9 =	vld [tilespmem:$0x10980]  }
0x3eb: {  	s14 =	simm.s32 $0x0;
	v10 =	vld [tilespmem:$0x10A00]  }
0x3ec: {  	s1 =	simm.s32 $0x0;
	s0 =	smul.u32 $0xC00, s14  }
0x3ed: {  	s12 =	sand.u32 $0x380, s1  }
0x3ee: {  	s28 =	sor.u32 s12, s0  }
0x3ef: {  	v5 =	vmov s1;
	v11 =	vld [tilespmem:s28+$0x80F0]  }
0x3f0: {  	v12 =	vld [tilespmem:s28+$0x98F0];
	v7 =	vperm.xlane v9, v5;
	v6 =	vperm.xlane v10, v5  }
0x3f1: {  	v13 =	vld [tilespmem:s28+$0xB0F0]  }
0x3f2: {  	v14 =	vld [tilespmem:s28+$0xC8F0];
	v5 =	vmul.f32 v6, v7  }
0x3f3: {  	v15 =	vld [tilespmem:s28+$0x7880]  }
0x3f4: {  	v18 =	vld [tilespmem:s28+$0xC080];
	v8 =	vsub.f32 $1.000000000e+00, v7;
	v6 =	vsub.f32 v6, v5  }
0x3f5: {  	v17 =	vld [tilespmem:s28+$0xA880];
	v7 =	vsub.f32 v7, v5  }
0x3f6: {  	v16 =	vld [tilespmem:s28+$0x9080];
	v8 =	vsub.f32 v8, v6  }
0x3f7: {  	v19 =	vld [tilespmem:s28+$0x7890];
	v14 =	vmul.f32 v14, v5;
	v12 =	vmul.f32 v12, v7  }
0x3f8: {  	v20 =	vld [tilespmem:s28+$0x9090];
	v13 =	vmul.f32 v13, v6;
	v11 =	vmul.f32 v11, v8  }
0x3f9: {  	v21 =	vld [tilespmem:s28+$0xA890];
	v18 =	vmul.f32 v18, v5  }
0x3fa: {  	v22 =	vld [tilespmem:s28+$0xA8A0];
	v17 =	vmul.f32 v17, v6;
	v11 =	vadd.f32 v12, v11;
	v12 =	vadd.f32 v14, v13  }
0x3fb: {  	v13 =	vld [tilespmem:s28+$0xC090];
	v14 =	vmul.f32 v8, v15;
	v15 =	vmul.f32 v7, v16  }
0x3fc: {  	v16 =	vld [tilespmem:s28+$0x78A0];
	v11 =	vadd.f32 v12, v11  }
0x3fd: {  	v12 =	vld [tilespmem:s28+$0x90A0];
	v14 =	vadd.f32 v14, v15;
	v15 =	vadd.f32 v18, v17  }
0x3fe: {  	[tilespmem:s28+$0xF8F0] =	vst v11;
	v11 =	vld [tilespmem:s28+$0xC0A0]  }
0x3ff: {  	v17 =	vmul.f32 v19, v8;
	v18 =	vmul.f32 v20, v7;
	v20 =	vld [tilespmem:s28+$0x90B0];
	v14 =	vadd.f32 v15, v14  }
0x400: {  	v19 =	vmul.f32 v21, v6;
	v15 =	vld [tilespmem:s28+$0x78B0];
	v13 =	vmul.f32 v13, v5  }
0x401: {  	[tilespmem:s28+$0xF080] =	vst v14;
	v14 =	vadd.f32 v18, v17;
	v17 =	vld [tilespmem:s28+$0xA8B0]  }
0x402: {  	v16 =	vmul.f32 v16, v8;
	v18 =	vld [tilespmem:s28+$0xC0B0];
	v13 =	vadd.f32 v13, v19;
	v12 =	vmul.f32 v12, v7  }
0x403: {  	v21 =	vld [tilespmem:s28+$0x90C0];
	v19 =	vmul.f32 v22, v6;
	v11 =	vmul.f32 v11, v5  }
0x404: {  	v13 =	vadd.f32 v13, v14;
	v14 =	vld [tilespmem:s28+$0x78C0]  }
0x405: {  	v12 =	vadd.f32 v12, v16;
	v16 =	vld [tilespmem:s28+$0xC0C0];
	v11 =	vadd.f32 v11, v19  }
0x406: {  	v15 =	vmul.f32 v15, v8;
	[tilespmem:s28+$0xF090] =	vst v13;
	v13 =	vld [tilespmem:s28+$0xA8C0];
	v19 =	vmul.f32 v20, v7  }
0x407: {  	v17 =	vmul.f32 v17, v6;
	v18 =	vmul.f32 v18, v5;
	v20 =	vld [tilespmem:s28+$0x90D0];
	v11 =	vadd.f32 v11, v12  }
0x408: {  	v12 =	vld [tilespmem:s28+$0x78D0]  }
0x409: {  	[tilespmem:s28+$0xF0A0] =	vst v11;
	v11 =	vadd.f32 v19, v15;
	v15 =	vadd.f32 v18, v17;
	v17 =	vld [tilespmem:s28+$0xA8D0]  }
0x40a: {  	v14 =	vmul.f32 v14, v8;
	v16 =	vmul.f32 v16, v5;
	v18 =	vld [tilespmem:s28+$0xC0D0]  }
0x40b: {  	v19 =	vmul.f32 v21, v7;
	v21 =	vld [tilespmem:s28+$0x90E0];
	v13 =	vmul.f32 v13, v6;
	v11 =	vadd.f32 v15, v11  }
0x40c: {  	v15 =	vld [tilespmem:s28+$0x78E0]  }
0x40d: {  	v13 =	vadd.f32 v16, v13;
	v16 =	vld [tilespmem:s28+$0xC0E0];
	[tilespmem:s28+$0xF0B0] =	vst v11;
	v11 =	vadd.f32 v19, v14  }
0x40e: {  	v12 =	vmul.f32 v12, v8;
	v14 =	vld [tilespmem:s28+$0xA8E0];
	v19 =	vmul.f32 v20, v7  }
0x40f: {  	v20 =	vld [tilespmem:s28+$0x90F0];
	v17 =	vmul.f32 v17, v6;
	v18 =	vmul.f32 v18, v5;
	v11 =	vadd.f32 v13, v11  }
0x410: {  	v13 =	vld [tilespmem:s28+$0x78F0]  }
0x411: {  	[tilespmem:s28+$0xF0C0] =	vst v11;
	v11 =	vadd.f32 v19, v12;
	v12 =	vadd.f32 v18, v17;
	v17 =	vld [tilespmem:s28+$0xA8F0]  }
0x412: {  	v15 =	vmul.f32 v15, v8;
	v18 =	vld [tilespmem:s28+$0xC0F0];
	v19 =	vmul.f32 v21, v7  }
0x413: {  	v16 =	vmul.f32 v16, v5;
	v21 =	vld [tilespmem:s28+$0x9480];
	v14 =	vmul.f32 v14, v6;
	v11 =	vadd.f32 v12, v11  }
0x414: {  	v12 =	vld [tilespmem:s28+$0x7C80]  }
0x415: {  	v14 =	vadd.f32 v16, v14;
	v16 =	vld [tilespmem:s28+$0xC480];
	[tilespmem:s28+$0xF0D0] =	vst v11;
	v11 =	vadd.f32 v19, v15  }
0x416: {  	v13 =	vmul.f32 v13, v8;
	v15 =	vld [tilespmem:s28+$0xAC80];
	v19 =	vmul.f32 v20, v7  }
0x417: {  	v20 =	vld [tilespmem:s28+$0x9490];
	v17 =	vmul.f32 v17, v6;
	v18 =	vmul.f32 v18, v5;
	v11 =	vadd.f32 v14, v11  }
0x418: {  	v14 =	vld [tilespmem:s28+$0x7C90]  }
0x419: {  	[tilespmem:s28+$0xF0E0] =	vst v11;
	v11 =	vadd.f32 v19, v13;
	v13 =	vadd.f32 v18, v17;
	v17 =	vld [tilespmem:s28+$0xAC90]  }
0x41a: {  	v12 =	vmul.f32 v12, v8;
	v18 =	vld [tilespmem:s28+$0xC490];
	v19 =	vmul.f32 v21, v7  }
0x41b: {  	v16 =	vmul.f32 v16, v5;
	v21 =	vld [tilespmem:s28+$0x94A0];
	v15 =	vmul.f32 v15, v6;
	v11 =	vadd.f32 v13, v11  }
0x41c: {  	v13 =	vld [tilespmem:s28+$0x7CA0]  }
0x41d: {  	[tilespmem:s28+$0xF0F0] =	vst v11;
	v11 =	vadd.f32 v19, v12;
	v12 =	vadd.f32 v16, v15;
	v15 =	vld [tilespmem:s28+$0xACA0]  }
0x41e: {  	v14 =	vmul.f32 v14, v8;
	v16 =	vld [tilespmem:s28+$0xC4A0];
	v19 =	vmul.f32 v20, v7  }
0x41f: {  	v20 =	vld [tilespmem:s28+$0x94B0];
	v17 =	vmul.f32 v17, v6;
	v18 =	vmul.f32 v18, v5;
	v11 =	vadd.f32 v12, v11  }
0x420: {  	v12 =	vld [tilespmem:s28+$0x7CB0]  }
0x421: {  	[tilespmem:s28+$0xF480] =	vst v11;
	v11 =	vadd.f32 v19, v14;
	v14 =	vadd.f32 v18, v17;
	v17 =	vld [tilespmem:s28+$0xACB0]  }
0x422: {  	v13 =	vmul.f32 v13, v8;
	v18 =	vld [tilespmem:s28+$0xC4B0];
	v19 =	vmul.f32 v21, v7  }
0x423: {  	v21 =	vld [tilespmem:s28+$0x94C0];
	v15 =	vmul.f32 v15, v6;
	v16 =	vmul.f32 v16, v5;
	v11 =	vadd.f32 v14, v11  }
0x424: {  	v14 =	vld [tilespmem:s28+$0x7CC0]  }
0x425: {  	[tilespmem:s28+$0xF490] =	vst v11;
	v11 =	vadd.f32 v19, v13;
	v13 =	vadd.f32 v16, v15;
	v15 =	vld [tilespmem:s28+$0xACC0]  }
0x426: {  	v12 =	vmul.f32 v12, v8;
	v16 =	vld [tilespmem:s28+$0xC4C0];
	v19 =	vmul.f32 v20, v7  }
0x427: {  	v20 =	vld [tilespmem:s28+$0x94D0];
	v17 =	vmul.f32 v17, v6;
	v18 =	vmul.f32 v18, v5;
	v11 =	vadd.f32 v13, v11  }
0x428: {  	v13 =	vld [tilespmem:s28+$0x7CD0]  }
0x429: {  	[tilespmem:s28+$0xF4A0] =	vst v11;
	v11 =	vadd.f32 v19, v12;
	v12 =	vadd.f32 v18, v17;
	v17 =	vld [tilespmem:s28+$0xACD0]  }
0x42a: {  	v14 =	vmul.f32 v14, v8;
	v18 =	vld [tilespmem:s28+$0xC4D0];
	v19 =	vmul.f32 v21, v7  }
0x42b: {  	v21 =	vld [tilespmem:s28+$0x94E0];
	v15 =	vmul.f32 v15, v6;
	v16 =	vmul.f32 v16, v5;
	v11 =	vadd.f32 v12, v11  }
0x42c: {  	v12 =	vld [tilespmem:s28+$0x7CE0]  }
0x42d: {  	[tilespmem:s28+$0xF4B0] =	vst v11;
	v11 =	vadd.f32 v19, v14;
	v14 =	vadd.f32 v16, v15;
	v15 =	vld [tilespmem:s28+$0xACE0]  }
0x42e: {  	v13 =	vmul.f32 v13, v8;
	v16 =	vld [tilespmem:s28+$0xC4E0];
	v19 =	vmul.f32 v20, v7  }
0x42f: {  	v20 =	vld [tilespmem:s28+$0x94F0];
	v17 =	vmul.f32 v17, v6;
	v18 =	vmul.f32 v18, v5;
	v11 =	vadd.f32 v14, v11  }
0x430: {  	v14 =	vld [tilespmem:s28+$0x7CF0]  }
0x431: {  	[tilespmem:s28+$0xF4C0] =	vst v11;
	v11 =	vadd.f32 v19, v13;
	v13 =	vadd.f32 v18, v17;
	v17 =	vld [tilespmem:s28+$0xACF0]  }
0x432: {  	v12 =	vmul.f32 v12, v8;
	v18 =	vld [tilespmem:s28+$0xC4F0];
	v19 =	vmul.f32 v21, v7  }
0x433: {  	v21 =	vld [tilespmem:s28+$0x9880];
	v15 =	vmul.f32 v15, v6;
	v16 =	vmul.f32 v16, v5;
	v11 =	vadd.f32 v13, v11  }
0x434: {  	v13 =	vld [tilespmem:s28+$0x8080]  }
0x435: {  	[tilespmem:s28+$0xF4D0] =	vst v11;
	v11 =	vadd.f32 v19, v12;
	v12 =	vadd.f32 v16, v15;
	v15 =	vld [tilespmem:s28+$0xB080]  }
0x436: {  	v14 =	vmul.f32 v14, v8;
	v16 =	vld [tilespmem:s28+$0xC880];
	v19 =	vmul.f32 v20, v7  }
0x437: {  	v20 =	vld [tilespmem:s28+$0x9890];
	v17 =	vmul.f32 v17, v6;
	v18 =	vmul.f32 v18, v5;
	v11 =	vadd.f32 v12, v11  }
0x438: {  	v12 =	vld [tilespmem:s28+$0x8090]  }
0x439: {  	[tilespmem:s28+$0xF4E0] =	vst v11;
	v11 =	vadd.f32 v19, v14;
	v14 =	vadd.f32 v18, v17;
	v17 =	vld [tilespmem:s28+$0xB090]  }
0x43a: {  	v13 =	vmul.f32 v13, v8;
	v18 =	vld [tilespmem:s28+$0xC890];
	v19 =	vmul.f32 v21, v7  }
0x43b: {  	v21 =	vld [tilespmem:s28+$0x98A0];
	v15 =	vmul.f32 v15, v6;
	v16 =	vmul.f32 v16, v5;
	v11 =	vadd.f32 v14, v11  }
0x43c: {  	v14 =	vld [tilespmem:s28+$0x80A0]  }
0x43d: {  	[tilespmem:s28+$0xF4F0] =	vst v11;
	v11 =	vadd.f32 v19, v13;
	v13 =	vadd.f32 v16, v15;
	v15 =	vld [tilespmem:s28+$0xB0A0]  }
0x43e: {  	v12 =	vmul.f32 v12, v8;
	v16 =	vld [tilespmem:s28+$0xC8A0];
	v19 =	vmul.f32 v20, v7  }
0x43f: {  	v20 =	vld [tilespmem:s28+$0x98B0];
	v17 =	vmul.f32 v17, v6;
	v18 =	vmul.f32 v18, v5;
	v11 =	vadd.f32 v13, v11  }
0x440: {  	v13 =	vld [tilespmem:s28+$0x80B0]  }
0x441: {  	[tilespmem:s28+$0xF880] =	vst v11;
	v11 =	vadd.f32 v19, v12;
	v12 =	vadd.f32 v18, v17;
	v17 =	vld [tilespmem:s28+$0xB0B0]  }
0x442: {  	v14 =	vmul.f32 v14, v8;
	v18 =	vld [tilespmem:s28+$0xC8B0];
	v19 =	vmul.f32 v21, v7  }
0x443: {  	v22 =	vld [tilespmem:s28+$0xC8C0];
	v11 =	vadd.f32 v12, v11;
	v12 =	vmul.f32 v15, v6;
	v15 =	vmul.f32 v16, v5  }
0x444: {  	v21 =	vld [tilespmem:s28+$0x80C0]  }
0x445: {  	v16 =	vld [tilespmem:s28+$0x98C0];
	[tilespmem:s28+$0xF890] =	vst v11;
	v11 =	vadd.f32 v19, v14;
	v12 =	vadd.f32 v15, v12  }
0x446: {  	v13 =	vmul.f32 v13, v8;
	v19 =	vld [tilespmem:s28+$0xB0C0];
	v14 =	vmul.f32 v20, v7  }
0x447: {  	v20 =	vld [tilespmem:s28+$0x80D0];
	v15 =	vmul.f32 v18, v5;
	v11 =	vadd.f32 v12, v11;
	v12 =	vmul.f32 v17, v6  }
0x448: {  	v17 =	vld [tilespmem:s28+$0x98D0]  }
0x449: {  	v13 =	vadd.f32 v14, v13;
	v14 =	vadd.f32 v15, v12;
	v12 =	vld [tilespmem:s28+$0xB0D0]  }
0x44a: {  	s14 =	simm.s32 $0x1;
	[tilespmem:s28+$0xF8A0] =	vst v11;
	v11 =	vld [tilespmem:s28+$0xC8D0]  }
0x44b: {  	v23 =	vmov s14;
	s12 =	simm.s32 $0x0;
	v18 =	vmul.f32 v21, v8;
	v16 =	vmul.f32 v16, v7;
	v15 =	vld [tilespmem:s28+$0x80E0]  }
0x44c: {  	s0 =	simm.s32 $0x80;
	s12 =	smul.u32 $0xC00, s12;
	v22 =	vmul.f32 v22, v5;
	v19 =	vmul.f32 v19, v6;
	v21 =	vadd.f32 v14, v13;
	v14 =	vld [tilespmem:s28+$0x98E0]  }
0x44d: {  	s14 =	sand.u32 $0x380, s0;
	v13 =	vadd.f32 v16, v18;
	v18 =	vmul.f32 v20, v8;
	v16 =	vld [tilespmem:s28+$0xB0E0];
	v20 =	vmul.f32 v17, v7  }
0x44e: {  	s1 =	simm.s32 $0x2;
	s12 =	sor.u32 s14, s12;
	v19 =	vadd.f32 v22, v19;
	v22 =	vperm.xlane v10, v23;
	v17 =	vld [tilespmem:s28+$0xC8E0];
	[tilespmem:s28+$0xF8B0] =	vst v21;
	v21 =	vperm.xlane v9, v23  }
.LBB2_9:
0x44f: {  	p0 =	sne.s32 s1, $0xF;
	v23 =	vld [tilespmem:s12+$0x80F0];
	v18 =	vadd.f32 v20, v18;
	v12 =	vmul.f32 v12, v6;
	v11 =	vmul.f32 v11, v5  }
0x450: {  	v13 =	vadd.f32 v19, v13;
	v20 =	vmul.f32 v22, v21;
	v24 =	vld [tilespmem:s12+$0x98F0];
	v8 =	vmul.f32 v15, v8  }
0x451: {  	v15 =	vld [tilespmem:s12+$0xB0F0];
	v11 =	vadd.f32 v11, v12;
	v7 =	vmul.f32 v14, v7  }
0x452: {  	v12 =	vsub.f32 $1.000000000e+00, v21;
	v14 =	vld [tilespmem:s12+$0xC8F0];
	[tilespmem:s28+$0xF8C0] =	vst v13;
	v13 =	vmul.f32 v16, v6;
	v6 =	vsub.f32 v22, v20  }
0x453: {  	v16 =	vld [tilespmem:s12+$0x7880];
	v11 =	vadd.f32 v11, v18;
	v18 =	vadd.f32 v7, v8;
	v17 =	vmul.f32 v17, v5;
	v5 =	vmovc v20  }
0x454: {  	v7 =	vsub.f32 v21, v5;
	v8 =	vsub.f32 v12, v6;
	v12 =	vld [tilespmem:s12+$0x9080]  }
0x455: {  	v19 =	vld [tilespmem:s12+$0xA880];
	[tilespmem:s28+$0xF8D0] =	vst v11;
	v11 =	vadd.f32 v17, v13  }
0x456: {  	v13 =	vld [tilespmem:s12+$0xC080];
	v17 =	vmul.f32 v23, v8;
	v20 =	vmul.f32 v24, v7  }
0x457: {  	v15 =	vmul.f32 v15, v6;
	v21 =	vld [tilespmem:s12+$0x7890];
	v14 =	vmul.f32 v14, v5;
	v11 =	vadd.f32 v11, v18  }
0x458: {  	v16 =	vmul.f32 v8, v16;
	v18 =	vld [tilespmem:s12+$0x9090]  }
0x459: {  	v17 =	vadd.f32 v20, v17;
	v12 =	vmul.f32 v7, v12;
	v22 =	vld [tilespmem:s12+$0xA890];
	v14 =	vadd.f32 v14, v15;
	[tilespmem:s28+$0xF8E0] =	vst v11;
	s28 =	smov.u32 s12  }
0x45a: {  	v11 =	vmul.f32 v19, v6;
	v15 =	vld [tilespmem:s28+$0xC090]  }
0x45b: {  	v12 =	vadd.f32 v16, v12;
	v13 =	vmul.f32 v13, v5;
	v16 =	vld [tilespmem:s28+$0x78A0];
	v14 =	vadd.f32 v14, v17  }
0x45c: {  	v17 =	vmul.f32 v21, v8;
	v19 =	vld [tilespmem:s28+$0x90A0]  }
0x45d: {  	v11 =	vadd.f32 v13, v11;
	v13 =	vmul.f32 v18, v7;
	v18 =	vld [tilespmem:s28+$0xA8A0];
	[tilespmem:s28+$0xF8F0] =	vst v14  }
0x45e: {  	v14 =	vmul.f32 v22, v6;
	v20 =	vld [tilespmem:s28+$0xC0A0]  }
0x45f: {  	v11 =	vadd.f32 v11, v12;
	v12 =	vadd.f32 v13, v17;
	v13 =	vmul.f32 v15, v5;
	v15 =	vld [tilespmem:s28+$0x78B0]  }
0x460: {  	v16 =	vmul.f32 v16, v8;
	v17 =	vld [tilespmem:s28+$0x90B0]  }
0x461: {  	[tilespmem:s28+$0xF080] =	vst v11;
	v11 =	vadd.f32 v13, v14;
	v13 =	vmul.f32 v19, v7;
	v14 =	vld [tilespmem:s28+$0xA8B0]  }
0x462: {  	v18 =	vmul.f32 v18, v6;
	v19 =	vld [tilespmem:s28+$0xC0B0]  }
0x463: {  	v11 =	vadd.f32 v11, v12;
	v12 =	vadd.f32 v13, v16;
	v13 =	vmul.f32 v20, v5;
	v16 =	vld [tilespmem:s28+$0x78C0]  }
0x464: {  	v15 =	vmul.f32 v15, v8;
	v20 =	vld [tilespmem:s28+$0x90C0]  }
0x465: {  	[tilespmem:s28+$0xF090] =	vst v11;
	v11 =	vadd.f32 v13, v18;
	v13 =	vmul.f32 v17, v7;
	v17 =	vld [tilespmem:s28+$0xA8C0]  }
0x466: {  	v14 =	vmul.f32 v14, v6;
	v18 =	vld [tilespmem:s28+$0xC0C0]  }
0x467: {  	v11 =	vadd.f32 v11, v12;
	v12 =	vadd.f32 v13, v15;
	v13 =	vmul.f32 v19, v5;
	v15 =	vld [tilespmem:s28+$0x78D0]  }
0x468: {  	v16 =	vmul.f32 v16, v8;
	v19 =	vld [tilespmem:s28+$0x90D0]  }
0x469: {  	[tilespmem:s28+$0xF0A0] =	vst v11;
	v11 =	vadd.f32 v13, v14;
	v13 =	vmul.f32 v20, v7;
	v14 =	vld [tilespmem:s28+$0xA8D0]  }
0x46a: {  	v17 =	vmul.f32 v17, v6;
	v20 =	vld [tilespmem:s28+$0xC0D0]  }
0x46b: {  	v11 =	vadd.f32 v11, v12;
	v12 =	vadd.f32 v13, v16;
	v13 =	vmul.f32 v18, v5;
	v16 =	vld [tilespmem:s28+$0x78E0]  }
0x46c: {  	v15 =	vmul.f32 v15, v8;
	v18 =	vld [tilespmem:s28+$0x90E0]  }
0x46d: {  	[tilespmem:s28+$0xF0B0] =	vst v11;
	v11 =	vadd.f32 v13, v17;
	v13 =	vmul.f32 v19, v7;
	v17 =	vld [tilespmem:s28+$0xA8E0]  }
0x46e: {  	v14 =	vmul.f32 v14, v6;
	v19 =	vld [tilespmem:s28+$0xC0E0]  }
0x46f: {  	v11 =	vadd.f32 v11, v12;
	v12 =	vadd.f32 v13, v15;
	v13 =	vmul.f32 v20, v5;
	v15 =	vld [tilespmem:s28+$0x78F0]  }
0x470: {  	v16 =	vmul.f32 v16, v8;
	v20 =	vld [tilespmem:s28+$0x90F0]  }
0x471: {  	[tilespmem:s28+$0xF0C0] =	vst v11;
	v11 =	vadd.f32 v13, v14;
	v13 =	vmul.f32 v18, v7;
	v14 =	vld [tilespmem:s28+$0xA8F0]  }
0x472: {  	v17 =	vmul.f32 v17, v6;
	v18 =	vld [tilespmem:s28+$0xC0F0]  }
0x473: {  	v11 =	vadd.f32 v11, v12;
	v12 =	vadd.f32 v13, v16;
	v13 =	vmul.f32 v19, v5;
	v16 =	vld [tilespmem:s28+$0x7C80]  }
0x474: {  	v15 =	vmul.f32 v15, v8;
	v19 =	vld [tilespmem:s28+$0x9480]  }
0x475: {  	[tilespmem:s28+$0xF0D0] =	vst v11;
	v11 =	vadd.f32 v13, v17;
	v13 =	vmul.f32 v20, v7;
	v17 =	vld [tilespmem:s28+$0xAC80]  }
0x476: {  	v14 =	vmul.f32 v14, v6;
	v20 =	vld [tilespmem:s28+$0xC480]  }
0x477: {  	v11 =	vadd.f32 v11, v12;
	v12 =	vadd.f32 v13, v15;
	v13 =	vmul.f32 v18, v5;
	v15 =	vld [tilespmem:s28+$0x7C90]  }
0x478: {  	v16 =	vmul.f32 v16, v8;
	v18 =	vld [tilespmem:s28+$0x9490]  }
0x479: {  	[tilespmem:s28+$0xF0E0] =	vst v11;
	v11 =	vadd.f32 v13, v14;
	v13 =	vmul.f32 v19, v7;
	v14 =	vld [tilespmem:s28+$0xAC90]  }
0x47a: {  	v17 =	vmul.f32 v17, v6;
	v19 =	vld [tilespmem:s28+$0xC490]  }
0x47b: {  	v11 =	vadd.f32 v11, v12;
	v12 =	vadd.f32 v13, v16;
	v13 =	vmul.f32 v20, v5;
	v16 =	vld [tilespmem:s28+$0x7CA0]  }
0x47c: {  	v15 =	vmul.f32 v15, v8;
	v20 =	vld [tilespmem:s28+$0x94A0]  }
0x47d: {  	[tilespmem:s28+$0xF0F0] =	vst v11;
	v11 =	vadd.f32 v13, v17;
	v13 =	vmul.f32 v18, v7;
	v17 =	vld [tilespmem:s28+$0xACA0]  }
0x47e: {  	v14 =	vmul.f32 v14, v6;
	v18 =	vld [tilespmem:s28+$0xC4A0]  }
0x47f: {  	v11 =	vadd.f32 v11, v12;
	v12 =	vadd.f32 v13, v15;
	v13 =	vmul.f32 v19, v5;
	v15 =	vld [tilespmem:s28+$0x7CB0]  }
0x480: {  	v16 =	vmul.f32 v16, v8;
	v19 =	vld [tilespmem:s28+$0x94B0]  }
0x481: {  	[tilespmem:s28+$0xF480] =	vst v11;
	v11 =	vadd.f32 v13, v14;
	v13 =	vmul.f32 v20, v7;
	v14 =	vld [tilespmem:s28+$0xACB0]  }
0x482: {  	v17 =	vmul.f32 v17, v6;
	v20 =	vld [tilespmem:s28+$0xC4B0]  }
0x483: {  	v11 =	vadd.f32 v11, v12;
	v12 =	vadd.f32 v13, v16;
	v13 =	vmul.f32 v18, v5;
	v16 =	vld [tilespmem:s28+$0x7CC0]  }
0x484: {  	v15 =	vmul.f32 v15, v8;
	v18 =	vld [tilespmem:s28+$0x94C0]  }
0x485: {  	[tilespmem:s28+$0xF490] =	vst v11;
	v11 =	vadd.f32 v13, v17;
	v13 =	vmul.f32 v19, v7;
	v17 =	vld [tilespmem:s28+$0xACC0]  }
0x486: {  	v14 =	vmul.f32 v14, v6;
	v19 =	vld [tilespmem:s28+$0xC4C0]  }
0x487: {  	v11 =	vadd.f32 v11, v12;
	v12 =	vadd.f32 v13, v15;
	v13 =	vmul.f32 v20, v5;
	v15 =	vld [tilespmem:s28+$0x7CD0]  }
0x488: {  	v16 =	vmul.f32 v16, v8;
	v20 =	vld [tilespmem:s28+$0x94D0]  }
0x489: {  	[tilespmem:s28+$0xF4A0] =	vst v11;
	v11 =	vadd.f32 v13, v14;
	v13 =	vmul.f32 v18, v7;
	v14 =	vld [tilespmem:s28+$0xACD0]  }
0x48a: {  	v17 =	vmul.f32 v17, v6;
	v18 =	vld [tilespmem:s28+$0xC4D0]  }
0x48b: {  	v11 =	vadd.f32 v11, v12;
	v12 =	vadd.f32 v13, v16;
	v13 =	vmul.f32 v19, v5;
	v16 =	vld [tilespmem:s28+$0x7CE0]  }
0x48c: {  	v15 =	vmul.f32 v15, v8;
	v19 =	vld [tilespmem:s28+$0x94E0]  }
0x48d: {  	[tilespmem:s28+$0xF4B0] =	vst v11;
	v11 =	vadd.f32 v13, v17;
	v13 =	vmul.f32 v20, v7;
	v17 =	vld [tilespmem:s28+$0xACE0]  }
0x48e: {  	v14 =	vmul.f32 v14, v6;
	v20 =	vld [tilespmem:s28+$0xC4E0]  }
0x48f: {  	v11 =	vadd.f32 v11, v12;
	v12 =	vadd.f32 v13, v15;
	v13 =	vmul.f32 v18, v5;
	v15 =	vld [tilespmem:s28+$0x7CF0]  }
0x490: {  	v16 =	vmul.f32 v16, v8;
	v18 =	vld [tilespmem:s28+$0x94F0]  }
0x491: {  	[tilespmem:s28+$0xF4C0] =	vst v11;
	v11 =	vadd.f32 v13, v14;
	v13 =	vmul.f32 v19, v7;
	v14 =	vld [tilespmem:s28+$0xACF0]  }
0x492: {  	v17 =	vmul.f32 v17, v6;
	v19 =	vld [tilespmem:s28+$0xC4F0]  }
0x493: {  	v11 =	vadd.f32 v11, v12;
	v12 =	vadd.f32 v13, v16;
	v13 =	vmul.f32 v20, v5;
	v16 =	vld [tilespmem:s28+$0x8080]  }
0x494: {  	v15 =	vmul.f32 v15, v8;
	v20 =	vld [tilespmem:s28+$0x9880]  }
0x495: {  	[tilespmem:s28+$0xF4D0] =	vst v11;
	v11 =	vadd.f32 v13, v17;
	v13 =	vmul.f32 v18, v7;
	v17 =	vld [tilespmem:s28+$0xB080]  }
0x496: {  	v14 =	vmul.f32 v14, v6;
	v18 =	vld [tilespmem:s28+$0xC880]  }
0x497: {  	v11 =	vadd.f32 v11, v12;
	v12 =	vadd.f32 v13, v15;
	v13 =	vmul.f32 v19, v5;
	v15 =	vld [tilespmem:s28+$0x8090]  }
0x498: {  	v16 =	vmul.f32 v16, v8;
	v19 =	vld [tilespmem:s28+$0x9890]  }
0x499: {  	[tilespmem:s28+$0xF4E0] =	vst v11;
	v11 =	vadd.f32 v13, v14;
	v13 =	vmul.f32 v20, v7;
	v14 =	vld [tilespmem:s28+$0xB090]  }
0x49a: {  	v17 =	vmul.f32 v17, v6;
	v20 =	vld [tilespmem:s28+$0xC890]  }
0x49b: {  	v11 =	vadd.f32 v11, v12;
	v12 =	vadd.f32 v13, v16;
	v13 =	vmul.f32 v18, v5;
	v16 =	vld [tilespmem:s28+$0x80A0]  }
0x49c: {  	v15 =	vmul.f32 v15, v8;
	v18 =	vld [tilespmem:s28+$0x98A0]  }
0x49d: {  	[tilespmem:s28+$0xF4F0] =	vst v11;
	v11 =	vadd.f32 v13, v17;
	v13 =	vmul.f32 v19, v7;
	v17 =	vld [tilespmem:s28+$0xB0A0]  }
0x49e: {  	v14 =	vmul.f32 v14, v6;
	v19 =	vld [tilespmem:s28+$0xC8A0]  }
0x49f: {  	v11 =	vadd.f32 v11, v12;
	v12 =	vadd.f32 v13, v15;
	v13 =	vmul.f32 v20, v5;
	v15 =	vld [tilespmem:s28+$0x80B0]  }
0x4a0: {  	v16 =	vmul.f32 v16, v8;
	v20 =	vld [tilespmem:s28+$0x98B0]  }
0x4a1: {  	[tilespmem:s28+$0xF880] =	vst v11;
	v11 =	vadd.f32 v13, v14;
	v13 =	vmul.f32 v18, v7;
	v14 =	vld [tilespmem:s28+$0xB0B0]  }
0x4a2: {  	v17 =	vmul.f32 v17, v6;
	v18 =	vld [tilespmem:s28+$0xC8B0]  }
0x4a3: {  	v11 =	vadd.f32 v11, v12;
	v12 =	vadd.f32 v13, v16;
	v13 =	vmul.f32 v19, v5;
	v16 =	vld [tilespmem:s28+$0x80C0]  }
0x4a4: {  	v15 =	vmul.f32 v15, v8;
	v19 =	vld [tilespmem:s28+$0x98C0]  }
0x4a5: {  	[tilespmem:s28+$0xF890] =	vst v11;
	v11 =	vadd.f32 v13, v17;
	v13 =	vmul.f32 v20, v7;
	v17 =	vld [tilespmem:s28+$0xB0C0]  }
0x4a6: {  	v14 =	vmul.f32 v14, v6;
	v20 =	vld [tilespmem:s28+$0xC8C0]  }
0x4a7: {  	v11 =	vadd.f32 v11, v12;
	v13 =	vadd.f32 v13, v15;
	v12 =	vmul.f32 v18, v5;
	v18 =	vld [tilespmem:s28+$0x80D0]  }
0x4a8: {  	v15 =	vmul.f32 v16, v8;
	v16 =	vld [tilespmem:s28+$0x98D0]  }
0x4a9: {  	[tilespmem:s28+$0xF8A0] =	vst v11;
	v14 =	vadd.f32 v12, v14;
	v19 =	vmul.f32 v19, v7;
	v12 =	vld [tilespmem:s28+$0xB0D0]  }
.Ltmp3:
0x4aa: {  	v17 =	vmul.f32 v17, v6;
	v11 =	vld [tilespmem:s28+$0xC8D0];
	(pc) =	sbr.rel @p0 .LBB2_9-.Ltmp3, $4  }
0x4ab: {  	s12 =	sshrl.u32 s1, $0x3;
	v21 =	vadd.f32 v14, v13;
	v13 =	vadd.f32 v19, v15;
	v19 =	vmul.f32 v20, v5;
	v15 =	vld [tilespmem:s28+$0x80E0]  }
0x4ac: {  	s0 =	sadd.s32 $0x80, s0;
	s12 =	smul.u32 $0xC00, s12;
	v18 =	vmul.f32 v18, v8;
	v14 =	vld [tilespmem:s28+$0x98E0]  }
0x4ad: {  	s14 =	sand.u32 $0x380, s0;
	v22 =	vmov s1;
	[tilespmem:s28+$0xF8B0] =	vst v21;
	v19 =	vadd.f32 v19, v17;
	v20 =	vmul.f32 v16, v7;
	v16 =	vld [tilespmem:s28+$0xB0E0]  }
0x4ae: {  	s12 =	sor.u32 s14, s12;
	s1 =	sadd.s32 $0x1, s1;
	v21 =	vperm.xlane v9, v22;
	v22 =	vperm.xlane v10, v22;
	v17 =	vld [tilespmem:s28+$0xC8E0]  }
0x4af: {  	v23 =	vld [tilespmem:s12+$0x80F0]  }
0x4b0: {  	v24 =	vld [tilespmem:s12+$0x98F0]  }
0x4b1: {  	v25 =	vld [tilespmem:s12+$0xB0F0]  }
0x4b2: {  	v26 =	vld [tilespmem:s12+$0xC8F0]  }
0x4b3: {  	v27 =	vld [tilespmem:s12+$0x7880]  }
0x4b4: {  	v28 =	vld [tilespmem:s12+$0x9080]  }
0x4b5: {  	v29 =	vld [tilespmem:s12+$0xA880]  }
0x4b6: {  	v30 =	vld [tilespmem:s12+$0xC080]  }
0x4b7: {  	v31 =	vld [tilespmem:s12+$0x7890]  }
0x4b8: {  	v32 =	vld [tilespmem:s12+$0x9090]  }
0x4b9: {  	v33 =	vld [tilespmem:s12+$0xA890]  }
0x4ba: {  	v53 =	vld [tilespmem:s12+$0xC090]  }
0x4bb: {  	v56 =	vld [tilespmem:s12+$0x78A0]  }
0x4bc: {  	v57 =	vld [tilespmem:s12+$0x90A0]  }
0x4bd: {  	v34 =	vld [tilespmem:s12+$0xA8A0]  }
0x4be: {  	v59 =	vld [tilespmem:s12+$0xC0A0]  }
0x4bf: {  	v62 =	vld [tilespmem:s12+$0x78B0]  }
0x4c0: {  	v36 =	vld [tilespmem:s12+$0x90B0]  }
0x4c1: {  	v38 =	vld [tilespmem:s12+$0xA8B0]  }
0x4c2: {  	v39 =	vld [tilespmem:s12+$0xC0B0]  }
0x4c3: {  	v40 =	vld [tilespmem:s12+$0x78C0]  }
0x4c4: {  	v42 =	vld [tilespmem:s12+$0x90C0]  }
0x4c5: {  	v43 =	vld [tilespmem:s12+$0xA8C0];
	v9 =	vmul.f32 v22, v21  }
0x4c6: {  	v44 =	vld [tilespmem:s12+$0xC0C0]  }
0x4c7: {  	v46 =	vld [tilespmem:s12+$0x78D0];
	v51 =	vsub.f32 $1.000000000e+00, v21;
	v21 =	vsub.f32 v21, v9  }
0x4c8: {  	v47 =	vld [tilespmem:s12+$0x90D0];
	v10 =	vsub.f32 v22, v9  }
0x4c9: {  	v50 =	vld [tilespmem:s12+$0xA8D0];
	v24 =	vmul.f32 v24, v21  }
0x4ca: {  	v22 =	vsub.f32 v51, v10;
	v25 =	vmul.f32 v25, v10;
	v26 =	vmul.f32 v26, v9;
	v51 =	vld [tilespmem:s12+$0xC0D0]  }
0x4cb: {  	v29 =	vmul.f32 v29, v10;
	v45 =	vmul.f32 v36, v21;
	v36 =	vld [tilespmem:s12+$0xC0F0]  }
0x4cc: {  	v30 =	vmul.f32 v30, v9;
	v52 =	vadd.f32 v26, v25;
	v25 =	vmul.f32 v53, v9;
	v53 =	vld [tilespmem:s12+$0x78E0]  }
0x4cd: {  	v55 =	vmul.f32 v21, v28;
	v28 =	vmul.f32 v56, v22;
	v56 =	vld [tilespmem:s12+$0xA8E0]  }
0x4ce: {  	v54 =	vmul.f32 v22, v27;
	v58 =	vadd.f32 v30, v29;
	v29 =	vmul.f32 v38, v10;
	v38 =	vld [tilespmem:s12+$0x7C80]  }
0x4cf: {  	v23 =	vmul.f32 v23, v22;
	v30 =	vmul.f32 v39, v9;
	v39 =	vld [tilespmem:s12+$0x9480]  }
0x4d0: {  	v61 =	vmul.f32 v32, v21;
	v60 =	vmul.f32 v31, v22;
	v26 =	vadd.f32 v54, v55;
	v54 =	vld [tilespmem:s12+$0x90E0]  }
0x4d1: {  	v63 =	vmul.f32 v33, v10;
	v23 =	vadd.f32 v24, v23;
	v24 =	vmul.f32 v57, v21;
	v57 =	vld [tilespmem:s12+$0xC0E0]  }
0x4d2: {  	v27 =	vmul.f32 v62, v22;
	v37 =	vadd.f32 v61, v60;
	v60 =	vld [tilespmem:s12+$0x90F0]  }
0x4d3: {  	v25 =	vadd.f32 v25, v63;
	v63 =	vld [tilespmem:s12+$0xA8F0]  }
0x4d4: {  	v48 =	vadd.f32 v45, v27;
	v45 =	vld [tilespmem:s12+$0x9490]  }
0x4d5: {  	v49 =	vadd.f32 v30, v29;
	v30 =	vmul.f32 v51, v9;
	v51 =	vld [tilespmem:s12+$0x7CA0]  }
0x4d6: {  	v29 =	vmul.f32 v50, v10;
	v23 =	vadd.f32 v52, v23;
	v52 =	vmul.f32 v42, v21;
	v42 =	vld [tilespmem:s12+$0xC480]  }
0x4d7: {  	v26 =	vadd.f32 v58, v26;
	v24 =	vadd.f32 v24, v28;
	v28 =	vmul.f32 v44, v9;
	v44 =	vld [tilespmem:s12+$0x7C90]  }
0x4d8: {  	v41 =	vmul.f32 v34, v10;
	v25 =	vadd.f32 v25, v37;
	[tilespmem:s12+$0xF8F0] =	vst v23;
	v23 =	vmul.f32 v59, v9;
	v59 =	vld [tilespmem:s12+$0x78F0]  }
0x4d9: {  	v62 =	vadd.f32 v30, v29;
	[tilespmem:s12+$0xF080] =	vst v26;
	v26 =	vmul.f32 v40, v22;
	v29 =	vmul.f32 v63, v10;
	v63 =	vld [tilespmem:s12+$0xC4B0]  }
0x4da: {  	v23 =	vadd.f32 v23, v41;
	v41 =	vld [tilespmem:s12+$0xAC80]  }
0x4db: {  	v27 =	vmul.f32 v53, v22;
	[tilespmem:s12+$0xF090] =	vst v25;
	v25 =	vmul.f32 v43, v10;
	v55 =	vadd.f32 v52, v26;
	v52 =	vld [tilespmem:s12+$0x94A0]  }
0x4dc: {  	v37 =	vmul.f32 v54, v21;
	v26 =	vmul.f32 v56, v10;
	v56 =	vld [tilespmem:s12+$0xC4A0]  }
0x4dd: {  	v25 =	vadd.f32 v28, v25;
	v28 =	vmul.f32 v57, v9;
	v57 =	vmul.f32 v45, v21;
	v45 =	vld [tilespmem:s12+$0x94D0]  }
0x4de: {  	v40 =	vadd.f32 v37, v27;
	v37 =	vld [tilespmem:s12+$0x7CC0];
	v23 =	vadd.f32 v23, v24  }
0x4df: {  	v26 =	vadd.f32 v28, v26;
	v28 =	vmul.f32 v42, v9;
	v42 =	vld [tilespmem:s12+$0xC4C0]  }
0x4e0: {  	v58 =	vmul.f32 v47, v21;
	v24 =	vmul.f32 v46, v22;
	[tilespmem:s12+$0xF0A0] =	vst v23;
	v23 =	vadd.f32 v49, v48;
	v48 =	vld [tilespmem:s12+$0xAC90]  }
0x4e1: {  	v49 =	vld [tilespmem:s12+$0xC490]  }
0x4e2: {  	v61 =	vadd.f32 v58, v24;
	v58 =	vld [tilespmem:s12+$0x7CB0]  }
0x4e3: {  	v24 =	vmul.f32 v38, v22;
	v38 =	vld [tilespmem:s12+$0x94C0]  }
0x4e4: {  	v27 =	vmul.f32 v41, v10;
	v41 =	vld [tilespmem:s12+$0xACC0]  }
0x4e5: {  	v30 =	vmul.f32 v36, v9;
	v36 =	vmul.f32 v52, v21;
	v52 =	vld [tilespmem:s12+$0x94E0]  }
0x4e6: {  	[tilespmem:s12+$0xF0B0] =	vst v23;
	v23 =	vadd.f32 v25, v55;
	v55 =	vld [tilespmem:s12+$0xACA0]  }
0x4e7: {  	v25 =	vmul.f32 v59, v22;
	v59 =	vld [tilespmem:s12+$0x94B0]  }
0x4e8: {  	v43 =	vmul.f32 v60, v21;
	v54 =	vadd.f32 v28, v27;
	v28 =	vmul.f32 v56, v9;
	v56 =	vld [tilespmem:s12+$0xC4E0]  }
0x4e9: {  	[tilespmem:s12+$0xF0C0] =	vst v23;
	v23 =	vadd.f32 v62, v61;
	v62 =	vld [tilespmem:s12+$0xACB0]  }
0x4ea: {  	v46 =	vadd.f32 v43, v25;
	v25 =	vmul.f32 v51, v22;
	v51 =	vld [tilespmem:s12+$0x7CE0]  }
0x4eb: {  	v50 =	vmul.f32 v39, v21;
	v47 =	vadd.f32 v30, v29;
	v29 =	vmul.f32 v48, v10;
	v48 =	vld [tilespmem:s12+$0xACD0]  }
0x4ec: {  	v30 =	vmul.f32 v49, v9;
	v49 =	vld [tilespmem:s12+$0xC4D0]  }
0x4ed: {  	v53 =	vadd.f32 v50, v24;
	v24 =	vmul.f32 v58, v22;
	v58 =	vld [tilespmem:s12+$0x7CF0]  }
0x4ee: {  	v50 =	vmul.f32 v38, v21;
	v38 =	vld [tilespmem:s12+$0x9880]  }
0x4ef: {  	[tilespmem:s12+$0xF0D0] =	vst v23;
	v23 =	vadd.f32 v26, v40;
	v26 =	vmul.f32 v44, v22;
	v44 =	vld [tilespmem:s12+$0x7CD0]  }
0x4f0: {  	v39 =	vadd.f32 v36, v25;
	v36 =	vmul.f32 v52, v21;
	v52 =	vld [tilespmem:s12+$0x98A0]  }
0x4f1: {  	v27 =	vmul.f32 v55, v10;
	v55 =	vld [tilespmem:s12+$0xACE0]  }
0x4f2: {  	v43 =	vmul.f32 v59, v21;
	v59 =	vld [tilespmem:s12+$0x94F0]  }
0x4f3: {  	v61 =	vadd.f32 v30, v29;
	v30 =	vmul.f32 v63, v9;
	v63 =	vld [tilespmem:s12+$0xC4F0]  }
0x4f4: {  	v60 =	vadd.f32 v57, v26;
	v26 =	vmul.f32 v37, v22;
	v37 =	vld [tilespmem:s12+$0x8080]  }
0x4f5: {  	v57 =	vmul.f32 v45, v21;
	v45 =	vld [tilespmem:s12+$0x9890]  }
0x4f6: {  	v12 =	vmul.f32 v12, v6;
	v29 =	vmul.f32 v62, v10;
	v62 =	vld [tilespmem:s12+$0xACF0]  }
0x4f7: {  	v11 =	vmul.f32 v11, v5;
	v40 =	vadd.f32 v28, v27;
	v27 =	vmul.f32 v41, v10;
	v41 =	vld [tilespmem:s12+$0xB080]  }
0x4f8: {  	v8 =	vmul.f32 v15, v8;
	[tilespmem:s12+$0xF0E0] =	vst v23;
	v23 =	vadd.f32 v47, v46;
	v28 =	vmul.f32 v42, v9;
	v42 =	vld [tilespmem:s12+$0xC880]  }
0x4f9: {  	v7 =	vmul.f32 v14, v7;
	v46 =	vadd.f32 v43, v24;
	v24 =	vmul.f32 v51, v22;
	v51 =	vld [tilespmem:s12+$0x80A0]  }
0x4fa: {  	[tilespmem:s12+$0xF0F0] =	vst v23;
	v23 =	vadd.f32 v54, v53;
	v53 =	vadd.f32 v50, v26;
	v26 =	vmul.f32 v58, v22;
	v58 =	vld [tilespmem:s12+$0x80B0]  }
0x4fb: {  	v18 =	vadd.f32 v20, v18;
	v6 =	vmul.f32 v16, v6;
	v50 =	vmul.f32 v38, v21;
	v38 =	vld [tilespmem:s12+$0x98C0]  }
0x4fc: {  	v13 =	vadd.f32 v19, v13;
	v5 =	vmul.f32 v17, v5;
	v25 =	vmul.f32 v44, v22;
	v44 =	vld [tilespmem:s12+$0x8090]  }
0x4fd: {  	v11 =	vadd.f32 v11, v12;
	v47 =	vadd.f32 v30, v29;
	v29 =	vmul.f32 v48, v10;
	v48 =	vld [tilespmem:s12+$0xB090]  }
0x4fe: {  	v7 =	vadd.f32 v7, v8;
	v5 =	vadd.f32 v5, v6;
	v30 =	vmul.f32 v49, v9;
	v49 =	vld [tilespmem:s12+$0xC890]  }
0x4ff: {  	v11 =	vadd.f32 v11, v18;
	v54 =	vadd.f32 v28, v27;
	v28 =	vmul.f32 v56, v9;
	v56 =	vld [tilespmem:s12+$0xC8A0]  }
0x500: {  	v5 =	vadd.f32 v5, v7;
	[tilespmem:s12+$0xF480] =	vst v23;
	v23 =	vadd.f32 v61, v60;
	v27 =	vmul.f32 v55, v10;
	v55 =	vld [tilespmem:s12+$0xB0A0]  }
0x501: {  	v43 =	vmul.f32 v59, v21;
	v59 =	vld [tilespmem:s12+$0x98B0];
	v60 =	vadd.f32 v57, v25;
	v61 =	vadd.f32 v30, v29  }
0x502: {  	v30 =	vmul.f32 v63, v9;
	v25 =	vmul.f32 v37, v22;
	v63 =	vld [tilespmem:s12+$0xC8B0];
	[tilespmem:s12+$0xF490] =	vst v23;
	v23 =	vadd.f32 v40, v39  }
0x503: {  	v57 =	vmul.f32 v45, v21;
	v37 =	vld [tilespmem:s12+$0x80C0];
	v39 =	vadd.f32 v36, v24;
	v29 =	vmul.f32 v62, v10  }
0x504: {  	v45 =	vld [tilespmem:s12+$0x98D0];
	v40 =	vadd.f32 v28, v27;
	v27 =	vmul.f32 v41, v10;
	[tilespmem:s12+$0xF4A0] =	vst v23;
	v23 =	vadd.f32 v47, v46  }
0x505: {  	v28 =	vmul.f32 v42, v9;
	v62 =	vld [tilespmem:s12+$0xB0B0];
	v36 =	vmul.f32 v52, v21;
	v47 =	vadd.f32 v30, v29  }
0x506: {  	v41 =	vld [tilespmem:s12+$0xB0C0];
	v24 =	vmul.f32 v44, v22;
	v29 =	vmul.f32 v48, v10;
	[tilespmem:s12+$0xF4B0] =	vst v23;
	v23 =	vadd.f32 v54, v53  }
0x507: {  	v42 =	vld [tilespmem:s12+$0xC8C0];
	v46 =	vadd.f32 v43, v26;
	v30 =	vmul.f32 v49, v9;
	v26 =	vmul.f32 v51, v22  }
0x508: {  	v52 =	vld [tilespmem:s12+$0x98E0];
	v43 =	vmul.f32 v59, v21;
	v53 =	vadd.f32 v50, v25;
	[tilespmem:s12+$0xF4C0] =	vst v23;
	v23 =	vadd.f32 v61, v60  }
0x509: {  	v44 =	vld [tilespmem:s12+$0x80D0];
	v54 =	vadd.f32 v28, v27;
	v27 =	vmul.f32 v55, v10;
	v28 =	vmul.f32 v56, v9  }
0x50a: {  	v48 =	vld [tilespmem:s12+$0xB0D0];
	v25 =	vmul.f32 v58, v22;
	v6 =	vmul.f32 v37, v22;
	[tilespmem:s12+$0xF4D0] =	vst v23;
	v23 =	vadd.f32 v40, v39  }
0x50b: {  	v49 =	vld [tilespmem:s12+$0xC8D0];
	v58 =	vmul.f32 v45, v21;
	v56 =	vmul.f32 v41, v10;
	v60 =	vadd.f32 v57, v24  }
0x50c: {  	v51 =	vld [tilespmem:s12+$0x80E0];
	v61 =	vadd.f32 v30, v29;
	v29 =	vmul.f32 v62, v10;
	[tilespmem:s12+$0xF4E0] =	vst v23;
	v23 =	vadd.f32 v47, v46  }
0x50d: {  	v55 =	vld [tilespmem:s12+$0xC8E0];
	v30 =	vmul.f32 v63, v9;
	v57 =	vmul.f32 v42, v9;
	v39 =	vadd.f32 v36, v26  }
0x50e: {  	v7 =	vmul.f32 v44, v22;
	v40 =	vadd.f32 v28, v27;
	[tilespmem:s12+$0xF4F0] =	vst v23;
	v23 =	vadd.f32 v54, v53;
	v53 =	vld [tilespmem:s12+$0xB0E0]  }
0x50f: {  	v14 =	vmul.f32 v52, v21;
	v46 =	vadd.f32 v43, v25;
	v47 =	vadd.f32 v30, v29  }
0x510: {  	[tilespmem:s28+$0xF8C0] =	vst v13;
	v16 =	vadd.f32 v57, v56;
	v7 =	vadd.f32 v58, v7;
	v54 =	vmul.f32 v38, v21  }
0x511: {  	v59 =	vmul.f32 v48, v10;
	v50 =	vadd.f32 v47, v46;
	[tilespmem:s12+$0xF880] =	vst v23;
	v23 =	vadd.f32 v61, v60  }
0x512: {  	[tilespmem:s28+$0xF8D0] =	vst v11;
	v6 =	vadd.f32 v54, v6;
	v60 =	vmul.f32 v49, v9;
	v61 =	vmul.f32 v51, v22  }
0x513: {  	v9 =	vmul.f32 v55, v9;
	[tilespmem:s12+$0xF890] =	vst v23;
	v23 =	vadd.f32 v40, v39;
	v8 =	vmul.f32 v53, v10  }
0x514: {  	s25 =	sadd.s32 $0x1, s25;
	[tilespmem:s28+$0xF8E0] =	vst v5;
	v6 =	vadd.f32 v16, v6;
	v62 =	vadd.f32 v60, v59  }
0x515: {  	s0 =	sadd.s32 s7, s26;
	p0 =	sne.s32 s25, $0xC4;
	[tilespmem:s12+$0xF8B0] =	vst v50;
	v63 =	vadd.f32 v14, v61;
	v8 =	vadd.f32 v9, v8  }
.Ltmp4:
0x516: {  	s0 =	sshrl.u32 s0, $0x3;
	[tilespmem:s12+$0xF8A0] =	vst v23;
	v5 =	vadd.f32 v62, v7;
	(pc) =	sbr.rel @p0 .LBB2_4-.Ltmp4, $4  }
0x517: {  	s0 =	smul.u32 $0x180, s0;
	[tilespmem:s12+$0xF8C0] =	vst v6;
	v6 =	vadd.f32 v8, v63  }
0x518: {  	[tilespmem:s12+$0xF8D0] =	vst v5  }
0x519: {  	s0 =	sadd.s32 s3, s0;
	[tilespmem:s12+$0xF8E0] =	vst v6  }
0x51a: {  	[hbm4b:s0+s4] =	stream.linear.scatter [tilespmem:s23], [sflag:$0x2], $0x1800, $0x38;
	[tilespmem:$0x14A80] =	vst v63  }
0x51b: {  	s1 =	simm.s32 $0x2  }
0x51c: {  	_ =	swait.ge [sflag:s1], $0x1800  }
0x51d: {  	[sflag:s1] =	ssyncset.done $0x0  }
0x51e: {  	[sflag:s1] =	ssyncadd.s32 $0xFFFFE800  }
0x51f: {  	_ =	swait.ge [sflag:s1], $0x1800  }
0x520: {  	s12 =	rddreg [dreg:$0x9]  }
0x521: {  	s0 =	rddreg [dreg:$0x6];
	s12 =	sadd.s32 $0x1, s12  }
0x522: {  	p0 =	sne.s32 s12, s0  }
.Ltmp5:
0x523: {  	_ = 	snop;
	(pc) =	sbr.rel @p0 .LBB2_1-.Ltmp5, $3  }
0x524: {  	_ =	sdelay $0x1  }
0x525: {  	[sflag:s1] =	ssyncset.done $0x0  }
0x526: {  	[sflag:s1] =	ssyncadd.s32 $0xFFFFE800  }
0x527: {  	_ =	sfence.sel $0x180000  }
0x528: {  	[bflag:$0x0] =	sbarrier.arrive $0xFFFF  }
0x529: {  	_ =	strace $0x90000047  }
0x52a: {  	s0 =	stileid.u32;
	[bflag:$0x2] =	sbarrier.arrive $0xFFFF  }
0x52b: {  	p0 =	sne.s32 s0, $0x0;
	s0 =	rddreg [dreg:$0x3]  }
0x52c: {  	s0 =	sadd.s32 @!p0 $0x100000, s0  }
0x52d: {  	[sflag:s0] =	ssyncadd.tile.s32 @!p0 $0x1;
	_ =	shalt  }
.Lfunc_end2:
_tile_overlayer_lowered:
.L_overlay_start_2:
0x52e: {  	(tag) =	ssettag $0x2  }
0x52f: {  	s0 =	rddreg [dreg:$0x0];
	s2 =	stileid.u32  }
0x530: {  	s1 =	rddreg [dreg:$0x1];
	p0 =	sne.s32 s2, $0x0  }
0x531: {  	s3 =	rddreg [dreg:$0x2];
	[bflag:$0x3] =	sbarrier.arrive $0xFFFF;
	s2 =	simm.s32 @!p0 $0x1C03  }
0x532: {  	[timem:s3], [sflag:s2] =	dma.local @!p0 [hbm:s0], s1  }
0x533: {  	s0 =	simm.s32 @!p0 $0x3  }
0x534: {  	_ =	swait.ge @!p0 [sflag:s0], s1  }
0x535: {  	s1 =	ssub.s32 @!p0 $0x0, s1;
	[sflag:s0] =	ssyncset.done @!p0 $0x0  }
0x536: {  	[sflag:s0] =	ssyncadd.s32 @!p0 s1  }
0x537: {  	[bflag:$0x3] =	sbarrier.arrive $0xFFFF  }
0x538: {  	_ =	shalt  }

</sc_bundles>
